<compile_context>
chip_gen: v7x
topology: tpu7x:2x2x1
jax: 0.10.2.dev20260603
libtpu: 0.0.44.dev20260713+nightly
codegen_flags: <defaults>
</compile_context>

<pallas_src>
import functools
import jax
import jax.numpy as jnp
from jax import lax
from jax.experimental import pallas as pl
from jax.experimental.pallas import tpu as pltpu
from jax.experimental.pallas import tpu_sc as plsc

_BS = 2048
_NW = 32
_CH = 8
_UNROLL = 8


def _tc_body(x_ref, emb_ref, out_ref):
    out_ref[...] = x_ref[...] + emb_ref[...]


def _tc_part(x, emb):
    B, S, D = x.shape
    grid = (S // _BS, B)
    return pl.pallas_call(
        _tc_body,
        grid=grid,
        in_specs=[
            pl.BlockSpec((1, _BS, D), lambda i, j: (j, i, 0)),
            pl.BlockSpec((_BS, D), lambda i, j: (i, 0)),
        ],
        out_specs=pl.BlockSpec((1, _BS, D), lambda i, j: (j, i, 0)),
        out_shape=jax.ShapeDtypeStruct((B, S, D), x.dtype),
    )(x, emb)


def _sc_part(xf, ef, S, D):
    rows_per_w = S // _NW
    n_chunks = rows_per_w // _CH
    chd = _CH * D
    mesh = plsc.VectorSubcoreMesh(core_axis_name="c", subcore_axis_name="s")
    vbuf = pltpu.VMEM((chd,), jnp.float32)

    @functools.partial(
        pl.kernel,
        out_type=jax.ShapeDtypeStruct((S * D,), jnp.float32),
        mesh=mesh,
        scratch_types=[vbuf] * 4 + [pltpu.SemaphoreType.DMA] * 4,
    )
    def sc_add(x_hbm, e_hbm, out_hbm, e0, e1, x0, x1, si0, si1, so0, so1):
        wid = lax.axis_index("s") * 2 + lax.axis_index("c")
        base = wid * (rows_per_w * D)
        ebuf = [e0, e1]
        xbuf = [x0, x1]
        sin = [si0, si1]
        sout = [so0, so1]

        def fire_in(c, p):
            off = base + c * chd
            return [
                pltpu.async_copy(e_hbm.at[pl.ds(off, chd)], ebuf[p], sin[p]),
                pltpu.async_copy(x_hbm.at[pl.ds(off, chd)], xbuf[p], sin[p]),
            ]

        def fire_out(c, p):
            off = base + c * chd
            return [pltpu.async_copy(xbuf[p], out_hbm.at[pl.ds(off, chd)],
                                     sout[p])]

        def compute(p):
            ev = ebuf[p]
            xv = xbuf[p]

            def body(i, carry):
                for k in range(_UNROLL):
                    o = (i * _UNROLL + k) * 16
                    xv[pl.ds(o, 16)] = xv[pl.ds(o, 16)] + ev[pl.ds(o, 16)]
                return carry

            lax.fori_loop(0, chd // (16 * _UNROLL), body, 0)

        pending_in = [None, None]
        pending_out = [None, None]
        pending_in[0] = fire_in(0, 0)
        for c in range(n_chunks):
            p = c % 2
            q = 1 - p
            if pending_out[q] is not None:
                for h in pending_out[q]:
                    h.wait()
                pending_out[q] = None
            if c + 1 < n_chunks:
                pending_in[q] = fire_in(c + 1, q)
            for h in pending_in[p]:
                h.wait()
            compute(p)
            pending_out[p] = fire_out(c, p)
        for p in (0, 1):
            if pending_out[p] is not None:
                for h in pending_out[p]:
                    h.wait()

    return sc_add(xf, ef)


def kernel(x, emb):
    B, S, D = x.shape
    e = emb[:S]
    out_tc = _tc_part(x[: B - 1], e)
    out_sc = _sc_part(x[B - 1].reshape(S * D), e.reshape(S * D), S, D)
    return jnp.concatenate([out_tc, out_sc.reshape(1, S, D)], axis=0)

# --- scband reference (transcript-rebuilt; emitter-appended) ---
"""Pipeline reference for scband-positional-encoding-24154896073568 (READ-ONLY COPY).

The authoritative reference and input builder live on the scoring server;
editing this copy changes nothing except your own understanding.
"""

import jax, jax.numpy as jnp
import numpy as np

D_MODEL = 1024
NUM_POSITIONS = 4096

def setup_inputs(seed: int = 0) -> dict:
    key = jax.random.key(seed)
    k1, k2 = jax.random.split(key)
    x = jax.random.normal(k1, (4, 4096, D_MODEL), dtype=jnp.float32)
    # nn.Embedding default init: N(0, 1)
    emb = jax.random.normal(k2, (NUM_POSITIONS, D_MODEL), dtype=jnp.float32)
    return {"x": x, "emb": emb}

def reference(x, emb):
    input_size = x.shape[-2]
    indices_to_embed = jnp.arange(0, input_size, dtype=jnp.int32)
    # batched=True: unsqueeze(0) and broadcast-add
    emb_unsq = jnp.take(emb, indices_to_embed, axis=0)[None, :, :]
    return x + emb_unsq

if __name__ == "__main__":
    import jax
    _d = setup_inputs()
    print(jax.jit(kernel)(*tuple(_d.values())))

</pallas_src>

<mosaic_0001>
#map = affine_map<(d0, d1) -> (0)>
module attributes {stable_mosaic.version = 14 : i64} {
  func.func @sc_add(%arg0: i32, %arg1: i32, %arg2: memref<4194304xf32, #tpu.memory_space<hbm>>, %arg3: memref<4194304xf32, #tpu.memory_space<hbm>>, %arg4: memref<4194304xf32, #tpu.memory_space<hbm>>, %arg5: memref<8192xf32, #tpu.memory_space<vmem>>, %arg6: memref<8192xf32, #tpu.memory_space<vmem>>, %arg7: memref<8192xf32, #tpu.memory_space<vmem>>, %arg8: memref<8192xf32, #tpu.memory_space<vmem>>, %arg9: memref<!tpu.dma_semaphore, #tpu.memory_space<semaphore_mem>>, %arg10: memref<!tpu.dma_semaphore, #tpu.memory_space<semaphore_mem>>, %arg11: memref<!tpu.dma_semaphore, #tpu.memory_space<semaphore_mem>>, %arg12: memref<!tpu.dma_semaphore, #tpu.memory_space<semaphore_mem>>) attributes {dimension_semantics = [#tpu.dimension_semantics<core_parallel>, #tpu.dimension_semantics<subcore_parallel>], iteration_bounds = array<i64: 2, 16>, scalar_prefetch = 0 : i64, scratch_operands = 8 : i64, tpu.core_type = #tpu.core_type<sc_vector_subcore>, window_params = [{transform_indices = #map}, {transform_indices = #map}, {transform_indices = #map}]} {
    %mul3A = arith.constant 2 : i32
    %mul3A_0 = arith.muli %arg1, %mul3A : i32
    %add3A = arith.addi %mul3A_0, %arg0 : i32
    %mul3A_1 = arith.constant 131072 : i32
    %mul3A_2 = arith.muli %add3A, %mul3A_1 : i32
    %add3A_3 = arith.constant 0 : i32
    %add3A_4 = arith.addi %mul3A_2, %add3A_3 : i32
    %dma_start3A = tpu.memref_slice %arg3[%add3A_4] : memref<4194304xf32, #tpu.memory_space<hbm>> -> memref<8192xf32, #tpu.memory_space<hbm>>
    %dma_start3A_5 = tpu.memref_slice %arg3[%add3A_4] : memref<4194304xf32, #tpu.memory_space<hbm>> -> memref<8192xf32, #tpu.memory_space<hbm>>
    tpu.enqueue_dma source(%dma_start3A_5 : memref<8192xf32, #tpu.memory_space<hbm>>) target(%arg5 : memref<8192xf32, #tpu.memory_space<vmem>>) target_semaphore(%arg9 : memref<!tpu.dma_semaphore, #tpu.memory_space<semaphore_mem>>)
    %dma_start3A_6 = tpu.memref_slice %arg2[%add3A_4] : memref<4194304xf32, #tpu.memory_space<hbm>> -> memref<8192xf32, #tpu.memory_space<hbm>>
    %dma_start3A_7 = tpu.memref_slice %arg2[%add3A_4] : memref<4194304xf32, #tpu.memory_space<hbm>> -> memref<8192xf32, #tpu.memory_space<hbm>>
    tpu.enqueue_dma source(%dma_start3A_7 : memref<8192xf32, #tpu.memory_space<hbm>>) target(%arg7 : memref<8192xf32, #tpu.memory_space<vmem>>) target_semaphore(%arg9 : memref<!tpu.dma_semaphore, #tpu.memory_space<semaphore_mem>>)
    %add3A_8 = arith.constant 8192 : i32
    %add3A_9 = arith.addi %mul3A_2, %add3A_8 : i32
    %dma_start3A_10 = tpu.memref_slice %arg3[%add3A_9] : memref<4194304xf32, #tpu.memory_space<hbm>> -> memref<8192xf32, #tpu.memory_space<hbm>>
    %dma_start3A_11 = tpu.memref_slice %arg3[%add3A_9] : memref<4194304xf32, #tpu.memory_space<hbm>> -> memref<8192xf32, #tpu.memory_space<hbm>>
    tpu.enqueue_dma source(%dma_start3A_11 : memref<8192xf32, #tpu.memory_space<hbm>>) target(%arg6 : memref<8192xf32, #tpu.memory_space<vmem>>) target_semaphore(%arg10 : memref<!tpu.dma_semaphore, #tpu.memory_space<semaphore_mem>>)
    %dma_start3A_12 = tpu.memref_slice %arg2[%add3A_9] : memref<4194304xf32, #tpu.memory_space<hbm>> -> memref<8192xf32, #tpu.memory_space<hbm>>
    %dma_start3A_13 = tpu.memref_slice %arg2[%add3A_9] : memref<4194304xf32, #tpu.memory_space<hbm>> -> memref<8192xf32, #tpu.memory_space<hbm>>
    tpu.enqueue_dma source(%dma_start3A_13 : memref<8192xf32, #tpu.memory_space<hbm>>) target(%arg8 : memref<8192xf32, #tpu.memory_space<vmem>>) target_semaphore(%arg10 : memref<!tpu.dma_semaphore, #tpu.memory_space<semaphore_mem>>)
    %dma_wait3A = tpu.memref_slice %arg3[%add3A_4] : memref<4194304xf32, #tpu.memory_space<hbm>> -> memref<8192xf32, #tpu.memory_space<hbm>>
    %dma_wait3A_14 = tpu.memref_slice %arg3[%add3A_4] : memref<4194304xf32, #tpu.memory_space<hbm>> -> memref<8192xf32, #tpu.memory_space<hbm>>
    tpu.wait_dma2 semaphore(%arg9 : memref<!tpu.dma_semaphore, #tpu.memory_space<semaphore_mem>>) src(%dma_wait3A_14 : memref<8192xf32, #tpu.memory_space<hbm>>) dst(%arg5 : memref<8192xf32, #tpu.memory_space<vmem>>)
    %dma_wait3A_15 = tpu.memref_slice %arg2[%add3A_4] : memref<4194304xf32, #tpu.memory_space<hbm>> -> memref<8192xf32, #tpu.memory_space<hbm>>
    %dma_wait3A_16 = tpu.memref_slice %arg2[%add3A_4] : memref<4194304xf32, #tpu.memory_space<hbm>> -> memref<8192xf32, #tpu.memory_space<hbm>>
    tpu.wait_dma2 semaphore(%arg9 : memref<!tpu.dma_semaphore, #tpu.memory_space<semaphore_mem>>) src(%dma_wait3A_16 : memref<8192xf32, #tpu.memory_space<hbm>>) dst(%arg7 : memref<8192xf32, #tpu.memory_space<vmem>>)
    %scan3A = arith.constant 0 : i32
    %scan3A_17 = arith.constant 0 : i32
    %scan3A_18 = arith.constant 64 : i32
    %scan3A_19 = arith.addi %scan3A_17, %scan3A_18 : i32
    %scan3A_20 = arith.constant 1 : i32
    scf.for %scan3A_352 = %scan3A_17 to %scan3A_19 step %scan3A_20  : i32 {
      %mul3A_353 = arith.constant 8 : i32
      %mul3A_354 = arith.muli %scan3A_352, %mul3A_353 : i32
      %add3A_355 = arith.constant 0 : i32
      %add3A_356 = arith.addi %mul3A_354, %add3A_355 : i32
      %mul3A_357 = arith.constant 16 : i32
      %mul3A_358 = arith.muli %add3A_356, %mul3A_357 : i32
      %get3A = arith.index_cast %mul3A_358 : i32 to index
      %get3A_359 = tpu.vector_load %arg7[%get3A] {strides = array<i32>} : memref<8192xf32, #tpu.memory_space<vmem>>, vector<16xf32>,
      %get3A_360 = vector.shape_cast %get3A_359 : vector<16xf32> to vector<16xf32>
      %get3A_361 = arith.index_cast %mul3A_358 : i32 to index
      %get3A_362 = tpu.vector_load %arg5[%get3A_361] {strides = array<i32>} : memref<8192xf32, #tpu.memory_space<vmem>>, vector<16xf32>,
      %get3A_363 = vector.shape_cast %get3A_362 : vector<16xf32> to vector<16xf32>
      %add3A_364 = arith.addf %get3A_360, %get3A_363 : vector<16xf32>
      %swap3A = arith.index_cast %mul3A_358 : i32 to index
      %swap3A_365 = tpu.vector_load %arg7[%swap3A] {strides = array<i32>} : memref<8192xf32, #tpu.memory_space<vmem>>, vector<16xf32>,
      %swap3A_366 = vector.shape_cast %swap3A_365 : vector<16xf32> to vector<16xf32>
      %swap3A_367 = vector.shape_cast %add3A_364 : vector<16xf32> to vector<16xf32>
      tpu.vector_store %arg7[%swap3A], %swap3A_367 {strides = array<i32>} : memref<8192xf32, #tpu.memory_space<vmem>>, vector<16xf32>,
      %mul3A_368 = arith.constant 8 : i32
      %mul3A_369 = arith.muli %scan3A_352, %mul3A_368 : i32
      %add3A_370 = arith.constant 1 : i32
      %add3A_371 = arith.addi %mul3A_369, %add3A_370 : i32
      %mul3A_372 = arith.constant 16 : i32
      %mul3A_373 = arith.muli %add3A_371, %mul3A_372 : i32
      %get3A_374 = arith.index_cast %mul3A_373 : i32 to index
      %get3A_375 = tpu.vector_load %arg7[%get3A_374] {strides = array<i32>} : memref<8192xf32, #tpu.memory_space<vmem>>, vector<16xf32>,
      %get3A_376 = vector.shape_cast %get3A_375 : vector<16xf32> to vector<16xf32>
      %get3A_377 = arith.index_cast %mul3A_373 : i32 to index
      %get3A_378 = tpu.vector_load %arg5[%get3A_377] {strides = array<i32>} : memref<8192xf32, #tpu.memory_space<vmem>>, vector<16xf32>,
      %get3A_379 = vector.shape_cast %get3A_378 : vector<16xf32> to vector<16xf32>
      %add3A_380 = arith.addf %get3A_376, %get3A_379 : vector<16xf32>
      %swap3A_381 = arith.index_cast %mul3A_373 : i32 to index
      %swap3A_382 = tpu.vector_load %arg7[%swap3A_381] {strides = array<i32>} : memref<8192xf32, #tpu.memory_space<vmem>>, vector<16xf32>,
      %swap3A_383 = vector.shape_cast %swap3A_382 : vector<16xf32> to vector<16xf32>
      %swap3A_384 = vector.shape_cast %add3A_380 : vector<16xf32> to vector<16xf32>
      tpu.vector_store %arg7[%swap3A_381], %swap3A_384 {strides = array<i32>} : memref<8192xf32, #tpu.memory_space<vmem>>, vector<16xf32>,
      %mul3A_385 = arith.constant 8 : i32
      %mul3A_386 = arith.muli %scan3A_352, %mul3A_385 : i32
      %add3A_387 = arith.constant 2 : i32
      %add3A_388 = arith.addi %mul3A_386, %add3A_387 : i32
      %mul3A_389 = arith.constant 16 : i32
      %mul3A_390 = arith.muli %add3A_388, %mul3A_389 : i32
      %get3A_391 = arith.index_cast %mul3A_390 : i32 to index
      %get3A_392 = tpu.vector_load %arg7[%get3A_391] {strides = array<i32>} : memref<8192xf32, #tpu.memory_space<vmem>>, vector<16xf32>,
      %get3A_393 = vector.shape_cast %get3A_392 : vector<16xf32> to vector<16xf32>
      %get3A_394 = arith.index_cast %mul3A_390 : i32 to index
      %get3A_395 = tpu.vector_load %arg5[%get3A_394] {strides = array<i32>} : memref<8192xf32, #tpu.memory_space<vmem>>, vector<16xf32>,
      %get3A_396 = vector.shape_cast %get3A_395 : vector<16xf32> to vector<16xf32>
      %add3A_397 = arith.addf %get3A_393, %get3A_396 : vector<16xf32>
      %swap3A_398 = arith.index_cast %mul3A_390 : i32 to index
      %swap3A_399 = tpu.vector_load %arg7[%swap3A_398] {strides = array<i32>} : memref<8192xf32, #tpu.memory_space<vmem>>, vector<16xf32>,
      %swap3A_400 = vector.shape_cast %swap3A_399 : vector<16xf32> to vector<16xf32>
      %swap3A_401 = vector.shape_cast %add3A_397 : vector<16xf32> to vector<16xf32>
      tpu.vector_store %arg7[%swap3A_398], %swap3A_401 {strides = array<i32>} : memref<8192xf32, #tpu.memory_space<vmem>>, vector<16xf32>,
      %mul3A_402 = arith.constant 8 : i32
      %mul3A_403 = arith.muli %scan3A_352, %mul3A_402 : i32
      %add3A_404 = arith.constant 3 : i32
      %add3A_405 = arith.addi %mul3A_403, %add3A_404 : i32
      %mul3A_406 = arith.constant 16 : i32
      %mul3A_407 = arith.muli %add3A_405, %mul3A_406 : i32
      %get3A_408 = arith.index_cast %mul3A_407 : i32 to index
      %get3A_409 = tpu.vector_load %arg7[%get3A_408] {strides = array<i32>} : memref<8192xf32, #tpu.memory_space<vmem>>, vector<16xf32>,
      %get3A_410 = vector.shape_cast %get3A_409 : vector<16xf32> to vector<16xf32>
      %get3A_411 = arith.index_cast %mul3A_407 : i32 to index
      %get3A_412 = tpu.vector_load %arg5[%get3A_411] {strides = array<i32>} : memref<8192xf32, #tpu.memory_space<vmem>>, vector<16xf32>,
      %get3A_413 = vector.shape_cast %get3A_412 : vector<16xf32> to vector<16xf32>
      %add3A_414 = arith.addf %get3A_410, %get3A_413 : vector<16xf32>
      %swap3A_415 = arith.index_cast %mul3A_407 : i32 to index
      %swap3A_416 = tpu.vector_load %arg7[%swap3A_415] {strides = array<i32>} : memref<8192xf32, #tpu.memory_space<vmem>>, vector<16xf32>,
      %swap3A_417 = vector.shape_cast %swap3A_416 : vector<16xf32> to vector<16xf32>
      %swap3A_418 = vector.shape_cast %add3A_414 : vector<16xf32> to vector<16xf32>
      tpu.vector_store %arg7[%swap3A_415], %swap3A_418 {strides = array<i32>} : memref<8192xf32, #tpu.memory_space<vmem>>, vector<16xf32>,
      %mul3A_419 = arith.constant 8 : i32
      %mul3A_420 = arith.muli %scan3A_352, %mul3A_419 : i32
      %add3A_421 = arith.constant 4 : i32
      %add3A_422 = arith.addi %mul3A_420, %add3A_421 : i32
      %mul3A_423 = arith.constant 16 : i32
      %mul3A_424 = arith.muli %add3A_422, %mul3A_423 : i32
      %get3A_425 = arith.index_cast %mul3A_424 : i32 to index
      %get3A_426 = tpu.vector_load %arg7[%get3A_425] {strides = array<i32>} : memref<8192xf32, #tpu.memory_space<vmem>>, vector<16xf32>,
      %get3A_427 = vector.shape_cast %get3A_426 : vector<16xf32> to vector<16xf32>
      %get3A_428 = arith.index_cast %mul3A_424 : i32 to index
      %get3A_429 = tpu.vector_load %arg5[%get3A_428] {strides = array<i32>} : memref<8192xf32, #tpu.memory_space<vmem>>, vector<16xf32>,
      %get3A_430 = vector.shape_cast %get3A_429 : vector<16xf32> to vector<16xf32>
      %add3A_431 = arith.addf %get3A_427, %get3A_430 : vector<16xf32>
      %swap3A_432 = arith.index_cast %mul3A_424 : i32 to index
      %swap3A_433 = tpu.vector_load %arg7[%swap3A_432] {strides = array<i32>} : memref<8192xf32, #tpu.memory_space<vmem>>, vector<16xf32>,
      %swap3A_434 = vector.shape_cast %swap3A_433 : vector<16xf32> to vector<16xf32>
      %swap3A_435 = vector.shape_cast %add3A_431 : vector<16xf32> to vector<16xf32>
      tpu.vector_store %arg7[%swap3A_432], %swap3A_435 {strides = array<i32>} : memref<8192xf32, #tpu.memory_space<vmem>>, vector<16xf32>,
      %mul3A_436 = arith.constant 8 : i32
      %mul3A_437 = arith.muli %scan3A_352, %mul3A_436 : i32
      %add3A_438 = arith.constant 5 : i32
      %add3A_439 = arith.addi %mul3A_437, %add3A_438 : i32
      %mul3A_440 = arith.constant 16 : i32
      %mul3A_441 = arith.muli %add3A_439, %mul3A_440 : i32
      %get3A_442 = arith.index_cast %mul3A_441 : i32 to index
      %get3A_443 = tpu.vector_load %arg7[%get3A_442] {strides = array<i32>} : memref<8192xf32, #tpu.memory_space<vmem>>, vector<16xf32>,
      %get3A_444 = vector.shape_cast %get3A_443 : vector<16xf32> to vector<16xf32>
      %get3A_445 = arith.index_cast %mul3A_441 : i32 to index
      %get3A_446 = tpu.vector_load %arg5[%get3A_445] {strides = array<i32>} : memref<8192xf32, #tpu.memory_space<vmem>>, vector<16xf32>,
      %get3A_447 = vector.shape_cast %get3A_446 : vector<16xf32> to vector<16xf32>
      %add3A_448 = arith.addf %get3A_444, %get3A_447 : vector<16xf32>
      %swap3A_449 = arith.index_cast %mul3A_441 : i32 to index
      %swap3A_450 = tpu.vector_load %arg7[%swap3A_449] {strides = array<i32>} : memref<8192xf32, #tpu.memory_space<vmem>>, vector<16xf32>,
      %swap3A_451 = vector.shape_cast %swap3A_450 : vector<16xf32> to vector<16xf32>
      %swap3A_452 = vector.shape_cast %add3A_448 : vector<16xf32> to vector<16xf32>
      tpu.vector_store %arg7[%swap3A_449], %swap3A_452 {strides = array<i32>} : memref<8192xf32, #tpu.memory_space<vmem>>, vector<16xf32>,
      %mul3A_453 = arith.constant 8 : i32
      %mul3A_454 = arith.muli %scan3A_352, %mul3A_453 : i32
      %add3A_455 = arith.constant 6 : i32
      %add3A_456 = arith.addi %mul3A_454, %add3A_455 : i32
      %mul3A_457 = arith.constant 16 : i32
      %mul3A_458 = arith.muli %add3A_456, %mul3A_457 : i32
      %get3A_459 = arith.index_cast %mul3A_458 : i32 to index
      %get3A_460 = tpu.vector_load %arg7[%get3A_459] {strides = array<i32>} : memref<8192xf32, #tpu.memory_space<vmem>>, vector<16xf32>,
      %get3A_461 = vector.shape_cast %get3A_460 : vector<16xf32> to vector<16xf32>
      %get3A_462 = arith.index_cast %mul3A_458 : i32 to index
      %get3A_463 = tpu.vector_load %arg5[%get3A_462] {strides = array<i32>} : memref<8192xf32, #tpu.memory_space<vmem>>, vector<16xf32>,
      %get3A_464 = vector.shape_cast %get3A_463 : vector<16xf32> to vector<16xf32>
      %add3A_465 = arith.addf %get3A_461, %get3A_464 : vector<16xf32>
      %swap3A_466 = arith.index_cast %mul3A_458 : i32 to index
      %swap3A_467 = tpu.vector_load %arg7[%swap3A_466] {strides = array<i32>} : memref<8192xf32, #tpu.memory_space<vmem>>, vector<16xf32>,
      %swap3A_468 = vector.shape_cast %swap3A_467 : vector<16xf32> to vector<16xf32>
      %swap3A_469 = vector.shape_cast %add3A_465 : vector<16xf32> to vector<16xf32>
      tpu.vector_store %arg7[%swap3A_466], %swap3A_469 {strides = array<i32>} : memref<8192xf32, #tpu.memory_space<vmem>>, vector<16xf32>,
      %mul3A_470 = arith.constant 8 : i32
      %mul3A_471 = arith.muli %scan3A_352, %mul3A_470 : i32
      %add3A_472 = arith.constant 7 : i32
      %add3A_473 = arith.addi %mul3A_471, %add3A_472 : i32
      %mul3A_474 = arith.constant 16 : i32
      %mul3A_475 = arith.muli %add3A_473, %mul3A_474 : i32
      %get3A_476 = arith.index_cast %mul3A_475 : i32 to index
      %get3A_477 = tpu.vector_load %arg7[%get3A_476] {strides = array<i32>} : memref<8192xf32, #tpu.memory_space<vmem>>, vector<16xf32>,
      %get3A_478 = vector.shape_cast %get3A_477 : vector<16xf32> to vector<16xf32>
      %get3A_479 = arith.index_cast %mul3A_475 : i32 to index
      %get3A_480 = tpu.vector_load %arg5[%get3A_479] {strides = array<i32>} : memref<8192xf32, #tpu.memory_space<vmem>>, vector<16xf32>,
      %get3A_481 = vector.shape_cast %get3A_480 : vector<16xf32> to vector<16xf32>
      %add3A_482 = arith.addf %get3A_478, %get3A_481 : vector<16xf32>
      %swap3A_483 = arith.index_cast %mul3A_475 : i32 to index
      %swap3A_484 = tpu.vector_load %arg7[%swap3A_483] {strides = array<i32>} : memref<8192xf32, #tpu.memory_space<vmem>>, vector<16xf32>,
      %swap3A_485 = vector.shape_cast %swap3A_484 : vector<16xf32> to vector<16xf32>
      %swap3A_486 = vector.shape_cast %add3A_482 : vector<16xf32> to vector<16xf32>
      tpu.vector_store %arg7[%swap3A_483], %swap3A_486 {strides = array<i32>} : memref<8192xf32, #tpu.memory_space<vmem>>, vector<16xf32>,
    }
    %scan3A_21 = arith.constant 64 : i32
    %add3A_22 = arith.constant 0 : i32
    %add3A_23 = arith.addi %mul3A_2, %add3A_22 : i32
    %dma_start3A_24 = tpu.memref_slice %arg4[%add3A_23] : memref<4194304xf32, #tpu.memory_space<hbm>> -> memref<8192xf32, #tpu.memory_space<hbm>>
    %dma_start3A_25 = tpu.memref_slice %arg4[%add3A_23] : memref<4194304xf32, #tpu.memory_space<hbm>> -> memref<8192xf32, #tpu.memory_space<hbm>>
    tpu.enqueue_dma source(%arg7 : memref<8192xf32, #tpu.memory_space<vmem>>) target(%dma_start3A_25 : memref<8192xf32, #tpu.memory_space<hbm>>) target_semaphore(%arg11 : memref<!tpu.dma_semaphore, #tpu.memory_space<semaphore_mem>>)
    %dma_wait3A_26 = tpu.memref_slice %arg4[%add3A_23] : memref<4194304xf32, #tpu.memory_space<hbm>> -> memref<8192xf32, #tpu.memory_space<hbm>>
    %dma_wait3A_27 = tpu.memref_slice %arg4[%add3A_23] : memref<4194304xf32, #tpu.memory_space<hbm>> -> memref<8192xf32, #tpu.memory_space<hbm>>
    tpu.wait_dma2 semaphore(%arg11 : memref<!tpu.dma_semaphore, #tpu.memory_space<semaphore_mem>>) src(%arg7 : memref<8192xf32, #tpu.memory_space<vmem>>) dst(%dma_wait3A_27 : memref<8192xf32, #tpu.memory_space<hbm>>)
    %add3A_28 = arith.constant 16384 : i32
    %add3A_29 = arith.addi %mul3A_2, %add3A_28 : i32
    %dma_start3A_30 = tpu.memref_slice %arg3[%add3A_29] : memref<4194304xf32, #tpu.memory_space<hbm>> -> memref<8192xf32, #tpu.memory_space<hbm>>
    %dma_start3A_31 = tpu.memref_slice %arg3[%add3A_29] : memref<4194304xf32, #tpu.memory_space<hbm>> -> memref<8192xf32, #tpu.memory_space<hbm>>
    tpu.enqueue_dma source(%dma_start3A_31 : memref<8192xf32, #tpu.memory_space<hbm>>) target(%arg5 : memref<8192xf32, #tpu.memory_space<vmem>>) target_semaphore(%arg9 : memref<!tpu.dma_semaphore, #tpu.memory_space<semaphore_mem>>)
    %dma_start3A_32 = tpu.memref_slice %arg2[%add3A_29] : memref<4194304xf32, #tpu.memory_space<hbm>> -> memref<8192xf32, #tpu.memory_space<hbm>>
    %dma_start3A_33 = tpu.memref_slice %arg2[%add3A_29] : memref<4194304xf32, #tpu.memory_space<hbm>> -> memref<8192xf32, #tpu.memory_space<hbm>>
    tpu.enqueue_dma source(%dma_start3A_33 : memref<8192xf32, #tpu.memory_space<hbm>>) target(%arg7 : memref<8192xf32, #tpu.memory_space<vmem>>) target_semaphore(%arg9 : memref<!tpu.dma_semaphore, #tpu.memory_space<semaphore_mem>>)
    %dma_wait3A_34 = tpu.memref_slice %arg3[%add3A_9] : memref<4194304xf32, #tpu.memory_space<hbm>> -> memref<8192xf32, #tpu.memory_space<hbm>>
    %dma_wait3A_35 = tpu.memref_slice %arg3[%add3A_9] : memref<4194304xf32, #tpu.memory_space<hbm>> -> memref<8192xf32, #tpu.memory_space<hbm>>
    tpu.wait_dma2 semaphore(%arg10 : memref<!tpu.dma_semaphore, #tpu.memory_space<semaphore_mem>>) src(%dma_wait3A_35 : memref<8192xf32, #tpu.memory_space<hbm>>) dst(%arg6 : memref<8192xf32, #tpu.memory_space<vmem>>)
    %dma_wait3A_36 = tpu.memref_slice %arg2[%add3A_9] : memref<4194304xf32, #tpu.memory_space<hbm>> -> memref<8192xf32, #tpu.memory_space<hbm>>
    %dma_wait3A_37 = tpu.memref_slice %arg2[%add3A_9] : memref<4194304xf32, #tpu.memory_space<hbm>> -> memref<8192xf32, #tpu.memory_space<hbm>>
    tpu.wait_dma2 semaphore(%arg10 : memref<!tpu.dma_semaphore, #tpu.memory_space<semaphore_mem>>) src(%dma_wait3A_37 : memref<8192xf32, #tpu.memory_space<hbm>>) dst(%arg8 : memref<8192xf32, #tpu.memory_space<vmem>>)
    %scan3A_38 = arith.constant 0 : i32
    %scan3A_39 = arith.constant 0 : i32
    %scan3A_40 = arith.constant 64 : i32
    %scan3A_41 = arith.addi %scan3A_39, %scan3A_40 : i32
    %scan3A_42 = arith.constant 1 : i32
    scf.for %scan3A_352 = %scan3A_39 to %scan3A_41 step %scan3A_42  : i32 {
      %mul3A_353 = arith.constant 8 : i32
      %mul3A_354 = arith.muli %scan3A_352, %mul3A_353 : i32
      %add3A_355 = arith.constant 0 : i32
      %add3A_356 = arith.addi %mul3A_354, %add3A_355 : i32
      %mul3A_357 = arith.constant 16 : i32
      %mul3A_358 = arith.muli %add3A_356, %mul3A_357 : i32
      %get3A = arith.index_cast %mul3A_358 : i32 to index
      %get3A_359 = tpu.vector_load %arg8[%get3A] {strides = array<i32>} : memref<8192xf32, #tpu.memory_space<vmem>>, vector<16xf32>,
      %get3A_360 = vector.shape_cast %get3A_359 : vector<16xf32> to vector<16xf32>
      %get3A_361 = arith.index_cast %mul3A_358 : i32 to index
      %get3A_362 = tpu.vector_load %arg6[%get3A_361] {strides = array<i32>} : memref<8192xf32, #tpu.memory_space<vmem>>, vector<16xf32>,
      %get3A_363 = vector.shape_cast %get3A_362 : vector<16xf32> to vector<16xf32>
      %add3A_364 = arith.addf %get3A_360, %get3A_363 : vector<16xf32>
      %swap3A = arith.index_cast %mul3A_358 : i32 to index
      %swap3A_365 = tpu.vector_load %arg8[%swap3A] {strides = array<i32>} : memref<8192xf32, #tpu.memory_space<vmem>>, vector<16xf32>,
      %swap3A_366 = vector.shape_cast %swap3A_365 : vector<16xf32> to vector<16xf32>
      %swap3A_367 = vector.shape_cast %add3A_364 : vector<16xf32> to vector<16xf32>
      tpu.vector_store %arg8[%swap3A], %swap3A_367 {strides = array<i32>} : memref<8192xf32, #tpu.memory_space<vmem>>, vector<16xf32>,
      %mul3A_368 = arith.constant 8 : i32
      %mul3A_369 = arith.muli %scan3A_352, %mul3A_368 : i32
      %add3A_370 = arith.constant 1 : i32
      %add3A_371 = arith.addi %mul3A_369, %add3A_370 : i32
      %mul3A_372 = arith.constant 16 : i32
      %mul3A_373 = arith.muli %add3A_371, %mul3A_372 : i32
      %get3A_374 = arith.index_cast %mul3A_373 : i32 to index
      %get3A_375 = tpu.vector_load %arg8[%get3A_374] {strides = array<i32>} : memref<8192xf32, #tpu.memory_space<vmem>>, vector<16xf32>,
      %get3A_376 = vector.shape_cast %get3A_375 : vector<16xf32> to vector<16xf32>
      %get3A_377 = arith.index_cast %mul3A_373 : i32 to index
      %get3A_378 = tpu.vector_load %arg6[%get3A_377] {strides = array<i32>} : memref<8192xf32, #tpu.memory_space<vmem>>, vector<16xf32>,
      %get3A_379 = vector.shape_cast %get3A_378 : vector<16xf32> to vector<16xf32>
      %add3A_380 = arith.addf %get3A_376, %get3A_379 : vector<16xf32>
      %swap3A_381 = arith.index_cast %mul3A_373 : i32 to index
      %swap3A_382 = tpu.vector_load %arg8[%swap3A_381] {strides = array<i32>} : memref<8192xf32, #tpu.memory_space<vmem>>, vector<16xf32>,
      %swap3A_383 = vector.shape_cast %swap3A_382 : vector<16xf32> to vector<16xf32>
      %swap3A_384 = vector.shape_cast %add3A_380 : vector<16xf32> to vector<16xf32>
      tpu.vector_store %arg8[%swap3A_381], %swap3A_384 {strides = array<i32>} : memref<8192xf32, #tpu.memory_space<vmem>>, vector<16xf32>,
      %mul3A_385 = arith.constant 8 : i32
      %mul3A_386 = arith.muli %scan3A_352, %mul3A_385 : i32
      %add3A_387 = arith.constant 2 : i32
      %add3A_388 = arith.addi %mul3A_386, %add3A_387 : i32
      %mul3A_389 = arith.constant 16 : i32
      %mul3A_390 = arith.muli %add3A_388, %mul3A_389 : i32
      %get3A_391 = arith.index_cast %mul3A_390 : i32 to index
      %get3A_392 = tpu.vector_load %arg8[%get3A_391] {strides = array<i32>} : memref<8192xf32, #tpu.memory_space<vmem>>, vector<16xf32>,
      %get3A_393 = vector.shape_cast %get3A_392 : vector<16xf32> to vector<16xf32>
      %get3A_394 = arith.index_cast %mul3A_390 : i32 to index
      %get3A_395 = tpu.vector_load %arg6[%get3A_394] {strides = array<i32>} : memref<8192xf32, #tpu.memory_space<vmem>>, vector<16xf32>,
      %get3A_396 = vector.shape_cast %get3A_395 : vector<16xf32> to vector<16xf32>
      %add3A_397 = arith.addf %get3A_393, %get3A_396 : vector<16xf32>
      %swap3A_398 = arith.index_cast %mul3A_390 : i32 to index
      %swap3A_399 = tpu.vector_load %arg8[%swap3A_398] {strides = array<i32>} : memref<8192xf32, #tpu.memory_space<vmem>>, vector<16xf32>,
      %swap3A_400 = vector.shape_cast %swap3A_399 : vector<16xf32> to vector<16xf32>
      %swap3A_401 = vector.shape_cast %add3A_397 : vector<16xf32> to vector<16xf32>
      tpu.vector_store %arg8[%swap3A_398], %swap3A_401 {strides = array<i32>} : memref<8192xf32, #tpu.memory_space<vmem>>, vector<16xf32>,
      %mul3A_402 = arith.constant 8 : i32
      %mul3A_403 = arith.muli %scan3A_352, %mul3A_402 : i32
      %add3A_404 = arith.constant 3 : i32
      %add3A_405 = arith.addi %mul3A_403, %add3A_404 : i32
      %mul3A_406 = arith.constant 16 : i32
      %mul3A_407 = arith.muli %add3A_405, %mul3A_406 : i32
      %get3A_408 = arith.index_cast %mul3A_407 : i32 to index
      %get3A_409 = tpu.vector_load %arg8[%get3A_408] {strides = array<i32>} : memref<8192xf32, #tpu.memory_space<vmem>>, vector<16xf32>,
      %get3A_410 = vector.shape_cast %get3A_409 : vector<16xf32> to vector<16xf32>
      %get3A_411 = arith.index_cast %mul3A_407 : i32 to index
      %get3A_412 = tpu.vector_load %arg6[%get3A_411] {strides = array<i32>} : memref<8192xf32, #tpu.memory_space<vmem>>, vector<16xf32>,
      %get3A_413 = vector.shape_cast %get3A_412 : vector<16xf32> to vector<16xf32>
      %add3A_414 = arith.addf %get3A_410, %get3A_413 : vector<16xf32>
      %swap3A_415 = arith.index_cast %mul3A_407 : i32 to index
      %swap3A_416 = tpu.vector_load %arg8[%swap3A_415] {strides = array<i32>} : memref<8192xf32, #tpu.memory_space<vmem>>, vector<16xf32>,
      %swap3A_417 = vector.shape_cast %swap3A_416 : vector<16xf32> to vector<16xf32>
      %swap3A_418 = vector.shape_cast %add3A_414 : vector<16xf32> to vector<16xf32>
      tpu.vector_store %arg8[%swap3A_415], %swap3A_418 {strides = array<i32>} : memref<8192xf32, #tpu.memory_space<vmem>>, vector<16xf32>,
      %mul3A_419 = arith.constant 8 : i32
      %mul3A_420 = arith.muli %scan3A_352, %mul3A_419 : i32
      %add3A_421 = arith.constant 4 : i32
      %add3A_422 = arith.addi %mul3A_420, %add3A_421 : i32
      %mul3A_423 = arith.constant 16 : i32
      %mul3A_424 = arith.muli %add3A_422, %mul3A_423 : i32
      %get3A_425 = arith.index_cast %mul3A_424 : i32 to index
      %get3A_426 = tpu.vector_load %arg8[%get3A_425] {strides = array<i32>} : memref<8192xf32, #tpu.memory_space<vmem>>, vector<16xf32>,
      %get3A_427 = vector.shape_cast %get3A_426 : vector<16xf32> to vector<16xf32>
      %get3A_428 = arith.index_cast %mul3A_424 : i32 to index
      %get3A_429 = tpu.vector_load %arg6[%get3A_428] {strides = array<i32>} : memref<8192xf32, #tpu.memory_space<vmem>>, vector<16xf32>,
      %get3A_430 = vector.shape_cast %get3A_429 : vector<16xf32> to vector<16xf32>
      %add3A_431 = arith.addf %get3A_427, %get3A_430 : vector<16xf32>
      %swap3A_432 = arith.index_cast %mul3A_424 : i32 to index
      %swap3A_433 = tpu.vector_load %arg8[%swap3A_432] {strides = array<i32>} : memref<8192xf32, #tpu.memory_space<vmem>>, vector<16xf32>,
      %swap3A_434 = vector.shape_cast %swap3A_433 : vector<16xf32> to vector<16xf32>
      %swap3A_435 = vector.shape_cast %add3A_431 : vector<16xf32> to vector<16xf32>
      tpu.vector_store %arg8[%swap3A_432], %swap3A_435 {strides = array<i32>} : memref<8192xf32, #tpu.memory_space<vmem>>, vector<16xf32>,
      %mul3A_436 = arith.constant 8 : i32
      %mul3A_437 = arith.muli %scan3A_352, %mul3A_436 : i32
      %add3A_438 = arith.constant 5 : i32
      %add3A_439 = arith.addi %mul3A_437, %add3A_438 : i32
      %mul3A_440 = arith.constant 16 : i32
      %mul3A_441 = arith.muli %add3A_439, %mul3A_440 : i32
      %get3A_442 = arith.index_cast %mul3A_441 : i32 to index
      %get3A_443 = tpu.vector_load %arg8[%get3A_442] {strides = array<i32>} : memref<8192xf32, #tpu.memory_space<vmem>>, vector<16xf32>,
      %get3A_444 = vector.shape_cast %get3A_443 : vector<16xf32> to vector<16xf32>
      %get3A_445 = arith.index_cast %mul3A_441 : i32 to index
      %get3A_446 = tpu.vector_load %arg6[%get3A_445] {strides = array<i32>} : memref<8192xf32, #tpu.memory_space<vmem>>, vector<16xf32>,
      %get3A_447 = vector.shape_cast %get3A_446 : vector<16xf32> to vector<16xf32>
      %add3A_448 = arith.addf %get3A_444, %get3A_447 : vector<16xf32>
      %swap3A_449 = arith.index_cast %mul3A_441 : i32 to index
      %swap3A_450 = tpu.vector_load %arg8[%swap3A_449] {strides = array<i32>} : memref<8192xf32, #tpu.memory_space<vmem>>, vector<16xf32>,
      %swap3A_451 = vector.shape_cast %swap3A_450 : vector<16xf32> to vector<16xf32>
      %swap3A_452 = vector.shape_cast %add3A_448 : vector<16xf32> to vector<16xf32>
      tpu.vector_store %arg8[%swap3A_449], %swap3A_452 {strides = array<i32>} : memref<8192xf32, #tpu.memory_space<vmem>>, vector<16xf32>,
      %mul3A_453 = arith.constant 8 : i32
      %mul3A_454 = arith.muli %scan3A_352, %mul3A_453 : i32
      %add3A_455 = arith.constant 6 : i32
      %add3A_456 = arith.addi %mul3A_454, %add3A_455 : i32
      %mul3A_457 = arith.constant 16 : i32
      %mul3A_458 = arith.muli %add3A_456, %mul3A_457 : i32
      %get3A_459 = arith.index_cast %mul3A_458 : i32 to index
      %get3A_460 = tpu.vector_load %arg8[%get3A_459] {strides = array<i32>} : memref<8192xf32, #tpu.memory_space<vmem>>, vector<16xf32>,
      %get3A_461 = vector.shape_cast %get3A_460 : vector<16xf32> to vector<16xf32>
      %get3A_462 = arith.index_cast %mul3A_458 : i32 to index
      %get3A_463 = tpu.vector_load %arg6[%get3A_462] {strides = array<i32>} : memref<8192xf32, #tpu.memory_space<vmem>>, vector<16xf32>,
      %get3A_464 = vector.shape_cast %get3A_463 : vector<16xf32> to vector<16xf32>
      %add3A_465 = arith.addf %get3A_461, %get3A_464 : vector<16xf32>
      %swap3A_466 = arith.index_cast %mul3A_458 : i32 to index
      %swap3A_467 = tpu.vector_load %arg8[%swap3A_466] {strides = array<i32>} : memref<8192xf32, #tpu.memory_space<vmem>>, vector<16xf32>,
      %swap3A_468 = vector.shape_cast %swap3A_467 : vector<16xf32> to vector<16xf32>
      %swap3A_469 = vector.shape_cast %add3A_465 : vector<16xf32> to vector<16xf32>
      tpu.vector_store %arg8[%swap3A_466], %swap3A_469 {strides = array<i32>} : memref<8192xf32, #tpu.memory_space<vmem>>, vector<16xf32>,
      %mul3A_470 = arith.constant 8 : i32
      %mul3A_471 = arith.muli %scan3A_352, %mul3A_470 : i32
      %add3A_472 = arith.constant 7 : i32
      %add3A_473 = arith.addi %mul3A_471, %add3A_472 : i32
      %mul3A_474 = arith.constant 16 : i32
      %mul3A_475 = arith.muli %add3A_473, %mul3A_474 : i32
      %get3A_476 = arith.index_cast %mul3A_475 : i32 to index
      %get3A_477 = tpu.vector_load %arg8[%get3A_476] {strides = array<i32>} : memref<8192xf32, #tpu.memory_space<vmem>>, vector<16xf32>,
      %get3A_478 = vector.shape_cast %get3A_477 : vector<16xf32> to vector<16xf32>
      %get3A_479 = arith.index_cast %mul3A_475 : i32 to index
      %get3A_480 = tpu.vector_load %arg6[%get3A_479] {strides = array<i32>} : memref<8192xf32, #tpu.memory_space<vmem>>, vector<16xf32>,
      %get3A_481 = vector.shape_cast %get3A_480 : vector<16xf32> to vector<16xf32>
      %add3A_482 = arith.addf %get3A_478, %get3A_481 : vector<16xf32>
      %swap3A_483 = arith.index_cast %mul3A_475 : i32 to index
      %swap3A_484 = tpu.vector_load %arg8[%swap3A_483] {strides = array<i32>} : memref<8192xf32, #tpu.memory_space<vmem>>, vector<16xf32>,
      %swap3A_485 = vector.shape_cast %swap3A_484 : vector<16xf32> to vector<16xf32>
      %swap3A_486 = vector.shape_cast %add3A_482 : vector<16xf32> to vector<16xf32>
      tpu.vector_store %arg8[%swap3A_483], %swap3A_486 {strides = array<i32>} : memref<8192xf32, #tpu.memory_space<vmem>>, vector<16xf32>,
    }
    %scan3A_43 = arith.constant 64 : i32
    %add3A_44 = arith.constant 8192 : i32
    %add3A_45 = arith.addi %mul3A_2, %add3A_44 : i32
    %dma_start3A_46 = tpu.memref_slice %arg4[%add3A_45] : memref<4194304xf32, #tpu.memory_space<hbm>> -> memref<8192xf32, #tpu.memory_space<hbm>>
    %dma_start3A_47 = tpu.memref_slice %arg4[%add3A_45] : memref<4194304xf32, #tpu.memory_space<hbm>> -> memref<8192xf32, #tpu.memory_space<hbm>>
    tpu.enqueue_dma source(%arg8 : memref<8192xf32, #tpu.memory_space<vmem>>) target(%dma_start3A_47 : memref<8192xf32, #tpu.memory_space<hbm>>) target_semaphore(%arg12 : memref<!tpu.dma_semaphore, #tpu.memory_space<semaphore_mem>>)
    %dma_wait3A_48 = tpu.memref_slice %arg4[%add3A_45] : memref<4194304xf32, #tpu.memory_space<hbm>> -> memref<8192xf32, #tpu.memory_space<hbm>>
    %dma_wait3A_49 = tpu.memref_slice %arg4[%add3A_45] : memref<4194304xf32, #tpu.memory_space<hbm>> -> memref<8192xf32, #tpu.memory_space<hbm>>
    tpu.wait_dma2 semaphore(%arg12 : memref<!tpu.dma_semaphore, #tpu.memory_space<semaphore_mem>>) src(%arg8 : memref<8192xf32, #tpu.memory_space<vmem>>) dst(%dma_wait3A_49 : memref<8192xf32, #tpu.memory_space<hbm>>)
    %add3A_50 = arith.constant 24576 : i32
    %add3A_51 = arith.addi %mul3A_2, %add3A_50 : i32
    %dma_start3A_52 = tpu.memref_slice %arg3[%add3A_51] : memref<4194304xf32, #tpu.memory_space<hbm>> -> memref<8192xf32, #tpu.memory_space<hbm>>
    %dma_start3A_53 = tpu.memref_slice %arg3[%add3A_51] : memref<4194304xf32, #tpu.memory_space<hbm>> -> memref<8192xf32, #tpu.memory_space<hbm>>
    tpu.enqueue_dma source(%dma_start3A_53 : memref<8192xf32, #tpu.memory_space<hbm>>) target(%arg6 : memref<8192xf32, #tpu.memory_space<vmem>>) target_semaphore(%arg10 : memref<!tpu.dma_semaphore, #tpu.memory_space<semaphore_mem>>)
    %dma_start3A_54 = tpu.memref_slice %arg2[%add3A_51] : memref<4194304xf32, #tpu.memory_space<hbm>> -> memref<8192xf32, #tpu.memory_space<hbm>>
    %dma_start3A_55 = tpu.memref_slice %arg2[%add3A_51] : memref<4194304xf32, #tpu.memory_space<hbm>> -> memref<8192xf32, #tpu.memory_space<hbm>>
    tpu.enqueue_dma source(%dma_start3A_55 : memref<8192xf32, #tpu.memory_space<hbm>>) target(%arg8 : memref<8192xf32, #tpu.memory_space<vmem>>) target_semaphore(%arg10 : memref<!tpu.dma_semaphore, #tpu.memory_space<semaphore_mem>>)
    %dma_wait3A_56 = tpu.memref_slice %arg3[%add3A_29] : memref<4194304xf32, #tpu.memory_space<hbm>> -> memref<8192xf32, #tpu.memory_space<hbm>>
    %dma_wait3A_57 = tpu.memref_slice %arg3[%add3A_29] : memref<4194304xf32, #tpu.memory_space<hbm>> -> memref<8192xf32, #tpu.memory_space<hbm>>
    tpu.wait_dma2 semaphore(%arg9 : memref<!tpu.dma_semaphore, #tpu.memory_space<semaphore_mem>>) src(%dma_wait3A_57 : memref<8192xf32, #tpu.memory_space<hbm>>) dst(%arg5 : memref<8192xf32, #tpu.memory_space<vmem>>)
    %dma_wait3A_58 = tpu.memref_slice %arg2[%add3A_29] : memref<4194304xf32, #tpu.memory_space<hbm>> -> memref<8192xf32, #tpu.memory_space<hbm>>
    %dma_wait3A_59 = tpu.memref_slice %arg2[%add3A_29] : memref<4194304xf32, #tpu.memory_space<hbm>> -> memref<8192xf32, #tpu.memory_space<hbm>>
    tpu.wait_dma2 semaphore(%arg9 : memref<!tpu.dma_semaphore, #tpu.memory_space<semaphore_mem>>) src(%dma_wait3A_59 : memref<8192xf32, #tpu.memory_space<hbm>>) dst(%arg7 : memref<8192xf32, #tpu.memory_space<vmem>>)
    %scan3A_60 = arith.constant 0 : i32
    %scan3A_61 = arith.constant 0 : i32
    %scan3A_62 = arith.constant 64 : i32
    %scan3A_63 = arith.addi %scan3A_61, %scan3A_62 : i32
    %scan3A_64 = arith.constant 1 : i32
    scf.for %scan3A_352 = %scan3A_61 to %scan3A_63 step %scan3A_64  : i32 {
      %mul3A_353 = arith.constant 8 : i32
      %mul3A_354 = arith.muli %scan3A_352, %mul3A_353 : i32
      %add3A_355 = arith.constant 0 : i32
      %add3A_356 = arith.addi %mul3A_354, %add3A_355 : i32
      %mul3A_357 = arith.constant 16 : i32
      %mul3A_358 = arith.muli %add3A_356, %mul3A_357 : i32
      %get3A = arith.index_cast %mul3A_358 : i32 to index
      %get3A_359 = tpu.vector_load %arg7[%get3A] {strides = array<i32>} : memref<8192xf32, #tpu.memory_space<vmem>>, vector<16xf32>,
      %get3A_360 = vector.shape_cast %get3A_359 : vector<16xf32> to vector<16xf32>
      %get3A_361 = arith.index_cast %mul3A_358 : i32 to index
      %get3A_362 = tpu.vector_load %arg5[%get3A_361] {strides = array<i32>} : memref<8192xf32, #tpu.memory_space<vmem>>, vector<16xf32>,
      %get3A_363 = vector.shape_cast %get3A_362 : vector<16xf32> to vector<16xf32>
      %add3A_364 = arith.addf %get3A_360, %get3A_363 : vector<16xf32>
      %swap3A = arith.index_cast %mul3A_358 : i32 to index
      %swap3A_365 = tpu.vector_load %arg7[%swap3A] {strides = array<i32>} : memref<8192xf32, #tpu.memory_space<vmem>>, vector<16xf32>,
      %swap3A_366 = vector.shape_cast %swap3A_365 : vector<16xf32> to vector<16xf32>
      %swap3A_367 = vector.shape_cast %add3A_364 : vector<16xf32> to vector<16xf32>
      tpu.vector_store %arg7[%swap3A], %swap3A_367 {strides = array<i32>} : memref<8192xf32, #tpu.memory_space<vmem>>, vector<16xf32>,
      %mul3A_368 = arith.constant 8 : i32
      %mul3A_369 = arith.muli %scan3A_352, %mul3A_368 : i32
      %add3A_370 = arith.constant 1 : i32
      %add3A_371 = arith.addi %mul3A_369, %add3A_370 : i32
      %mul3A_372 = arith.constant 16 : i32
      %mul3A_373 = arith.muli %add3A_371, %mul3A_372 : i32
      %get3A_374 = arith.index_cast %mul3A_373 : i32 to index
      %get3A_375 = tpu.vector_load %arg7[%get3A_374] {strides = array<i32>} : memref<8192xf32, #tpu.memory_space<vmem>>, vector<16xf32>,
      %get3A_376 = vector.shape_cast %get3A_375 : vector<16xf32> to vector<16xf32>
      %get3A_377 = arith.index_cast %mul3A_373 : i32 to index
      %get3A_378 = tpu.vector_load %arg5[%get3A_377] {strides = array<i32>} : memref<8192xf32, #tpu.memory_space<vmem>>, vector<16xf32>,
      %get3A_379 = vector.shape_cast %get3A_378 : vector<16xf32> to vector<16xf32>
      %add3A_380 = arith.addf %get3A_376, %get3A_379 : vector<16xf32>
      %swap3A_381 = arith.index_cast %mul3A_373 : i32 to index
      %swap3A_382 = tpu.vector_load %arg7[%swap3A_381] {strides = array<i32>} : memref<8192xf32, #tpu.memory_space<vmem>>, vector<16xf32>,
      %swap3A_383 = vector.shape_cast %swap3A_382 : vector<16xf32> to vector<16xf32>
      %swap3A_384 = vector.shape_cast %add3A_380 : vector<16xf32> to vector<16xf32>
      tpu.vector_store %arg7[%swap3A_381], %swap3A_384 {strides = array<i32>} : memref<8192xf32, #tpu.memory_space<vmem>>, vector<16xf32>,
      %mul3A_385 = arith.constant 8 : i32
      %mul3A_386 = arith.muli %scan3A_352, %mul3A_385 : i32
      %add3A_387 = arith.constant 2 : i32
      %add3A_388 = arith.addi %mul3A_386, %add3A_387 : i32
      %mul3A_389 = arith.constant 16 : i32
      %mul3A_390 = arith.muli %add3A_388, %mul3A_389 : i32
      %get3A_391 = arith.index_cast %mul3A_390 : i32 to index
      %get3A_392 = tpu.vector_load %arg7[%get3A_391] {strides = array<i32>} : memref<8192xf32, #tpu.memory_space<vmem>>, vector<16xf32>,
      %get3A_393 = vector.shape_cast %get3A_392 : vector<16xf32> to vector<16xf32>
      %get3A_394 = arith.index_cast %mul3A_390 : i32 to index
      %get3A_395 = tpu.vector_load %arg5[%get3A_394] {strides = array<i32>} : memref<8192xf32, #tpu.memory_space<vmem>>, vector<16xf32>,
      %get3A_396 = vector.shape_cast %get3A_395 : vector<16xf32> to vector<16xf32>
      %add3A_397 = arith.addf %get3A_393, %get3A_396 : vector<16xf32>
      %swap3A_398 = arith.index_cast %mul3A_390 : i32 to index
      %swap3A_399 = tpu.vector_load %arg7[%swap3A_398] {strides = array<i32>} : memref<8192xf32, #tpu.memory_space<vmem>>, vector<16xf32>,
      %swap3A_400 = vector.shape_cast %swap3A_399 : vector<16xf32> to vector<16xf32>
      %swap3A_401 = vector.shape_cast %add3A_397 : vector<16xf32> to vector<16xf32>
      tpu.vector_store %arg7[%swap3A_398], %swap3A_401 {strides = array<i32>} : memref<8192xf32, #tpu.memory_space<vmem>>, vector<16xf32>,
      %mul3A_402 = arith.constant 8 : i32
      %mul3A_403 = arith.muli %scan3A_352, %mul3A_402 : i32
      %add3A_404 = arith.constant 3 : i32
      %add3A_405 = arith.addi %mul3A_403, %add3A_404 : i32
      %mul3A_406 = arith.constant 16 : i32
      %mul3A_407 = arith.muli %add3A_405, %mul3A_406 : i32
      %get3A_408 = arith.index_cast %mul3A_407 : i32 to index
      %get3A_409 = tpu.vector_load %arg7[%get3A_408] {strides = array<i32>} : memref<8192xf32, #tpu.memory_space<vmem>>, vector<16xf32>,
      %get3A_410 = vector.shape_cast %get3A_409 : vector<16xf32> to vector<16xf32>
      %get3A_411 = arith.index_cast %mul3A_407 : i32 to index
      %get3A_412 = tpu.vector_load %arg5[%get3A_411] {strides = array<i32>} : memref<8192xf32, #tpu.memory_space<vmem>>, vector<16xf32>,
      %get3A_413 = vector.shape_cast %get3A_412 : vector<16xf32> to vector<16xf32>
      %add3A_414 = arith.addf %get3A_410, %get3A_413 : vector<16xf32>
      %swap3A_415 = arith.index_cast %mul3A_407 : i32 to index
      %swap3A_416 = tpu.vector_load %arg7[%swap3A_415] {strides = array<i32>} : memref<8192xf32, #tpu.memory_space<vmem>>, vector<16xf32>,
      %swap3A_417 = vector.shape_cast %swap3A_416 : vector<16xf32> to vector<16xf32>
      %swap3A_418 = vector.shape_cast %add3A_414 : vector<16xf32> to vector<16xf32>
      tpu.vector_store %arg7[%swap3A_415], %swap3A_418 {strides = array<i32>} : memref<8192xf32, #tpu.memory_space<vmem>>, vector<16xf32>,
      %mul3A_419 = arith.constant 8 : i32
      %mul3A_420 = arith.muli %scan3A_352, %mul3A_419 : i32
      %add3A_421 = arith.constant 4 : i32
      %add3A_422 = arith.addi %mul3A_420, %add3A_421 : i32
      %mul3A_423 = arith.constant 16 : i32
      %mul3A_424 = arith.muli %add3A_422, %mul3A_423 : i32
      %get3A_425 = arith.index_cast %mul3A_424 : i32 to index
      %get3A_426 = tpu.vector_load %arg7[%get3A_425] {strides = array<i32>} : memref<8192xf32, #tpu.memory_space<vmem>>, vector<16xf32>,
      %get3A_427 = vector.shape_cast %get3A_426 : vector<16xf32> to vector<16xf32>
      %get3A_428 = arith.index_cast %mul3A_424 : i32 to index
      %get3A_429 = tpu.vector_load %arg5[%get3A_428] {strides = array<i32>} : memref<8192xf32, #tpu.memory_space<vmem>>, vector<16xf32>,
      %get3A_430 = vector.shape_cast %get3A_429 : vector<16xf32> to vector<16xf32>
      %add3A_431 = arith.addf %get3A_427, %get3A_430 : vector<16xf32>
      %swap3A_432 = arith.index_cast %mul3A_424 : i32 to index
      %swap3A_433 = tpu.vector_load %arg7[%swap3A_432] {strides = array<i32>} : memref<8192xf32, #tpu.memory_space<vmem>>, vector<16xf32>,
      %swap3A_434 = vector.shape_cast %swap3A_433 : vector<16xf32> to vector<16xf32>
      %swap3A_435 = vector.shape_cast %add3A_431 : vector<16xf32> to vector<16xf32>
      tpu.vector_store %arg7[%swap3A_432], %swap3A_435 {strides = array<i32>} : memref<8192xf32, #tpu.memory_space<vmem>>, vector<16xf32>,
      %mul3A_436 = arith.constant 8 : i32
      %mul3A_437 = arith.muli %scan3A_352, %mul3A_436 : i32
      %add3A_438 = arith.constant 5 : i32
      %add3A_439 = arith.addi %mul3A_437, %add3A_438 : i32
      %mul3A_440 = arith.constant 16 : i32
      %mul3A_441 = arith.muli %add3A_439, %mul3A_440 : i32
      %get3A_442 = arith.index_cast %mul3A_441 : i32 to index
      %get3A_443 = tpu.vector_load %arg7[%get3A_442] {strides = array<i32>} : memref<8192xf32, #tpu.memory_space<vmem>>, vector<16xf32>,
      %get3A_444 = vector.shape_cast %get3A_443 : vector<16xf32> to vector<16xf32>
      %get3A_445 = arith.index_cast %mul3A_441 : i32 to index
      %get3A_446 = tpu.vector_load %arg5[%get3A_445] {strides = array<i32>} : memref<8192xf32, #tpu.memory_space<vmem>>, vector<16xf32>,
      %get3A_447 = vector.shape_cast %get3A_446 : vector<16xf32> to vector<16xf32>
      %add3A_448 = arith.addf %get3A_444, %get3A_447 : vector<16xf32>
      %swap3A_449 = arith.index_cast %mul3A_441 : i32 to index
      %swap3A_450 = tpu.vector_load %arg7[%swap3A_449] {strides = array<i32>} : memref<8192xf32, #tpu.memory_space<vmem>>, vector<16xf32>,
      %swap3A_451 = vector.shape_cast %swap3A_450 : vector<16xf32> to vector<16xf32>
      %swap3A_452 = vector.shape_cast %add3A_448 : vector<16xf32> to vector<16xf32>
      tpu.vector_store %arg7[%swap3A_449], %swap3A_452 {strides = array<i32>} : memref<8192xf32, #tpu.memory_space<vmem>>, vector<16xf32>,
      %mul3A_453 = arith.constant 8 : i32
      %mul3A_454 = arith.muli %scan3A_352, %mul3A_453 : i32
      %add3A_455 = arith.constant 6 : i32
      %add3A_456 = arith.addi %mul3A_454, %add3A_455 : i32
      %mul3A_457 = arith.constant 16 : i32
      %mul3A_458 = arith.muli %add3A_456, %mul3A_457 : i32
      %get3A_459 = arith.index_cast %mul3A_458 : i32 to index
      %get3A_460 = tpu.vector_load %arg7[%get3A_459] {strides = array<i32>} : memref<8192xf32, #tpu.memory_space<vmem>>, vector<16xf32>,
      %get3A_461 = vector.shape_cast %get3A_460 : vector<16xf32> to vector<16xf32>
      %get3A_462 = arith.index_cast %mul3A_458 : i32 to index
      %get3A_463 = tpu.vector_load %arg5[%get3A_462] {strides = array<i32>} : memref<8192xf32, #tpu.memory_space<vmem>>, vector<16xf32>,
      %get3A_464 = vector.shape_cast %get3A_463 : vector<16xf32> to vector<16xf32>
      %add3A_465 = arith.addf %get3A_461, %get3A_464 : vector<16xf32>
      %swap3A_466 = arith.index_cast %mul3A_458 : i32 to index
      %swap3A_467 = tpu.vector_load %arg7[%swap3A_466] {strides = array<i32>} : memref<8192xf32, #tpu.memory_space<vmem>>, vector<16xf32>,
      %swap3A_468 = vector.shape_cast %swap3A_467 : vector<16xf32> to vector<16xf32>
      %swap3A_469 = vector.shape_cast %add3A_465 : vector<16xf32> to vector<16xf32>
      tpu.vector_store %arg7[%swap3A_466], %swap3A_469 {strides = array<i32>} : memref<8192xf32, #tpu.memory_space<vmem>>, vector<16xf32>,
      %mul3A_470 = arith.constant 8 : i32
      %mul3A_471 = arith.muli %scan3A_352, %mul3A_470 : i32
      %add3A_472 = arith.constant 7 : i32
      %add3A_473 = arith.addi %mul3A_471, %add3A_472 : i32
      %mul3A_474 = arith.constant 16 : i32
      %mul3A_475 = arith.muli %add3A_473, %mul3A_474 : i32
      %get3A_476 = arith.index_cast %mul3A_475 : i32 to index
      %get3A_477 = tpu.vector_load %arg7[%get3A_476] {strides = array<i32>} : memref<8192xf32, #tpu.memory_space<vmem>>, vector<16xf32>,
      %get3A_478 = vector.shape_cast %get3A_477 : vector<16xf32> to vector<16xf32>
      %get3A_479 = arith.index_cast %mul3A_475 : i32 to index
      %get3A_480 = tpu.vector_load %arg5[%get3A_479] {strides = array<i32>} : memref<8192xf32, #tpu.memory_space<vmem>>, vector<16xf32>,
      %get3A_481 = vector.shape_cast %get3A_480 : vector<16xf32> to vector<16xf32>
      %add3A_482 = arith.addf %get3A_478, %get3A_481 : vector<16xf32>
      %swap3A_483 = arith.index_cast %mul3A_475 : i32 to index
      %swap3A_484 = tpu.vector_load %arg7[%swap3A_483] {strides = array<i32>} : memref<8192xf32, #tpu.memory_space<vmem>>, vector<16xf32>,
      %swap3A_485 = vector.shape_cast %swap3A_484 : vector<16xf32> to vector<16xf32>
      %swap3A_486 = vector.shape_cast %add3A_482 : vector<16xf32> to vector<16xf32>
      tpu.vector_store %arg7[%swap3A_483], %swap3A_486 {strides = array<i32>} : memref<8192xf32, #tpu.memory_space<vmem>>, vector<16xf32>,
    }
    %scan3A_65 = arith.constant 64 : i32
    %add3A_66 = arith.constant 16384 : i32
    %add3A_67 = arith.addi %mul3A_2, %add3A_66 : i32
    %dma_start3A_68 = tpu.memref_slice %arg4[%add3A_67] : memref<4194304xf32, #tpu.memory_space<hbm>> -> memref<8192xf32, #tpu.memory_space<hbm>>
    %dma_start3A_69 = tpu.memref_slice %arg4[%add3A_67] : memref<4194304xf32, #tpu.memory_space<hbm>> -> memref<8192xf32, #tpu.memory_space<hbm>>
    tpu.enqueue_dma source(%arg7 : memref<8192xf32, #tpu.memory_space<vmem>>) target(%dma_start3A_69 : memref<8192xf32, #tpu.memory_space<hbm>>) target_semaphore(%arg11 : memref<!tpu.dma_semaphore, #tpu.memory_space<semaphore_mem>>)
    %dma_wait3A_70 = tpu.memref_slice %arg4[%add3A_67] : memref<4194304xf32, #tpu.memory_space<hbm>> -> memref<8192xf32, #tpu.memory_space<hbm>>
    %dma_wait3A_71 = tpu.memref_slice %arg4[%add3A_67] : memref<4194304xf32, #tpu.memory_space<hbm>> -> memref<8192xf32, #tpu.memory_space<hbm>>
    tpu.wait_dma2 semaphore(%arg11 : memref<!tpu.dma_semaphore, #tpu.memory_space<semaphore_mem>>) src(%arg7 : memref<8192xf32, #tpu.memory_space<vmem>>) dst(%dma_wait3A_71 : memref<8192xf32, #tpu.memory_space<hbm>>)
    %add3A_72 = arith.constant 32768 : i32
    %add3A_73 = arith.addi %mul3A_2, %add3A_72 : i32
    %dma_start3A_74 = tpu.memref_slice %arg3[%add3A_73] : memref<4194304xf32, #tpu.memory_space<hbm>> -> memref<8192xf32, #tpu.memory_space<hbm>>
    %dma_start3A_75 = tpu.memref_slice %arg3[%add3A_73] : memref<4194304xf32, #tpu.memory_space<hbm>> -> memref<8192xf32, #tpu.memory_space<hbm>>
    tpu.enqueue_dma source(%dma_start3A_75 : memref<8192xf32, #tpu.memory_space<hbm>>) target(%arg5 : memref<8192xf32, #tpu.memory_space<vmem>>) target_semaphore(%arg9 : memref<!tpu.dma_semaphore, #tpu.memory_space<semaphore_mem>>)
    %dma_start3A_76 = tpu.memref_slice %arg2[%add3A_73] : memref<4194304xf32, #tpu.memory_space<hbm>> -> memref<8192xf32, #tpu.memory_space<hbm>>
    %dma_start3A_77 = tpu.memref_slice %arg2[%add3A_73] : memref<4194304xf32, #tpu.memory_space<hbm>> -> memref<8192xf32, #tpu.memory_space<hbm>>
    tpu.enqueue_dma source(%dma_start3A_77 : memref<8192xf32, #tpu.memory_space<hbm>>) target(%arg7 : memref<8192xf32, #tpu.memory_space<vmem>>) target_semaphore(%arg9 : memref<!tpu.dma_semaphore, #tpu.memory_space<semaphore_mem>>)
    %dma_wait3A_78 = tpu.memref_slice %arg3[%add3A_51] : memref<4194304xf32, #tpu.memory_space<hbm>> -> memref<8192xf32, #tpu.memory_space<hbm>>
    %dma_wait3A_79 = tpu.memref_slice %arg3[%add3A_51] : memref<4194304xf32, #tpu.memory_space<hbm>> -> memref<8192xf32, #tpu.memory_space<hbm>>
    tpu.wait_dma2 semaphore(%arg10 : memref<!tpu.dma_semaphore, #tpu.memory_space<semaphore_mem>>) src(%dma_wait3A_79 : memref<8192xf32, #tpu.memory_space<hbm>>) dst(%arg6 : memref<8192xf32, #tpu.memory_space<vmem>>)
    %dma_wait3A_80 = tpu.memref_slice %arg2[%add3A_51] : memref<4194304xf32, #tpu.memory_space<hbm>> -> memref<8192xf32, #tpu.memory_space<hbm>>
    %dma_wait3A_81 = tpu.memref_slice %arg2[%add3A_51] : memref<4194304xf32, #tpu.memory_space<hbm>> -> memref<8192xf32, #tpu.memory_space<hbm>>
    tpu.wait_dma2 semaphore(%arg10 : memref<!tpu.dma_semaphore, #tpu.memory_space<semaphore_mem>>) src(%dma_wait3A_81 : memref<8192xf32, #tpu.memory_space<hbm>>) dst(%arg8 : memref<8192xf32, #tpu.memory_space<vmem>>)
    %scan3A_82 = arith.constant 0 : i32
    %scan3A_83 = arith.constant 0 : i32
    %scan3A_84 = arith.constant 64 : i32
    %scan3A_85 = arith.addi %scan3A_83, %scan3A_84 : i32
    %scan3A_86 = arith.constant 1 : i32
    scf.for %scan3A_352 = %scan3A_83 to %scan3A_85 step %scan3A_86  : i32 {
      %mul3A_353 = arith.constant 8 : i32
      %mul3A_354 = arith.muli %scan3A_352, %mul3A_353 : i32
      %add3A_355 = arith.constant 0 : i32
      %add3A_356 = arith.addi %mul3A_354, %add3A_355 : i32
      %mul3A_357 = arith.constant 16 : i32
      %mul3A_358 = arith.muli %add3A_356, %mul3A_357 : i32
      %get3A = arith.index_cast %mul3A_358 : i32 to index
      %get3A_359 = tpu.vector_load %arg8[%get3A] {strides = array<i32>} : memref<8192xf32, #tpu.memory_space<vmem>>, vector<16xf32>,
      %get3A_360 = vector.shape_cast %get3A_359 : vector<16xf32> to vector<16xf32>
      %get3A_361 = arith.index_cast %mul3A_358 : i32 to index
      %get3A_362 = tpu.vector_load %arg6[%get3A_361] {strides = array<i32>} : memref<8192xf32, #tpu.memory_space<vmem>>, vector<16xf32>,
      %get3A_363 = vector.shape_cast %get3A_362 : vector<16xf32> to vector<16xf32>
      %add3A_364 = arith.addf %get3A_360, %get3A_363 : vector<16xf32>
      %swap3A = arith.index_cast %mul3A_358 : i32 to index
      %swap3A_365 = tpu.vector_load %arg8[%swap3A] {strides = array<i32>} : memref<8192xf32, #tpu.memory_space<vmem>>, vector<16xf32>,
      %swap3A_366 = vector.shape_cast %swap3A_365 : vector<16xf32> to vector<16xf32>
      %swap3A_367 = vector.shape_cast %add3A_364 : vector<16xf32> to vector<16xf32>
      tpu.vector_store %arg8[%swap3A], %swap3A_367 {strides = array<i32>} : memref<8192xf32, #tpu.memory_space<vmem>>, vector<16xf32>,
      %mul3A_368 = arith.constant 8 : i32
      %mul3A_369 = arith.muli %scan3A_352, %mul3A_368 : i32
      %add3A_370 = arith.constant 1 : i32
      %add3A_371 = arith.addi %mul3A_369, %add3A_370 : i32
      %mul3A_372 = arith.constant 16 : i32
      %mul3A_373 = arith.muli %add3A_371, %mul3A_372 : i32
      %get3A_374 = arith.index_cast %mul3A_373 : i32 to index
      %get3A_375 = tpu.vector_load %arg8[%get3A_374] {strides = array<i32>} : memref<8192xf32, #tpu.memory_space<vmem>>, vector<16xf32>,
      %get3A_376 = vector.shape_cast %get3A_375 : vector<16xf32> to vector<16xf32>
      %get3A_377 = arith.index_cast %mul3A_373 : i32 to index
      %get3A_378 = tpu.vector_load %arg6[%get3A_377] {strides = array<i32>} : memref<8192xf32, #tpu.memory_space<vmem>>, vector<16xf32>,
      %get3A_379 = vector.shape_cast %get3A_378 : vector<16xf32> to vector<16xf32>
      %add3A_380 = arith.addf %get3A_376, %get3A_379 : vector<16xf32>
      %swap3A_381 = arith.index_cast %mul3A_373 : i32 to index
      %swap3A_382 = tpu.vector_load %arg8[%swap3A_381] {strides = array<i32>} : memref<8192xf32, #tpu.memory_space<vmem>>, vector<16xf32>,
      %swap3A_383 = vector.shape_cast %swap3A_382 : vector<16xf32> to vector<16xf32>
      %swap3A_384 = vector.shape_cast %add3A_380 : vector<16xf32> to vector<16xf32>
      tpu.vector_store %arg8[%swap3A_381], %swap3A_384 {strides = array<i32>} : memref<8192xf32, #tpu.memory_space<vmem>>, vector<16xf32>,
      %mul3A_385 = arith.constant 8 : i32
      %mul3A_386 = arith.muli %scan3A_352, %mul3A_385 : i32
      %add3A_387 = arith.constant 2 : i32
      %add3A_388 = arith.addi %mul3A_386, %add3A_387 : i32
      %mul3A_389 = arith.constant 16 : i32
      %mul3A_390 = arith.muli %add3A_388, %mul3A_389 : i32
      %get3A_391 = arith.index_cast %mul3A_390 : i32 to index
      %get3A_392 = tpu.vector_load %arg8[%get3A_391] {strides = array<i32>} : memref<8192xf32, #tpu.memory_space<vmem>>, vector<16xf32>,
      %get3A_393 = vector.shape_cast %get3A_392 : vector<16xf32> to vector<16xf32>
      %get3A_394 = arith.index_cast %mul3A_390 : i32 to index
      %get3A_395 = tpu.vector_load %arg6[%get3A_394] {strides = array<i32>} : memref<8192xf32, #tpu.memory_space<vmem>>, vector<16xf32>,
      %get3A_396 = vector.shape_cast %get3A_395 : vector<16xf32> to vector<16xf32>
      %add3A_397 = arith.addf %get3A_393, %get3A_396 : vector<16xf32>
      %swap3A_398 = arith.index_cast %mul3A_390 : i32 to index
      %swap3A_399 = tpu.vector_load %arg8[%swap3A_398] {strides = array<i32>} : memref<8192xf32, #tpu.memory_space<vmem>>, vector<16xf32>,
      %swap3A_400 = vector.shape_cast %swap3A_399 : vector<16xf32> to vector<16xf32>
      %swap3A_401 = vector.shape_cast %add3A_397 : vector<16xf32> to vector<16xf32>
      tpu.vector_store %arg8[%swap3A_398], %swap3A_401 {strides = array<i32>} : memref<8192xf32, #tpu.memory_space<vmem>>, vector<16xf32>,
      %mul3A_402 = arith.constant 8 : i32
      %mul3A_403 = arith.muli %scan3A_352, %mul3A_402 : i32
      %add3A_404 = arith.constant 3 : i32
      %add3A_405 = arith.addi %mul3A_403, %add3A_404 : i32
      %mul3A_406 = arith.constant 16 : i32
      %mul3A_407 = arith.muli %add3A_405, %mul3A_406 : i32
      %get3A_408 = arith.index_cast %mul3A_407 : i32 to index
      %get3A_409 = tpu.vector_load %arg8[%get3A_408] {strides = array<i32>} : memref<8192xf32, #tpu.memory_space<vmem>>, vector<16xf32>,
      %get3A_410 = vector.shape_cast %get3A_409 : vector<16xf32> to vector<16xf32>
      %get3A_411 = arith.index_cast %mul3A_407 : i32 to index
      %get3A_412 = tpu.vector_load %arg6[%get3A_411] {strides = array<i32>} : memref<8192xf32, #tpu.memory_space<vmem>>, vector<16xf32>,
      %get3A_413 = vector.shape_cast %get3A_412 : vector<16xf32> to vector<16xf32>
      %add3A_414 = arith.addf %get3A_410, %get3A_413 : vector<16xf32>
      %swap3A_415 = arith.index_cast %mul3A_407 : i32 to index
      %swap3A_416 = tpu.vector_load %arg8[%swap3A_415] {strides = array<i32>} : memref<8192xf32, #tpu.memory_space<vmem>>, vector<16xf32>,
      %swap3A_417 = vector.shape_cast %swap3A_416 : vector<16xf32> to vector<16xf32>
      %swap3A_418 = vector.shape_cast %add3A_414 : vector<16xf32> to vector<16xf32>
      tpu.vector_store %arg8[%swap3A_415], %swap3A_418 {strides = array<i32>} : memref<8192xf32, #tpu.memory_space<vmem>>, vector<16xf32>,
      %mul3A_419 = arith.constant 8 : i32
      %mul3A_420 = arith.muli %scan3A_352, %mul3A_419 : i32
      %add3A_421 = arith.constant 4 : i32
      %add3A_422 = arith.addi %mul3A_420, %add3A_421 : i32
      %mul3A_423 = arith.constant 16 : i32
      %mul3A_424 = arith.muli %add3A_422, %mul3A_423 : i32
      %get3A_425 = arith.index_cast %mul3A_424 : i32 to index
      %get3A_426 = tpu.vector_load %arg8[%get3A_425] {strides = array<i32>} : memref<8192xf32, #tpu.memory_space<vmem>>, vector<16xf32>,
      %get3A_427 = vector.shape_cast %get3A_426 : vector<16xf32> to vector<16xf32>
      %get3A_428 = arith.index_cast %mul3A_424 : i32 to index
      %get3A_429 = tpu.vector_load %arg6[%get3A_428] {strides = array<i32>} : memref<8192xf32, #tpu.memory_space<vmem>>, vector<16xf32>,
      %get3A_430 = vector.shape_cast %get3A_429 : vector<16xf32> to vector<16xf32>
      %add3A_431 = arith.addf %get3A_427, %get3A_430 : vector<16xf32>
      %swap3A_432 = arith.index_cast %mul3A_424 : i32 to index
      %swap3A_433 = tpu.vector_load %arg8[%swap3A_432] {strides = array<i32>} : memref<8192xf32, #tpu.memory_space<vmem>>, vector<16xf32>,
      %swap3A_434 = vector.shape_cast %swap3A_433 : vector<16xf32> to vector<16xf32>
      %swap3A_435 = vector.shape_cast %add3A_431 : vector<16xf32> to vector<16xf32>
      tpu.vector_store %arg8[%swap3A_432], %swap3A_435 {strides = array<i32>} : memref<8192xf32, #tpu.memory_space<vmem>>, vector<16xf32>,
      %mul3A_436 = arith.constant 8 : i32
      %mul3A_437 = arith.muli %scan3A_352, %mul3A_436 : i32
      %add3A_438 = arith.constant 5 : i32
      %add3A_439 = arith.addi %mul3A_437, %add3A_438 : i32
      %mul3A_440 = arith.constant 16 : i32
      %mul3A_441 = arith.muli %add3A_439, %mul3A_440 : i32
      %get3A_442 = arith.index_cast %mul3A_441 : i32 to index
      %get3A_443 = tpu.vector_load %arg8[%get3A_442] {strides = array<i32>} : memref<8192xf32, #tpu.memory_space<vmem>>, vector<16xf32>,
      %get3A_444 = vector.shape_cast %get3A_443 : vector<16xf32> to vector<16xf32>
      %get3A_445 = arith.index_cast %mul3A_441 : i32 to index
      %get3A_446 = tpu.vector_load %arg6[%get3A_445] {strides = array<i32>} : memref<8192xf32, #tpu.memory_space<vmem>>, vector<16xf32>,
      %get3A_447 = vector.shape_cast %get3A_446 : vector<16xf32> to vector<16xf32>
      %add3A_448 = arith.addf %get3A_444, %get3A_447 : vector<16xf32>
      %swap3A_449 = arith.index_cast %mul3A_441 : i32 to index
      %swap3A_450 = tpu.vector_load %arg8[%swap3A_449] {strides = array<i32>} : memref<8192xf32, #tpu.memory_space<vmem>>, vector<16xf32>,
      %swap3A_451 = vector.shape_cast %swap3A_450 : vector<16xf32> to vector<16xf32>
      %swap3A_452 = vector.shape_cast %add3A_448 : vector<16xf32> to vector<16xf32>
      tpu.vector_store %arg8[%swap3A_449], %swap3A_452 {strides = array<i32>} : memref<8192xf32, #tpu.memory_space<vmem>>, vector<16xf32>,
      %mul3A_453 = arith.constant 8 : i32
      %mul3A_454 = arith.muli %scan3A_352, %mul3A_453 : i32
      %add3A_455 = arith.constant 6 : i32
      %add3A_456 = arith.addi %mul3A_454, %add3A_455 : i32
      %mul3A_457 = arith.constant 16 : i32
      %mul3A_458 = arith.muli %add3A_456, %mul3A_457 : i32
      %get3A_459 = arith.index_cast %mul3A_458 : i32 to index
      %get3A_460 = tpu.vector_load %arg8[%get3A_459] {strides = array<i32>} : memref<8192xf32, #tpu.memory_space<vmem>>, vector<16xf32>,
      %get3A_461 = vector.shape_cast %get3A_460 : vector<16xf32> to vector<16xf32>
      %get3A_462 = arith.index_cast %mul3A_458 : i32 to index
      %get3A_463 = tpu.vector_load %arg6[%get3A_462] {strides = array<i32>} : memref<8192xf32, #tpu.memory_space<vmem>>, vector<16xf32>,
      %get3A_464 = vector.shape_cast %get3A_463 : vector<16xf32> to vector<16xf32>
      %add3A_465 = arith.addf %get3A_461, %get3A_464 : vector<16xf32>
      %swap3A_466 = arith.index_cast %mul3A_458 : i32 to index
      %swap3A_467 = tpu.vector_load %arg8[%swap3A_466] {strides = array<i32>} : memref<8192xf32, #tpu.memory_space<vmem>>, vector<16xf32>,
      %swap3A_468 = vector.shape_cast %swap3A_467 : vector<16xf32> to vector<16xf32>
      %swap3A_469 = vector.shape_cast %add3A_465 : vector<16xf32> to vector<16xf32>
      tpu.vector_store %arg8[%swap3A_466], %swap3A_469 {strides = array<i32>} : memref<8192xf32, #tpu.memory_space<vmem>>, vector<16xf32>,
      %mul3A_470 = arith.constant 8 : i32
      %mul3A_471 = arith.muli %scan3A_352, %mul3A_470 : i32
      %add3A_472 = arith.constant 7 : i32
      %add3A_473 = arith.addi %mul3A_471, %add3A_472 : i32
      %mul3A_474 = arith.constant 16 : i32
      %mul3A_475 = arith.muli %add3A_473, %mul3A_474 : i32
      %get3A_476 = arith.index_cast %mul3A_475 : i32 to index
      %get3A_477 = tpu.vector_load %arg8[%get3A_476] {strides = array<i32>} : memref<8192xf32, #tpu.memory_space<vmem>>, vector<16xf32>,
      %get3A_478 = vector.shape_cast %get3A_477 : vector<16xf32> to vector<16xf32>
      %get3A_479 = arith.index_cast %mul3A_475 : i32 to index
      %get3A_480 = tpu.vector_load %arg6[%get3A_479] {strides = array<i32>} : memref<8192xf32, #tpu.memory_space<vmem>>, vector<16xf32>,
      %get3A_481 = vector.shape_cast %get3A_480 : vector<16xf32> to vector<16xf32>
      %add3A_482 = arith.addf %get3A_478, %get3A_481 : vector<16xf32>
      %swap3A_483 = arith.index_cast %mul3A_475 : i32 to index
      %swap3A_484 = tpu.vector_load %arg8[%swap3A_483] {strides = array<i32>} : memref<8192xf32, #tpu.memory_space<vmem>>, vector<16xf32>,
      %swap3A_485 = vector.shape_cast %swap3A_484 : vector<16xf32> to vector<16xf32>
      %swap3A_486 = vector.shape_cast %add3A_482 : vector<16xf32> to vector<16xf32>
      tpu.vector_store %arg8[%swap3A_483], %swap3A_486 {strides = array<i32>} : memref<8192xf32, #tpu.memory_space<vmem>>, vector<16xf32>,
    }
    %scan3A_87 = arith.constant 64 : i32
    %add3A_88 = arith.constant 24576 : i32
    %add3A_89 = arith.addi %mul3A_2, %add3A_88 : i32
    %dma_start3A_90 = tpu.memref_slice %arg4[%add3A_89] : memref<4194304xf32, #tpu.memory_space<hbm>> -> memref<8192xf32, #tpu.memory_space<hbm>>
    %dma_start3A_91 = tpu.memref_slice %arg4[%add3A_89] : memref<4194304xf32, #tpu.memory_space<hbm>> -> memref<8192xf32, #tpu.memory_space<hbm>>
    tpu.enqueue_dma source(%arg8 : memref<8192xf32, #tpu.memory_space<vmem>>) target(%dma_start3A_91 : memref<8192xf32, #tpu.memory_space<hbm>>) target_semaphore(%arg12 : memref<!tpu.dma_semaphore, #tpu.memory_space<semaphore_mem>>)
    %dma_wait3A_92 = tpu.memref_slice %arg4[%add3A_89] : memref<4194304xf32, #tpu.memory_space<hbm>> -> memref<8192xf32, #tpu.memory_space<hbm>>
    %dma_wait3A_93 = tpu.memref_slice %arg4[%add3A_89] : memref<4194304xf32, #tpu.memory_space<hbm>> -> memref<8192xf32, #tpu.memory_space<hbm>>
    tpu.wait_dma2 semaphore(%arg12 : memref<!tpu.dma_semaphore, #tpu.memory_space<semaphore_mem>>) src(%arg8 : memref<8192xf32, #tpu.memory_space<vmem>>) dst(%dma_wait3A_93 : memref<8192xf32, #tpu.memory_space<hbm>>)
    %add3A_94 = arith.constant 40960 : i32
    %add3A_95 = arith.addi %mul3A_2, %add3A_94 : i32
    %dma_start3A_96 = tpu.memref_slice %arg3[%add3A_95] : memref<4194304xf32, #tpu.memory_space<hbm>> -> memref<8192xf32, #tpu.memory_space<hbm>>
    %dma_start3A_97 = tpu.memref_slice %arg3[%add3A_95] : memref<4194304xf32, #tpu.memory_space<hbm>> -> memref<8192xf32, #tpu.memory_space<hbm>>
    tpu.enqueue_dma source(%dma_start3A_97 : memref<8192xf32, #tpu.memory_space<hbm>>) target(%arg6 : memref<8192xf32, #tpu.memory_space<vmem>>) target_semaphore(%arg10 : memref<!tpu.dma_semaphore, #tpu.memory_space<semaphore_mem>>)
    %dma_start3A_98 = tpu.memref_slice %arg2[%add3A_95] : memref<4194304xf32, #tpu.memory_space<hbm>> -> memref<8192xf32, #tpu.memory_space<hbm>>
    %dma_start3A_99 = tpu.memref_slice %arg2[%add3A_95] : memref<4194304xf32, #tpu.memory_space<hbm>> -> memref<8192xf32, #tpu.memory_space<hbm>>
    tpu.enqueue_dma source(%dma_start3A_99 : memref<8192xf32, #tpu.memory_space<hbm>>) target(%arg8 : memref<8192xf32, #tpu.memory_space<vmem>>) target_semaphore(%arg10 : memref<!tpu.dma_semaphore, #tpu.memory_space<semaphore_mem>>)
    %dma_wait3A_100 = tpu.memref_slice %arg3[%add3A_73] : memref<4194304xf32, #tpu.memory_space<hbm>> -> memref<8192xf32, #tpu.memory_space<hbm>>
    %dma_wait3A_101 = tpu.memref_slice %arg3[%add3A_73] : memref<4194304xf32, #tpu.memory_space<hbm>> -> memref<8192xf32, #tpu.memory_space<hbm>>
    tpu.wait_dma2 semaphore(%arg9 : memref<!tpu.dma_semaphore, #tpu.memory_space<semaphore_mem>>) src(%dma_wait3A_101 : memref<8192xf32, #tpu.memory_space<hbm>>) dst(%arg5 : memref<8192xf32, #tpu.memory_space<vmem>>)
    %dma_wait3A_102 = tpu.memref_slice %arg2[%add3A_73] : memref<4194304xf32, #tpu.memory_space<hbm>> -> memref<8192xf32, #tpu.memory_space<hbm>>
    %dma_wait3A_103 = tpu.memref_slice %arg2[%add3A_73] : memref<4194304xf32, #tpu.memory_space<hbm>> -> memref<8192xf32, #tpu.memory_space<hbm>>
    tpu.wait_dma2 semaphore(%arg9 : memref<!tpu.dma_semaphore, #tpu.memory_space<semaphore_mem>>) src(%dma_wait3A_103 : memref<8192xf32, #tpu.memory_space<hbm>>) dst(%arg7 : memref<8192xf32, #tpu.memory_space<vmem>>)
    %scan3A_104 = arith.constant 0 : i32
    %scan3A_105 = arith.constant 0 : i32
    %scan3A_106 = arith.constant 64 : i32
    %scan3A_107 = arith.addi %scan3A_105, %scan3A_106 : i32
    %scan3A_108 = arith.constant 1 : i32
    scf.for %scan3A_352 = %scan3A_105 to %scan3A_107 step %scan3A_108  : i32 {
      %mul3A_353 = arith.constant 8 : i32
      %mul3A_354 = arith.muli %scan3A_352, %mul3A_353 : i32
      %add3A_355 = arith.constant 0 : i32
      %add3A_356 = arith.addi %mul3A_354, %add3A_355 : i32
      %mul3A_357 = arith.constant 16 : i32
      %mul3A_358 = arith.muli %add3A_356, %mul3A_357 : i32
      %get3A = arith.index_cast %mul3A_358 : i32 to index
      %get3A_359 = tpu.vector_load %arg7[%get3A] {strides = array<i32>} : memref<8192xf32, #tpu.memory_space<vmem>>, vector<16xf32>,
      %get3A_360 = vector.shape_cast %get3A_359 : vector<16xf32> to vector<16xf32>
      %get3A_361 = arith.index_cast %mul3A_358 : i32 to index
      %get3A_362 = tpu.vector_load %arg5[%get3A_361] {strides = array<i32>} : memref<8192xf32, #tpu.memory_space<vmem>>, vector<16xf32>,
      %get3A_363 = vector.shape_cast %get3A_362 : vector<16xf32> to vector<16xf32>
      %add3A_364 = arith.addf %get3A_360, %get3A_363 : vector<16xf32>
      %swap3A = arith.index_cast %mul3A_358 : i32 to index
      %swap3A_365 = tpu.vector_load %arg7[%swap3A] {strides = array<i32>} : memref<8192xf32, #tpu.memory_space<vmem>>, vector<16xf32>,
      %swap3A_366 = vector.shape_cast %swap3A_365 : vector<16xf32> to vector<16xf32>
      %swap3A_367 = vector.shape_cast %add3A_364 : vector<16xf32> to vector<16xf32>
      tpu.vector_store %arg7[%swap3A], %swap3A_367 {strides = array<i32>} : memref<8192xf32, #tpu.memory_space<vmem>>, vector<16xf32>,
      %mul3A_368 = arith.constant 8 : i32
      %mul3A_369 = arith.muli %scan3A_352, %mul3A_368 : i32
      %add3A_370 = arith.constant 1 : i32
      %add3A_371 = arith.addi %mul3A_369, %add3A_370 : i32
      %mul3A_372 = arith.constant 16 : i32
      %mul3A_373 = arith.muli %add3A_371, %mul3A_372 : i32
      %get3A_374 = arith.index_cast %mul3A_373 : i32 to index
      %get3A_375 = tpu.vector_load %arg7[%get3A_374] {strides = array<i32>} : memref<8192xf32, #tpu.memory_space<vmem>>, vector<16xf32>,
      %get3A_376 = vector.shape_cast %get3A_375 : vector<16xf32> to vector<16xf32>
      %get3A_377 = arith.index_cast %mul3A_373 : i32 to index
      %get3A_378 = tpu.vector_load %arg5[%get3A_377] {strides = array<i32>} : memref<8192xf32, #tpu.memory_space<vmem>>, vector<16xf32>,
      %get3A_379 = vector.shape_cast %get3A_378 : vector<16xf32> to vector<16xf32>
      %add3A_380 = arith.addf %get3A_376, %get3A_379 : vector<16xf32>
      %swap3A_381 = arith.index_cast %mul3A_373 : i32 to index
      %swap3A_382 = tpu.vector_load %arg7[%swap3A_381] {strides = array<i32>} : memref<8192xf32, #tpu.memory_space<vmem>>, vector<16xf32>,
      %swap3A_383 = vector.shape_cast %swap3A_382 : vector<16xf32> to vector<16xf32>
      %swap3A_384 = vector.shape_cast %add3A_380 : vector<16xf32> to vector<16xf32>
      tpu.vector_store %arg7[%swap3A_381], %swap3A_384 {strides = array<i32>} : memref<8192xf32, #tpu.memory_space<vmem>>, vector<16xf32>,
      %mul3A_385 = arith.constant 8 : i32
      %mul3A_386 = arith.muli %scan3A_352, %mul3A_385 : i32
      %add3A_387 = arith.constant 2 : i32
      %add3A_388 = arith.addi %mul3A_386, %add3A_387 : i32
      %mul3A_389 = arith.constant 16 : i32
      %mul3A_390 = arith.muli %add3A_388, %mul3A_389 : i32
      %get3A_391 = arith.index_cast %mul3A_390 : i32 to index
      %get3A_392 = tpu.vector_load %arg7[%get3A_391] {strides = array<i32>} : memref<8192xf32, #tpu.memory_space<vmem>>, vector<16xf32>,
      %get3A_393 = vector.shape_cast %get3A_392 : vector<16xf32> to vector<16xf32>
      %get3A_394 = arith.index_cast %mul3A_390 : i32 to index
      %get3A_395 = tpu.vector_load %arg5[%get3A_394] {strides = array<i32>} : memref<8192xf32, #tpu.memory_space<vmem>>, vector<16xf32>,
      %get3A_396 = vector.shape_cast %get3A_395 : vector<16xf32> to vector<16xf32>
      %add3A_397 = arith.addf %get3A_393, %get3A_396 : vector<16xf32>
      %swap3A_398 = arith.index_cast %mul3A_390 : i32 to index
      %swap3A_399 = tpu.vector_load %arg7[%swap3A_398] {strides = array<i32>} : memref<8192xf32, #tpu.memory_space<vmem>>, vector<16xf32>,
      %swap3A_400 = vector.shape_cast %swap3A_399 : vector<16xf32> to vector<16xf32>
      %swap3A_401 = vector.shape_cast %add3A_397 : vector<16xf32> to vector<16xf32>
      tpu.vector_store %arg7[%swap3A_398], %swap3A_401 {strides = array<i32>} : memref<8192xf32, #tpu.memory_space<vmem>>, vector<16xf32>,
      %mul3A_402 = arith.constant 8 : i32
      %mul3A_403 = arith.muli %scan3A_352, %mul3A_402 : i32
      %add3A_404 = arith.constant 3 : i32
      %add3A_405 = arith.addi %mul3A_403, %add3A_404 : i32
      %mul3A_406 = arith.constant 16 : i32
      %mul3A_407 = arith.muli %add3A_405, %mul3A_406 : i32
      %get3A_408 = arith.index_cast %mul3A_407 : i32 to index
      %get3A_409 = tpu.vector_load %arg7[%get3A_408] {strides = array<i32>} : memref<8192xf32, #tpu.memory_space<vmem>>, vector<16xf32>,
      %get3A_410 = vector.shape_cast %get3A_409 : vector<16xf32> to vector<16xf32>
      %get3A_411 = arith.index_cast %mul3A_407 : i32 to index
      %get3A_412 = tpu.vector_load %arg5[%get3A_411] {strides = array<i32>} : memref<8192xf32, #tpu.memory_space<vmem>>, vector<16xf32>,
      %get3A_413 = vector.shape_cast %get3A_412 : vector<16xf32> to vector<16xf32>
      %add3A_414 = arith.addf %get3A_410, %get3A_413 : vector<16xf32>
      %swap3A_415 = arith.index_cast %mul3A_407 : i32 to index
      %swap3A_416 = tpu.vector_load %arg7[%swap3A_415] {strides = array<i32>} : memref<8192xf32, #tpu.memory_space<vmem>>, vector<16xf32>,
      %swap3A_417 = vector.shape_cast %swap3A_416 : vector<16xf32> to vector<16xf32>
      %swap3A_418 = vector.shape_cast %add3A_414 : vector<16xf32> to vector<16xf32>
      tpu.vector_store %arg7[%swap3A_415], %swap3A_418 {strides = array<i32>} : memref<8192xf32, #tpu.memory_space<vmem>>, vector<16xf32>,
      %mul3A_419 = arith.constant 8 : i32
      %mul3A_420 = arith.muli %scan3A_352, %mul3A_419 : i32
      %add3A_421 = arith.constant 4 : i32
      %add3A_422 = arith.addi %mul3A_420, %add3A_421 : i32
      %mul3A_423 = arith.constant 16 : i32
      %mul3A_424 = arith.muli %add3A_422, %mul3A_423 : i32
      %get3A_425 = arith.index_cast %mul3A_424 : i32 to index
      %get3A_426 = tpu.vector_load %arg7[%get3A_425] {strides = array<i32>} : memref<8192xf32, #tpu.memory_space<vmem>>, vector<16xf32>,
      %get3A_427 = vector.shape_cast %get3A_426 : vector<16xf32> to vector<16xf32>
      %get3A_428 = arith.index_cast %mul3A_424 : i32 to index
      %get3A_429 = tpu.vector_load %arg5[%get3A_428] {strides = array<i32>} : memref<8192xf32, #tpu.memory_space<vmem>>, vector<16xf32>,
      %get3A_430 = vector.shape_cast %get3A_429 : vector<16xf32> to vector<16xf32>
      %add3A_431 = arith.addf %get3A_427, %get3A_430 : vector<16xf32>
      %swap3A_432 = arith.index_cast %mul3A_424 : i32 to index
      %swap3A_433 = tpu.vector_load %arg7[%swap3A_432] {strides = array<i32>} : memref<8192xf32, #tpu.memory_space<vmem>>, vector<16xf32>,
      %swap3A_434 = vector.shape_cast %swap3A_433 : vector<16xf32> to vector<16xf32>
      %swap3A_435 = vector.shape_cast %add3A_431 : vector<16xf32> to vector<16xf32>
      tpu.vector_store %arg7[%swap3A_432], %swap3A_435 {strides = array<i32>} : memref<8192xf32, #tpu.memory_space<vmem>>, vector<16xf32>,
      %mul3A_436 = arith.constant 8 : i32
      %mul3A_437 = arith.muli %scan3A_352, %mul3A_436 : i32
      %add3A_438 = arith.constant 5 : i32
      %add3A_439 = arith.addi %mul3A_437, %add3A_438 : i32
      %mul3A_440 = arith.constant 16 : i32
      %mul3A_441 = arith.muli %add3A_439, %mul3A_440 : i32
      %get3A_442 = arith.index_cast %mul3A_441 : i32 to index
      %get3A_443 = tpu.vector_load %arg7[%get3A_442] {strides = array<i32>} : memref<8192xf32, #tpu.memory_space<vmem>>, vector<16xf32>,
      %get3A_444 = vector.shape_cast %get3A_443 : vector<16xf32> to vector<16xf32>
      %get3A_445 = arith.index_cast %mul3A_441 : i32 to index
      %get3A_446 = tpu.vector_load %arg5[%get3A_445] {strides = array<i32>} : memref<8192xf32, #tpu.memory_space<vmem>>, vector<16xf32>,
      %get3A_447 = vector.shape_cast %get3A_446 : vector<16xf32> to vector<16xf32>
      %add3A_448 = arith.addf %get3A_444, %get3A_447 : vector<16xf32>
      %swap3A_449 = arith.index_cast %mul3A_441 : i32 to index
      %swap3A_450 = tpu.vector_load %arg7[%swap3A_449] {strides = array<i32>} : memref<8192xf32, #tpu.memory_space<vmem>>, vector<16xf32>,
      %swap3A_451 = vector.shape_cast %swap3A_450 : vector<16xf32> to vector<16xf32>
      %swap3A_452 = vector.shape_cast %add3A_448 : vector<16xf32> to vector<16xf32>
      tpu.vector_store %arg7[%swap3A_449], %swap3A_452 {strides = array<i32>} : memref<8192xf32, #tpu.memory_space<vmem>>, vector<16xf32>,
      %mul3A_453 = arith.constant 8 : i32
      %mul3A_454 = arith.muli %scan3A_352, %mul3A_453 : i32
      %add3A_455 = arith.constant 6 : i32
      %add3A_456 = arith.addi %mul3A_454, %add3A_455 : i32
      %mul3A_457 = arith.constant 16 : i32
      %mul3A_458 = arith.muli %add3A_456, %mul3A_457 : i32
      %get3A_459 = arith.index_cast %mul3A_458 : i32 to index
      %get3A_460 = tpu.vector_load %arg7[%get3A_459] {strides = array<i32>} : memref<8192xf32, #tpu.memory_space<vmem>>, vector<16xf32>,
      %get3A_461 = vector.shape_cast %get3A_460 : vector<16xf32> to vector<16xf32>
      %get3A_462 = arith.index_cast %mul3A_458 : i32 to index
      %get3A_463 = tpu.vector_load %arg5[%get3A_462] {strides = array<i32>} : memref<8192xf32, #tpu.memory_space<vmem>>, vector<16xf32>,
      %get3A_464 = vector.shape_cast %get3A_463 : vector<16xf32> to vector<16xf32>
      %add3A_465 = arith.addf %get3A_461, %get3A_464 : vector<16xf32>
      %swap3A_466 = arith.index_cast %mul3A_458 : i32 to index
      %swap3A_467 = tpu.vector_load %arg7[%swap3A_466] {strides = array<i32>} : memref<8192xf32, #tpu.memory_space<vmem>>, vector<16xf32>,
      %swap3A_468 = vector.shape_cast %swap3A_467 : vector<16xf32> to vector<16xf32>
      %swap3A_469 = vector.shape_cast %add3A_465 : vector<16xf32> to vector<16xf32>
      tpu.vector_store %arg7[%swap3A_466], %swap3A_469 {strides = array<i32>} : memref<8192xf32, #tpu.memory_space<vmem>>, vector<16xf32>,
      %mul3A_470 = arith.constant 8 : i32
      %mul3A_471 = arith.muli %scan3A_352, %mul3A_470 : i32
      %add3A_472 = arith.constant 7 : i32
      %add3A_473 = arith.addi %mul3A_471, %add3A_472 : i32
      %mul3A_474 = arith.constant 16 : i32
      %mul3A_475 = arith.muli %add3A_473, %mul3A_474 : i32
      %get3A_476 = arith.index_cast %mul3A_475 : i32 to index
      %get3A_477 = tpu.vector_load %arg7[%get3A_476] {strides = array<i32>} : memref<8192xf32, #tpu.memory_space<vmem>>, vector<16xf32>,
      %get3A_478 = vector.shape_cast %get3A_477 : vector<16xf32> to vector<16xf32>
      %get3A_479 = arith.index_cast %mul3A_475 : i32 to index
      %get3A_480 = tpu.vector_load %arg5[%get3A_479] {strides = array<i32>} : memref<8192xf32, #tpu.memory_space<vmem>>, vector<16xf32>,
      %get3A_481 = vector.shape_cast %get3A_480 : vector<16xf32> to vector<16xf32>
      %add3A_482 = arith.addf %get3A_478, %get3A_481 : vector<16xf32>
      %swap3A_483 = arith.index_cast %mul3A_475 : i32 to index
      %swap3A_484 = tpu.vector_load %arg7[%swap3A_483] {strides = array<i32>} : memref<8192xf32, #tpu.memory_space<vmem>>, vector<16xf32>,
      %swap3A_485 = vector.shape_cast %swap3A_484 : vector<16xf32> to vector<16xf32>
      %swap3A_486 = vector.shape_cast %add3A_482 : vector<16xf32> to vector<16xf32>
      tpu.vector_store %arg7[%swap3A_483], %swap3A_486 {strides = array<i32>} : memref<8192xf32, #tpu.memory_space<vmem>>, vector<16xf32>,
    }
    %scan3A_109 = arith.constant 64 : i32
    %add3A_110 = arith.constant 32768 : i32
    %add3A_111 = arith.addi %mul3A_2, %add3A_110 : i32
    %dma_start3A_112 = tpu.memref_slice %arg4[%add3A_111] : memref<4194304xf32, #tpu.memory_space<hbm>> -> memref<8192xf32, #tpu.memory_space<hbm>>
    %dma_start3A_113 = tpu.memref_slice %arg4[%add3A_111] : memref<4194304xf32, #tpu.memory_space<hbm>> -> memref<8192xf32, #tpu.memory_space<hbm>>
    tpu.enqueue_dma source(%arg7 : memref<8192xf32, #tpu.memory_space<vmem>>) target(%dma_start3A_113 : memref<8192xf32, #tpu.memory_space<hbm>>) target_semaphore(%arg11 : memref<!tpu.dma_semaphore, #tpu.memory_space<semaphore_mem>>)
    %dma_wait3A_114 = tpu.memref_slice %arg4[%add3A_111] : memref<4194304xf32, #tpu.memory_space<hbm>> -> memref<8192xf32, #tpu.memory_space<hbm>>
    %dma_wait3A_115 = tpu.memref_slice %arg4[%add3A_111] : memref<4194304xf32, #tpu.memory_space<hbm>> -> memref<8192xf32, #tpu.memory_space<hbm>>
    tpu.wait_dma2 semaphore(%arg11 : memref<!tpu.dma_semaphore, #tpu.memory_space<semaphore_mem>>) src(%arg7 : memref<8192xf32, #tpu.memory_space<vmem>>) dst(%dma_wait3A_115 : memref<8192xf32, #tpu.memory_space<hbm>>)
    %add3A_116 = arith.constant 49152 : i32
    %add3A_117 = arith.addi %mul3A_2, %add3A_116 : i32
    %dma_start3A_118 = tpu.memref_slice %arg3[%add3A_117] : memref<4194304xf32, #tpu.memory_space<hbm>> -> memref<8192xf32, #tpu.memory_space<hbm>>
    %dma_start3A_119 = tpu.memref_slice %arg3[%add3A_117] : memref<4194304xf32, #tpu.memory_space<hbm>> -> memref<8192xf32, #tpu.memory_space<hbm>>
    tpu.enqueue_dma source(%dma_start3A_119 : memref<8192xf32, #tpu.memory_space<hbm>>) target(%arg5 : memref<8192xf32, #tpu.memory_space<vmem>>) target_semaphore(%arg9 : memref<!tpu.dma_semaphore, #tpu.memory_space<semaphore_mem>>)
    %dma_start3A_120 = tpu.memref_slice %arg2[%add3A_117] : memref<4194304xf32, #tpu.memory_space<hbm>> -> memref<8192xf32, #tpu.memory_space<hbm>>
    %dma_start3A_121 = tpu.memref_slice %arg2[%add3A_117] : memref<4194304xf32, #tpu.memory_space<hbm>> -> memref<8192xf32, #tpu.memory_space<hbm>>
    tpu.enqueue_dma source(%dma_start3A_121 : memref<8192xf32, #tpu.memory_space<hbm>>) target(%arg7 : memref<8192xf32, #tpu.memory_space<vmem>>) target_semaphore(%arg9 : memref<!tpu.dma_semaphore, #tpu.memory_space<semaphore_mem>>)
    %dma_wait3A_122 = tpu.memref_slice %arg3[%add3A_95] : memref<4194304xf32, #tpu.memory_space<hbm>> -> memref<8192xf32, #tpu.memory_space<hbm>>
    %dma_wait3A_123 = tpu.memref_slice %arg3[%add3A_95] : memref<4194304xf32, #tpu.memory_space<hbm>> -> memref<8192xf32, #tpu.memory_space<hbm>>
    tpu.wait_dma2 semaphore(%arg10 : memref<!tpu.dma_semaphore, #tpu.memory_space<semaphore_mem>>) src(%dma_wait3A_123 : memref<8192xf32, #tpu.memory_space<hbm>>) dst(%arg6 : memref<8192xf32, #tpu.memory_space<vmem>>)
    %dma_wait3A_124 = tpu.memref_slice %arg2[%add3A_95] : memref<4194304xf32, #tpu.memory_space<hbm>> -> memref<8192xf32, #tpu.memory_space<hbm>>
    %dma_wait3A_125 = tpu.memref_slice %arg2[%add3A_95] : memref<4194304xf32, #tpu.memory_space<hbm>> -> memref<8192xf32, #tpu.memory_space<hbm>>
    tpu.wait_dma2 semaphore(%arg10 : memref<!tpu.dma_semaphore, #tpu.memory_space<semaphore_mem>>) src(%dma_wait3A_125 : memref<8192xf32, #tpu.memory_space<hbm>>) dst(%arg8 : memref<8192xf32, #tpu.memory_space<vmem>>)
    %scan3A_126 = arith.constant 0 : i32
    %scan3A_127 = arith.constant 0 : i32
    %scan3A_128 = arith.constant 64 : i32
    %scan3A_129 = arith.addi %scan3A_127, %scan3A_128 : i32
    %scan3A_130 = arith.constant 1 : i32
    scf.for %scan3A_352 = %scan3A_127 to %scan3A_129 step %scan3A_130  : i32 {
      %mul3A_353 = arith.constant 8 : i32
      %mul3A_354 = arith.muli %scan3A_352, %mul3A_353 : i32
      %add3A_355 = arith.constant 0 : i32
      %add3A_356 = arith.addi %mul3A_354, %add3A_355 : i32
      %mul3A_357 = arith.constant 16 : i32
      %mul3A_358 = arith.muli %add3A_356, %mul3A_357 : i32
      %get3A = arith.index_cast %mul3A_358 : i32 to index
      %get3A_359 = tpu.vector_load %arg8[%get3A] {strides = array<i32>} : memref<8192xf32, #tpu.memory_space<vmem>>, vector<16xf32>,
      %get3A_360 = vector.shape_cast %get3A_359 : vector<16xf32> to vector<16xf32>
      %get3A_361 = arith.index_cast %mul3A_358 : i32 to index
      %get3A_362 = tpu.vector_load %arg6[%get3A_361] {strides = array<i32>} : memref<8192xf32, #tpu.memory_space<vmem>>, vector<16xf32>,
      %get3A_363 = vector.shape_cast %get3A_362 : vector<16xf32> to vector<16xf32>
      %add3A_364 = arith.addf %get3A_360, %get3A_363 : vector<16xf32>
      %swap3A = arith.index_cast %mul3A_358 : i32 to index
      %swap3A_365 = tpu.vector_load %arg8[%swap3A] {strides = array<i32>} : memref<8192xf32, #tpu.memory_space<vmem>>, vector<16xf32>,
      %swap3A_366 = vector.shape_cast %swap3A_365 : vector<16xf32> to vector<16xf32>
      %swap3A_367 = vector.shape_cast %add3A_364 : vector<16xf32> to vector<16xf32>
      tpu.vector_store %arg8[%swap3A], %swap3A_367 {strides = array<i32>} : memref<8192xf32, #tpu.memory_space<vmem>>, vector<16xf32>,
      %mul3A_368 = arith.constant 8 : i32
      %mul3A_369 = arith.muli %scan3A_352, %mul3A_368 : i32
      %add3A_370 = arith.constant 1 : i32
      %add3A_371 = arith.addi %mul3A_369, %add3A_370 : i32
      %mul3A_372 = arith.constant 16 : i32
      %mul3A_373 = arith.muli %add3A_371, %mul3A_372 : i32
      %get3A_374 = arith.index_cast %mul3A_373 : i32 to index
      %get3A_375 = tpu.vector_load %arg8[%get3A_374] {strides = array<i32>} : memref<8192xf32, #tpu.memory_space<vmem>>, vector<16xf32>,
      %get3A_376 = vector.shape_cast %get3A_375 : vector<16xf32> to vector<16xf32>
      %get3A_377 = arith.index_cast %mul3A_373 : i32 to index
      %get3A_378 = tpu.vector_load %arg6[%get3A_377] {strides = array<i32>} : memref<8192xf32, #tpu.memory_space<vmem>>, vector<16xf32>,
      %get3A_379 = vector.shape_cast %get3A_378 : vector<16xf32> to vector<16xf32>
      %add3A_380 = arith.addf %get3A_376, %get3A_379 : vector<16xf32>
      %swap3A_381 = arith.index_cast %mul3A_373 : i32 to index
      %swap3A_382 = tpu.vector_load %arg8[%swap3A_381] {strides = array<i32>} : memref<8192xf32, #tpu.memory_space<vmem>>, vector<16xf32>,
      %swap3A_383 = vector.shape_cast %swap3A_382 : vector<16xf32> to vector<16xf32>
      %swap3A_384 = vector.shape_cast %add3A_380 : vector<16xf32> to vector<16xf32>
      tpu.vector_store %arg8[%swap3A_381], %swap3A_384 {strides = array<i32>} : memref<8192xf32, #tpu.memory_space<vmem>>, vector<16xf32>,
      %mul3A_385 = arith.constant 8 : i32
      %mul3A_386 = arith.muli %scan3A_352, %mul3A_385 : i32
      %add3A_387 = arith.constant 2 : i32
      %add3A_388 = arith.addi %mul3A_386, %add3A_387 : i32
      %mul3A_389 = arith.constant 16 : i32
      %mul3A_390 = arith.muli %add3A_388, %mul3A_389 : i32
      %get3A_391 = arith.index_cast %mul3A_390 : i32 to index
      %get3A_392 = tpu.vector_load %arg8[%get3A_391] {strides = array<i32>} : memref<8192xf32, #tpu.memory_space<vmem>>, vector<16xf32>,
      %get3A_393 = vector.shape_cast %get3A_392 : vector<16xf32> to vector<16xf32>
      %get3A_394 = arith.index_cast %mul3A_390 : i32 to index
      %get3A_395 = tpu.vector_load %arg6[%get3A_394] {strides = array<i32>} : memref<8192xf32, #tpu.memory_space<vmem>>, vector<16xf32>,
      %get3A_396 = vector.shape_cast %get3A_395 : vector<16xf32> to vector<16xf32>
      %add3A_397 = arith.addf %get3A_393, %get3A_396 : vector<16xf32>
      %swap3A_398 = arith.index_cast %mul3A_390 : i32 to index
      %swap3A_399 = tpu.vector_load %arg8[%swap3A_398] {strides = array<i32>} : memref<8192xf32, #tpu.memory_space<vmem>>, vector<16xf32>,
      %swap3A_400 = vector.shape_cast %swap3A_399 : vector<16xf32> to vector<16xf32>
      %swap3A_401 = vector.shape_cast %add3A_397 : vector<16xf32> to vector<16xf32>
      tpu.vector_store %arg8[%swap3A_398], %swap3A_401 {strides = array<i32>} : memref<8192xf32, #tpu.memory_space<vmem>>, vector<16xf32>,
      %mul3A_402 = arith.constant 8 : i32
      %mul3A_403 = arith.muli %scan3A_352, %mul3A_402 : i32
      %add3A_404 = arith.constant 3 : i32
      %add3A_405 = arith.addi %mul3A_403, %add3A_404 : i32
      %mul3A_406 = arith.constant 16 : i32
      %mul3A_407 = arith.muli %add3A_405, %mul3A_406 : i32
      %get3A_408 = arith.index_cast %mul3A_407 : i32 to index
      %get3A_409 = tpu.vector_load %arg8[%get3A_408] {strides = array<i32>} : memref<8192xf32, #tpu.memory_space<vmem>>, vector<16xf32>,
      %get3A_410 = vector.shape_cast %get3A_409 : vector<16xf32> to vector<16xf32>
      %get3A_411 = arith.index_cast %mul3A_407 : i32 to index
      %get3A_412 = tpu.vector_load %arg6[%get3A_411] {strides = array<i32>} : memref<8192xf32, #tpu.memory_space<vmem>>, vector<16xf32>,
      %get3A_413 = vector.shape_cast %get3A_412 : vector<16xf32> to vector<16xf32>
      %add3A_414 = arith.addf %get3A_410, %get3A_413 : vector<16xf32>
      %swap3A_415 = arith.index_cast %mul3A_407 : i32 to index
      %swap3A_416 = tpu.vector_load %arg8[%swap3A_415] {strides = array<i32>} : memref<8192xf32, #tpu.memory_space<vmem>>, vector<16xf32>,
      %swap3A_417 = vector.shape_cast %swap3A_416 : vector<16xf32> to vector<16xf32>
      %swap3A_418 = vector.shape_cast %add3A_414 : vector<16xf32> to vector<16xf32>
      tpu.vector_store %arg8[%swap3A_415], %swap3A_418 {strides = array<i32>} : memref<8192xf32, #tpu.memory_space<vmem>>, vector<16xf32>,
      %mul3A_419 = arith.constant 8 : i32
      %mul3A_420 = arith.muli %scan3A_352, %mul3A_419 : i32
      %add3A_421 = arith.constant 4 : i32
      %add3A_422 = arith.addi %mul3A_420, %add3A_421 : i32
      %mul3A_423 = arith.constant 16 : i32
      %mul3A_424 = arith.muli %add3A_422, %mul3A_423 : i32
      %get3A_425 = arith.index_cast %mul3A_424 : i32 to index
      %get3A_426 = tpu.vector_load %arg8[%get3A_425] {strides = array<i32>} : memref<8192xf32, #tpu.memory_space<vmem>>, vector<16xf32>,
      %get3A_427 = vector.shape_cast %get3A_426 : vector<16xf32> to vector<16xf32>
      %get3A_428 = arith.index_cast %mul3A_424 : i32 to index
      %get3A_429 = tpu.vector_load %arg6[%get3A_428] {strides = array<i32>} : memref<8192xf32, #tpu.memory_space<vmem>>, vector<16xf32>,
      %get3A_430 = vector.shape_cast %get3A_429 : vector<16xf32> to vector<16xf32>
      %add3A_431 = arith.addf %get3A_427, %get3A_430 : vector<16xf32>
      %swap3A_432 = arith.index_cast %mul3A_424 : i32 to index
      %swap3A_433 = tpu.vector_load %arg8[%swap3A_432] {strides = array<i32>} : memref<8192xf32, #tpu.memory_space<vmem>>, vector<16xf32>,
      %swap3A_434 = vector.shape_cast %swap3A_433 : vector<16xf32> to vector<16xf32>
      %swap3A_435 = vector.shape_cast %add3A_431 : vector<16xf32> to vector<16xf32>
      tpu.vector_store %arg8[%swap3A_432], %swap3A_435 {strides = array<i32>} : memref<8192xf32, #tpu.memory_space<vmem>>, vector<16xf32>,
      %mul3A_436 = arith.constant 8 : i32
      %mul3A_437 = arith.muli %scan3A_352, %mul3A_436 : i32
      %add3A_438 = arith.constant 5 : i32
      %add3A_439 = arith.addi %mul3A_437, %add3A_438 : i32
      %mul3A_440 = arith.constant 16 : i32
      %mul3A_441 = arith.muli %add3A_439, %mul3A_440 : i32
      %get3A_442 = arith.index_cast %mul3A_441 : i32 to index
      %get3A_443 = tpu.vector_load %arg8[%get3A_442] {strides = array<i32>} : memref<8192xf32, #tpu.memory_space<vmem>>, vector<16xf32>,
      %get3A_444 = vector.shape_cast %get3A_443 : vector<16xf32> to vector<16xf32>
      %get3A_445 = arith.index_cast %mul3A_441 : i32 to index
      %get3A_446 = tpu.vector_load %arg6[%get3A_445] {strides = array<i32>} : memref<8192xf32, #tpu.memory_space<vmem>>, vector<16xf32>,
      %get3A_447 = vector.shape_cast %get3A_446 : vector<16xf32> to vector<16xf32>
      %add3A_448 = arith.addf %get3A_444, %get3A_447 : vector<16xf32>
      %swap3A_449 = arith.index_cast %mul3A_441 : i32 to index
      %swap3A_450 = tpu.vector_load %arg8[%swap3A_449] {strides = array<i32>} : memref<8192xf32, #tpu.memory_space<vmem>>, vector<16xf32>,
      %swap3A_451 = vector.shape_cast %swap3A_450 : vector<16xf32> to vector<16xf32>
      %swap3A_452 = vector.shape_cast %add3A_448 : vector<16xf32> to vector<16xf32>
      tpu.vector_store %arg8[%swap3A_449], %swap3A_452 {strides = array<i32>} : memref<8192xf32, #tpu.memory_space<vmem>>, vector<16xf32>,
      %mul3A_453 = arith.constant 8 : i32
      %mul3A_454 = arith.muli %scan3A_352, %mul3A_453 : i32
      %add3A_455 = arith.constant 6 : i32
      %add3A_456 = arith.addi %mul3A_454, %add3A_455 : i32
      %mul3A_457 = arith.constant 16 : i32
      %mul3A_458 = arith.muli %add3A_456, %mul3A_457 : i32
      %get3A_459 = arith.index_cast %mul3A_458 : i32 to index
      %get3A_460 = tpu.vector_load %arg8[%get3A_459] {strides = array<i32>} : memref<8192xf32, #tpu.memory_space<vmem>>, vector<16xf32>,
      %get3A_461 = vector.shape_cast %get3A_460 : vector<16xf32> to vector<16xf32>
      %get3A_462 = arith.index_cast %mul3A_458 : i32 to index
      %get3A_463 = tpu.vector_load %arg6[%get3A_462] {strides = array<i32>} : memref<8192xf32, #tpu.memory_space<vmem>>, vector<16xf32>,
      %get3A_464 = vector.shape_cast %get3A_463 : vector<16xf32> to vector<16xf32>
      %add3A_465 = arith.addf %get3A_461, %get3A_464 : vector<16xf32>
      %swap3A_466 = arith.index_cast %mul3A_458 : i32 to index
      %swap3A_467 = tpu.vector_load %arg8[%swap3A_466] {strides = array<i32>} : memref<8192xf32, #tpu.memory_space<vmem>>, vector<16xf32>,
      %swap3A_468 = vector.shape_cast %swap3A_467 : vector<16xf32> to vector<16xf32>
      %swap3A_469 = vector.shape_cast %add3A_465 : vector<16xf32> to vector<16xf32>
      tpu.vector_store %arg8[%swap3A_466], %swap3A_469 {strides = array<i32>} : memref<8192xf32, #tpu.memory_space<vmem>>, vector<16xf32>,
      %mul3A_470 = arith.constant 8 : i32
      %mul3A_471 = arith.muli %scan3A_352, %mul3A_470 : i32
      %add3A_472 = arith.constant 7 : i32
      %add3A_473 = arith.addi %mul3A_471, %add3A_472 : i32
      %mul3A_474 = arith.constant 16 : i32
      %mul3A_475 = arith.muli %add3A_473, %mul3A_474 : i32
      %get3A_476 = arith.index_cast %mul3A_475 : i32 to index
      %get3A_477 = tpu.vector_load %arg8[%get3A_476] {strides = array<i32>} : memref<8192xf32, #tpu.memory_space<vmem>>, vector<16xf32>,
      %get3A_478 = vector.shape_cast %get3A_477 : vector<16xf32> to vector<16xf32>
      %get3A_479 = arith.index_cast %mul3A_475 : i32 to index
      %get3A_480 = tpu.vector_load %arg6[%get3A_479] {strides = array<i32>} : memref<8192xf32, #tpu.memory_space<vmem>>, vector<16xf32>,
      %get3A_481 = vector.shape_cast %get3A_480 : vector<16xf32> to vector<16xf32>
      %add3A_482 = arith.addf %get3A_478, %get3A_481 : vector<16xf32>
      %swap3A_483 = arith.index_cast %mul3A_475 : i32 to index
      %swap3A_484 = tpu.vector_load %arg8[%swap3A_483] {strides = array<i32>} : memref<8192xf32, #tpu.memory_space<vmem>>, vector<16xf32>,
      %swap3A_485 = vector.shape_cast %swap3A_484 : vector<16xf32> to vector<16xf32>
      %swap3A_486 = vector.shape_cast %add3A_482 : vector<16xf32> to vector<16xf32>
      tpu.vector_store %arg8[%swap3A_483], %swap3A_486 {strides = array<i32>} : memref<8192xf32, #tpu.memory_space<vmem>>, vector<16xf32>,
    }
    %scan3A_131 = arith.constant 64 : i32
    %add3A_132 = arith.constant 40960 : i32
    %add3A_133 = arith.addi %mul3A_2, %add3A_132 : i32
    %dma_start3A_134 = tpu.memref_slice %arg4[%add3A_133] : memref<4194304xf32, #tpu.memory_space<hbm>> -> memref<8192xf32, #tpu.memory_space<hbm>>
    %dma_start3A_135 = tpu.memref_slice %arg4[%add3A_133] : memref<4194304xf32, #tpu.memory_space<hbm>> -> memref<8192xf32, #tpu.memory_space<hbm>>
    tpu.enqueue_dma source(%arg8 : memref<8192xf32, #tpu.memory_space<vmem>>) target(%dma_start3A_135 : memref<8192xf32, #tpu.memory_space<hbm>>) target_semaphore(%arg12 : memref<!tpu.dma_semaphore, #tpu.memory_space<semaphore_mem>>)
    %dma_wait3A_136 = tpu.memref_slice %arg4[%add3A_133] : memref<4194304xf32, #tpu.memory_space<hbm>> -> memref<8192xf32, #tpu.memory_space<hbm>>
    %dma_wait3A_137 = tpu.memref_slice %arg4[%add3A_133] : memref<4194304xf32, #tpu.memory_space<hbm>> -> memref<8192xf32, #tpu.memory_space<hbm>>
    tpu.wait_dma2 semaphore(%arg12 : memref<!tpu.dma_semaphore, #tpu.memory_space<semaphore_mem>>) src(%arg8 : memref<8192xf32, #tpu.memory_space<vmem>>) dst(%dma_wait3A_137 : memref<8192xf32, #tpu.memory_space<hbm>>)
    %add3A_138 = arith.constant 57344 : i32
    %add3A_139 = arith.addi %mul3A_2, %add3A_138 : i32
    %dma_start3A_140 = tpu.memref_slice %arg3[%add3A_139] : memref<4194304xf32, #tpu.memory_space<hbm>> -> memref<8192xf32, #tpu.memory_space<hbm>>
    %dma_start3A_141 = tpu.memref_slice %arg3[%add3A_139] : memref<4194304xf32, #tpu.memory_space<hbm>> -> memref<8192xf32, #tpu.memory_space<hbm>>
    tpu.enqueue_dma source(%dma_start3A_141 : memref<8192xf32, #tpu.memory_space<hbm>>) target(%arg6 : memref<8192xf32, #tpu.memory_space<vmem>>) target_semaphore(%arg10 : memref<!tpu.dma_semaphore, #tpu.memory_space<semaphore_mem>>)
    %dma_start3A_142 = tpu.memref_slice %arg2[%add3A_139] : memref<4194304xf32, #tpu.memory_space<hbm>> -> memref<8192xf32, #tpu.memory_space<hbm>>
    %dma_start3A_143 = tpu.memref_slice %arg2[%add3A_139] : memref<4194304xf32, #tpu.memory_space<hbm>> -> memref<8192xf32, #tpu.memory_space<hbm>>
    tpu.enqueue_dma source(%dma_start3A_143 : memref<8192xf32, #tpu.memory_space<hbm>>) target(%arg8 : memref<8192xf32, #tpu.memory_space<vmem>>) target_semaphore(%arg10 : memref<!tpu.dma_semaphore, #tpu.memory_space<semaphore_mem>>)
    %dma_wait3A_144 = tpu.memref_slice %arg3[%add3A_117] : memref<4194304xf32, #tpu.memory_space<hbm>> -> memref<8192xf32, #tpu.memory_space<hbm>>
    %dma_wait3A_145 = tpu.memref_slice %arg3[%add3A_117] : memref<4194304xf32, #tpu.memory_space<hbm>> -> memref<8192xf32, #tpu.memory_space<hbm>>
    tpu.wait_dma2 semaphore(%arg9 : memref<!tpu.dma_semaphore, #tpu.memory_space<semaphore_mem>>) src(%dma_wait3A_145 : memref<8192xf32, #tpu.memory_space<hbm>>) dst(%arg5 : memref<8192xf32, #tpu.memory_space<vmem>>)
    %dma_wait3A_146 = tpu.memref_slice %arg2[%add3A_117] : memref<4194304xf32, #tpu.memory_space<hbm>> -> memref<8192xf32, #tpu.memory_space<hbm>>
    %dma_wait3A_147 = tpu.memref_slice %arg2[%add3A_117] : memref<4194304xf32, #tpu.memory_space<hbm>> -> memref<8192xf32, #tpu.memory_space<hbm>>
    tpu.wait_dma2 semaphore(%arg9 : memref<!tpu.dma_semaphore, #tpu.memory_space<semaphore_mem>>) src(%dma_wait3A_147 : memref<8192xf32, #tpu.memory_space<hbm>>) dst(%arg7 : memref<8192xf32, #tpu.memory_space<vmem>>)
    %scan3A_148 = arith.constant 0 : i32
    %scan3A_149 = arith.constant 0 : i32
    %scan3A_150 = arith.constant 64 : i32
    %scan3A_151 = arith.addi %scan3A_149, %scan3A_150 : i32
    %scan3A_152 = arith.constant 1 : i32
    scf.for %scan3A_352 = %scan3A_149 to %scan3A_151 step %scan3A_152  : i32 {
      %mul3A_353 = arith.constant 8 : i32
      %mul3A_354 = arith.muli %scan3A_352, %mul3A_353 : i32
      %add3A_355 = arith.constant 0 : i32
      %add3A_356 = arith.addi %mul3A_354, %add3A_355 : i32
      %mul3A_357 = arith.constant 16 : i32
      %mul3A_358 = arith.muli %add3A_356, %mul3A_357 : i32
      %get3A = arith.index_cast %mul3A_358 : i32 to index
      %get3A_359 = tpu.vector_load %arg7[%get3A] {strides = array<i32>} : memref<8192xf32, #tpu.memory_space<vmem>>, vector<16xf32>,
      %get3A_360 = vector.shape_cast %get3A_359 : vector<16xf32> to vector<16xf32>
      %get3A_361 = arith.index_cast %mul3A_358 : i32 to index
      %get3A_362 = tpu.vector_load %arg5[%get3A_361] {strides = array<i32>} : memref<8192xf32, #tpu.memory_space<vmem>>, vector<16xf32>,
      %get3A_363 = vector.shape_cast %get3A_362 : vector<16xf32> to vector<16xf32>
      %add3A_364 = arith.addf %get3A_360, %get3A_363 : vector<16xf32>
      %swap3A = arith.index_cast %mul3A_358 : i32 to index
      %swap3A_365 = tpu.vector_load %arg7[%swap3A] {strides = array<i32>} : memref<8192xf32, #tpu.memory_space<vmem>>, vector<16xf32>,
      %swap3A_366 = vector.shape_cast %swap3A_365 : vector<16xf32> to vector<16xf32>
      %swap3A_367 = vector.shape_cast %add3A_364 : vector<16xf32> to vector<16xf32>
      tpu.vector_store %arg7[%swap3A], %swap3A_367 {strides = array<i32>} : memref<8192xf32, #tpu.memory_space<vmem>>, vector<16xf32>,
      %mul3A_368 = arith.constant 8 : i32
      %mul3A_369 = arith.muli %scan3A_352, %mul3A_368 : i32
      %add3A_370 = arith.constant 1 : i32
      %add3A_371 = arith.addi %mul3A_369, %add3A_370 : i32
      %mul3A_372 = arith.constant 16 : i32
      %mul3A_373 = arith.muli %add3A_371, %mul3A_372 : i32
      %get3A_374 = arith.index_cast %mul3A_373 : i32 to index
      %get3A_375 = tpu.vector_load %arg7[%get3A_374] {strides = array<i32>} : memref<8192xf32, #tpu.memory_space<vmem>>, vector<16xf32>,
      %get3A_376 = vector.shape_cast %get3A_375 : vector<16xf32> to vector<16xf32>
      %get3A_377 = arith.index_cast %mul3A_373 : i32 to index
      %get3A_378 = tpu.vector_load %arg5[%get3A_377] {strides = array<i32>} : memref<8192xf32, #tpu.memory_space<vmem>>, vector<16xf32>,
      %get3A_379 = vector.shape_cast %get3A_378 : vector<16xf32> to vector<16xf32>
      %add3A_380 = arith.addf %get3A_376, %get3A_379 : vector<16xf32>
      %swap3A_381 = arith.index_cast %mul3A_373 : i32 to index
      %swap3A_382 = tpu.vector_load %arg7[%swap3A_381] {strides = array<i32>} : memref<8192xf32, #tpu.memory_space<vmem>>, vector<16xf32>,
      %swap3A_383 = vector.shape_cast %swap3A_382 : vector<16xf32> to vector<16xf32>
      %swap3A_384 = vector.shape_cast %add3A_380 : vector<16xf32> to vector<16xf32>
      tpu.vector_store %arg7[%swap3A_381], %swap3A_384 {strides = array<i32>} : memref<8192xf32, #tpu.memory_space<vmem>>, vector<16xf32>,
      %mul3A_385 = arith.constant 8 : i32
      %mul3A_386 = arith.muli %scan3A_352, %mul3A_385 : i32
      %add3A_387 = arith.constant 2 : i32
      %add3A_388 = arith.addi %mul3A_386, %add3A_387 : i32
      %mul3A_389 = arith.constant 16 : i32
      %mul3A_390 = arith.muli %add3A_388, %mul3A_389 : i32
      %get3A_391 = arith.index_cast %mul3A_390 : i32 to index
      %get3A_392 = tpu.vector_load %arg7[%get3A_391] {strides = array<i32>} : memref<8192xf32, #tpu.memory_space<vmem>>, vector<16xf32>,
      %get3A_393 = vector.shape_cast %get3A_392 : vector<16xf32> to vector<16xf32>
      %get3A_394 = arith.index_cast %mul3A_390 : i32 to index
      %get3A_395 = tpu.vector_load %arg5[%get3A_394] {strides = array<i32>} : memref<8192xf32, #tpu.memory_space<vmem>>, vector<16xf32>,
      %get3A_396 = vector.shape_cast %get3A_395 : vector<16xf32> to vector<16xf32>
      %add3A_397 = arith.addf %get3A_393, %get3A_396 : vector<16xf32>
      %swap3A_398 = arith.index_cast %mul3A_390 : i32 to index
      %swap3A_399 = tpu.vector_load %arg7[%swap3A_398] {strides = array<i32>} : memref<8192xf32, #tpu.memory_space<vmem>>, vector<16xf32>,
      %swap3A_400 = vector.shape_cast %swap3A_399 : vector<16xf32> to vector<16xf32>
      %swap3A_401 = vector.shape_cast %add3A_397 : vector<16xf32> to vector<16xf32>
      tpu.vector_store %arg7[%swap3A_398], %swap3A_401 {strides = array<i32>} : memref<8192xf32, #tpu.memory_space<vmem>>, vector<16xf32>,
      %mul3A_402 = arith.constant 8 : i32
      %mul3A_403 = arith.muli %scan3A_352, %mul3A_402 : i32
      %add3A_404 = arith.constant 3 : i32
      %add3A_405 = arith.addi %mul3A_403, %add3A_404 : i32
      %mul3A_406 = arith.constant 16 : i32
      %mul3A_407 = arith.muli %add3A_405, %mul3A_406 : i32
      %get3A_408 = arith.index_cast %mul3A_407 : i32 to index
      %get3A_409 = tpu.vector_load %arg7[%get3A_408] {strides = array<i32>} : memref<8192xf32, #tpu.memory_space<vmem>>, vector<16xf32>,
      %get3A_410 = vector.shape_cast %get3A_409 : vector<16xf32> to vector<16xf32>
      %get3A_411 = arith.index_cast %mul3A_407 : i32 to index
      %get3A_412 = tpu.vector_load %arg5[%get3A_411] {strides = array<i32>} : memref<8192xf32, #tpu.memory_space<vmem>>, vector<16xf32>,
      %get3A_413 = vector.shape_cast %get3A_412 : vector<16xf32> to vector<16xf32>
      %add3A_414 = arith.addf %get3A_410, %get3A_413 : vector<16xf32>
      %swap3A_415 = arith.index_cast %mul3A_407 : i32 to index
      %swap3A_416 = tpu.vector_load %arg7[%swap3A_415] {strides = array<i32>} : memref<8192xf32, #tpu.memory_space<vmem>>, vector<16xf32>,
      %swap3A_417 = vector.shape_cast %swap3A_416 : vector<16xf32> to vector<16xf32>
      %swap3A_418 = vector.shape_cast %add3A_414 : vector<16xf32> to vector<16xf32>
      tpu.vector_store %arg7[%swap3A_415], %swap3A_418 {strides = array<i32>} : memref<8192xf32, #tpu.memory_space<vmem>>, vector<16xf32>,
      %mul3A_419 = arith.constant 8 : i32
      %mul3A_420 = arith.muli %scan3A_352, %mul3A_419 : i32
      %add3A_421 = arith.constant 4 : i32
      %add3A_422 = arith.addi %mul3A_420, %add3A_421 : i32
      %mul3A_423 = arith.constant 16 : i32
      %mul3A_424 = arith.muli %add3A_422, %mul3A_423 : i32
      %get3A_425 = arith.index_cast %mul3A_424 : i32 to index
      %get3A_426 = tpu.vector_load %arg7[%get3A_425] {strides = array<i32>} : memref<8192xf32, #tpu.memory_space<vmem>>, vector<16xf32>,
      %get3A_427 = vector.shape_cast %get3A_426 : vector<16xf32> to vector<16xf32>
      %get3A_428 = arith.index_cast %mul3A_424 : i32 to index
      %get3A_429 = tpu.vector_load %arg5[%get3A_428] {strides = array<i32>} : memref<8192xf32, #tpu.memory_space<vmem>>, vector<16xf32>,
      %get3A_430 = vector.shape_cast %get3A_429 : vector<16xf32> to vector<16xf32>
      %add3A_431 = arith.addf %get3A_427, %get3A_430 : vector<16xf32>
      %swap3A_432 = arith.index_cast %mul3A_424 : i32 to index
      %swap3A_433 = tpu.vector_load %arg7[%swap3A_432] {strides = array<i32>} : memref<8192xf32, #tpu.memory_space<vmem>>, vector<16xf32>,
      %swap3A_434 = vector.shape_cast %swap3A_433 : vector<16xf32> to vector<16xf32>
      %swap3A_435 = vector.shape_cast %add3A_431 : vector<16xf32> to vector<16xf32>
      tpu.vector_store %arg7[%swap3A_432], %swap3A_435 {strides = array<i32>} : memref<8192xf32, #tpu.memory_space<vmem>>, vector<16xf32>,
      %mul3A_436 = arith.constant 8 : i32
      %mul3A_437 = arith.muli %scan3A_352, %mul3A_436 : i32
      %add3A_438 = arith.constant 5 : i32
      %add3A_439 = arith.addi %mul3A_437, %add3A_438 : i32
      %mul3A_440 = arith.constant 16 : i32
      %mul3A_441 = arith.muli %add3A_439, %mul3A_440 : i32
      %get3A_442 = arith.index_cast %mul3A_441 : i32 to index
      %get3A_443 = tpu.vector_load %arg7[%get3A_442] {strides = array<i32>} : memref<8192xf32, #tpu.memory_space<vmem>>, vector<16xf32>,
      %get3A_444 = vector.shape_cast %get3A_443 : vector<16xf32> to vector<16xf32>
      %get3A_445 = arith.index_cast %mul3A_441 : i32 to index
      %get3A_446 = tpu.vector_load %arg5[%get3A_445] {strides = array<i32>} : memref<8192xf32, #tpu.memory_space<vmem>>, vector<16xf32>,
      %get3A_447 = vector.shape_cast %get3A_446 : vector<16xf32> to vector<16xf32>
      %add3A_448 = arith.addf %get3A_444, %get3A_447 : vector<16xf32>
      %swap3A_449 = arith.index_cast %mul3A_441 : i32 to index
      %swap3A_450 = tpu.vector_load %arg7[%swap3A_449] {strides = array<i32>} : memref<8192xf32, #tpu.memory_space<vmem>>, vector<16xf32>,
      %swap3A_451 = vector.shape_cast %swap3A_450 : vector<16xf32> to vector<16xf32>
      %swap3A_452 = vector.shape_cast %add3A_448 : vector<16xf32> to vector<16xf32>
      tpu.vector_store %arg7[%swap3A_449], %swap3A_452 {strides = array<i32>} : memref<8192xf32, #tpu.memory_space<vmem>>, vector<16xf32>,
      %mul3A_453 = arith.constant 8 : i32
      %mul3A_454 = arith.muli %scan3A_352, %mul3A_453 : i32
      %add3A_455 = arith.constant 6 : i32
      %add3A_456 = arith.addi %mul3A_454, %add3A_455 : i32
      %mul3A_457 = arith.constant 16 : i32
      %mul3A_458 = arith.muli %add3A_456, %mul3A_457 : i32
      %get3A_459 = arith.index_cast %mul3A_458 : i32 to index
      %get3A_460 = tpu.vector_load %arg7[%get3A_459] {strides = array<i32>} : memref<8192xf32, #tpu.memory_space<vmem>>, vector<16xf32>,
      %get3A_461 = vector.shape_cast %get3A_460 : vector<16xf32> to vector<16xf32>
      %get3A_462 = arith.index_cast %mul3A_458 : i32 to index
      %get3A_463 = tpu.vector_load %arg5[%get3A_462] {strides = array<i32>} : memref<8192xf32, #tpu.memory_space<vmem>>, vector<16xf32>,
      %get3A_464 = vector.shape_cast %get3A_463 : vector<16xf32> to vector<16xf32>
      %add3A_465 = arith.addf %get3A_461, %get3A_464 : vector<16xf32>
      %swap3A_466 = arith.index_cast %mul3A_458 : i32 to index
      %swap3A_467 = tpu.vector_load %arg7[%swap3A_466] {strides = array<i32>} : memref<8192xf32, #tpu.memory_space<vmem>>, vector<16xf32>,
      %swap3A_468 = vector.shape_cast %swap3A_467 : vector<16xf32> to vector<16xf32>
      %swap3A_469 = vector.shape_cast %add3A_465 : vector<16xf32> to vector<16xf32>
      tpu.vector_store %arg7[%swap3A_466], %swap3A_469 {strides = array<i32>} : memref<8192xf32, #tpu.memory_space<vmem>>, vector<16xf32>,
      %mul3A_470 = arith.constant 8 : i32
      %mul3A_471 = arith.muli %scan3A_352, %mul3A_470 : i32
      %add3A_472 = arith.constant 7 : i32
      %add3A_473 = arith.addi %mul3A_471, %add3A_472 : i32
      %mul3A_474 = arith.constant 16 : i32
      %mul3A_475 = arith.muli %add3A_473, %mul3A_474 : i32
      %get3A_476 = arith.index_cast %mul3A_475 : i32 to index
      %get3A_477 = tpu.vector_load %arg7[%get3A_476] {strides = array<i32>} : memref<8192xf32, #tpu.memory_space<vmem>>, vector<16xf32>,
      %get3A_478 = vector.shape_cast %get3A_477 : vector<16xf32> to vector<16xf32>
      %get3A_479 = arith.index_cast %mul3A_475 : i32 to index
      %get3A_480 = tpu.vector_load %arg5[%get3A_479] {strides = array<i32>} : memref<8192xf32, #tpu.memory_space<vmem>>, vector<16xf32>,
      %get3A_481 = vector.shape_cast %get3A_480 : vector<16xf32> to vector<16xf32>
      %add3A_482 = arith.addf %get3A_478, %get3A_481 : vector<16xf32>
      %swap3A_483 = arith.index_cast %mul3A_475 : i32 to index
      %swap3A_484 = tpu.vector_load %arg7[%swap3A_483] {strides = array<i32>} : memref<8192xf32, #tpu.memory_space<vmem>>, vector<16xf32>,
      %swap3A_485 = vector.shape_cast %swap3A_484 : vector<16xf32> to vector<16xf32>
      %swap3A_486 = vector.shape_cast %add3A_482 : vector<16xf32> to vector<16xf32>
      tpu.vector_store %arg7[%swap3A_483], %swap3A_486 {strides = array<i32>} : memref<8192xf32, #tpu.memory_space<vmem>>, vector<16xf32>,
    }
    %scan3A_153 = arith.constant 64 : i32
    %add3A_154 = arith.constant 49152 : i32
    %add3A_155 = arith.addi %mul3A_2, %add3A_154 : i32
    %dma_start3A_156 = tpu.memref_slice %arg4[%add3A_155] : memref<4194304xf32, #tpu.memory_space<hbm>> -> memref<8192xf32, #tpu.memory_space<hbm>>
    %dma_start3A_157 = tpu.memref_slice %arg4[%add3A_155] : memref<4194304xf32, #tpu.memory_space<hbm>> -> memref<8192xf32, #tpu.memory_space<hbm>>
    tpu.enqueue_dma source(%arg7 : memref<8192xf32, #tpu.memory_space<vmem>>) target(%dma_start3A_157 : memref<8192xf32, #tpu.memory_space<hbm>>) target_semaphore(%arg11 : memref<!tpu.dma_semaphore, #tpu.memory_space<semaphore_mem>>)
    %dma_wait3A_158 = tpu.memref_slice %arg4[%add3A_155] : memref<4194304xf32, #tpu.memory_space<hbm>> -> memref<8192xf32, #tpu.memory_space<hbm>>
    %dma_wait3A_159 = tpu.memref_slice %arg4[%add3A_155] : memref<4194304xf32, #tpu.memory_space<hbm>> -> memref<8192xf32, #tpu.memory_space<hbm>>
    tpu.wait_dma2 semaphore(%arg11 : memref<!tpu.dma_semaphore, #tpu.memory_space<semaphore_mem>>) src(%arg7 : memref<8192xf32, #tpu.memory_space<vmem>>) dst(%dma_wait3A_159 : memref<8192xf32, #tpu.memory_space<hbm>>)
    %add3A_160 = arith.constant 65536 : i32
    %add3A_161 = arith.addi %mul3A_2, %add3A_160 : i32
    %dma_start3A_162 = tpu.memref_slice %arg3[%add3A_161] : memref<4194304xf32, #tpu.memory_space<hbm>> -> memref<8192xf32, #tpu.memory_space<hbm>>
    %dma_start3A_163 = tpu.memref_slice %arg3[%add3A_161] : memref<4194304xf32, #tpu.memory_space<hbm>> -> memref<8192xf32, #tpu.memory_space<hbm>>
    tpu.enqueue_dma source(%dma_start3A_163 : memref<8192xf32, #tpu.memory_space<hbm>>) target(%arg5 : memref<8192xf32, #tpu.memory_space<vmem>>) target_semaphore(%arg9 : memref<!tpu.dma_semaphore, #tpu.memory_space<semaphore_mem>>)
    %dma_start3A_164 = tpu.memref_slice %arg2[%add3A_161] : memref<4194304xf32, #tpu.memory_space<hbm>> -> memref<8192xf32, #tpu.memory_space<hbm>>
    %dma_start3A_165 = tpu.memref_slice %arg2[%add3A_161] : memref<4194304xf32, #tpu.memory_space<hbm>> -> memref<8192xf32, #tpu.memory_space<hbm>>
    tpu.enqueue_dma source(%dma_start3A_165 : memref<8192xf32, #tpu.memory_space<hbm>>) target(%arg7 : memref<8192xf32, #tpu.memory_space<vmem>>) target_semaphore(%arg9 : memref<!tpu.dma_semaphore, #tpu.memory_space<semaphore_mem>>)
    %dma_wait3A_166 = tpu.memref_slice %arg3[%add3A_139] : memref<4194304xf32, #tpu.memory_space<hbm>> -> memref<8192xf32, #tpu.memory_space<hbm>>
    %dma_wait3A_167 = tpu.memref_slice %arg3[%add3A_139] : memref<4194304xf32, #tpu.memory_space<hbm>> -> memref<8192xf32, #tpu.memory_space<hbm>>
    tpu.wait_dma2 semaphore(%arg10 : memref<!tpu.dma_semaphore, #tpu.memory_space<semaphore_mem>>) src(%dma_wait3A_167 : memref<8192xf32, #tpu.memory_space<hbm>>) dst(%arg6 : memref<8192xf32, #tpu.memory_space<vmem>>)
    %dma_wait3A_168 = tpu.memref_slice %arg2[%add3A_139] : memref<4194304xf32, #tpu.memory_space<hbm>> -> memref<8192xf32, #tpu.memory_space<hbm>>
    %dma_wait3A_169 = tpu.memref_slice %arg2[%add3A_139] : memref<4194304xf32, #tpu.memory_space<hbm>> -> memref<8192xf32, #tpu.memory_space<hbm>>
    tpu.wait_dma2 semaphore(%arg10 : memref<!tpu.dma_semaphore, #tpu.memory_space<semaphore_mem>>) src(%dma_wait3A_169 : memref<8192xf32, #tpu.memory_space<hbm>>) dst(%arg8 : memref<8192xf32, #tpu.memory_space<vmem>>)
    %scan3A_170 = arith.constant 0 : i32
    %scan3A_171 = arith.constant 0 : i32
    %scan3A_172 = arith.constant 64 : i32
    %scan3A_173 = arith.addi %scan3A_171, %scan3A_172 : i32
    %scan3A_174 = arith.constant 1 : i32
    scf.for %scan3A_352 = %scan3A_171 to %scan3A_173 step %scan3A_174  : i32 {
      %mul3A_353 = arith.constant 8 : i32
      %mul3A_354 = arith.muli %scan3A_352, %mul3A_353 : i32
      %add3A_355 = arith.constant 0 : i32
      %add3A_356 = arith.addi %mul3A_354, %add3A_355 : i32
      %mul3A_357 = arith.constant 16 : i32
      %mul3A_358 = arith.muli %add3A_356, %mul3A_357 : i32
      %get3A = arith.index_cast %mul3A_358 : i32 to index
      %get3A_359 = tpu.vector_load %arg8[%get3A] {strides = array<i32>} : memref<8192xf32, #tpu.memory_space<vmem>>, vector<16xf32>,
      %get3A_360 = vector.shape_cast %get3A_359 : vector<16xf32> to vector<16xf32>
      %get3A_361 = arith.index_cast %mul3A_358 : i32 to index
      %get3A_362 = tpu.vector_load %arg6[%get3A_361] {strides = array<i32>} : memref<8192xf32, #tpu.memory_space<vmem>>, vector<16xf32>,
      %get3A_363 = vector.shape_cast %get3A_362 : vector<16xf32> to vector<16xf32>
      %add3A_364 = arith.addf %get3A_360, %get3A_363 : vector<16xf32>
      %swap3A = arith.index_cast %mul3A_358 : i32 to index
      %swap3A_365 = tpu.vector_load %arg8[%swap3A] {strides = array<i32>} : memref<8192xf32, #tpu.memory_space<vmem>>, vector<16xf32>,
      %swap3A_366 = vector.shape_cast %swap3A_365 : vector<16xf32> to vector<16xf32>
      %swap3A_367 = vector.shape_cast %add3A_364 : vector<16xf32> to vector<16xf32>
      tpu.vector_store %arg8[%swap3A], %swap3A_367 {strides = array<i32>} : memref<8192xf32, #tpu.memory_space<vmem>>, vector<16xf32>,
      %mul3A_368 = arith.constant 8 : i32
      %mul3A_369 = arith.muli %scan3A_352, %mul3A_368 : i32
      %add3A_370 = arith.constant 1 : i32
      %add3A_371 = arith.addi %mul3A_369, %add3A_370 : i32
      %mul3A_372 = arith.constant 16 : i32
      %mul3A_373 = arith.muli %add3A_371, %mul3A_372 : i32
      %get3A_374 = arith.index_cast %mul3A_373 : i32 to index
      %get3A_375 = tpu.vector_load %arg8[%get3A_374] {strides = array<i32>} : memref<8192xf32, #tpu.memory_space<vmem>>, vector<16xf32>,
      %get3A_376 = vector.shape_cast %get3A_375 : vector<16xf32> to vector<16xf32>
      %get3A_377 = arith.index_cast %mul3A_373 : i32 to index
      %get3A_378 = tpu.vector_load %arg6[%get3A_377] {strides = array<i32>} : memref<8192xf32, #tpu.memory_space<vmem>>, vector<16xf32>,
      %get3A_379 = vector.shape_cast %get3A_378 : vector<16xf32> to vector<16xf32>
      %add3A_380 = arith.addf %get3A_376, %get3A_379 : vector<16xf32>
      %swap3A_381 = arith.index_cast %mul3A_373 : i32 to index
      %swap3A_382 = tpu.vector_load %arg8[%swap3A_381] {strides = array<i32>} : memref<8192xf32, #tpu.memory_space<vmem>>, vector<16xf32>,
      %swap3A_383 = vector.shape_cast %swap3A_382 : vector<16xf32> to vector<16xf32>
      %swap3A_384 = vector.shape_cast %add3A_380 : vector<16xf32> to vector<16xf32>
      tpu.vector_store %arg8[%swap3A_381], %swap3A_384 {strides = array<i32>} : memref<8192xf32, #tpu.memory_space<vmem>>, vector<16xf32>,
      %mul3A_385 = arith.constant 8 : i32
      %mul3A_386 = arith.muli %scan3A_352, %mul3A_385 : i32
      %add3A_387 = arith.constant 2 : i32
      %add3A_388 = arith.addi %mul3A_386, %add3A_387 : i32
      %mul3A_389 = arith.constant 16 : i32
      %mul3A_390 = arith.muli %add3A_388, %mul3A_389 : i32
      %get3A_391 = arith.index_cast %mul3A_390 : i32 to index
      %get3A_392 = tpu.vector_load %arg8[%get3A_391] {strides = array<i32>} : memref<8192xf32, #tpu.memory_space<vmem>>, vector<16xf32>,
      %get3A_393 = vector.shape_cast %get3A_392 : vector<16xf32> to vector<16xf32>
      %get3A_394 = arith.index_cast %mul3A_390 : i32 to index
      %get3A_395 = tpu.vector_load %arg6[%get3A_394] {strides = array<i32>} : memref<8192xf32, #tpu.memory_space<vmem>>, vector<16xf32>,
      %get3A_396 = vector.shape_cast %get3A_395 : vector<16xf32> to vector<16xf32>
      %add3A_397 = arith.addf %get3A_393, %get3A_396 : vector<16xf32>
      %swap3A_398 = arith.index_cast %mul3A_390 : i32 to index
      %swap3A_399 = tpu.vector_load %arg8[%swap3A_398] {strides = array<i32>} : memref<8192xf32, #tpu.memory_space<vmem>>, vector<16xf32>,
      %swap3A_400 = vector.shape_cast %swap3A_399 : vector<16xf32> to vector<16xf32>
      %swap3A_401 = vector.shape_cast %add3A_397 : vector<16xf32> to vector<16xf32>
      tpu.vector_store %arg8[%swap3A_398], %swap3A_401 {strides = array<i32>} : memref<8192xf32, #tpu.memory_space<vmem>>, vector<16xf32>,
      %mul3A_402 = arith.constant 8 : i32
      %mul3A_403 = arith.muli %scan3A_352, %mul3A_402 : i32
      %add3A_404 = arith.constant 3 : i32
      %add3A_405 = arith.addi %mul3A_403, %add3A_404 : i32
      %mul3A_406 = arith.constant 16 : i32
      %mul3A_407 = arith.muli %add3A_405, %mul3A_406 : i32
      %get3A_408 = arith.index_cast %mul3A_407 : i32 to index
      %get3A_409 = tpu.vector_load %arg8[%get3A_408] {strides = array<i32>} : memref<8192xf32, #tpu.memory_space<vmem>>, vector<16xf32>,
      %get3A_410 = vector.shape_cast %get3A_409 : vector<16xf32> to vector<16xf32>
      %get3A_411 = arith.index_cast %mul3A_407 : i32 to index
      %get3A_412 = tpu.vector_load %arg6[%get3A_411] {strides = array<i32>} : memref<8192xf32, #tpu.memory_space<vmem>>, vector<16xf32>,
      %get3A_413 = vector.shape_cast %get3A_412 : vector<16xf32> to vector<16xf32>
      %add3A_414 = arith.addf %get3A_410, %get3A_413 : vector<16xf32>
      %swap3A_415 = arith.index_cast %mul3A_407 : i32 to index
      %swap3A_416 = tpu.vector_load %arg8[%swap3A_415] {strides = array<i32>} : memref<8192xf32, #tpu.memory_space<vmem>>, vector<16xf32>,
      %swap3A_417 = vector.shape_cast %swap3A_416 : vector<16xf32> to vector<16xf32>
      %swap3A_418 = vector.shape_cast %add3A_414 : vector<16xf32> to vector<16xf32>
      tpu.vector_store %arg8[%swap3A_415], %swap3A_418 {strides = array<i32>} : memref<8192xf32, #tpu.memory_space<vmem>>, vector<16xf32>,
      %mul3A_419 = arith.constant 8 : i32
      %mul3A_420 = arith.muli %scan3A_352, %mul3A_419 : i32
      %add3A_421 = arith.constant 4 : i32
      %add3A_422 = arith.addi %mul3A_420, %add3A_421 : i32
      %mul3A_423 = arith.constant 16 : i32
      %mul3A_424 = arith.muli %add3A_422, %mul3A_423 : i32
      %get3A_425 = arith.index_cast %mul3A_424 : i32 to index
      %get3A_426 = tpu.vector_load %arg8[%get3A_425] {strides = array<i32>} : memref<8192xf32, #tpu.memory_space<vmem>>, vector<16xf32>,
      %get3A_427 = vector.shape_cast %get3A_426 : vector<16xf32> to vector<16xf32>
      %get3A_428 = arith.index_cast %mul3A_424 : i32 to index
      %get3A_429 = tpu.vector_load %arg6[%get3A_428] {strides = array<i32>} : memref<8192xf32, #tpu.memory_space<vmem>>, vector<16xf32>,
      %get3A_430 = vector.shape_cast %get3A_429 : vector<16xf32> to vector<16xf32>
      %add3A_431 = arith.addf %get3A_427, %get3A_430 : vector<16xf32>
      %swap3A_432 = arith.index_cast %mul3A_424 : i32 to index
      %swap3A_433 = tpu.vector_load %arg8[%swap3A_432] {strides = array<i32>} : memref<8192xf32, #tpu.memory_space<vmem>>, vector<16xf32>,
      %swap3A_434 = vector.shape_cast %swap3A_433 : vector<16xf32> to vector<16xf32>
      %swap3A_435 = vector.shape_cast %add3A_431 : vector<16xf32> to vector<16xf32>
      tpu.vector_store %arg8[%swap3A_432], %swap3A_435 {strides = array<i32>} : memref<8192xf32, #tpu.memory_space<vmem>>, vector<16xf32>,
      %mul3A_436 = arith.constant 8 : i32
      %mul3A_437 = arith.muli %scan3A_352, %mul3A_436 : i32
      %add3A_438 = arith.constant 5 : i32
      %add3A_439 = arith.addi %mul3A_437, %add3A_438 : i32
      %mul3A_440 = arith.constant 16 : i32
      %mul3A_441 = arith.muli %add3A_439, %mul3A_440 : i32
      %get3A_442 = arith.index_cast %mul3A_441 : i32 to index
      %get3A_443 = tpu.vector_load %arg8[%get3A_442] {strides = array<i32>} : memref<8192xf32, #tpu.memory_space<vmem>>, vector<16xf32>,
      %get3A_444 = vector.shape_cast %get3A_443 : vector<16xf32> to vector<16xf32>
      %get3A_445 = arith.index_cast %mul3A_441 : i32 to index
      %get3A_446 = tpu.vector_load %arg6[%get3A_445] {strides = array<i32>} : memref<8192xf32, #tpu.memory_space<vmem>>, vector<16xf32>,
      %get3A_447 = vector.shape_cast %get3A_446 : vector<16xf32> to vector<16xf32>
      %add3A_448 = arith.addf %get3A_444, %get3A_447 : vector<16xf32>
      %swap3A_449 = arith.index_cast %mul3A_441 : i32 to index
      %swap3A_450 = tpu.vector_load %arg8[%swap3A_449] {strides = array<i32>} : memref<8192xf32, #tpu.memory_space<vmem>>, vector<16xf32>,
      %swap3A_451 = vector.shape_cast %swap3A_450 : vector<16xf32> to vector<16xf32>
      %swap3A_452 = vector.shape_cast %add3A_448 : vector<16xf32> to vector<16xf32>
      tpu.vector_store %arg8[%swap3A_449], %swap3A_452 {strides = array<i32>} : memref<8192xf32, #tpu.memory_space<vmem>>, vector<16xf32>,
      %mul3A_453 = arith.constant 8 : i32
      %mul3A_454 = arith.muli %scan3A_352, %mul3A_453 : i32
      %add3A_455 = arith.constant 6 : i32
      %add3A_456 = arith.addi %mul3A_454, %add3A_455 : i32
      %mul3A_457 = arith.constant 16 : i32
      %mul3A_458 = arith.muli %add3A_456, %mul3A_457 : i32
      %get3A_459 = arith.index_cast %mul3A_458 : i32 to index
      %get3A_460 = tpu.vector_load %arg8[%get3A_459] {strides = array<i32>} : memref<8192xf32, #tpu.memory_space<vmem>>, vector<16xf32>,
      %get3A_461 = vector.shape_cast %get3A_460 : vector<16xf32> to vector<16xf32>
      %get3A_462 = arith.index_cast %mul3A_458 : i32 to index
      %get3A_463 = tpu.vector_load %arg6[%get3A_462] {strides = array<i32>} : memref<8192xf32, #tpu.memory_space<vmem>>, vector<16xf32>,
      %get3A_464 = vector.shape_cast %get3A_463 : vector<16xf32> to vector<16xf32>
      %add3A_465 = arith.addf %get3A_461, %get3A_464 : vector<16xf32>
      %swap3A_466 = arith.index_cast %mul3A_458 : i32 to index
      %swap3A_467 = tpu.vector_load %arg8[%swap3A_466] {strides = array<i32>} : memref<8192xf32, #tpu.memory_space<vmem>>, vector<16xf32>,
      %swap3A_468 = vector.shape_cast %swap3A_467 : vector<16xf32> to vector<16xf32>
      %swap3A_469 = vector.shape_cast %add3A_465 : vector<16xf32> to vector<16xf32>
      tpu.vector_store %arg8[%swap3A_466], %swap3A_469 {strides = array<i32>} : memref<8192xf32, #tpu.memory_space<vmem>>, vector<16xf32>,
      %mul3A_470 = arith.constant 8 : i32
      %mul3A_471 = arith.muli %scan3A_352, %mul3A_470 : i32
      %add3A_472 = arith.constant 7 : i32
      %add3A_473 = arith.addi %mul3A_471, %add3A_472 : i32
      %mul3A_474 = arith.constant 16 : i32
      %mul3A_475 = arith.muli %add3A_473, %mul3A_474 : i32
      %get3A_476 = arith.index_cast %mul3A_475 : i32 to index
      %get3A_477 = tpu.vector_load %arg8[%get3A_476] {strides = array<i32>} : memref<8192xf32, #tpu.memory_space<vmem>>, vector<16xf32>,
      %get3A_478 = vector.shape_cast %get3A_477 : vector<16xf32> to vector<16xf32>
      %get3A_479 = arith.index_cast %mul3A_475 : i32 to index
      %get3A_480 = tpu.vector_load %arg6[%get3A_479] {strides = array<i32>} : memref<8192xf32, #tpu.memory_space<vmem>>, vector<16xf32>,
      %get3A_481 = vector.shape_cast %get3A_480 : vector<16xf32> to vector<16xf32>
      %add3A_482 = arith.addf %get3A_478, %get3A_481 : vector<16xf32>
      %swap3A_483 = arith.index_cast %mul3A_475 : i32 to index
      %swap3A_484 = tpu.vector_load %arg8[%swap3A_483] {strides = array<i32>} : memref<8192xf32, #tpu.memory_space<vmem>>, vector<16xf32>,
      %swap3A_485 = vector.shape_cast %swap3A_484 : vector<16xf32> to vector<16xf32>
      %swap3A_486 = vector.shape_cast %add3A_482 : vector<16xf32> to vector<16xf32>
      tpu.vector_store %arg8[%swap3A_483], %swap3A_486 {strides = array<i32>} : memref<8192xf32, #tpu.memory_space<vmem>>, vector<16xf32>,
    }
    %scan3A_175 = arith.constant 64 : i32
    %add3A_176 = arith.constant 57344 : i32
    %add3A_177 = arith.addi %mul3A_2, %add3A_176 : i32
    %dma_start3A_178 = tpu.memref_slice %arg4[%add3A_177] : memref<4194304xf32, #tpu.memory_space<hbm>> -> memref<8192xf32, #tpu.memory_space<hbm>>
    %dma_start3A_179 = tpu.memref_slice %arg4[%add3A_177] : memref<4194304xf32, #tpu.memory_space<hbm>> -> memref<8192xf32, #tpu.memory_space<hbm>>
    tpu.enqueue_dma source(%arg8 : memref<8192xf32, #tpu.memory_space<vmem>>) target(%dma_start3A_179 : memref<8192xf32, #tpu.memory_space<hbm>>) target_semaphore(%arg12 : memref<!tpu.dma_semaphore, #tpu.memory_space<semaphore_mem>>)
    %dma_wait3A_180 = tpu.memref_slice %arg4[%add3A_177] : memref<4194304xf32, #tpu.memory_space<hbm>> -> memref<8192xf32, #tpu.memory_space<hbm>>
    %dma_wait3A_181 = tpu.memref_slice %arg4[%add3A_177] : memref<4194304xf32, #tpu.memory_space<hbm>> -> memref<8192xf32, #tpu.memory_space<hbm>>
    tpu.wait_dma2 semaphore(%arg12 : memref<!tpu.dma_semaphore, #tpu.memory_space<semaphore_mem>>) src(%arg8 : memref<8192xf32, #tpu.memory_space<vmem>>) dst(%dma_wait3A_181 : memref<8192xf32, #tpu.memory_space<hbm>>)
    %add3A_182 = arith.constant 73728 : i32
    %add3A_183 = arith.addi %mul3A_2, %add3A_182 : i32
    %dma_start3A_184 = tpu.memref_slice %arg3[%add3A_183] : memref<4194304xf32, #tpu.memory_space<hbm>> -> memref<8192xf32, #tpu.memory_space<hbm>>
    %dma_start3A_185 = tpu.memref_slice %arg3[%add3A_183] : memref<4194304xf32, #tpu.memory_space<hbm>> -> memref<8192xf32, #tpu.memory_space<hbm>>
    tpu.enqueue_dma source(%dma_start3A_185 : memref<8192xf32, #tpu.memory_space<hbm>>) target(%arg6 : memref<8192xf32, #tpu.memory_space<vmem>>) target_semaphore(%arg10 : memref<!tpu.dma_semaphore, #tpu.memory_space<semaphore_mem>>)
    %dma_start3A_186 = tpu.memref_slice %arg2[%add3A_183] : memref<4194304xf32, #tpu.memory_space<hbm>> -> memref<8192xf32, #tpu.memory_space<hbm>>
    %dma_start3A_187 = tpu.memref_slice %arg2[%add3A_183] : memref<4194304xf32, #tpu.memory_space<hbm>> -> memref<8192xf32, #tpu.memory_space<hbm>>
    tpu.enqueue_dma source(%dma_start3A_187 : memref<8192xf32, #tpu.memory_space<hbm>>) target(%arg8 : memref<8192xf32, #tpu.memory_space<vmem>>) target_semaphore(%arg10 : memref<!tpu.dma_semaphore, #tpu.memory_space<semaphore_mem>>)
    %dma_wait3A_188 = tpu.memref_slice %arg3[%add3A_161] : memref<4194304xf32, #tpu.memory_space<hbm>> -> memref<8192xf32, #tpu.memory_space<hbm>>
    %dma_wait3A_189 = tpu.memref_slice %arg3[%add3A_161] : memref<4194304xf32, #tpu.memory_space<hbm>> -> memref<8192xf32, #tpu.memory_space<hbm>>
    tpu.wait_dma2 semaphore(%arg9 : memref<!tpu.dma_semaphore, #tpu.memory_space<semaphore_mem>>) src(%dma_wait3A_189 : memref<8192xf32, #tpu.memory_space<hbm>>) dst(%arg5 : memref<8192xf32, #tpu.memory_space<vmem>>)
    %dma_wait3A_190 = tpu.memref_slice %arg2[%add3A_161] : memref<4194304xf32, #tpu.memory_space<hbm>> -> memref<8192xf32, #tpu.memory_space<hbm>>
    %dma_wait3A_191 = tpu.memref_slice %arg2[%add3A_161] : memref<4194304xf32, #tpu.memory_space<hbm>> -> memref<8192xf32, #tpu.memory_space<hbm>>
    tpu.wait_dma2 semaphore(%arg9 : memref<!tpu.dma_semaphore, #tpu.memory_space<semaphore_mem>>) src(%dma_wait3A_191 : memref<8192xf32, #tpu.memory_space<hbm>>) dst(%arg7 : memref<8192xf32, #tpu.memory_space<vmem>>)
    %scan3A_192 = arith.constant 0 : i32
    %scan3A_193 = arith.constant 0 : i32
    %scan3A_194 = arith.constant 64 : i32
    %scan3A_195 = arith.addi %scan3A_193, %scan3A_194 : i32
    %scan3A_196 = arith.constant 1 : i32
    scf.for %scan3A_352 = %scan3A_193 to %scan3A_195 step %scan3A_196  : i32 {
      %mul3A_353 = arith.constant 8 : i32
      %mul3A_354 = arith.muli %scan3A_352, %mul3A_353 : i32
      %add3A_355 = arith.constant 0 : i32
      %add3A_356 = arith.addi %mul3A_354, %add3A_355 : i32
      %mul3A_357 = arith.constant 16 : i32
      %mul3A_358 = arith.muli %add3A_356, %mul3A_357 : i32
      %get3A = arith.index_cast %mul3A_358 : i32 to index
      %get3A_359 = tpu.vector_load %arg7[%get3A] {strides = array<i32>} : memref<8192xf32, #tpu.memory_space<vmem>>, vector<16xf32>,
      %get3A_360 = vector.shape_cast %get3A_359 : vector<16xf32> to vector<16xf32>
      %get3A_361 = arith.index_cast %mul3A_358 : i32 to index
      %get3A_362 = tpu.vector_load %arg5[%get3A_361] {strides = array<i32>} : memref<8192xf32, #tpu.memory_space<vmem>>, vector<16xf32>,
      %get3A_363 = vector.shape_cast %get3A_362 : vector<16xf32> to vector<16xf32>
      %add3A_364 = arith.addf %get3A_360, %get3A_363 : vector<16xf32>
      %swap3A = arith.index_cast %mul3A_358 : i32 to index
      %swap3A_365 = tpu.vector_load %arg7[%swap3A] {strides = array<i32>} : memref<8192xf32, #tpu.memory_space<vmem>>, vector<16xf32>,
      %swap3A_366 = vector.shape_cast %swap3A_365 : vector<16xf32> to vector<16xf32>
      %swap3A_367 = vector.shape_cast %add3A_364 : vector<16xf32> to vector<16xf32>
      tpu.vector_store %arg7[%swap3A], %swap3A_367 {strides = array<i32>} : memref<8192xf32, #tpu.memory_space<vmem>>, vector<16xf32>,
      %mul3A_368 = arith.constant 8 : i32
      %mul3A_369 = arith.muli %scan3A_352, %mul3A_368 : i32
      %add3A_370 = arith.constant 1 : i32
      %add3A_371 = arith.addi %mul3A_369, %add3A_370 : i32
      %mul3A_372 = arith.constant 16 : i32
      %mul3A_373 = arith.muli %add3A_371, %mul3A_372 : i32
      %get3A_374 = arith.index_cast %mul3A_373 : i32 to index
      %get3A_375 = tpu.vector_load %arg7[%get3A_374] {strides = array<i32>} : memref<8192xf32, #tpu.memory_space<vmem>>, vector<16xf32>,
      %get3A_376 = vector.shape_cast %get3A_375 : vector<16xf32> to vector<16xf32>
      %get3A_377 = arith.index_cast %mul3A_373 : i32 to index
      %get3A_378 = tpu.vector_load %arg5[%get3A_377] {strides = array<i32>} : memref<8192xf32, #tpu.memory_space<vmem>>, vector<16xf32>,
      %get3A_379 = vector.shape_cast %get3A_378 : vector<16xf32> to vector<16xf32>
      %add3A_380 = arith.addf %get3A_376, %get3A_379 : vector<16xf32>
      %swap3A_381 = arith.index_cast %mul3A_373 : i32 to index
      %swap3A_382 = tpu.vector_load %arg7[%swap3A_381] {strides = array<i32>} : memref<8192xf32, #tpu.memory_space<vmem>>, vector<16xf32>,
      %swap3A_383 = vector.shape_cast %swap3A_382 : vector<16xf32> to vector<16xf32>
      %swap3A_384 = vector.shape_cast %add3A_380 : vector<16xf32> to vector<16xf32>
      tpu.vector_store %arg7[%swap3A_381], %swap3A_384 {strides = array<i32>} : memref<8192xf32, #tpu.memory_space<vmem>>, vector<16xf32>,
      %mul3A_385 = arith.constant 8 : i32
      %mul3A_386 = arith.muli %scan3A_352, %mul3A_385 : i32
      %add3A_387 = arith.constant 2 : i32
      %add3A_388 = arith.addi %mul3A_386, %add3A_387 : i32
      %mul3A_389 = arith.constant 16 : i32
      %mul3A_390 = arith.muli %add3A_388, %mul3A_389 : i32
      %get3A_391 = arith.index_cast %mul3A_390 : i32 to index
      %get3A_392 = tpu.vector_load %arg7[%get3A_391] {strides = array<i32>} : memref<8192xf32, #tpu.memory_space<vmem>>, vector<16xf32>,
      %get3A_393 = vector.shape_cast %get3A_392 : vector<16xf32> to vector<16xf32>
      %get3A_394 = arith.index_cast %mul3A_390 : i32 to index
      %get3A_395 = tpu.vector_load %arg5[%get3A_394] {strides = array<i32>} : memref<8192xf32, #tpu.memory_space<vmem>>, vector<16xf32>,
      %get3A_396 = vector.shape_cast %get3A_395 : vector<16xf32> to vector<16xf32>
      %add3A_397 = arith.addf %get3A_393, %get3A_396 : vector<16xf32>
      %swap3A_398 = arith.index_cast %mul3A_390 : i32 to index
      %swap3A_399 = tpu.vector_load %arg7[%swap3A_398] {strides = array<i32>} : memref<8192xf32, #tpu.memory_space<vmem>>, vector<16xf32>,
      %swap3A_400 = vector.shape_cast %swap3A_399 : vector<16xf32> to vector<16xf32>
      %swap3A_401 = vector.shape_cast %add3A_397 : vector<16xf32> to vector<16xf32>
      tpu.vector_store %arg7[%swap3A_398], %swap3A_401 {strides = array<i32>} : memref<8192xf32, #tpu.memory_space<vmem>>, vector<16xf32>,
      %mul3A_402 = arith.constant 8 : i32
      %mul3A_403 = arith.muli %scan3A_352, %mul3A_402 : i32
      %add3A_404 = arith.constant 3 : i32
      %add3A_405 = arith.addi %mul3A_403, %add3A_404 : i32
      %mul3A_406 = arith.constant 16 : i32
      %mul3A_407 = arith.muli %add3A_405, %mul3A_406 : i32
      %get3A_408 = arith.index_cast %mul3A_407 : i32 to index
      %get3A_409 = tpu.vector_load %arg7[%get3A_408] {strides = array<i32>} : memref<8192xf32, #tpu.memory_space<vmem>>, vector<16xf32>,
      %get3A_410 = vector.shape_cast %get3A_409 : vector<16xf32> to vector<16xf32>
      %get3A_411 = arith.index_cast %mul3A_407 : i32 to index
      %get3A_412 = tpu.vector_load %arg5[%get3A_411] {strides = array<i32>} : memref<8192xf32, #tpu.memory_space<vmem>>, vector<16xf32>,
      %get3A_413 = vector.shape_cast %get3A_412 : vector<16xf32> to vector<16xf32>
      %add3A_414 = arith.addf %get3A_410, %get3A_413 : vector<16xf32>
      %swap3A_415 = arith.index_cast %mul3A_407 : i32 to index
      %swap3A_416 = tpu.vector_load %arg7[%swap3A_415] {strides = array<i32>} : memref<8192xf32, #tpu.memory_space<vmem>>, vector<16xf32>,
      %swap3A_417 = vector.shape_cast %swap3A_416 : vector<16xf32> to vector<16xf32>
      %swap3A_418 = vector.shape_cast %add3A_414 : vector<16xf32> to vector<16xf32>
      tpu.vector_store %arg7[%swap3A_415], %swap3A_418 {strides = array<i32>} : memref<8192xf32, #tpu.memory_space<vmem>>, vector<16xf32>,
      %mul3A_419 = arith.constant 8 : i32
      %mul3A_420 = arith.muli %scan3A_352, %mul3A_419 : i32
      %add3A_421 = arith.constant 4 : i32
      %add3A_422 = arith.addi %mul3A_420, %add3A_421 : i32
      %mul3A_423 = arith.constant 16 : i32
      %mul3A_424 = arith.muli %add3A_422, %mul3A_423 : i32
      %get3A_425 = arith.index_cast %mul3A_424 : i32 to index
      %get3A_426 = tpu.vector_load %arg7[%get3A_425] {strides = array<i32>} : memref<8192xf32, #tpu.memory_space<vmem>>, vector<16xf32>,
      %get3A_427 = vector.shape_cast %get3A_426 : vector<16xf32> to vector<16xf32>
      %get3A_428 = arith.index_cast %mul3A_424 : i32 to index
      %get3A_429 = tpu.vector_load %arg5[%get3A_428] {strides = array<i32>} : memref<8192xf32, #tpu.memory_space<vmem>>, vector<16xf32>,
      %get3A_430 = vector.shape_cast %get3A_429 : vector<16xf32> to vector<16xf32>
      %add3A_431 = arith.addf %get3A_427, %get3A_430 : vector<16xf32>
      %swap3A_432 = arith.index_cast %mul3A_424 : i32 to index
      %swap3A_433 = tpu.vector_load %arg7[%swap3A_432] {strides = array<i32>} : memref<8192xf32, #tpu.memory_space<vmem>>, vector<16xf32>,
      %swap3A_434 = vector.shape_cast %swap3A_433 : vector<16xf32> to vector<16xf32>
      %swap3A_435 = vector.shape_cast %add3A_431 : vector<16xf32> to vector<16xf32>
      tpu.vector_store %arg7[%swap3A_432], %swap3A_435 {strides = array<i32>} : memref<8192xf32, #tpu.memory_space<vmem>>, vector<16xf32>,
      %mul3A_436 = arith.constant 8 : i32
      %mul3A_437 = arith.muli %scan3A_352, %mul3A_436 : i32
      %add3A_438 = arith.constant 5 : i32
      %add3A_439 = arith.addi %mul3A_437, %add3A_438 : i32
      %mul3A_440 = arith.constant 16 : i32
      %mul3A_441 = arith.muli %add3A_439, %mul3A_440 : i32
      %get3A_442 = arith.index_cast %mul3A_441 : i32 to index
      %get3A_443 = tpu.vector_load %arg7[%get3A_442] {strides = array<i32>} : memref<8192xf32, #tpu.memory_space<vmem>>, vector<16xf32>,
      %get3A_444 = vector.shape_cast %get3A_443 : vector<16xf32> to vector<16xf32>
      %get3A_445 = arith.index_cast %mul3A_441 : i32 to index
      %get3A_446 = tpu.vector_load %arg5[%get3A_445] {strides = array<i32>} : memref<8192xf32, #tpu.memory_space<vmem>>, vector<16xf32>,
      %get3A_447 = vector.shape_cast %get3A_446 : vector<16xf32> to vector<16xf32>
      %add3A_448 = arith.addf %get3A_444, %get3A_447 : vector<16xf32>
      %swap3A_449 = arith.index_cast %mul3A_441 : i32 to index
      %swap3A_450 = tpu.vector_load %arg7[%swap3A_449] {strides = array<i32>} : memref<8192xf32, #tpu.memory_space<vmem>>, vector<16xf32>,
      %swap3A_451 = vector.shape_cast %swap3A_450 : vector<16xf32> to vector<16xf32>
      %swap3A_452 = vector.shape_cast %add3A_448 : vector<16xf32> to vector<16xf32>
      tpu.vector_store %arg7[%swap3A_449], %swap3A_452 {strides = array<i32>} : memref<8192xf32, #tpu.memory_space<vmem>>, vector<16xf32>,
      %mul3A_453 = arith.constant 8 : i32
      %mul3A_454 = arith.muli %scan3A_352, %mul3A_453 : i32
      %add3A_455 = arith.constant 6 : i32
      %add3A_456 = arith.addi %mul3A_454, %add3A_455 : i32
      %mul3A_457 = arith.constant 16 : i32
      %mul3A_458 = arith.muli %add3A_456, %mul3A_457 : i32
      %get3A_459 = arith.index_cast %mul3A_458 : i32 to index
      %get3A_460 = tpu.vector_load %arg7[%get3A_459] {strides = array<i32>} : memref<8192xf32, #tpu.memory_space<vmem>>, vector<16xf32>,
      %get3A_461 = vector.shape_cast %get3A_460 : vector<16xf32> to vector<16xf32>
      %get3A_462 = arith.index_cast %mul3A_458 : i32 to index
      %get3A_463 = tpu.vector_load %arg5[%get3A_462] {strides = array<i32>} : memref<8192xf32, #tpu.memory_space<vmem>>, vector<16xf32>,
      %get3A_464 = vector.shape_cast %get3A_463 : vector<16xf32> to vector<16xf32>
      %add3A_465 = arith.addf %get3A_461, %get3A_464 : vector<16xf32>
      %swap3A_466 = arith.index_cast %mul3A_458 : i32 to index
      %swap3A_467 = tpu.vector_load %arg7[%swap3A_466] {strides = array<i32>} : memref<8192xf32, #tpu.memory_space<vmem>>, vector<16xf32>,
      %swap3A_468 = vector.shape_cast %swap3A_467 : vector<16xf32> to vector<16xf32>
      %swap3A_469 = vector.shape_cast %add3A_465 : vector<16xf32> to vector<16xf32>
      tpu.vector_store %arg7[%swap3A_466], %swap3A_469 {strides = array<i32>} : memref<8192xf32, #tpu.memory_space<vmem>>, vector<16xf32>,
      %mul3A_470 = arith.constant 8 : i32
      %mul3A_471 = arith.muli %scan3A_352, %mul3A_470 : i32
      %add3A_472 = arith.constant 7 : i32
      %add3A_473 = arith.addi %mul3A_471, %add3A_472 : i32
      %mul3A_474 = arith.constant 16 : i32
      %mul3A_475 = arith.muli %add3A_473, %mul3A_474 : i32
      %get3A_476 = arith.index_cast %mul3A_475 : i32 to index
      %get3A_477 = tpu.vector_load %arg7[%get3A_476] {strides = array<i32>} : memref<8192xf32, #tpu.memory_space<vmem>>, vector<16xf32>,
      %get3A_478 = vector.shape_cast %get3A_477 : vector<16xf32> to vector<16xf32>
      %get3A_479 = arith.index_cast %mul3A_475 : i32 to index
      %get3A_480 = tpu.vector_load %arg5[%get3A_479] {strides = array<i32>} : memref<8192xf32, #tpu.memory_space<vmem>>, vector<16xf32>,
      %get3A_481 = vector.shape_cast %get3A_480 : vector<16xf32> to vector<16xf32>
      %add3A_482 = arith.addf %get3A_478, %get3A_481 : vector<16xf32>
      %swap3A_483 = arith.index_cast %mul3A_475 : i32 to index
      %swap3A_484 = tpu.vector_load %arg7[%swap3A_483] {strides = array<i32>} : memref<8192xf32, #tpu.memory_space<vmem>>, vector<16xf32>,
      %swap3A_485 = vector.shape_cast %swap3A_484 : vector<16xf32> to vector<16xf32>
      %swap3A_486 = vector.shape_cast %add3A_482 : vector<16xf32> to vector<16xf32>
      tpu.vector_store %arg7[%swap3A_483], %swap3A_486 {strides = array<i32>} : memref<8192xf32, #tpu.memory_space<vmem>>, vector<16xf32>,
    }
    %scan3A_197 = arith.constant 64 : i32
    %add3A_198 = arith.constant 65536 : i32
    %add3A_199 = arith.addi %mul3A_2, %add3A_198 : i32
    %dma_start3A_200 = tpu.memref_slice %arg4[%add3A_199] : memref<4194304xf32, #tpu.memory_space<hbm>> -> memref<8192xf32, #tpu.memory_space<hbm>>
    %dma_start3A_201 = tpu.memref_slice %arg4[%add3A_199] : memref<4194304xf32, #tpu.memory_space<hbm>> -> memref<8192xf32, #tpu.memory_space<hbm>>
    tpu.enqueue_dma source(%arg7 : memref<8192xf32, #tpu.memory_space<vmem>>) target(%dma_start3A_201 : memref<8192xf32, #tpu.memory_space<hbm>>) target_semaphore(%arg11 : memref<!tpu.dma_semaphore, #tpu.memory_space<semaphore_mem>>)
    %dma_wait3A_202 = tpu.memref_slice %arg4[%add3A_199] : memref<4194304xf32, #tpu.memory_space<hbm>> -> memref<8192xf32, #tpu.memory_space<hbm>>
    %dma_wait3A_203 = tpu.memref_slice %arg4[%add3A_199] : memref<4194304xf32, #tpu.memory_space<hbm>> -> memref<8192xf32, #tpu.memory_space<hbm>>
    tpu.wait_dma2 semaphore(%arg11 : memref<!tpu.dma_semaphore, #tpu.memory_space<semaphore_mem>>) src(%arg7 : memref<8192xf32, #tpu.memory_space<vmem>>) dst(%dma_wait3A_203 : memref<8192xf32, #tpu.memory_space<hbm>>)
    %add3A_204 = arith.constant 81920 : i32
    %add3A_205 = arith.addi %mul3A_2, %add3A_204 : i32
    %dma_start3A_206 = tpu.memref_slice %arg3[%add3A_205] : memref<4194304xf32, #tpu.memory_space<hbm>> -> memref<8192xf32, #tpu.memory_space<hbm>>
    %dma_start3A_207 = tpu.memref_slice %arg3[%add3A_205] : memref<4194304xf32, #tpu.memory_space<hbm>> -> memref<8192xf32, #tpu.memory_space<hbm>>
    tpu.enqueue_dma source(%dma_start3A_207 : memref<8192xf32, #tpu.memory_space<hbm>>) target(%arg5 : memref<8192xf32, #tpu.memory_space<vmem>>) target_semaphore(%arg9 : memref<!tpu.dma_semaphore, #tpu.memory_space<semaphore_mem>>)
    %dma_start3A_208 = tpu.memref_slice %arg2[%add3A_205] : memref<4194304xf32, #tpu.memory_space<hbm>> -> memref<8192xf32, #tpu.memory_space<hbm>>
    %dma_start3A_209 = tpu.memref_slice %arg2[%add3A_205] : memref<4194304xf32, #tpu.memory_space<hbm>> -> memref<8192xf32, #tpu.memory_space<hbm>>
    tpu.enqueue_dma source(%dma_start3A_209 : memref<8192xf32, #tpu.memory_space<hbm>>) target(%arg7 : memref<8192xf32, #tpu.memory_space<vmem>>) target_semaphore(%arg9 : memref<!tpu.dma_semaphore, #tpu.memory_space<semaphore_mem>>)
    %dma_wait3A_210 = tpu.memref_slice %arg3[%add3A_183] : memref<4194304xf32, #tpu.memory_space<hbm>> -> memref<8192xf32, #tpu.memory_space<hbm>>
    %dma_wait3A_211 = tpu.memref_slice %arg3[%add3A_183] : memref<4194304xf32, #tpu.memory_space<hbm>> -> memref<8192xf32, #tpu.memory_space<hbm>>
    tpu.wait_dma2 semaphore(%arg10 : memref<!tpu.dma_semaphore, #tpu.memory_space<semaphore_mem>>) src(%dma_wait3A_211 : memref<8192xf32, #tpu.memory_space<hbm>>) dst(%arg6 : memref<8192xf32, #tpu.memory_space<vmem>>)
    %dma_wait3A_212 = tpu.memref_slice %arg2[%add3A_183] : memref<4194304xf32, #tpu.memory_space<hbm>> -> memref<8192xf32, #tpu.memory_space<hbm>>
    %dma_wait3A_213 = tpu.memref_slice %arg2[%add3A_183] : memref<4194304xf32, #tpu.memory_space<hbm>> -> memref<8192xf32, #tpu.memory_space<hbm>>
    tpu.wait_dma2 semaphore(%arg10 : memref<!tpu.dma_semaphore, #tpu.memory_space<semaphore_mem>>) src(%dma_wait3A_213 : memref<8192xf32, #tpu.memory_space<hbm>>) dst(%arg8 : memref<8192xf32, #tpu.memory_space<vmem>>)
    %scan3A_214 = arith.constant 0 : i32
    %scan3A_215 = arith.constant 0 : i32
    %scan3A_216 = arith.constant 64 : i32
    %scan3A_217 = arith.addi %scan3A_215, %scan3A_216 : i32
    %scan3A_218 = arith.constant 1 : i32
    scf.for %scan3A_352 = %scan3A_215 to %scan3A_217 step %scan3A_218  : i32 {
      %mul3A_353 = arith.constant 8 : i32
      %mul3A_354 = arith.muli %scan3A_352, %mul3A_353 : i32
      %add3A_355 = arith.constant 0 : i32
      %add3A_356 = arith.addi %mul3A_354, %add3A_355 : i32
      %mul3A_357 = arith.constant 16 : i32
      %mul3A_358 = arith.muli %add3A_356, %mul3A_357 : i32
      %get3A = arith.index_cast %mul3A_358 : i32 to index
      %get3A_359 = tpu.vector_load %arg8[%get3A] {strides = array<i32>} : memref<8192xf32, #tpu.memory_space<vmem>>, vector<16xf32>,
      %get3A_360 = vector.shape_cast %get3A_359 : vector<16xf32> to vector<16xf32>
      %get3A_361 = arith.index_cast %mul3A_358 : i32 to index
      %get3A_362 = tpu.vector_load %arg6[%get3A_361] {strides = array<i32>} : memref<8192xf32, #tpu.memory_space<vmem>>, vector<16xf32>,
      %get3A_363 = vector.shape_cast %get3A_362 : vector<16xf32> to vector<16xf32>
      %add3A_364 = arith.addf %get3A_360, %get3A_363 : vector<16xf32>
      %swap3A = arith.index_cast %mul3A_358 : i32 to index
      %swap3A_365 = tpu.vector_load %arg8[%swap3A] {strides = array<i32>} : memref<8192xf32, #tpu.memory_space<vmem>>, vector<16xf32>,
      %swap3A_366 = vector.shape_cast %swap3A_365 : vector<16xf32> to vector<16xf32>
      %swap3A_367 = vector.shape_cast %add3A_364 : vector<16xf32> to vector<16xf32>
      tpu.vector_store %arg8[%swap3A], %swap3A_367 {strides = array<i32>} : memref<8192xf32, #tpu.memory_space<vmem>>, vector<16xf32>,
      %mul3A_368 = arith.constant 8 : i32
      %mul3A_369 = arith.muli %scan3A_352, %mul3A_368 : i32
      %add3A_370 = arith.constant 1 : i32
      %add3A_371 = arith.addi %mul3A_369, %add3A_370 : i32
      %mul3A_372 = arith.constant 16 : i32
      %mul3A_373 = arith.muli %add3A_371, %mul3A_372 : i32
      %get3A_374 = arith.index_cast %mul3A_373 : i32 to index
      %get3A_375 = tpu.vector_load %arg8[%get3A_374] {strides = array<i32>} : memref<8192xf32, #tpu.memory_space<vmem>>, vector<16xf32>,
      %get3A_376 = vector.shape_cast %get3A_375 : vector<16xf32> to vector<16xf32>
      %get3A_377 = arith.index_cast %mul3A_373 : i32 to index
      %get3A_378 = tpu.vector_load %arg6[%get3A_377] {strides = array<i32>} : memref<8192xf32, #tpu.memory_space<vmem>>, vector<16xf32>,
      %get3A_379 = vector.shape_cast %get3A_378 : vector<16xf32> to vector<16xf32>
      %add3A_380 = arith.addf %get3A_376, %get3A_379 : vector<16xf32>
      %swap3A_381 = arith.index_cast %mul3A_373 : i32 to index
      %swap3A_382 = tpu.vector_load %arg8[%swap3A_381] {strides = array<i32>} : memref<8192xf32, #tpu.memory_space<vmem>>, vector<16xf32>,
      %swap3A_383 = vector.shape_cast %swap3A_382 : vector<16xf32> to vector<16xf32>
      %swap3A_384 = vector.shape_cast %add3A_380 : vector<16xf32> to vector<16xf32>
      tpu.vector_store %arg8[%swap3A_381], %swap3A_384 {strides = array<i32>} : memref<8192xf32, #tpu.memory_space<vmem>>, vector<16xf32>,
      %mul3A_385 = arith.constant 8 : i32
      %mul3A_386 = arith.muli %scan3A_352, %mul3A_385 : i32
      %add3A_387 = arith.constant 2 : i32
      %add3A_388 = arith.addi %mul3A_386, %add3A_387 : i32
      %mul3A_389 = arith.constant 16 : i32
      %mul3A_390 = arith.muli %add3A_388, %mul3A_389 : i32
      %get3A_391 = arith.index_cast %mul3A_390 : i32 to index
      %get3A_392 = tpu.vector_load %arg8[%get3A_391] {strides = array<i32>} : memref<8192xf32, #tpu.memory_space<vmem>>, vector<16xf32>,
      %get3A_393 = vector.shape_cast %get3A_392 : vector<16xf32> to vector<16xf32>
      %get3A_394 = arith.index_cast %mul3A_390 : i32 to index
      %get3A_395 = tpu.vector_load %arg6[%get3A_394] {strides = array<i32>} : memref<8192xf32, #tpu.memory_space<vmem>>, vector<16xf32>,
      %get3A_396 = vector.shape_cast %get3A_395 : vector<16xf32> to vector<16xf32>
      %add3A_397 = arith.addf %get3A_393, %get3A_396 : vector<16xf32>
      %swap3A_398 = arith.index_cast %mul3A_390 : i32 to index
      %swap3A_399 = tpu.vector_load %arg8[%swap3A_398] {strides = array<i32>} : memref<8192xf32, #tpu.memory_space<vmem>>, vector<16xf32>,
      %swap3A_400 = vector.shape_cast %swap3A_399 : vector<16xf32> to vector<16xf32>
      %swap3A_401 = vector.shape_cast %add3A_397 : vector<16xf32> to vector<16xf32>
      tpu.vector_store %arg8[%swap3A_398], %swap3A_401 {strides = array<i32>} : memref<8192xf32, #tpu.memory_space<vmem>>, vector<16xf32>,
      %mul3A_402 = arith.constant 8 : i32
      %mul3A_403 = arith.muli %scan3A_352, %mul3A_402 : i32
      %add3A_404 = arith.constant 3 : i32
      %add3A_405 = arith.addi %mul3A_403, %add3A_404 : i32
      %mul3A_406 = arith.constant 16 : i32
      %mul3A_407 = arith.muli %add3A_405, %mul3A_406 : i32
      %get3A_408 = arith.index_cast %mul3A_407 : i32 to index
      %get3A_409 = tpu.vector_load %arg8[%get3A_408] {strides = array<i32>} : memref<8192xf32, #tpu.memory_space<vmem>>, vector<16xf32>,
      %get3A_410 = vector.shape_cast %get3A_409 : vector<16xf32> to vector<16xf32>
      %get3A_411 = arith.index_cast %mul3A_407 : i32 to index
      %get3A_412 = tpu.vector_load %arg6[%get3A_411] {strides = array<i32>} : memref<8192xf32, #tpu.memory_space<vmem>>, vector<16xf32>,
      %get3A_413 = vector.shape_cast %get3A_412 : vector<16xf32> to vector<16xf32>
      %add3A_414 = arith.addf %get3A_410, %get3A_413 : vector<16xf32>
      %swap3A_415 = arith.index_cast %mul3A_407 : i32 to index
      %swap3A_416 = tpu.vector_load %arg8[%swap3A_415] {strides = array<i32>} : memref<8192xf32, #tpu.memory_space<vmem>>, vector<16xf32>,
      %swap3A_417 = vector.shape_cast %swap3A_416 : vector<16xf32> to vector<16xf32>
      %swap3A_418 = vector.shape_cast %add3A_414 : vector<16xf32> to vector<16xf32>
      tpu.vector_store %arg8[%swap3A_415], %swap3A_418 {strides = array<i32>} : memref<8192xf32, #tpu.memory_space<vmem>>, vector<16xf32>,
      %mul3A_419 = arith.constant 8 : i32
      %mul3A_420 = arith.muli %scan3A_352, %mul3A_419 : i32
      %add3A_421 = arith.constant 4 : i32
      %add3A_422 = arith.addi %mul3A_420, %add3A_421 : i32
      %mul3A_423 = arith.constant 16 : i32
      %mul3A_424 = arith.muli %add3A_422, %mul3A_423 : i32
      %get3A_425 = arith.index_cast %mul3A_424 : i32 to index
      %get3A_426 = tpu.vector_load %arg8[%get3A_425] {strides = array<i32>} : memref<8192xf32, #tpu.memory_space<vmem>>, vector<16xf32>,
      %get3A_427 = vector.shape_cast %get3A_426 : vector<16xf32> to vector<16xf32>
      %get3A_428 = arith.index_cast %mul3A_424 : i32 to index
      %get3A_429 = tpu.vector_load %arg6[%get3A_428] {strides = array<i32>} : memref<8192xf32, #tpu.memory_space<vmem>>, vector<16xf32>,
      %get3A_430 = vector.shape_cast %get3A_429 : vector<16xf32> to vector<16xf32>
      %add3A_431 = arith.addf %get3A_427, %get3A_430 : vector<16xf32>
      %swap3A_432 = arith.index_cast %mul3A_424 : i32 to index
      %swap3A_433 = tpu.vector_load %arg8[%swap3A_432] {strides = array<i32>} : memref<8192xf32, #tpu.memory_space<vmem>>, vector<16xf32>,
      %swap3A_434 = vector.shape_cast %swap3A_433 : vector<16xf32> to vector<16xf32>
      %swap3A_435 = vector.shape_cast %add3A_431 : vector<16xf32> to vector<16xf32>
      tpu.vector_store %arg8[%swap3A_432], %swap3A_435 {strides = array<i32>} : memref<8192xf32, #tpu.memory_space<vmem>>, vector<16xf32>,
      %mul3A_436 = arith.constant 8 : i32
      %mul3A_437 = arith.muli %scan3A_352, %mul3A_436 : i32
      %add3A_438 = arith.constant 5 : i32
      %add3A_439 = arith.addi %mul3A_437, %add3A_438 : i32
      %mul3A_440 = arith.constant 16 : i32
      %mul3A_441 = arith.muli %add3A_439, %mul3A_440 : i32
      %get3A_442 = arith.index_cast %mul3A_441 : i32 to index
      %get3A_443 = tpu.vector_load %arg8[%get3A_442] {strides = array<i32>} : memref<8192xf32, #tpu.memory_space<vmem>>, vector<16xf32>,
      %get3A_444 = vector.shape_cast %get3A_443 : vector<16xf32> to vector<16xf32>
      %get3A_445 = arith.index_cast %mul3A_441 : i32 to index
      %get3A_446 = tpu.vector_load %arg6[%get3A_445] {strides = array<i32>} : memref<8192xf32, #tpu.memory_space<vmem>>, vector<16xf32>,
      %get3A_447 = vector.shape_cast %get3A_446 : vector<16xf32> to vector<16xf32>
      %add3A_448 = arith.addf %get3A_444, %get3A_447 : vector<16xf32>
      %swap3A_449 = arith.index_cast %mul3A_441 : i32 to index
      %swap3A_450 = tpu.vector_load %arg8[%swap3A_449] {strides = array<i32>} : memref<8192xf32, #tpu.memory_space<vmem>>, vector<16xf32>,
      %swap3A_451 = vector.shape_cast %swap3A_450 : vector<16xf32> to vector<16xf32>
      %swap3A_452 = vector.shape_cast %add3A_448 : vector<16xf32> to vector<16xf32>
      tpu.vector_store %arg8[%swap3A_449], %swap3A_452 {strides = array<i32>} : memref<8192xf32, #tpu.memory_space<vmem>>, vector<16xf32>,
      %mul3A_453 = arith.constant 8 : i32
      %mul3A_454 = arith.muli %scan3A_352, %mul3A_453 : i32
      %add3A_455 = arith.constant 6 : i32
      %add3A_456 = arith.addi %mul3A_454, %add3A_455 : i32
      %mul3A_457 = arith.constant 16 : i32
      %mul3A_458 = arith.muli %add3A_456, %mul3A_457 : i32
      %get3A_459 = arith.index_cast %mul3A_458 : i32 to index
      %get3A_460 = tpu.vector_load %arg8[%get3A_459] {strides = array<i32>} : memref<8192xf32, #tpu.memory_space<vmem>>, vector<16xf32>,
      %get3A_461 = vector.shape_cast %get3A_460 : vector<16xf32> to vector<16xf32>
      %get3A_462 = arith.index_cast %mul3A_458 : i32 to index
      %get3A_463 = tpu.vector_load %arg6[%get3A_462] {strides = array<i32>} : memref<8192xf32, #tpu.memory_space<vmem>>, vector<16xf32>,
      %get3A_464 = vector.shape_cast %get3A_463 : vector<16xf32> to vector<16xf32>
      %add3A_465 = arith.addf %get3A_461, %get3A_464 : vector<16xf32>
      %swap3A_466 = arith.index_cast %mul3A_458 : i32 to index
      %swap3A_467 = tpu.vector_load %arg8[%swap3A_466] {strides = array<i32>} : memref<8192xf32, #tpu.memory_space<vmem>>, vector<16xf32>,
      %swap3A_468 = vector.shape_cast %swap3A_467 : vector<16xf32> to vector<16xf32>
      %swap3A_469 = vector.shape_cast %add3A_465 : vector<16xf32> to vector<16xf32>
      tpu.vector_store %arg8[%swap3A_466], %swap3A_469 {strides = array<i32>} : memref<8192xf32, #tpu.memory_space<vmem>>, vector<16xf32>,
      %mul3A_470 = arith.constant 8 : i32
      %mul3A_471 = arith.muli %scan3A_352, %mul3A_470 : i32
      %add3A_472 = arith.constant 7 : i32
      %add3A_473 = arith.addi %mul3A_471, %add3A_472 : i32
      %mul3A_474 = arith.constant 16 : i32
      %mul3A_475 = arith.muli %add3A_473, %mul3A_474 : i32
      %get3A_476 = arith.index_cast %mul3A_475 : i32 to index
      %get3A_477 = tpu.vector_load %arg8[%get3A_476] {strides = array<i32>} : memref<8192xf32, #tpu.memory_space<vmem>>, vector<16xf32>,
      %get3A_478 = vector.shape_cast %get3A_477 : vector<16xf32> to vector<16xf32>
      %get3A_479 = arith.index_cast %mul3A_475 : i32 to index
      %get3A_480 = tpu.vector_load %arg6[%get3A_479] {strides = array<i32>} : memref<8192xf32, #tpu.memory_space<vmem>>, vector<16xf32>,
      %get3A_481 = vector.shape_cast %get3A_480 : vector<16xf32> to vector<16xf32>
      %add3A_482 = arith.addf %get3A_478, %get3A_481 : vector<16xf32>
      %swap3A_483 = arith.index_cast %mul3A_475 : i32 to index
      %swap3A_484 = tpu.vector_load %arg8[%swap3A_483] {strides = array<i32>} : memref<8192xf32, #tpu.memory_space<vmem>>, vector<16xf32>,
      %swap3A_485 = vector.shape_cast %swap3A_484 : vector<16xf32> to vector<16xf32>
      %swap3A_486 = vector.shape_cast %add3A_482 : vector<16xf32> to vector<16xf32>
      tpu.vector_store %arg8[%swap3A_483], %swap3A_486 {strides = array<i32>} : memref<8192xf32, #tpu.memory_space<vmem>>, vector<16xf32>,
    }
    %scan3A_219 = arith.constant 64 : i32
    %add3A_220 = arith.constant 73728 : i32
    %add3A_221 = arith.addi %mul3A_2, %add3A_220 : i32
    %dma_start3A_222 = tpu.memref_slice %arg4[%add3A_221] : memref<4194304xf32, #tpu.memory_space<hbm>> -> memref<8192xf32, #tpu.memory_space<hbm>>
    %dma_start3A_223 = tpu.memref_slice %arg4[%add3A_221] : memref<4194304xf32, #tpu.memory_space<hbm>> -> memref<8192xf32, #tpu.memory_space<hbm>>
    tpu.enqueue_dma source(%arg8 : memref<8192xf32, #tpu.memory_space<vmem>>) target(%dma_start3A_223 : memref<8192xf32, #tpu.memory_space<hbm>>) target_semaphore(%arg12 : memref<!tpu.dma_semaphore, #tpu.memory_space<semaphore_mem>>)
    %dma_wait3A_224 = tpu.memref_slice %arg4[%add3A_221] : memref<4194304xf32, #tpu.memory_space<hbm>> -> memref<8192xf32, #tpu.memory_space<hbm>>
    %dma_wait3A_225 = tpu.memref_slice %arg4[%add3A_221] : memref<4194304xf32, #tpu.memory_space<hbm>> -> memref<8192xf32, #tpu.memory_space<hbm>>
    tpu.wait_dma2 semaphore(%arg12 : memref<!tpu.dma_semaphore, #tpu.memory_space<semaphore_mem>>) src(%arg8 : memref<8192xf32, #tpu.memory_space<vmem>>) dst(%dma_wait3A_225 : memref<8192xf32, #tpu.memory_space<hbm>>)
    %add3A_226 = arith.constant 90112 : i32
    %add3A_227 = arith.addi %mul3A_2, %add3A_226 : i32
    %dma_start3A_228 = tpu.memref_slice %arg3[%add3A_227] : memref<4194304xf32, #tpu.memory_space<hbm>> -> memref<8192xf32, #tpu.memory_space<hbm>>
    %dma_start3A_229 = tpu.memref_slice %arg3[%add3A_227] : memref<4194304xf32, #tpu.memory_space<hbm>> -> memref<8192xf32, #tpu.memory_space<hbm>>
    tpu.enqueue_dma source(%dma_start3A_229 : memref<8192xf32, #tpu.memory_space<hbm>>) target(%arg6 : memref<8192xf32, #tpu.memory_space<vmem>>) target_semaphore(%arg10 : memref<!tpu.dma_semaphore, #tpu.memory_space<semaphore_mem>>)
    %dma_start3A_230 = tpu.memref_slice %arg2[%add3A_227] : memref<4194304xf32, #tpu.memory_space<hbm>> -> memref<8192xf32, #tpu.memory_space<hbm>>
    %dma_start3A_231 = tpu.memref_slice %arg2[%add3A_227] : memref<4194304xf32, #tpu.memory_space<hbm>> -> memref<8192xf32, #tpu.memory_space<hbm>>
    tpu.enqueue_dma source(%dma_start3A_231 : memref<8192xf32, #tpu.memory_space<hbm>>) target(%arg8 : memref<8192xf32, #tpu.memory_space<vmem>>) target_semaphore(%arg10 : memref<!tpu.dma_semaphore, #tpu.memory_space<semaphore_mem>>)
    %dma_wait3A_232 = tpu.memref_slice %arg3[%add3A_205] : memref<4194304xf32, #tpu.memory_space<hbm>> -> memref<8192xf32, #tpu.memory_space<hbm>>
    %dma_wait3A_233 = tpu.memref_slice %arg3[%add3A_205] : memref<4194304xf32, #tpu.memory_space<hbm>> -> memref<8192xf32, #tpu.memory_space<hbm>>
    tpu.wait_dma2 semaphore(%arg9 : memref<!tpu.dma_semaphore, #tpu.memory_space<semaphore_mem>>) src(%dma_wait3A_233 : memref<8192xf32, #tpu.memory_space<hbm>>) dst(%arg5 : memref<8192xf32, #tpu.memory_space<vmem>>)
    %dma_wait3A_234 = tpu.memref_slice %arg2[%add3A_205] : memref<4194304xf32, #tpu.memory_space<hbm>> -> memref<8192xf32, #tpu.memory_space<hbm>>
    %dma_wait3A_235 = tpu.memref_slice %arg2[%add3A_205] : memref<4194304xf32, #tpu.memory_space<hbm>> -> memref<8192xf32, #tpu.memory_space<hbm>>
    tpu.wait_dma2 semaphore(%arg9 : memref<!tpu.dma_semaphore, #tpu.memory_space<semaphore_mem>>) src(%dma_wait3A_235 : memref<8192xf32, #tpu.memory_space<hbm>>) dst(%arg7 : memref<8192xf32, #tpu.memory_space<vmem>>)
    %scan3A_236 = arith.constant 0 : i32
    %scan3A_237 = arith.constant 0 : i32
    %scan3A_238 = arith.constant 64 : i32
    %scan3A_239 = arith.addi %scan3A_237, %scan3A_238 : i32
    %scan3A_240 = arith.constant 1 : i32
    scf.for %scan3A_352 = %scan3A_237 to %scan3A_239 step %scan3A_240  : i32 {
      %mul3A_353 = arith.constant 8 : i32
      %mul3A_354 = arith.muli %scan3A_352, %mul3A_353 : i32
      %add3A_355 = arith.constant 0 : i32
      %add3A_356 = arith.addi %mul3A_354, %add3A_355 : i32
      %mul3A_357 = arith.constant 16 : i32
      %mul3A_358 = arith.muli %add3A_356, %mul3A_357 : i32
      %get3A = arith.index_cast %mul3A_358 : i32 to index
      %get3A_359 = tpu.vector_load %arg7[%get3A] {strides = array<i32>} : memref<8192xf32, #tpu.memory_space<vmem>>, vector<16xf32>,
      %get3A_360 = vector.shape_cast %get3A_359 : vector<16xf32> to vector<16xf32>
      %get3A_361 = arith.index_cast %mul3A_358 : i32 to index
      %get3A_362 = tpu.vector_load %arg5[%get3A_361] {strides = array<i32>} : memref<8192xf32, #tpu.memory_space<vmem>>, vector<16xf32>,
      %get3A_363 = vector.shape_cast %get3A_362 : vector<16xf32> to vector<16xf32>
      %add3A_364 = arith.addf %get3A_360, %get3A_363 : vector<16xf32>
      %swap3A = arith.index_cast %mul3A_358 : i32 to index
      %swap3A_365 = tpu.vector_load %arg7[%swap3A] {strides = array<i32>} : memref<8192xf32, #tpu.memory_space<vmem>>, vector<16xf32>,
      %swap3A_366 = vector.shape_cast %swap3A_365 : vector<16xf32> to vector<16xf32>
      %swap3A_367 = vector.shape_cast %add3A_364 : vector<16xf32> to vector<16xf32>
      tpu.vector_store %arg7[%swap3A], %swap3A_367 {strides = array<i32>} : memref<8192xf32, #tpu.memory_space<vmem>>, vector<16xf32>,
      %mul3A_368 = arith.constant 8 : i32
      %mul3A_369 = arith.muli %scan3A_352, %mul3A_368 : i32
      %add3A_370 = arith.constant 1 : i32
      %add3A_371 = arith.addi %mul3A_369, %add3A_370 : i32
      %mul3A_372 = arith.constant 16 : i32
      %mul3A_373 = arith.muli %add3A_371, %mul3A_372 : i32
      %get3A_374 = arith.index_cast %mul3A_373 : i32 to index
      %get3A_375 = tpu.vector_load %arg7[%get3A_374] {strides = array<i32>} : memref<8192xf32, #tpu.memory_space<vmem>>, vector<16xf32>,
      %get3A_376 = vector.shape_cast %get3A_375 : vector<16xf32> to vector<16xf32>
      %get3A_377 = arith.index_cast %mul3A_373 : i32 to index
      %get3A_378 = tpu.vector_load %arg5[%get3A_377] {strides = array<i32>} : memref<8192xf32, #tpu.memory_space<vmem>>, vector<16xf32>,
      %get3A_379 = vector.shape_cast %get3A_378 : vector<16xf32> to vector<16xf32>
      %add3A_380 = arith.addf %get3A_376, %get3A_379 : vector<16xf32>
      %swap3A_381 = arith.index_cast %mul3A_373 : i32 to index
      %swap3A_382 = tpu.vector_load %arg7[%swap3A_381] {strides = array<i32>} : memref<8192xf32, #tpu.memory_space<vmem>>, vector<16xf32>,
      %swap3A_383 = vector.shape_cast %swap3A_382 : vector<16xf32> to vector<16xf32>
      %swap3A_384 = vector.shape_cast %add3A_380 : vector<16xf32> to vector<16xf32>
      tpu.vector_store %arg7[%swap3A_381], %swap3A_384 {strides = array<i32>} : memref<8192xf32, #tpu.memory_space<vmem>>, vector<16xf32>,
      %mul3A_385 = arith.constant 8 : i32
      %mul3A_386 = arith.muli %scan3A_352, %mul3A_385 : i32
      %add3A_387 = arith.constant 2 : i32
      %add3A_388 = arith.addi %mul3A_386, %add3A_387 : i32
      %mul3A_389 = arith.constant 16 : i32
      %mul3A_390 = arith.muli %add3A_388, %mul3A_389 : i32
      %get3A_391 = arith.index_cast %mul3A_390 : i32 to index
      %get3A_392 = tpu.vector_load %arg7[%get3A_391] {strides = array<i32>} : memref<8192xf32, #tpu.memory_space<vmem>>, vector<16xf32>,
      %get3A_393 = vector.shape_cast %get3A_392 : vector<16xf32> to vector<16xf32>
      %get3A_394 = arith.index_cast %mul3A_390 : i32 to index
      %get3A_395 = tpu.vector_load %arg5[%get3A_394] {strides = array<i32>} : memref<8192xf32, #tpu.memory_space<vmem>>, vector<16xf32>,
      %get3A_396 = vector.shape_cast %get3A_395 : vector<16xf32> to vector<16xf32>
      %add3A_397 = arith.addf %get3A_393, %get3A_396 : vector<16xf32>
      %swap3A_398 = arith.index_cast %mul3A_390 : i32 to index
      %swap3A_399 = tpu.vector_load %arg7[%swap3A_398] {strides = array<i32>} : memref<8192xf32, #tpu.memory_space<vmem>>, vector<16xf32>,
      %swap3A_400 = vector.shape_cast %swap3A_399 : vector<16xf32> to vector<16xf32>
      %swap3A_401 = vector.shape_cast %add3A_397 : vector<16xf32> to vector<16xf32>
      tpu.vector_store %arg7[%swap3A_398], %swap3A_401 {strides = array<i32>} : memref<8192xf32, #tpu.memory_space<vmem>>, vector<16xf32>,
      %mul3A_402 = arith.constant 8 : i32
      %mul3A_403 = arith.muli %scan3A_352, %mul3A_402 : i32
      %add3A_404 = arith.constant 3 : i32
      %add3A_405 = arith.addi %mul3A_403, %add3A_404 : i32
      %mul3A_406 = arith.constant 16 : i32
      %mul3A_407 = arith.muli %add3A_405, %mul3A_406 : i32
      %get3A_408 = arith.index_cast %mul3A_407 : i32 to index
      %get3A_409 = tpu.vector_load %arg7[%get3A_408] {strides = array<i32>} : memref<8192xf32, #tpu.memory_space<vmem>>, vector<16xf32>,
      %get3A_410 = vector.shape_cast %get3A_409 : vector<16xf32> to vector<16xf32>
      %get3A_411 = arith.index_cast %mul3A_407 : i32 to index
      %get3A_412 = tpu.vector_load %arg5[%get3A_411] {strides = array<i32>} : memref<8192xf32, #tpu.memory_space<vmem>>, vector<16xf32>,
      %get3A_413 = vector.shape_cast %get3A_412 : vector<16xf32> to vector<16xf32>
      %add3A_414 = arith.addf %get3A_410, %get3A_413 : vector<16xf32>
      %swap3A_415 = arith.index_cast %mul3A_407 : i32 to index
      %swap3A_416 = tpu.vector_load %arg7[%swap3A_415] {strides = array<i32>} : memref<8192xf32, #tpu.memory_space<vmem>>, vector<16xf32>,
      %swap3A_417 = vector.shape_cast %swap3A_416 : vector<16xf32> to vector<16xf32>
      %swap3A_418 = vector.shape_cast %add3A_414 : vector<16xf32> to vector<16xf32>
      tpu.vector_store %arg7[%swap3A_415], %swap3A_418 {strides = array<i32>} : memref<8192xf32, #tpu.memory_space<vmem>>, vector<16xf32>,
      %mul3A_419 = arith.constant 8 : i32
      %mul3A_420 = arith.muli %scan3A_352, %mul3A_419 : i32
      %add3A_421 = arith.constant 4 : i32
      %add3A_422 = arith.addi %mul3A_420, %add3A_421 : i32
      %mul3A_423 = arith.constant 16 : i32
      %mul3A_424 = arith.muli %add3A_422, %mul3A_423 : i32
      %get3A_425 = arith.index_cast %mul3A_424 : i32 to index
      %get3A_426 = tpu.vector_load %arg7[%get3A_425] {strides = array<i32>} : memref<8192xf32, #tpu.memory_space<vmem>>, vector<16xf32>,
      %get3A_427 = vector.shape_cast %get3A_426 : vector<16xf32> to vector<16xf32>
      %get3A_428 = arith.index_cast %mul3A_424 : i32 to index
      %get3A_429 = tpu.vector_load %arg5[%get3A_428] {strides = array<i32>} : memref<8192xf32, #tpu.memory_space<vmem>>, vector<16xf32>,
      %get3A_430 = vector.shape_cast %get3A_429 : vector<16xf32> to vector<16xf32>
      %add3A_431 = arith.addf %get3A_427, %get3A_430 : vector<16xf32>
      %swap3A_432 = arith.index_cast %mul3A_424 : i32 to index
      %swap3A_433 = tpu.vector_load %arg7[%swap3A_432] {strides = array<i32>} : memref<8192xf32, #tpu.memory_space<vmem>>, vector<16xf32>,
      %swap3A_434 = vector.shape_cast %swap3A_433 : vector<16xf32> to vector<16xf32>
      %swap3A_435 = vector.shape_cast %add3A_431 : vector<16xf32> to vector<16xf32>
      tpu.vector_store %arg7[%swap3A_432], %swap3A_435 {strides = array<i32>} : memref<8192xf32, #tpu.memory_space<vmem>>, vector<16xf32>,
      %mul3A_436 = arith.constant 8 : i32
      %mul3A_437 = arith.muli %scan3A_352, %mul3A_436 : i32
      %add3A_438 = arith.constant 5 : i32
      %add3A_439 = arith.addi %mul3A_437, %add3A_438 : i32
      %mul3A_440 = arith.constant 16 : i32
      %mul3A_441 = arith.muli %add3A_439, %mul3A_440 : i32
      %get3A_442 = arith.index_cast %mul3A_441 : i32 to index
      %get3A_443 = tpu.vector_load %arg7[%get3A_442] {strides = array<i32>} : memref<8192xf32, #tpu.memory_space<vmem>>, vector<16xf32>,
      %get3A_444 = vector.shape_cast %get3A_443 : vector<16xf32> to vector<16xf32>
      %get3A_445 = arith.index_cast %mul3A_441 : i32 to index
      %get3A_446 = tpu.vector_load %arg5[%get3A_445] {strides = array<i32>} : memref<8192xf32, #tpu.memory_space<vmem>>, vector<16xf32>,
      %get3A_447 = vector.shape_cast %get3A_446 : vector<16xf32> to vector<16xf32>
      %add3A_448 = arith.addf %get3A_444, %get3A_447 : vector<16xf32>
      %swap3A_449 = arith.index_cast %mul3A_441 : i32 to index
      %swap3A_450 = tpu.vector_load %arg7[%swap3A_449] {strides = array<i32>} : memref<8192xf32, #tpu.memory_space<vmem>>, vector<16xf32>,
      %swap3A_451 = vector.shape_cast %swap3A_450 : vector<16xf32> to vector<16xf32>
      %swap3A_452 = vector.shape_cast %add3A_448 : vector<16xf32> to vector<16xf32>
      tpu.vector_store %arg7[%swap3A_449], %swap3A_452 {strides = array<i32>} : memref<8192xf32, #tpu.memory_space<vmem>>, vector<16xf32>,
      %mul3A_453 = arith.constant 8 : i32
      %mul3A_454 = arith.muli %scan3A_352, %mul3A_453 : i32
      %add3A_455 = arith.constant 6 : i32
      %add3A_456 = arith.addi %mul3A_454, %add3A_455 : i32
      %mul3A_457 = arith.constant 16 : i32
      %mul3A_458 = arith.muli %add3A_456, %mul3A_457 : i32
      %get3A_459 = arith.index_cast %mul3A_458 : i32 to index
      %get3A_460 = tpu.vector_load %arg7[%get3A_459] {strides = array<i32>} : memref<8192xf32, #tpu.memory_space<vmem>>, vector<16xf32>,
      %get3A_461 = vector.shape_cast %get3A_460 : vector<16xf32> to vector<16xf32>
      %get3A_462 = arith.index_cast %mul3A_458 : i32 to index
      %get3A_463 = tpu.vector_load %arg5[%get3A_462] {strides = array<i32>} : memref<8192xf32, #tpu.memory_space<vmem>>, vector<16xf32>,
      %get3A_464 = vector.shape_cast %get3A_463 : vector<16xf32> to vector<16xf32>
      %add3A_465 = arith.addf %get3A_461, %get3A_464 : vector<16xf32>
      %swap3A_466 = arith.index_cast %mul3A_458 : i32 to index
      %swap3A_467 = tpu.vector_load %arg7[%swap3A_466] {strides = array<i32>} : memref<8192xf32, #tpu.memory_space<vmem>>, vector<16xf32>,
      %swap3A_468 = vector.shape_cast %swap3A_467 : vector<16xf32> to vector<16xf32>
      %swap3A_469 = vector.shape_cast %add3A_465 : vector<16xf32> to vector<16xf32>
      tpu.vector_store %arg7[%swap3A_466], %swap3A_469 {strides = array<i32>} : memref<8192xf32, #tpu.memory_space<vmem>>, vector<16xf32>,
      %mul3A_470 = arith.constant 8 : i32
      %mul3A_471 = arith.muli %scan3A_352, %mul3A_470 : i32
      %add3A_472 = arith.constant 7 : i32
      %add3A_473 = arith.addi %mul3A_471, %add3A_472 : i32
      %mul3A_474 = arith.constant 16 : i32
      %mul3A_475 = arith.muli %add3A_473, %mul3A_474 : i32
      %get3A_476 = arith.index_cast %mul3A_475 : i32 to index
      %get3A_477 = tpu.vector_load %arg7[%get3A_476] {strides = array<i32>} : memref<8192xf32, #tpu.memory_space<vmem>>, vector<16xf32>,
      %get3A_478 = vector.shape_cast %get3A_477 : vector<16xf32> to vector<16xf32>
      %get3A_479 = arith.index_cast %mul3A_475 : i32 to index
      %get3A_480 = tpu.vector_load %arg5[%get3A_479] {strides = array<i32>} : memref<8192xf32, #tpu.memory_space<vmem>>, vector<16xf32>,
      %get3A_481 = vector.shape_cast %get3A_480 : vector<16xf32> to vector<16xf32>
      %add3A_482 = arith.addf %get3A_478, %get3A_481 : vector<16xf32>
      %swap3A_483 = arith.index_cast %mul3A_475 : i32 to index
      %swap3A_484 = tpu.vector_load %arg7[%swap3A_483] {strides = array<i32>} : memref<8192xf32, #tpu.memory_space<vmem>>, vector<16xf32>,
      %swap3A_485 = vector.shape_cast %swap3A_484 : vector<16xf32> to vector<16xf32>
      %swap3A_486 = vector.shape_cast %add3A_482 : vector<16xf32> to vector<16xf32>
      tpu.vector_store %arg7[%swap3A_483], %swap3A_486 {strides = array<i32>} : memref<8192xf32, #tpu.memory_space<vmem>>, vector<16xf32>,
    }
    %scan3A_241 = arith.constant 64 : i32
    %add3A_242 = arith.constant 81920 : i32
    %add3A_243 = arith.addi %mul3A_2, %add3A_242 : i32
    %dma_start3A_244 = tpu.memref_slice %arg4[%add3A_243] : memref<4194304xf32, #tpu.memory_space<hbm>> -> memref<8192xf32, #tpu.memory_space<hbm>>
    %dma_start3A_245 = tpu.memref_slice %arg4[%add3A_243] : memref<4194304xf32, #tpu.memory_space<hbm>> -> memref<8192xf32, #tpu.memory_space<hbm>>
    tpu.enqueue_dma source(%arg7 : memref<8192xf32, #tpu.memory_space<vmem>>) target(%dma_start3A_245 : memref<8192xf32, #tpu.memory_space<hbm>>) target_semaphore(%arg11 : memref<!tpu.dma_semaphore, #tpu.memory_space<semaphore_mem>>)
    %dma_wait3A_246 = tpu.memref_slice %arg4[%add3A_243] : memref<4194304xf32, #tpu.memory_space<hbm>> -> memref<8192xf32, #tpu.memory_space<hbm>>
    %dma_wait3A_247 = tpu.memref_slice %arg4[%add3A_243] : memref<4194304xf32, #tpu.memory_space<hbm>> -> memref<8192xf32, #tpu.memory_space<hbm>>
    tpu.wait_dma2 semaphore(%arg11 : memref<!tpu.dma_semaphore, #tpu.memory_space<semaphore_mem>>) src(%arg7 : memref<8192xf32, #tpu.memory_space<vmem>>) dst(%dma_wait3A_247 : memref<8192xf32, #tpu.memory_space<hbm>>)
    %add3A_248 = arith.constant 98304 : i32
    %add3A_249 = arith.addi %mul3A_2, %add3A_248 : i32
    %dma_start3A_250 = tpu.memref_slice %arg3[%add3A_249] : memref<4194304xf32, #tpu.memory_space<hbm>> -> memref<8192xf32, #tpu.memory_space<hbm>>
    %dma_start3A_251 = tpu.memref_slice %arg3[%add3A_249] : memref<4194304xf32, #tpu.memory_space<hbm>> -> memref<8192xf32, #tpu.memory_space<hbm>>
    tpu.enqueue_dma source(%dma_start3A_251 : memref<8192xf32, #tpu.memory_space<hbm>>) target(%arg5 : memref<8192xf32, #tpu.memory_space<vmem>>) target_semaphore(%arg9 : memref<!tpu.dma_semaphore, #tpu.memory_space<semaphore_mem>>)
    %dma_start3A_252 = tpu.memref_slice %arg2[%add3A_249] : memref<4194304xf32, #tpu.memory_space<hbm>> -> memref<8192xf32, #tpu.memory_space<hbm>>
    %dma_start3A_253 = tpu.memref_slice %arg2[%add3A_249] : memref<4194304xf32, #tpu.memory_space<hbm>> -> memref<8192xf32, #tpu.memory_space<hbm>>
    tpu.enqueue_dma source(%dma_start3A_253 : memref<8192xf32, #tpu.memory_space<hbm>>) target(%arg7 : memref<8192xf32, #tpu.memory_space<vmem>>) target_semaphore(%arg9 : memref<!tpu.dma_semaphore, #tpu.memory_space<semaphore_mem>>)
    %dma_wait3A_254 = tpu.memref_slice %arg3[%add3A_227] : memref<4194304xf32, #tpu.memory_space<hbm>> -> memref<8192xf32, #tpu.memory_space<hbm>>
    %dma_wait3A_255 = tpu.memref_slice %arg3[%add3A_227] : memref<4194304xf32, #tpu.memory_space<hbm>> -> memref<8192xf32, #tpu.memory_space<hbm>>
    tpu.wait_dma2 semaphore(%arg10 : memref<!tpu.dma_semaphore, #tpu.memory_space<semaphore_mem>>) src(%dma_wait3A_255 : memref<8192xf32, #tpu.memory_space<hbm>>) dst(%arg6 : memref<8192xf32, #tpu.memory_space<vmem>>)
    %dma_wait3A_256 = tpu.memref_slice %arg2[%add3A_227] : memref<4194304xf32, #tpu.memory_space<hbm>> -> memref<8192xf32, #tpu.memory_space<hbm>>
    %dma_wait3A_257 = tpu.memref_slice %arg2[%add3A_227] : memref<4194304xf32, #tpu.memory_space<hbm>> -> memref<8192xf32, #tpu.memory_space<hbm>>
    tpu.wait_dma2 semaphore(%arg10 : memref<!tpu.dma_semaphore, #tpu.memory_space<semaphore_mem>>) src(%dma_wait3A_257 : memref<8192xf32, #tpu.memory_space<hbm>>) dst(%arg8 : memref<8192xf32, #tpu.memory_space<vmem>>)
    %scan3A_258 = arith.constant 0 : i32
    %scan3A_259 = arith.constant 0 : i32
    %scan3A_260 = arith.constant 64 : i32
    %scan3A_261 = arith.addi %scan3A_259, %scan3A_260 : i32
    %scan3A_262 = arith.constant 1 : i32
    scf.for %scan3A_352 = %scan3A_259 to %scan3A_261 step %scan3A_262  : i32 {
      %mul3A_353 = arith.constant 8 : i32
      %mul3A_354 = arith.muli %scan3A_352, %mul3A_353 : i32
      %add3A_355 = arith.constant 0 : i32
      %add3A_356 = arith.addi %mul3A_354, %add3A_355 : i32
      %mul3A_357 = arith.constant 16 : i32
      %mul3A_358 = arith.muli %add3A_356, %mul3A_357 : i32
      %get3A = arith.index_cast %mul3A_358 : i32 to index
      %get3A_359 = tpu.vector_load %arg8[%get3A] {strides = array<i32>} : memref<8192xf32, #tpu.memory_space<vmem>>, vector<16xf32>,
      %get3A_360 = vector.shape_cast %get3A_359 : vector<16xf32> to vector<16xf32>
      %get3A_361 = arith.index_cast %mul3A_358 : i32 to index
      %get3A_362 = tpu.vector_load %arg6[%get3A_361] {strides = array<i32>} : memref<8192xf32, #tpu.memory_space<vmem>>, vector<16xf32>,
      %get3A_363 = vector.shape_cast %get3A_362 : vector<16xf32> to vector<16xf32>
      %add3A_364 = arith.addf %get3A_360, %get3A_363 : vector<16xf32>
      %swap3A = arith.index_cast %mul3A_358 : i32 to index
      %swap3A_365 = tpu.vector_load %arg8[%swap3A] {strides = array<i32>} : memref<8192xf32, #tpu.memory_space<vmem>>, vector<16xf32>,
      %swap3A_366 = vector.shape_cast %swap3A_365 : vector<16xf32> to vector<16xf32>
      %swap3A_367 = vector.shape_cast %add3A_364 : vector<16xf32> to vector<16xf32>
      tpu.vector_store %arg8[%swap3A], %swap3A_367 {strides = array<i32>} : memref<8192xf32, #tpu.memory_space<vmem>>, vector<16xf32>,
      %mul3A_368 = arith.constant 8 : i32
      %mul3A_369 = arith.muli %scan3A_352, %mul3A_368 : i32
      %add3A_370 = arith.constant 1 : i32
      %add3A_371 = arith.addi %mul3A_369, %add3A_370 : i32
      %mul3A_372 = arith.constant 16 : i32
      %mul3A_373 = arith.muli %add3A_371, %mul3A_372 : i32
      %get3A_374 = arith.index_cast %mul3A_373 : i32 to index
      %get3A_375 = tpu.vector_load %arg8[%get3A_374] {strides = array<i32>} : memref<8192xf32, #tpu.memory_space<vmem>>, vector<16xf32>,
      %get3A_376 = vector.shape_cast %get3A_375 : vector<16xf32> to vector<16xf32>
      %get3A_377 = arith.index_cast %mul3A_373 : i32 to index
      %get3A_378 = tpu.vector_load %arg6[%get3A_377] {strides = array<i32>} : memref<8192xf32, #tpu.memory_space<vmem>>, vector<16xf32>,
      %get3A_379 = vector.shape_cast %get3A_378 : vector<16xf32> to vector<16xf32>
      %add3A_380 = arith.addf %get3A_376, %get3A_379 : vector<16xf32>
      %swap3A_381 = arith.index_cast %mul3A_373 : i32 to index
      %swap3A_382 = tpu.vector_load %arg8[%swap3A_381] {strides = array<i32>} : memref<8192xf32, #tpu.memory_space<vmem>>, vector<16xf32>,
      %swap3A_383 = vector.shape_cast %swap3A_382 : vector<16xf32> to vector<16xf32>
      %swap3A_384 = vector.shape_cast %add3A_380 : vector<16xf32> to vector<16xf32>
      tpu.vector_store %arg8[%swap3A_381], %swap3A_384 {strides = array<i32>} : memref<8192xf32, #tpu.memory_space<vmem>>, vector<16xf32>,
      %mul3A_385 = arith.constant 8 : i32
      %mul3A_386 = arith.muli %scan3A_352, %mul3A_385 : i32
      %add3A_387 = arith.constant 2 : i32
      %add3A_388 = arith.addi %mul3A_386, %add3A_387 : i32
      %mul3A_389 = arith.constant 16 : i32
      %mul3A_390 = arith.muli %add3A_388, %mul3A_389 : i32
      %get3A_391 = arith.index_cast %mul3A_390 : i32 to index
      %get3A_392 = tpu.vector_load %arg8[%get3A_391] {strides = array<i32>} : memref<8192xf32, #tpu.memory_space<vmem>>, vector<16xf32>,
      %get3A_393 = vector.shape_cast %get3A_392 : vector<16xf32> to vector<16xf32>
      %get3A_394 = arith.index_cast %mul3A_390 : i32 to index
      %get3A_395 = tpu.vector_load %arg6[%get3A_394] {strides = array<i32>} : memref<8192xf32, #tpu.memory_space<vmem>>, vector<16xf32>,
      %get3A_396 = vector.shape_cast %get3A_395 : vector<16xf32> to vector<16xf32>
      %add3A_397 = arith.addf %get3A_393, %get3A_396 : vector<16xf32>
      %swap3A_398 = arith.index_cast %mul3A_390 : i32 to index
      %swap3A_399 = tpu.vector_load %arg8[%swap3A_398] {strides = array<i32>} : memref<8192xf32, #tpu.memory_space<vmem>>, vector<16xf32>,
      %swap3A_400 = vector.shape_cast %swap3A_399 : vector<16xf32> to vector<16xf32>
      %swap3A_401 = vector.shape_cast %add3A_397 : vector<16xf32> to vector<16xf32>
      tpu.vector_store %arg8[%swap3A_398], %swap3A_401 {strides = array<i32>} : memref<8192xf32, #tpu.memory_space<vmem>>, vector<16xf32>,
      %mul3A_402 = arith.constant 8 : i32
      %mul3A_403 = arith.muli %scan3A_352, %mul3A_402 : i32
      %add3A_404 = arith.constant 3 : i32
      %add3A_405 = arith.addi %mul3A_403, %add3A_404 : i32
      %mul3A_406 = arith.constant 16 : i32
      %mul3A_407 = arith.muli %add3A_405, %mul3A_406 : i32
      %get3A_408 = arith.index_cast %mul3A_407 : i32 to index
      %get3A_409 = tpu.vector_load %arg8[%get3A_408] {strides = array<i32>} : memref<8192xf32, #tpu.memory_space<vmem>>, vector<16xf32>,
      %get3A_410 = vector.shape_cast %get3A_409 : vector<16xf32> to vector<16xf32>
      %get3A_411 = arith.index_cast %mul3A_407 : i32 to index
      %get3A_412 = tpu.vector_load %arg6[%get3A_411] {strides = array<i32>} : memref<8192xf32, #tpu.memory_space<vmem>>, vector<16xf32>,
      %get3A_413 = vector.shape_cast %get3A_412 : vector<16xf32> to vector<16xf32>
      %add3A_414 = arith.addf %get3A_410, %get3A_413 : vector<16xf32>
      %swap3A_415 = arith.index_cast %mul3A_407 : i32 to index
      %swap3A_416 = tpu.vector_load %arg8[%swap3A_415] {strides = array<i32>} : memref<8192xf32, #tpu.memory_space<vmem>>, vector<16xf32>,
      %swap3A_417 = vector.shape_cast %swap3A_416 : vector<16xf32> to vector<16xf32>
      %swap3A_418 = vector.shape_cast %add3A_414 : vector<16xf32> to vector<16xf32>
      tpu.vector_store %arg8[%swap3A_415], %swap3A_418 {strides = array<i32>} : memref<8192xf32, #tpu.memory_space<vmem>>, vector<16xf32>,
      %mul3A_419 = arith.constant 8 : i32
      %mul3A_420 = arith.muli %scan3A_352, %mul3A_419 : i32
      %add3A_421 = arith.constant 4 : i32
      %add3A_422 = arith.addi %mul3A_420, %add3A_421 : i32
      %mul3A_423 = arith.constant 16 : i32
      %mul3A_424 = arith.muli %add3A_422, %mul3A_423 : i32
      %get3A_425 = arith.index_cast %mul3A_424 : i32 to index
      %get3A_426 = tpu.vector_load %arg8[%get3A_425] {strides = array<i32>} : memref<8192xf32, #tpu.memory_space<vmem>>, vector<16xf32>,
      %get3A_427 = vector.shape_cast %get3A_426 : vector<16xf32> to vector<16xf32>
      %get3A_428 = arith.index_cast %mul3A_424 : i32 to index
      %get3A_429 = tpu.vector_load %arg6[%get3A_428] {strides = array<i32>} : memref<8192xf32, #tpu.memory_space<vmem>>, vector<16xf32>,
      %get3A_430 = vector.shape_cast %get3A_429 : vector<16xf32> to vector<16xf32>
      %add3A_431 = arith.addf %get3A_427, %get3A_430 : vector<16xf32>
      %swap3A_432 = arith.index_cast %mul3A_424 : i32 to index
      %swap3A_433 = tpu.vector_load %arg8[%swap3A_432] {strides = array<i32>} : memref<8192xf32, #tpu.memory_space<vmem>>, vector<16xf32>,
      %swap3A_434 = vector.shape_cast %swap3A_433 : vector<16xf32> to vector<16xf32>
      %swap3A_435 = vector.shape_cast %add3A_431 : vector<16xf32> to vector<16xf32>
      tpu.vector_store %arg8[%swap3A_432], %swap3A_435 {strides = array<i32>} : memref<8192xf32, #tpu.memory_space<vmem>>, vector<16xf32>,
      %mul3A_436 = arith.constant 8 : i32
      %mul3A_437 = arith.muli %scan3A_352, %mul3A_436 : i32
      %add3A_438 = arith.constant 5 : i32
      %add3A_439 = arith.addi %mul3A_437, %add3A_438 : i32
      %mul3A_440 = arith.constant 16 : i32
      %mul3A_441 = arith.muli %add3A_439, %mul3A_440 : i32
      %get3A_442 = arith.index_cast %mul3A_441 : i32 to index
      %get3A_443 = tpu.vector_load %arg8[%get3A_442] {strides = array<i32>} : memref<8192xf32, #tpu.memory_space<vmem>>, vector<16xf32>,
      %get3A_444 = vector.shape_cast %get3A_443 : vector<16xf32> to vector<16xf32>
      %get3A_445 = arith.index_cast %mul3A_441 : i32 to index
      %get3A_446 = tpu.vector_load %arg6[%get3A_445] {strides = array<i32>} : memref<8192xf32, #tpu.memory_space<vmem>>, vector<16xf32>,
      %get3A_447 = vector.shape_cast %get3A_446 : vector<16xf32> to vector<16xf32>
      %add3A_448 = arith.addf %get3A_444, %get3A_447 : vector<16xf32>
      %swap3A_449 = arith.index_cast %mul3A_441 : i32 to index
      %swap3A_450 = tpu.vector_load %arg8[%swap3A_449] {strides = array<i32>} : memref<8192xf32, #tpu.memory_space<vmem>>, vector<16xf32>,
      %swap3A_451 = vector.shape_cast %swap3A_450 : vector<16xf32> to vector<16xf32>
      %swap3A_452 = vector.shape_cast %add3A_448 : vector<16xf32> to vector<16xf32>
      tpu.vector_store %arg8[%swap3A_449], %swap3A_452 {strides = array<i32>} : memref<8192xf32, #tpu.memory_space<vmem>>, vector<16xf32>,
      %mul3A_453 = arith.constant 8 : i32
      %mul3A_454 = arith.muli %scan3A_352, %mul3A_453 : i32
      %add3A_455 = arith.constant 6 : i32
      %add3A_456 = arith.addi %mul3A_454, %add3A_455 : i32
      %mul3A_457 = arith.constant 16 : i32
      %mul3A_458 = arith.muli %add3A_456, %mul3A_457 : i32
      %get3A_459 = arith.index_cast %mul3A_458 : i32 to index
      %get3A_460 = tpu.vector_load %arg8[%get3A_459] {strides = array<i32>} : memref<8192xf32, #tpu.memory_space<vmem>>, vector<16xf32>,
      %get3A_461 = vector.shape_cast %get3A_460 : vector<16xf32> to vector<16xf32>
      %get3A_462 = arith.index_cast %mul3A_458 : i32 to index
      %get3A_463 = tpu.vector_load %arg6[%get3A_462] {strides = array<i32>} : memref<8192xf32, #tpu.memory_space<vmem>>, vector<16xf32>,
      %get3A_464 = vector.shape_cast %get3A_463 : vector<16xf32> to vector<16xf32>
      %add3A_465 = arith.addf %get3A_461, %get3A_464 : vector<16xf32>
      %swap3A_466 = arith.index_cast %mul3A_458 : i32 to index
      %swap3A_467 = tpu.vector_load %arg8[%swap3A_466] {strides = array<i32>} : memref<8192xf32, #tpu.memory_space<vmem>>, vector<16xf32>,
      %swap3A_468 = vector.shape_cast %swap3A_467 : vector<16xf32> to vector<16xf32>
      %swap3A_469 = vector.shape_cast %add3A_465 : vector<16xf32> to vector<16xf32>
      tpu.vector_store %arg8[%swap3A_466], %swap3A_469 {strides = array<i32>} : memref<8192xf32, #tpu.memory_space<vmem>>, vector<16xf32>,
      %mul3A_470 = arith.constant 8 : i32
      %mul3A_471 = arith.muli %scan3A_352, %mul3A_470 : i32
      %add3A_472 = arith.constant 7 : i32
      %add3A_473 = arith.addi %mul3A_471, %add3A_472 : i32
      %mul3A_474 = arith.constant 16 : i32
      %mul3A_475 = arith.muli %add3A_473, %mul3A_474 : i32
      %get3A_476 = arith.index_cast %mul3A_475 : i32 to index
      %get3A_477 = tpu.vector_load %arg8[%get3A_476] {strides = array<i32>} : memref<8192xf32, #tpu.memory_space<vmem>>, vector<16xf32>,
      %get3A_478 = vector.shape_cast %get3A_477 : vector<16xf32> to vector<16xf32>
      %get3A_479 = arith.index_cast %mul3A_475 : i32 to index
      %get3A_480 = tpu.vector_load %arg6[%get3A_479] {strides = array<i32>} : memref<8192xf32, #tpu.memory_space<vmem>>, vector<16xf32>,
      %get3A_481 = vector.shape_cast %get3A_480 : vector<16xf32> to vector<16xf32>
      %add3A_482 = arith.addf %get3A_478, %get3A_481 : vector<16xf32>
      %swap3A_483 = arith.index_cast %mul3A_475 : i32 to index
      %swap3A_484 = tpu.vector_load %arg8[%swap3A_483] {strides = array<i32>} : memref<8192xf32, #tpu.memory_space<vmem>>, vector<16xf32>,
      %swap3A_485 = vector.shape_cast %swap3A_484 : vector<16xf32> to vector<16xf32>
      %swap3A_486 = vector.shape_cast %add3A_482 : vector<16xf32> to vector<16xf32>
      tpu.vector_store %arg8[%swap3A_483], %swap3A_486 {strides = array<i32>} : memref<8192xf32, #tpu.memory_space<vmem>>, vector<16xf32>,
    }
    %scan3A_263 = arith.constant 64 : i32
    %add3A_264 = arith.constant 90112 : i32
    %add3A_265 = arith.addi %mul3A_2, %add3A_264 : i32
    %dma_start3A_266 = tpu.memref_slice %arg4[%add3A_265] : memref<4194304xf32, #tpu.memory_space<hbm>> -> memref<8192xf32, #tpu.memory_space<hbm>>
    %dma_start3A_267 = tpu.memref_slice %arg4[%add3A_265] : memref<4194304xf32, #tpu.memory_space<hbm>> -> memref<8192xf32, #tpu.memory_space<hbm>>
    tpu.enqueue_dma source(%arg8 : memref<8192xf32, #tpu.memory_space<vmem>>) target(%dma_start3A_267 : memref<8192xf32, #tpu.memory_space<hbm>>) target_semaphore(%arg12 : memref<!tpu.dma_semaphore, #tpu.memory_space<semaphore_mem>>)
    %dma_wait3A_268 = tpu.memref_slice %arg4[%add3A_265] : memref<4194304xf32, #tpu.memory_space<hbm>> -> memref<8192xf32, #tpu.memory_space<hbm>>
    %dma_wait3A_269 = tpu.memref_slice %arg4[%add3A_265] : memref<4194304xf32, #tpu.memory_space<hbm>> -> memref<8192xf32, #tpu.memory_space<hbm>>
    tpu.wait_dma2 semaphore(%arg12 : memref<!tpu.dma_semaphore, #tpu.memory_space<semaphore_mem>>) src(%arg8 : memref<8192xf32, #tpu.memory_space<vmem>>) dst(%dma_wait3A_269 : memref<8192xf32, #tpu.memory_space<hbm>>)
    %add3A_270 = arith.constant 106496 : i32
    %add3A_271 = arith.addi %mul3A_2, %add3A_270 : i32
    %dma_start3A_272 = tpu.memref_slice %arg3[%add3A_271] : memref<4194304xf32, #tpu.memory_space<hbm>> -> memref<8192xf32, #tpu.memory_space<hbm>>
    %dma_start3A_273 = tpu.memref_slice %arg3[%add3A_271] : memref<4194304xf32, #tpu.memory_space<hbm>> -> memref<8192xf32, #tpu.memory_space<hbm>>
    tpu.enqueue_dma source(%dma_start3A_273 : memref<8192xf32, #tpu.memory_space<hbm>>) target(%arg6 : memref<8192xf32, #tpu.memory_space<vmem>>) target_semaphore(%arg10 : memref<!tpu.dma_semaphore, #tpu.memory_space<semaphore_mem>>)
    %dma_start3A_274 = tpu.memref_slice %arg2[%add3A_271] : memref<4194304xf32, #tpu.memory_space<hbm>> -> memref<8192xf32, #tpu.memory_space<hbm>>
    %dma_start3A_275 = tpu.memref_slice %arg2[%add3A_271] : memref<4194304xf32, #tpu.memory_space<hbm>> -> memref<8192xf32, #tpu.memory_space<hbm>>
    tpu.enqueue_dma source(%dma_start3A_275 : memref<8192xf32, #tpu.memory_space<hbm>>) target(%arg8 : memref<8192xf32, #tpu.memory_space<vmem>>) target_semaphore(%arg10 : memref<!tpu.dma_semaphore, #tpu.memory_space<semaphore_mem>>)
    %dma_wait3A_276 = tpu.memref_slice %arg3[%add3A_249] : memref<4194304xf32, #tpu.memory_space<hbm>> -> memref<8192xf32, #tpu.memory_space<hbm>>
    %dma_wait3A_277 = tpu.memref_slice %arg3[%add3A_249] : memref<4194304xf32, #tpu.memory_space<hbm>> -> memref<8192xf32, #tpu.memory_space<hbm>>
    tpu.wait_dma2 semaphore(%arg9 : memref<!tpu.dma_semaphore, #tpu.memory_space<semaphore_mem>>) src(%dma_wait3A_277 : memref<8192xf32, #tpu.memory_space<hbm>>) dst(%arg5 : memref<8192xf32, #tpu.memory_space<vmem>>)
    %dma_wait3A_278 = tpu.memref_slice %arg2[%add3A_249] : memref<4194304xf32, #tpu.memory_space<hbm>> -> memref<8192xf32, #tpu.memory_space<hbm>>
    %dma_wait3A_279 = tpu.memref_slice %arg2[%add3A_249] : memref<4194304xf32, #tpu.memory_space<hbm>> -> memref<8192xf32, #tpu.memory_space<hbm>>
    tpu.wait_dma2 semaphore(%arg9 : memref<!tpu.dma_semaphore, #tpu.memory_space<semaphore_mem>>) src(%dma_wait3A_279 : memref<8192xf32, #tpu.memory_space<hbm>>) dst(%arg7 : memref<8192xf32, #tpu.memory_space<vmem>>)
    %scan3A_280 = arith.constant 0 : i32
    %scan3A_281 = arith.constant 0 : i32
    %scan3A_282 = arith.constant 64 : i32
    %scan3A_283 = arith.addi %scan3A_281, %scan3A_282 : i32
    %scan3A_284 = arith.constant 1 : i32
    scf.for %scan3A_352 = %scan3A_281 to %scan3A_283 step %scan3A_284  : i32 {
      %mul3A_353 = arith.constant 8 : i32
      %mul3A_354 = arith.muli %scan3A_352, %mul3A_353 : i32
      %add3A_355 = arith.constant 0 : i32
      %add3A_356 = arith.addi %mul3A_354, %add3A_355 : i32
      %mul3A_357 = arith.constant 16 : i32
      %mul3A_358 = arith.muli %add3A_356, %mul3A_357 : i32
      %get3A = arith.index_cast %mul3A_358 : i32 to index
      %get3A_359 = tpu.vector_load %arg7[%get3A] {strides = array<i32>} : memref<8192xf32, #tpu.memory_space<vmem>>, vector<16xf32>,
      %get3A_360 = vector.shape_cast %get3A_359 : vector<16xf32> to vector<16xf32>
      %get3A_361 = arith.index_cast %mul3A_358 : i32 to index
      %get3A_362 = tpu.vector_load %arg5[%get3A_361] {strides = array<i32>} : memref<8192xf32, #tpu.memory_space<vmem>>, vector<16xf32>,
      %get3A_363 = vector.shape_cast %get3A_362 : vector<16xf32> to vector<16xf32>
      %add3A_364 = arith.addf %get3A_360, %get3A_363 : vector<16xf32>
      %swap3A = arith.index_cast %mul3A_358 : i32 to index
      %swap3A_365 = tpu.vector_load %arg7[%swap3A] {strides = array<i32>} : memref<8192xf32, #tpu.memory_space<vmem>>, vector<16xf32>,
      %swap3A_366 = vector.shape_cast %swap3A_365 : vector<16xf32> to vector<16xf32>
      %swap3A_367 = vector.shape_cast %add3A_364 : vector<16xf32> to vector<16xf32>
      tpu.vector_store %arg7[%swap3A], %swap3A_367 {strides = array<i32>} : memref<8192xf32, #tpu.memory_space<vmem>>, vector<16xf32>,
      %mul3A_368 = arith.constant 8 : i32
      %mul3A_369 = arith.muli %scan3A_352, %mul3A_368 : i32
      %add3A_370 = arith.constant 1 : i32
      %add3A_371 = arith.addi %mul3A_369, %add3A_370 : i32
      %mul3A_372 = arith.constant 16 : i32
      %mul3A_373 = arith.muli %add3A_371, %mul3A_372 : i32
      %get3A_374 = arith.index_cast %mul3A_373 : i32 to index
      %get3A_375 = tpu.vector_load %arg7[%get3A_374] {strides = array<i32>} : memref<8192xf32, #tpu.memory_space<vmem>>, vector<16xf32>,
      %get3A_376 = vector.shape_cast %get3A_375 : vector<16xf32> to vector<16xf32>
      %get3A_377 = arith.index_cast %mul3A_373 : i32 to index
      %get3A_378 = tpu.vector_load %arg5[%get3A_377] {strides = array<i32>} : memref<8192xf32, #tpu.memory_space<vmem>>, vector<16xf32>,
      %get3A_379 = vector.shape_cast %get3A_378 : vector<16xf32> to vector<16xf32>
      %add3A_380 = arith.addf %get3A_376, %get3A_379 : vector<16xf32>
      %swap3A_381 = arith.index_cast %mul3A_373 : i32 to index
      %swap3A_382 = tpu.vector_load %arg7[%swap3A_381] {strides = array<i32>} : memref<8192xf32, #tpu.memory_space<vmem>>, vector<16xf32>,
      %swap3A_383 = vector.shape_cast %swap3A_382 : vector<16xf32> to vector<16xf32>
      %swap3A_384 = vector.shape_cast %add3A_380 : vector<16xf32> to vector<16xf32>
      tpu.vector_store %arg7[%swap3A_381], %swap3A_384 {strides = array<i32>} : memref<8192xf32, #tpu.memory_space<vmem>>, vector<16xf32>,
      %mul3A_385 = arith.constant 8 : i32
      %mul3A_386 = arith.muli %scan3A_352, %mul3A_385 : i32
      %add3A_387 = arith.constant 2 : i32
      %add3A_388 = arith.addi %mul3A_386, %add3A_387 : i32
      %mul3A_389 = arith.constant 16 : i32
      %mul3A_390 = arith.muli %add3A_388, %mul3A_389 : i32
      %get3A_391 = arith.index_cast %mul3A_390 : i32 to index
      %get3A_392 = tpu.vector_load %arg7[%get3A_391] {strides = array<i32>} : memref<8192xf32, #tpu.memory_space<vmem>>, vector<16xf32>,
      %get3A_393 = vector.shape_cast %get3A_392 : vector<16xf32> to vector<16xf32>
      %get3A_394 = arith.index_cast %mul3A_390 : i32 to index
      %get3A_395 = tpu.vector_load %arg5[%get3A_394] {strides = array<i32>} : memref<8192xf32, #tpu.memory_space<vmem>>, vector<16xf32>,
      %get3A_396 = vector.shape_cast %get3A_395 : vector<16xf32> to vector<16xf32>
      %add3A_397 = arith.addf %get3A_393, %get3A_396 : vector<16xf32>
      %swap3A_398 = arith.index_cast %mul3A_390 : i32 to index
      %swap3A_399 = tpu.vector_load %arg7[%swap3A_398] {strides = array<i32>} : memref<8192xf32, #tpu.memory_space<vmem>>, vector<16xf32>,
      %swap3A_400 = vector.shape_cast %swap3A_399 : vector<16xf32> to vector<16xf32>
      %swap3A_401 = vector.shape_cast %add3A_397 : vector<16xf32> to vector<16xf32>
      tpu.vector_store %arg7[%swap3A_398], %swap3A_401 {strides = array<i32>} : memref<8192xf32, #tpu.memory_space<vmem>>, vector<16xf32>,
      %mul3A_402 = arith.constant 8 : i32
      %mul3A_403 = arith.muli %scan3A_352, %mul3A_402 : i32
      %add3A_404 = arith.constant 3 : i32
      %add3A_405 = arith.addi %mul3A_403, %add3A_404 : i32
      %mul3A_406 = arith.constant 16 : i32
      %mul3A_407 = arith.muli %add3A_405, %mul3A_406 : i32
      %get3A_408 = arith.index_cast %mul3A_407 : i32 to index
      %get3A_409 = tpu.vector_load %arg7[%get3A_408] {strides = array<i32>} : memref<8192xf32, #tpu.memory_space<vmem>>, vector<16xf32>,
      %get3A_410 = vector.shape_cast %get3A_409 : vector<16xf32> to vector<16xf32>
      %get3A_411 = arith.index_cast %mul3A_407 : i32 to index
      %get3A_412 = tpu.vector_load %arg5[%get3A_411] {strides = array<i32>} : memref<8192xf32, #tpu.memory_space<vmem>>, vector<16xf32>,
      %get3A_413 = vector.shape_cast %get3A_412 : vector<16xf32> to vector<16xf32>
      %add3A_414 = arith.addf %get3A_410, %get3A_413 : vector<16xf32>
      %swap3A_415 = arith.index_cast %mul3A_407 : i32 to index
      %swap3A_416 = tpu.vector_load %arg7[%swap3A_415] {strides = array<i32>} : memref<8192xf32, #tpu.memory_space<vmem>>, vector<16xf32>,
      %swap3A_417 = vector.shape_cast %swap3A_416 : vector<16xf32> to vector<16xf32>
      %swap3A_418 = vector.shape_cast %add3A_414 : vector<16xf32> to vector<16xf32>
      tpu.vector_store %arg7[%swap3A_415], %swap3A_418 {strides = array<i32>} : memref<8192xf32, #tpu.memory_space<vmem>>, vector<16xf32>,
      %mul3A_419 = arith.constant 8 : i32
      %mul3A_420 = arith.muli %scan3A_352, %mul3A_419 : i32
      %add3A_421 = arith.constant 4 : i32
      %add3A_422 = arith.addi %mul3A_420, %add3A_421 : i32
      %mul3A_423 = arith.constant 16 : i32
      %mul3A_424 = arith.muli %add3A_422, %mul3A_423 : i32
      %get3A_425 = arith.index_cast %mul3A_424 : i32 to index
      %get3A_426 = tpu.vector_load %arg7[%get3A_425] {strides = array<i32>} : memref<8192xf32, #tpu.memory_space<vmem>>, vector<16xf32>,
      %get3A_427 = vector.shape_cast %get3A_426 : vector<16xf32> to vector<16xf32>
      %get3A_428 = arith.index_cast %mul3A_424 : i32 to index
      %get3A_429 = tpu.vector_load %arg5[%get3A_428] {strides = array<i32>} : memref<8192xf32, #tpu.memory_space<vmem>>, vector<16xf32>,
      %get3A_430 = vector.shape_cast %get3A_429 : vector<16xf32> to vector<16xf32>
      %add3A_431 = arith.addf %get3A_427, %get3A_430 : vector<16xf32>
      %swap3A_432 = arith.index_cast %mul3A_424 : i32 to index
      %swap3A_433 = tpu.vector_load %arg7[%swap3A_432] {strides = array<i32>} : memref<8192xf32, #tpu.memory_space<vmem>>, vector<16xf32>,
      %swap3A_434 = vector.shape_cast %swap3A_433 : vector<16xf32> to vector<16xf32>
      %swap3A_435 = vector.shape_cast %add3A_431 : vector<16xf32> to vector<16xf32>
      tpu.vector_store %arg7[%swap3A_432], %swap3A_435 {strides = array<i32>} : memref<8192xf32, #tpu.memory_space<vmem>>, vector<16xf32>,
      %mul3A_436 = arith.constant 8 : i32
      %mul3A_437 = arith.muli %scan3A_352, %mul3A_436 : i32
      %add3A_438 = arith.constant 5 : i32
      %add3A_439 = arith.addi %mul3A_437, %add3A_438 : i32
      %mul3A_440 = arith.constant 16 : i32
      %mul3A_441 = arith.muli %add3A_439, %mul3A_440 : i32
      %get3A_442 = arith.index_cast %mul3A_441 : i32 to index
      %get3A_443 = tpu.vector_load %arg7[%get3A_442] {strides = array<i32>} : memref<8192xf32, #tpu.memory_space<vmem>>, vector<16xf32>,
      %get3A_444 = vector.shape_cast %get3A_443 : vector<16xf32> to vector<16xf32>
      %get3A_445 = arith.index_cast %mul3A_441 : i32 to index
      %get3A_446 = tpu.vector_load %arg5[%get3A_445] {strides = array<i32>} : memref<8192xf32, #tpu.memory_space<vmem>>, vector<16xf32>,
      %get3A_447 = vector.shape_cast %get3A_446 : vector<16xf32> to vector<16xf32>
      %add3A_448 = arith.addf %get3A_444, %get3A_447 : vector<16xf32>
      %swap3A_449 = arith.index_cast %mul3A_441 : i32 to index
      %swap3A_450 = tpu.vector_load %arg7[%swap3A_449] {strides = array<i32>} : memref<8192xf32, #tpu.memory_space<vmem>>, vector<16xf32>,
      %swap3A_451 = vector.shape_cast %swap3A_450 : vector<16xf32> to vector<16xf32>
      %swap3A_452 = vector.shape_cast %add3A_448 : vector<16xf32> to vector<16xf32>
      tpu.vector_store %arg7[%swap3A_449], %swap3A_452 {strides = array<i32>} : memref<8192xf32, #tpu.memory_space<vmem>>, vector<16xf32>,
      %mul3A_453 = arith.constant 8 : i32
      %mul3A_454 = arith.muli %scan3A_352, %mul3A_453 : i32
      %add3A_455 = arith.constant 6 : i32
      %add3A_456 = arith.addi %mul3A_454, %add3A_455 : i32
      %mul3A_457 = arith.constant 16 : i32
      %mul3A_458 = arith.muli %add3A_456, %mul3A_457 : i32
      %get3A_459 = arith.index_cast %mul3A_458 : i32 to index
      %get3A_460 = tpu.vector_load %arg7[%get3A_459] {strides = array<i32>} : memref<8192xf32, #tpu.memory_space<vmem>>, vector<16xf32>,
      %get3A_461 = vector.shape_cast %get3A_460 : vector<16xf32> to vector<16xf32>
      %get3A_462 = arith.index_cast %mul3A_458 : i32 to index
      %get3A_463 = tpu.vector_load %arg5[%get3A_462] {strides = array<i32>} : memref<8192xf32, #tpu.memory_space<vmem>>, vector<16xf32>,
      %get3A_464 = vector.shape_cast %get3A_463 : vector<16xf32> to vector<16xf32>
      %add3A_465 = arith.addf %get3A_461, %get3A_464 : vector<16xf32>
      %swap3A_466 = arith.index_cast %mul3A_458 : i32 to index
      %swap3A_467 = tpu.vector_load %arg7[%swap3A_466] {strides = array<i32>} : memref<8192xf32, #tpu.memory_space<vmem>>, vector<16xf32>,
      %swap3A_468 = vector.shape_cast %swap3A_467 : vector<16xf32> to vector<16xf32>
      %swap3A_469 = vector.shape_cast %add3A_465 : vector<16xf32> to vector<16xf32>
      tpu.vector_store %arg7[%swap3A_466], %swap3A_469 {strides = array<i32>} : memref<8192xf32, #tpu.memory_space<vmem>>, vector<16xf32>,
      %mul3A_470 = arith.constant 8 : i32
      %mul3A_471 = arith.muli %scan3A_352, %mul3A_470 : i32
      %add3A_472 = arith.constant 7 : i32
      %add3A_473 = arith.addi %mul3A_471, %add3A_472 : i32
      %mul3A_474 = arith.constant 16 : i32
      %mul3A_475 = arith.muli %add3A_473, %mul3A_474 : i32
      %get3A_476 = arith.index_cast %mul3A_475 : i32 to index
      %get3A_477 = tpu.vector_load %arg7[%get3A_476] {strides = array<i32>} : memref<8192xf32, #tpu.memory_space<vmem>>, vector<16xf32>,
      %get3A_478 = vector.shape_cast %get3A_477 : vector<16xf32> to vector<16xf32>
      %get3A_479 = arith.index_cast %mul3A_475 : i32 to index
      %get3A_480 = tpu.vector_load %arg5[%get3A_479] {strides = array<i32>} : memref<8192xf32, #tpu.memory_space<vmem>>, vector<16xf32>,
      %get3A_481 = vector.shape_cast %get3A_480 : vector<16xf32> to vector<16xf32>
      %add3A_482 = arith.addf %get3A_478, %get3A_481 : vector<16xf32>
      %swap3A_483 = arith.index_cast %mul3A_475 : i32 to index
      %swap3A_484 = tpu.vector_load %arg7[%swap3A_483] {strides = array<i32>} : memref<8192xf32, #tpu.memory_space<vmem>>, vector<16xf32>,
      %swap3A_485 = vector.shape_cast %swap3A_484 : vector<16xf32> to vector<16xf32>
      %swap3A_486 = vector.shape_cast %add3A_482 : vector<16xf32> to vector<16xf32>
      tpu.vector_store %arg7[%swap3A_483], %swap3A_486 {strides = array<i32>} : memref<8192xf32, #tpu.memory_space<vmem>>, vector<16xf32>,
    }
    %scan3A_285 = arith.constant 64 : i32
    %add3A_286 = arith.constant 98304 : i32
    %add3A_287 = arith.addi %mul3A_2, %add3A_286 : i32
    %dma_start3A_288 = tpu.memref_slice %arg4[%add3A_287] : memref<4194304xf32, #tpu.memory_space<hbm>> -> memref<8192xf32, #tpu.memory_space<hbm>>
    %dma_start3A_289 = tpu.memref_slice %arg4[%add3A_287] : memref<4194304xf32, #tpu.memory_space<hbm>> -> memref<8192xf32, #tpu.memory_space<hbm>>
    tpu.enqueue_dma source(%arg7 : memref<8192xf32, #tpu.memory_space<vmem>>) target(%dma_start3A_289 : memref<8192xf32, #tpu.memory_space<hbm>>) target_semaphore(%arg11 : memref<!tpu.dma_semaphore, #tpu.memory_space<semaphore_mem>>)
    %dma_wait3A_290 = tpu.memref_slice %arg4[%add3A_287] : memref<4194304xf32, #tpu.memory_space<hbm>> -> memref<8192xf32, #tpu.memory_space<hbm>>
    %dma_wait3A_291 = tpu.memref_slice %arg4[%add3A_287] : memref<4194304xf32, #tpu.memory_space<hbm>> -> memref<8192xf32, #tpu.memory_space<hbm>>
    tpu.wait_dma2 semaphore(%arg11 : memref<!tpu.dma_semaphore, #tpu.memory_space<semaphore_mem>>) src(%arg7 : memref<8192xf32, #tpu.memory_space<vmem>>) dst(%dma_wait3A_291 : memref<8192xf32, #tpu.memory_space<hbm>>)
    %add3A_292 = arith.constant 114688 : i32
    %add3A_293 = arith.addi %mul3A_2, %add3A_292 : i32
    %dma_start3A_294 = tpu.memref_slice %arg3[%add3A_293] : memref<4194304xf32, #tpu.memory_space<hbm>> -> memref<8192xf32, #tpu.memory_space<hbm>>
    %dma_start3A_295 = tpu.memref_slice %arg3[%add3A_293] : memref<4194304xf32, #tpu.memory_space<hbm>> -> memref<8192xf32, #tpu.memory_space<hbm>>
    tpu.enqueue_dma source(%dma_start3A_295 : memref<8192xf32, #tpu.memory_space<hbm>>) target(%arg5 : memref<8192xf32, #tpu.memory_space<vmem>>) target_semaphore(%arg9 : memref<!tpu.dma_semaphore, #tpu.memory_space<semaphore_mem>>)
    %dma_start3A_296 = tpu.memref_slice %arg2[%add3A_293] : memref<4194304xf32, #tpu.memory_space<hbm>> -> memref<8192xf32, #tpu.memory_space<hbm>>
    %dma_start3A_297 = tpu.memref_slice %arg2[%add3A_293] : memref<4194304xf32, #tpu.memory_space<hbm>> -> memref<8192xf32, #tpu.memory_space<hbm>>
    tpu.enqueue_dma source(%dma_start3A_297 : memref<8192xf32, #tpu.memory_space<hbm>>) target(%arg7 : memref<8192xf32, #tpu.memory_space<vmem>>) target_semaphore(%arg9 : memref<!tpu.dma_semaphore, #tpu.memory_space<semaphore_mem>>)
    %dma_wait3A_298 = tpu.memref_slice %arg3[%add3A_271] : memref<4194304xf32, #tpu.memory_space<hbm>> -> memref<8192xf32, #tpu.memory_space<hbm>>
    %dma_wait3A_299 = tpu.memref_slice %arg3[%add3A_271] : memref<4194304xf32, #tpu.memory_space<hbm>> -> memref<8192xf32, #tpu.memory_space<hbm>>
    tpu.wait_dma2 semaphore(%arg10 : memref<!tpu.dma_semaphore, #tpu.memory_space<semaphore_mem>>) src(%dma_wait3A_299 : memref<8192xf32, #tpu.memory_space<hbm>>) dst(%arg6 : memref<8192xf32, #tpu.memory_space<vmem>>)
    %dma_wait3A_300 = tpu.memref_slice %arg2[%add3A_271] : memref<4194304xf32, #tpu.memory_space<hbm>> -> memref<8192xf32, #tpu.memory_space<hbm>>
    %dma_wait3A_301 = tpu.memref_slice %arg2[%add3A_271] : memref<4194304xf32, #tpu.memory_space<hbm>> -> memref<8192xf32, #tpu.memory_space<hbm>>
    tpu.wait_dma2 semaphore(%arg10 : memref<!tpu.dma_semaphore, #tpu.memory_space<semaphore_mem>>) src(%dma_wait3A_301 : memref<8192xf32, #tpu.memory_space<hbm>>) dst(%arg8 : memref<8192xf32, #tpu.memory_space<vmem>>)
    %scan3A_302 = arith.constant 0 : i32
    %scan3A_303 = arith.constant 0 : i32
    %scan3A_304 = arith.constant 64 : i32
    %scan3A_305 = arith.addi %scan3A_303, %scan3A_304 : i32
    %scan3A_306 = arith.constant 1 : i32
    scf.for %scan3A_352 = %scan3A_303 to %scan3A_305 step %scan3A_306  : i32 {
      %mul3A_353 = arith.constant 8 : i32
      %mul3A_354 = arith.muli %scan3A_352, %mul3A_353 : i32
      %add3A_355 = arith.constant 0 : i32
      %add3A_356 = arith.addi %mul3A_354, %add3A_355 : i32
      %mul3A_357 = arith.constant 16 : i32
      %mul3A_358 = arith.muli %add3A_356, %mul3A_357 : i32
      %get3A = arith.index_cast %mul3A_358 : i32 to index
      %get3A_359 = tpu.vector_load %arg8[%get3A] {strides = array<i32>} : memref<8192xf32, #tpu.memory_space<vmem>>, vector<16xf32>,
      %get3A_360 = vector.shape_cast %get3A_359 : vector<16xf32> to vector<16xf32>
      %get3A_361 = arith.index_cast %mul3A_358 : i32 to index
      %get3A_362 = tpu.vector_load %arg6[%get3A_361] {strides = array<i32>} : memref<8192xf32, #tpu.memory_space<vmem>>, vector<16xf32>,
      %get3A_363 = vector.shape_cast %get3A_362 : vector<16xf32> to vector<16xf32>
      %add3A_364 = arith.addf %get3A_360, %get3A_363 : vector<16xf32>
      %swap3A = arith.index_cast %mul3A_358 : i32 to index
      %swap3A_365 = tpu.vector_load %arg8[%swap3A] {strides = array<i32>} : memref<8192xf32, #tpu.memory_space<vmem>>, vector<16xf32>,
      %swap3A_366 = vector.shape_cast %swap3A_365 : vector<16xf32> to vector<16xf32>
      %swap3A_367 = vector.shape_cast %add3A_364 : vector<16xf32> to vector<16xf32>
      tpu.vector_store %arg8[%swap3A], %swap3A_367 {strides = array<i32>} : memref<8192xf32, #tpu.memory_space<vmem>>, vector<16xf32>,
      %mul3A_368 = arith.constant 8 : i32
      %mul3A_369 = arith.muli %scan3A_352, %mul3A_368 : i32
      %add3A_370 = arith.constant 1 : i32
      %add3A_371 = arith.addi %mul3A_369, %add3A_370 : i32
      %mul3A_372 = arith.constant 16 : i32
      %mul3A_373 = arith.muli %add3A_371, %mul3A_372 : i32
      %get3A_374 = arith.index_cast %mul3A_373 : i32 to index
      %get3A_375 = tpu.vector_load %arg8[%get3A_374] {strides = array<i32>} : memref<8192xf32, #tpu.memory_space<vmem>>, vector<16xf32>,
      %get3A_376 = vector.shape_cast %get3A_375 : vector<16xf32> to vector<16xf32>
      %get3A_377 = arith.index_cast %mul3A_373 : i32 to index
      %get3A_378 = tpu.vector_load %arg6[%get3A_377] {strides = array<i32>} : memref<8192xf32, #tpu.memory_space<vmem>>, vector<16xf32>,
      %get3A_379 = vector.shape_cast %get3A_378 : vector<16xf32> to vector<16xf32>
      %add3A_380 = arith.addf %get3A_376, %get3A_379 : vector<16xf32>
      %swap3A_381 = arith.index_cast %mul3A_373 : i32 to index
      %swap3A_382 = tpu.vector_load %arg8[%swap3A_381] {strides = array<i32>} : memref<8192xf32, #tpu.memory_space<vmem>>, vector<16xf32>,
      %swap3A_383 = vector.shape_cast %swap3A_382 : vector<16xf32> to vector<16xf32>
      %swap3A_384 = vector.shape_cast %add3A_380 : vector<16xf32> to vector<16xf32>
      tpu.vector_store %arg8[%swap3A_381], %swap3A_384 {strides = array<i32>} : memref<8192xf32, #tpu.memory_space<vmem>>, vector<16xf32>,
      %mul3A_385 = arith.constant 8 : i32
      %mul3A_386 = arith.muli %scan3A_352, %mul3A_385 : i32
      %add3A_387 = arith.constant 2 : i32
      %add3A_388 = arith.addi %mul3A_386, %add3A_387 : i32
      %mul3A_389 = arith.constant 16 : i32
      %mul3A_390 = arith.muli %add3A_388, %mul3A_389 : i32
      %get3A_391 = arith.index_cast %mul3A_390 : i32 to index
      %get3A_392 = tpu.vector_load %arg8[%get3A_391] {strides = array<i32>} : memref<8192xf32, #tpu.memory_space<vmem>>, vector<16xf32>,
      %get3A_393 = vector.shape_cast %get3A_392 : vector<16xf32> to vector<16xf32>
      %get3A_394 = arith.index_cast %mul3A_390 : i32 to index
      %get3A_395 = tpu.vector_load %arg6[%get3A_394] {strides = array<i32>} : memref<8192xf32, #tpu.memory_space<vmem>>, vector<16xf32>,
      %get3A_396 = vector.shape_cast %get3A_395 : vector<16xf32> to vector<16xf32>
      %add3A_397 = arith.addf %get3A_393, %get3A_396 : vector<16xf32>
      %swap3A_398 = arith.index_cast %mul3A_390 : i32 to index
      %swap3A_399 = tpu.vector_load %arg8[%swap3A_398] {strides = array<i32>} : memref<8192xf32, #tpu.memory_space<vmem>>, vector<16xf32>,
      %swap3A_400 = vector.shape_cast %swap3A_399 : vector<16xf32> to vector<16xf32>
      %swap3A_401 = vector.shape_cast %add3A_397 : vector<16xf32> to vector<16xf32>
      tpu.vector_store %arg8[%swap3A_398], %swap3A_401 {strides = array<i32>} : memref<8192xf32, #tpu.memory_space<vmem>>, vector<16xf32>,
      %mul3A_402 = arith.constant 8 : i32
      %mul3A_403 = arith.muli %scan3A_352, %mul3A_402 : i32
      %add3A_404 = arith.constant 3 : i32
      %add3A_405 = arith.addi %mul3A_403, %add3A_404 : i32
      %mul3A_406 = arith.constant 16 : i32
      %mul3A_407 = arith.muli %add3A_405, %mul3A_406 : i32
      %get3A_408 = arith.index_cast %mul3A_407 : i32 to index
      %get3A_409 = tpu.vector_load %arg8[%get3A_408] {strides = array<i32>} : memref<8192xf32, #tpu.memory_space<vmem>>, vector<16xf32>,
      %get3A_410 = vector.shape_cast %get3A_409 : vector<16xf32> to vector<16xf32>
      %get3A_411 = arith.index_cast %mul3A_407 : i32 to index
      %get3A_412 = tpu.vector_load %arg6[%get3A_411] {strides = array<i32>} : memref<8192xf32, #tpu.memory_space<vmem>>, vector<16xf32>,
      %get3A_413 = vector.shape_cast %get3A_412 : vector<16xf32> to vector<16xf32>
      %add3A_414 = arith.addf %get3A_410, %get3A_413 : vector<16xf32>
      %swap3A_415 = arith.index_cast %mul3A_407 : i32 to index
      %swap3A_416 = tpu.vector_load %arg8[%swap3A_415] {strides = array<i32>} : memref<8192xf32, #tpu.memory_space<vmem>>, vector<16xf32>,
      %swap3A_417 = vector.shape_cast %swap3A_416 : vector<16xf32> to vector<16xf32>
      %swap3A_418 = vector.shape_cast %add3A_414 : vector<16xf32> to vector<16xf32>
      tpu.vector_store %arg8[%swap3A_415], %swap3A_418 {strides = array<i32>} : memref<8192xf32, #tpu.memory_space<vmem>>, vector<16xf32>,
      %mul3A_419 = arith.constant 8 : i32
      %mul3A_420 = arith.muli %scan3A_352, %mul3A_419 : i32
      %add3A_421 = arith.constant 4 : i32
      %add3A_422 = arith.addi %mul3A_420, %add3A_421 : i32
      %mul3A_423 = arith.constant 16 : i32
      %mul3A_424 = arith.muli %add3A_422, %mul3A_423 : i32
      %get3A_425 = arith.index_cast %mul3A_424 : i32 to index
      %get3A_426 = tpu.vector_load %arg8[%get3A_425] {strides = array<i32>} : memref<8192xf32, #tpu.memory_space<vmem>>, vector<16xf32>,
      %get3A_427 = vector.shape_cast %get3A_426 : vector<16xf32> to vector<16xf32>
      %get3A_428 = arith.index_cast %mul3A_424 : i32 to index
      %get3A_429 = tpu.vector_load %arg6[%get3A_428] {strides = array<i32>} : memref<8192xf32, #tpu.memory_space<vmem>>, vector<16xf32>,
      %get3A_430 = vector.shape_cast %get3A_429 : vector<16xf32> to vector<16xf32>
      %add3A_431 = arith.addf %get3A_427, %get3A_430 : vector<16xf32>
      %swap3A_432 = arith.index_cast %mul3A_424 : i32 to index
      %swap3A_433 = tpu.vector_load %arg8[%swap3A_432] {strides = array<i32>} : memref<8192xf32, #tpu.memory_space<vmem>>, vector<16xf32>,
      %swap3A_434 = vector.shape_cast %swap3A_433 : vector<16xf32> to vector<16xf32>
      %swap3A_435 = vector.shape_cast %add3A_431 : vector<16xf32> to vector<16xf32>
      tpu.vector_store %arg8[%swap3A_432], %swap3A_435 {strides = array<i32>} : memref<8192xf32, #tpu.memory_space<vmem>>, vector<16xf32>,
      %mul3A_436 = arith.constant 8 : i32
      %mul3A_437 = arith.muli %scan3A_352, %mul3A_436 : i32
      %add3A_438 = arith.constant 5 : i32
      %add3A_439 = arith.addi %mul3A_437, %add3A_438 : i32
      %mul3A_440 = arith.constant 16 : i32
      %mul3A_441 = arith.muli %add3A_439, %mul3A_440 : i32
      %get3A_442 = arith.index_cast %mul3A_441 : i32 to index
      %get3A_443 = tpu.vector_load %arg8[%get3A_442] {strides = array<i32>} : memref<8192xf32, #tpu.memory_space<vmem>>, vector<16xf32>,
      %get3A_444 = vector.shape_cast %get3A_443 : vector<16xf32> to vector<16xf32>
      %get3A_445 = arith.index_cast %mul3A_441 : i32 to index
      %get3A_446 = tpu.vector_load %arg6[%get3A_445] {strides = array<i32>} : memref<8192xf32, #tpu.memory_space<vmem>>, vector<16xf32>,
      %get3A_447 = vector.shape_cast %get3A_446 : vector<16xf32> to vector<16xf32>
      %add3A_448 = arith.addf %get3A_444, %get3A_447 : vector<16xf32>
      %swap3A_449 = arith.index_cast %mul3A_441 : i32 to index
      %swap3A_450 = tpu.vector_load %arg8[%swap3A_449] {strides = array<i32>} : memref<8192xf32, #tpu.memory_space<vmem>>, vector<16xf32>,
      %swap3A_451 = vector.shape_cast %swap3A_450 : vector<16xf32> to vector<16xf32>
      %swap3A_452 = vector.shape_cast %add3A_448 : vector<16xf32> to vector<16xf32>
      tpu.vector_store %arg8[%swap3A_449], %swap3A_452 {strides = array<i32>} : memref<8192xf32, #tpu.memory_space<vmem>>, vector<16xf32>,
      %mul3A_453 = arith.constant 8 : i32
      %mul3A_454 = arith.muli %scan3A_352, %mul3A_453 : i32
      %add3A_455 = arith.constant 6 : i32
      %add3A_456 = arith.addi %mul3A_454, %add3A_455 : i32
      %mul3A_457 = arith.constant 16 : i32
      %mul3A_458 = arith.muli %add3A_456, %mul3A_457 : i32
      %get3A_459 = arith.index_cast %mul3A_458 : i32 to index
      %get3A_460 = tpu.vector_load %arg8[%get3A_459] {strides = array<i32>} : memref<8192xf32, #tpu.memory_space<vmem>>, vector<16xf32>,
      %get3A_461 = vector.shape_cast %get3A_460 : vector<16xf32> to vector<16xf32>
      %get3A_462 = arith.index_cast %mul3A_458 : i32 to index
      %get3A_463 = tpu.vector_load %arg6[%get3A_462] {strides = array<i32>} : memref<8192xf32, #tpu.memory_space<vmem>>, vector<16xf32>,
      %get3A_464 = vector.shape_cast %get3A_463 : vector<16xf32> to vector<16xf32>
      %add3A_465 = arith.addf %get3A_461, %get3A_464 : vector<16xf32>
      %swap3A_466 = arith.index_cast %mul3A_458 : i32 to index
      %swap3A_467 = tpu.vector_load %arg8[%swap3A_466] {strides = array<i32>} : memref<8192xf32, #tpu.memory_space<vmem>>, vector<16xf32>,
      %swap3A_468 = vector.shape_cast %swap3A_467 : vector<16xf32> to vector<16xf32>
      %swap3A_469 = vector.shape_cast %add3A_465 : vector<16xf32> to vector<16xf32>
      tpu.vector_store %arg8[%swap3A_466], %swap3A_469 {strides = array<i32>} : memref<8192xf32, #tpu.memory_space<vmem>>, vector<16xf32>,
      %mul3A_470 = arith.constant 8 : i32
      %mul3A_471 = arith.muli %scan3A_352, %mul3A_470 : i32
      %add3A_472 = arith.constant 7 : i32
      %add3A_473 = arith.addi %mul3A_471, %add3A_472 : i32
      %mul3A_474 = arith.constant 16 : i32
      %mul3A_475 = arith.muli %add3A_473, %mul3A_474 : i32
      %get3A_476 = arith.index_cast %mul3A_475 : i32 to index
      %get3A_477 = tpu.vector_load %arg8[%get3A_476] {strides = array<i32>} : memref<8192xf32, #tpu.memory_space<vmem>>, vector<16xf32>,
      %get3A_478 = vector.shape_cast %get3A_477 : vector<16xf32> to vector<16xf32>
      %get3A_479 = arith.index_cast %mul3A_475 : i32 to index
      %get3A_480 = tpu.vector_load %arg6[%get3A_479] {strides = array<i32>} : memref<8192xf32, #tpu.memory_space<vmem>>, vector<16xf32>,
      %get3A_481 = vector.shape_cast %get3A_480 : vector<16xf32> to vector<16xf32>
      %add3A_482 = arith.addf %get3A_478, %get3A_481 : vector<16xf32>
      %swap3A_483 = arith.index_cast %mul3A_475 : i32 to index
      %swap3A_484 = tpu.vector_load %arg8[%swap3A_483] {strides = array<i32>} : memref<8192xf32, #tpu.memory_space<vmem>>, vector<16xf32>,
      %swap3A_485 = vector.shape_cast %swap3A_484 : vector<16xf32> to vector<16xf32>
      %swap3A_486 = vector.shape_cast %add3A_482 : vector<16xf32> to vector<16xf32>
      tpu.vector_store %arg8[%swap3A_483], %swap3A_486 {strides = array<i32>} : memref<8192xf32, #tpu.memory_space<vmem>>, vector<16xf32>,
    }
    %scan3A_307 = arith.constant 64 : i32
    %add3A_308 = arith.constant 106496 : i32
    %add3A_309 = arith.addi %mul3A_2, %add3A_308 : i32
    %dma_start3A_310 = tpu.memref_slice %arg4[%add3A_309] : memref<4194304xf32, #tpu.memory_space<hbm>> -> memref<8192xf32, #tpu.memory_space<hbm>>
    %dma_start3A_311 = tpu.memref_slice %arg4[%add3A_309] : memref<4194304xf32, #tpu.memory_space<hbm>> -> memref<8192xf32, #tpu.memory_space<hbm>>
    tpu.enqueue_dma source(%arg8 : memref<8192xf32, #tpu.memory_space<vmem>>) target(%dma_start3A_311 : memref<8192xf32, #tpu.memory_space<hbm>>) target_semaphore(%arg12 : memref<!tpu.dma_semaphore, #tpu.memory_space<semaphore_mem>>)
    %dma_wait3A_312 = tpu.memref_slice %arg4[%add3A_309] : memref<4194304xf32, #tpu.memory_space<hbm>> -> memref<8192xf32, #tpu.memory_space<hbm>>
    %dma_wait3A_313 = tpu.memref_slice %arg4[%add3A_309] : memref<4194304xf32, #tpu.memory_space<hbm>> -> memref<8192xf32, #tpu.memory_space<hbm>>
    tpu.wait_dma2 semaphore(%arg12 : memref<!tpu.dma_semaphore, #tpu.memory_space<semaphore_mem>>) src(%arg8 : memref<8192xf32, #tpu.memory_space<vmem>>) dst(%dma_wait3A_313 : memref<8192xf32, #tpu.memory_space<hbm>>)
    %add3A_314 = arith.constant 122880 : i32
    %add3A_315 = arith.addi %mul3A_2, %add3A_314 : i32
    %dma_start3A_316 = tpu.memref_slice %arg3[%add3A_315] : memref<4194304xf32, #tpu.memory_space<hbm>> -> memref<8192xf32, #tpu.memory_space<hbm>>
    %dma_start3A_317 = tpu.memref_slice %arg3[%add3A_315] : memref<4194304xf32, #tpu.memory_space<hbm>> -> memref<8192xf32, #tpu.memory_space<hbm>>
    tpu.enqueue_dma source(%dma_start3A_317 : memref<8192xf32, #tpu.memory_space<hbm>>) target(%arg6 : memref<8192xf32, #tpu.memory_space<vmem>>) target_semaphore(%arg10 : memref<!tpu.dma_semaphore, #tpu.memory_space<semaphore_mem>>)
    %dma_start3A_318 = tpu.memref_slice %arg2[%add3A_315] : memref<4194304xf32, #tpu.memory_space<hbm>> -> memref<8192xf32, #tpu.memory_space<hbm>>
    %dma_start3A_319 = tpu.memref_slice %arg2[%add3A_315] : memref<4194304xf32, #tpu.memory_space<hbm>> -> memref<8192xf32, #tpu.memory_space<hbm>>
    tpu.enqueue_dma source(%dma_start3A_319 : memref<8192xf32, #tpu.memory_space<hbm>>) target(%arg8 : memref<8192xf32, #tpu.memory_space<vmem>>) target_semaphore(%arg10 : memref<!tpu.dma_semaphore, #tpu.memory_space<semaphore_mem>>)
    %dma_wait3A_320 = tpu.memref_slice %arg3[%add3A_293] : memref<4194304xf32, #tpu.memory_space<hbm>> -> memref<8192xf32, #tpu.memory_space<hbm>>
    %dma_wait3A_321 = tpu.memref_slice %arg3[%add3A_293] : memref<4194304xf32, #tpu.memory_space<hbm>> -> memref<8192xf32, #tpu.memory_space<hbm>>
    tpu.wait_dma2 semaphore(%arg9 : memref<!tpu.dma_semaphore, #tpu.memory_space<semaphore_mem>>) src(%dma_wait3A_321 : memref<8192xf32, #tpu.memory_space<hbm>>) dst(%arg5 : memref<8192xf32, #tpu.memory_space<vmem>>)
    %dma_wait3A_322 = tpu.memref_slice %arg2[%add3A_293] : memref<4194304xf32, #tpu.memory_space<hbm>> -> memref<8192xf32, #tpu.memory_space<hbm>>
    %dma_wait3A_323 = tpu.memref_slice %arg2[%add3A_293] : memref<4194304xf32, #tpu.memory_space<hbm>> -> memref<8192xf32, #tpu.memory_space<hbm>>
    tpu.wait_dma2 semaphore(%arg9 : memref<!tpu.dma_semaphore, #tpu.memory_space<semaphore_mem>>) src(%dma_wait3A_323 : memref<8192xf32, #tpu.memory_space<hbm>>) dst(%arg7 : memref<8192xf32, #tpu.memory_space<vmem>>)
    %scan3A_324 = arith.constant 0 : i32
    %scan3A_325 = arith.constant 0 : i32
    %scan3A_326 = arith.constant 64 : i32
    %scan3A_327 = arith.addi %scan3A_325, %scan3A_326 : i32
    %scan3A_328 = arith.constant 1 : i32
    scf.for %scan3A_352 = %scan3A_325 to %scan3A_327 step %scan3A_328  : i32 {
      %mul3A_353 = arith.constant 8 : i32
      %mul3A_354 = arith.muli %scan3A_352, %mul3A_353 : i32
      %add3A_355 = arith.constant 0 : i32
      %add3A_356 = arith.addi %mul3A_354, %add3A_355 : i32
      %mul3A_357 = arith.constant 16 : i32
      %mul3A_358 = arith.muli %add3A_356, %mul3A_357 : i32
      %get3A = arith.index_cast %mul3A_358 : i32 to index
      %get3A_359 = tpu.vector_load %arg7[%get3A] {strides = array<i32>} : memref<8192xf32, #tpu.memory_space<vmem>>, vector<16xf32>,
      %get3A_360 = vector.shape_cast %get3A_359 : vector<16xf32> to vector<16xf32>
      %get3A_361 = arith.index_cast %mul3A_358 : i32 to index
      %get3A_362 = tpu.vector_load %arg5[%get3A_361] {strides = array<i32>} : memref<8192xf32, #tpu.memory_space<vmem>>, vector<16xf32>,
      %get3A_363 = vector.shape_cast %get3A_362 : vector<16xf32> to vector<16xf32>
      %add3A_364 = arith.addf %get3A_360, %get3A_363 : vector<16xf32>
      %swap3A = arith.index_cast %mul3A_358 : i32 to index
      %swap3A_365 = tpu.vector_load %arg7[%swap3A] {strides = array<i32>} : memref<8192xf32, #tpu.memory_space<vmem>>, vector<16xf32>,
      %swap3A_366 = vector.shape_cast %swap3A_365 : vector<16xf32> to vector<16xf32>
      %swap3A_367 = vector.shape_cast %add3A_364 : vector<16xf32> to vector<16xf32>
      tpu.vector_store %arg7[%swap3A], %swap3A_367 {strides = array<i32>} : memref<8192xf32, #tpu.memory_space<vmem>>, vector<16xf32>,
      %mul3A_368 = arith.constant 8 : i32
      %mul3A_369 = arith.muli %scan3A_352, %mul3A_368 : i32
      %add3A_370 = arith.constant 1 : i32
      %add3A_371 = arith.addi %mul3A_369, %add3A_370 : i32
      %mul3A_372 = arith.constant 16 : i32
      %mul3A_373 = arith.muli %add3A_371, %mul3A_372 : i32
      %get3A_374 = arith.index_cast %mul3A_373 : i32 to index
      %get3A_375 = tpu.vector_load %arg7[%get3A_374] {strides = array<i32>} : memref<8192xf32, #tpu.memory_space<vmem>>, vector<16xf32>,
      %get3A_376 = vector.shape_cast %get3A_375 : vector<16xf32> to vector<16xf32>
      %get3A_377 = arith.index_cast %mul3A_373 : i32 to index
      %get3A_378 = tpu.vector_load %arg5[%get3A_377] {strides = array<i32>} : memref<8192xf32, #tpu.memory_space<vmem>>, vector<16xf32>,
      %get3A_379 = vector.shape_cast %get3A_378 : vector<16xf32> to vector<16xf32>
      %add3A_380 = arith.addf %get3A_376, %get3A_379 : vector<16xf32>
      %swap3A_381 = arith.index_cast %mul3A_373 : i32 to index
      %swap3A_382 = tpu.vector_load %arg7[%swap3A_381] {strides = array<i32>} : memref<8192xf32, #tpu.memory_space<vmem>>, vector<16xf32>,
      %swap3A_383 = vector.shape_cast %swap3A_382 : vector<16xf32> to vector<16xf32>
      %swap3A_384 = vector.shape_cast %add3A_380 : vector<16xf32> to vector<16xf32>
      tpu.vector_store %arg7[%swap3A_381], %swap3A_384 {strides = array<i32>} : memref<8192xf32, #tpu.memory_space<vmem>>, vector<16xf32>,
      %mul3A_385 = arith.constant 8 : i32
      %mul3A_386 = arith.muli %scan3A_352, %mul3A_385 : i32
      %add3A_387 = arith.constant 2 : i32
      %add3A_388 = arith.addi %mul3A_386, %add3A_387 : i32
      %mul3A_389 = arith.constant 16 : i32
      %mul3A_390 = arith.muli %add3A_388, %mul3A_389 : i32
      %get3A_391 = arith.index_cast %mul3A_390 : i32 to index
      %get3A_392 = tpu.vector_load %arg7[%get3A_391] {strides = array<i32>} : memref<8192xf32, #tpu.memory_space<vmem>>, vector<16xf32>,
      %get3A_393 = vector.shape_cast %get3A_392 : vector<16xf32> to vector<16xf32>
      %get3A_394 = arith.index_cast %mul3A_390 : i32 to index
      %get3A_395 = tpu.vector_load %arg5[%get3A_394] {strides = array<i32>} : memref<8192xf32, #tpu.memory_space<vmem>>, vector<16xf32>,
      %get3A_396 = vector.shape_cast %get3A_395 : vector<16xf32> to vector<16xf32>
      %add3A_397 = arith.addf %get3A_393, %get3A_396 : vector<16xf32>
      %swap3A_398 = arith.index_cast %mul3A_390 : i32 to index
      %swap3A_399 = tpu.vector_load %arg7[%swap3A_398] {strides = array<i32>} : memref<8192xf32, #tpu.memory_space<vmem>>, vector<16xf32>,
      %swap3A_400 = vector.shape_cast %swap3A_399 : vector<16xf32> to vector<16xf32>
      %swap3A_401 = vector.shape_cast %add3A_397 : vector<16xf32> to vector<16xf32>
      tpu.vector_store %arg7[%swap3A_398], %swap3A_401 {strides = array<i32>} : memref<8192xf32, #tpu.memory_space<vmem>>, vector<16xf32>,
      %mul3A_402 = arith.constant 8 : i32
      %mul3A_403 = arith.muli %scan3A_352, %mul3A_402 : i32
      %add3A_404 = arith.constant 3 : i32
      %add3A_405 = arith.addi %mul3A_403, %add3A_404 : i32
      %mul3A_406 = arith.constant 16 : i32
      %mul3A_407 = arith.muli %add3A_405, %mul3A_406 : i32
      %get3A_408 = arith.index_cast %mul3A_407 : i32 to index
      %get3A_409 = tpu.vector_load %arg7[%get3A_408] {strides = array<i32>} : memref<8192xf32, #tpu.memory_space<vmem>>, vector<16xf32>,
      %get3A_410 = vector.shape_cast %get3A_409 : vector<16xf32> to vector<16xf32>
      %get3A_411 = arith.index_cast %mul3A_407 : i32 to index
      %get3A_412 = tpu.vector_load %arg5[%get3A_411] {strides = array<i32>} : memref<8192xf32, #tpu.memory_space<vmem>>, vector<16xf32>,
      %get3A_413 = vector.shape_cast %get3A_412 : vector<16xf32> to vector<16xf32>
      %add3A_414 = arith.addf %get3A_410, %get3A_413 : vector<16xf32>
      %swap3A_415 = arith.index_cast %mul3A_407 : i32 to index
      %swap3A_416 = tpu.vector_load %arg7[%swap3A_415] {strides = array<i32>} : memref<8192xf32, #tpu.memory_space<vmem>>, vector<16xf32>,
      %swap3A_417 = vector.shape_cast %swap3A_416 : vector<16xf32> to vector<16xf32>
      %swap3A_418 = vector.shape_cast %add3A_414 : vector<16xf32> to vector<16xf32>
      tpu.vector_store %arg7[%swap3A_415], %swap3A_418 {strides = array<i32>} : memref<8192xf32, #tpu.memory_space<vmem>>, vector<16xf32>,
      %mul3A_419 = arith.constant 8 : i32
      %mul3A_420 = arith.muli %scan3A_352, %mul3A_419 : i32
      %add3A_421 = arith.constant 4 : i32
      %add3A_422 = arith.addi %mul3A_420, %add3A_421 : i32
      %mul3A_423 = arith.constant 16 : i32
      %mul3A_424 = arith.muli %add3A_422, %mul3A_423 : i32
      %get3A_425 = arith.index_cast %mul3A_424 : i32 to index
      %get3A_426 = tpu.vector_load %arg7[%get3A_425] {strides = array<i32>} : memref<8192xf32, #tpu.memory_space<vmem>>, vector<16xf32>,
      %get3A_427 = vector.shape_cast %get3A_426 : vector<16xf32> to vector<16xf32>
      %get3A_428 = arith.index_cast %mul3A_424 : i32 to index
      %get3A_429 = tpu.vector_load %arg5[%get3A_428] {strides = array<i32>} : memref<8192xf32, #tpu.memory_space<vmem>>, vector<16xf32>,
      %get3A_430 = vector.shape_cast %get3A_429 : vector<16xf32> to vector<16xf32>
      %add3A_431 = arith.addf %get3A_427, %get3A_430 : vector<16xf32>
      %swap3A_432 = arith.index_cast %mul3A_424 : i32 to index
      %swap3A_433 = tpu.vector_load %arg7[%swap3A_432] {strides = array<i32>} : memref<8192xf32, #tpu.memory_space<vmem>>, vector<16xf32>,
      %swap3A_434 = vector.shape_cast %swap3A_433 : vector<16xf32> to vector<16xf32>
      %swap3A_435 = vector.shape_cast %add3A_431 : vector<16xf32> to vector<16xf32>
      tpu.vector_store %arg7[%swap3A_432], %swap3A_435 {strides = array<i32>} : memref<8192xf32, #tpu.memory_space<vmem>>, vector<16xf32>,
      %mul3A_436 = arith.constant 8 : i32
      %mul3A_437 = arith.muli %scan3A_352, %mul3A_436 : i32
      %add3A_438 = arith.constant 5 : i32
      %add3A_439 = arith.addi %mul3A_437, %add3A_438 : i32
      %mul3A_440 = arith.constant 16 : i32
      %mul3A_441 = arith.muli %add3A_439, %mul3A_440 : i32
      %get3A_442 = arith.index_cast %mul3A_441 : i32 to index
      %get3A_443 = tpu.vector_load %arg7[%get3A_442] {strides = array<i32>} : memref<8192xf32, #tpu.memory_space<vmem>>, vector<16xf32>,
      %get3A_444 = vector.shape_cast %get3A_443 : vector<16xf32> to vector<16xf32>
      %get3A_445 = arith.index_cast %mul3A_441 : i32 to index
      %get3A_446 = tpu.vector_load %arg5[%get3A_445] {strides = array<i32>} : memref<8192xf32, #tpu.memory_space<vmem>>, vector<16xf32>,
      %get3A_447 = vector.shape_cast %get3A_446 : vector<16xf32> to vector<16xf32>
      %add3A_448 = arith.addf %get3A_444, %get3A_447 : vector<16xf32>
      %swap3A_449 = arith.index_cast %mul3A_441 : i32 to index
      %swap3A_450 = tpu.vector_load %arg7[%swap3A_449] {strides = array<i32>} : memref<8192xf32, #tpu.memory_space<vmem>>, vector<16xf32>,
      %swap3A_451 = vector.shape_cast %swap3A_450 : vector<16xf32> to vector<16xf32>
      %swap3A_452 = vector.shape_cast %add3A_448 : vector<16xf32> to vector<16xf32>
      tpu.vector_store %arg7[%swap3A_449], %swap3A_452 {strides = array<i32>} : memref<8192xf32, #tpu.memory_space<vmem>>, vector<16xf32>,
      %mul3A_453 = arith.constant 8 : i32
      %mul3A_454 = arith.muli %scan3A_352, %mul3A_453 : i32
      %add3A_455 = arith.constant 6 : i32
      %add3A_456 = arith.addi %mul3A_454, %add3A_455 : i32
      %mul3A_457 = arith.constant 16 : i32
      %mul3A_458 = arith.muli %add3A_456, %mul3A_457 : i32
      %get3A_459 = arith.index_cast %mul3A_458 : i32 to index
      %get3A_460 = tpu.vector_load %arg7[%get3A_459] {strides = array<i32>} : memref<8192xf32, #tpu.memory_space<vmem>>, vector<16xf32>,
      %get3A_461 = vector.shape_cast %get3A_460 : vector<16xf32> to vector<16xf32>
      %get3A_462 = arith.index_cast %mul3A_458 : i32 to index
      %get3A_463 = tpu.vector_load %arg5[%get3A_462] {strides = array<i32>} : memref<8192xf32, #tpu.memory_space<vmem>>, vector<16xf32>,
      %get3A_464 = vector.shape_cast %get3A_463 : vector<16xf32> to vector<16xf32>
      %add3A_465 = arith.addf %get3A_461, %get3A_464 : vector<16xf32>
      %swap3A_466 = arith.index_cast %mul3A_458 : i32 to index
      %swap3A_467 = tpu.vector_load %arg7[%swap3A_466] {strides = array<i32>} : memref<8192xf32, #tpu.memory_space<vmem>>, vector<16xf32>,
      %swap3A_468 = vector.shape_cast %swap3A_467 : vector<16xf32> to vector<16xf32>
      %swap3A_469 = vector.shape_cast %add3A_465 : vector<16xf32> to vector<16xf32>
      tpu.vector_store %arg7[%swap3A_466], %swap3A_469 {strides = array<i32>} : memref<8192xf32, #tpu.memory_space<vmem>>, vector<16xf32>,
      %mul3A_470 = arith.constant 8 : i32
      %mul3A_471 = arith.muli %scan3A_352, %mul3A_470 : i32
      %add3A_472 = arith.constant 7 : i32
      %add3A_473 = arith.addi %mul3A_471, %add3A_472 : i32
      %mul3A_474 = arith.constant 16 : i32
      %mul3A_475 = arith.muli %add3A_473, %mul3A_474 : i32
      %get3A_476 = arith.index_cast %mul3A_475 : i32 to index
      %get3A_477 = tpu.vector_load %arg7[%get3A_476] {strides = array<i32>} : memref<8192xf32, #tpu.memory_space<vmem>>, vector<16xf32>,
      %get3A_478 = vector.shape_cast %get3A_477 : vector<16xf32> to vector<16xf32>
      %get3A_479 = arith.index_cast %mul3A_475 : i32 to index
      %get3A_480 = tpu.vector_load %arg5[%get3A_479] {strides = array<i32>} : memref<8192xf32, #tpu.memory_space<vmem>>, vector<16xf32>,
      %get3A_481 = vector.shape_cast %get3A_480 : vector<16xf32> to vector<16xf32>
      %add3A_482 = arith.addf %get3A_478, %get3A_481 : vector<16xf32>
      %swap3A_483 = arith.index_cast %mul3A_475 : i32 to index
      %swap3A_484 = tpu.vector_load %arg7[%swap3A_483] {strides = array<i32>} : memref<8192xf32, #tpu.memory_space<vmem>>, vector<16xf32>,
      %swap3A_485 = vector.shape_cast %swap3A_484 : vector<16xf32> to vector<16xf32>
      %swap3A_486 = vector.shape_cast %add3A_482 : vector<16xf32> to vector<16xf32>
      tpu.vector_store %arg7[%swap3A_483], %swap3A_486 {strides = array<i32>} : memref<8192xf32, #tpu.memory_space<vmem>>, vector<16xf32>,
    }
    %scan3A_329 = arith.constant 64 : i32
    %add3A_330 = arith.constant 114688 : i32
    %add3A_331 = arith.addi %mul3A_2, %add3A_330 : i32
    %dma_start3A_332 = tpu.memref_slice %arg4[%add3A_331] : memref<4194304xf32, #tpu.memory_space<hbm>> -> memref<8192xf32, #tpu.memory_space<hbm>>
    %dma_start3A_333 = tpu.memref_slice %arg4[%add3A_331] : memref<4194304xf32, #tpu.memory_space<hbm>> -> memref<8192xf32, #tpu.memory_space<hbm>>
    tpu.enqueue_dma source(%arg7 : memref<8192xf32, #tpu.memory_space<vmem>>) target(%dma_start3A_333 : memref<8192xf32, #tpu.memory_space<hbm>>) target_semaphore(%arg11 : memref<!tpu.dma_semaphore, #tpu.memory_space<semaphore_mem>>)
    %dma_wait3A_334 = tpu.memref_slice %arg4[%add3A_331] : memref<4194304xf32, #tpu.memory_space<hbm>> -> memref<8192xf32, #tpu.memory_space<hbm>>
    %dma_wait3A_335 = tpu.memref_slice %arg4[%add3A_331] : memref<4194304xf32, #tpu.memory_space<hbm>> -> memref<8192xf32, #tpu.memory_space<hbm>>
    tpu.wait_dma2 semaphore(%arg11 : memref<!tpu.dma_semaphore, #tpu.memory_space<semaphore_mem>>) src(%arg7 : memref<8192xf32, #tpu.memory_space<vmem>>) dst(%dma_wait3A_335 : memref<8192xf32, #tpu.memory_space<hbm>>)
    %dma_wait3A_336 = tpu.memref_slice %arg3[%add3A_315] : memref<4194304xf32, #tpu.memory_space<hbm>> -> memref<8192xf32, #tpu.memory_space<hbm>>
    %dma_wait3A_337 = tpu.memref_slice %arg3[%add3A_315] : memref<4194304xf32, #tpu.memory_space<hbm>> -> memref<8192xf32, #tpu.memory_space<hbm>>
    tpu.wait_dma2 semaphore(%arg10 : memref<!tpu.dma_semaphore, #tpu.memory_space<semaphore_mem>>) src(%dma_wait3A_337 : memref<8192xf32, #tpu.memory_space<hbm>>) dst(%arg6 : memref<8192xf32, #tpu.memory_space<vmem>>)
    %dma_wait3A_338 = tpu.memref_slice %arg2[%add3A_315] : memref<4194304xf32, #tpu.memory_space<hbm>> -> memref<8192xf32, #tpu.memory_space<hbm>>
    %dma_wait3A_339 = tpu.memref_slice %arg2[%add3A_315] : memref<4194304xf32, #tpu.memory_space<hbm>> -> memref<8192xf32, #tpu.memory_space<hbm>>
    tpu.wait_dma2 semaphore(%arg10 : memref<!tpu.dma_semaphore, #tpu.memory_space<semaphore_mem>>) src(%dma_wait3A_339 : memref<8192xf32, #tpu.memory_space<hbm>>) dst(%arg8 : memref<8192xf32, #tpu.memory_space<vmem>>)
    %scan3A_340 = arith.constant 0 : i32
    %scan3A_341 = arith.constant 0 : i32
    %scan3A_342 = arith.constant 64 : i32
    %scan3A_343 = arith.addi %scan3A_341, %scan3A_342 : i32
    %scan3A_344 = arith.constant 1 : i32
    scf.for %scan3A_352 = %scan3A_341 to %scan3A_343 step %scan3A_344  : i32 {
      %mul3A_353 = arith.constant 8 : i32
      %mul3A_354 = arith.muli %scan3A_352, %mul3A_353 : i32
      %add3A_355 = arith.constant 0 : i32
      %add3A_356 = arith.addi %mul3A_354, %add3A_355 : i32
      %mul3A_357 = arith.constant 16 : i32
      %mul3A_358 = arith.muli %add3A_356, %mul3A_357 : i32
      %get3A = arith.index_cast %mul3A_358 : i32 to index
      %get3A_359 = tpu.vector_load %arg8[%get3A] {strides = array<i32>} : memref<8192xf32, #tpu.memory_space<vmem>>, vector<16xf32>,
      %get3A_360 = vector.shape_cast %get3A_359 : vector<16xf32> to vector<16xf32>
      %get3A_361 = arith.index_cast %mul3A_358 : i32 to index
      %get3A_362 = tpu.vector_load %arg6[%get3A_361] {strides = array<i32>} : memref<8192xf32, #tpu.memory_space<vmem>>, vector<16xf32>,
      %get3A_363 = vector.shape_cast %get3A_362 : vector<16xf32> to vector<16xf32>
      %add3A_364 = arith.addf %get3A_360, %get3A_363 : vector<16xf32>
      %swap3A = arith.index_cast %mul3A_358 : i32 to index
      %swap3A_365 = tpu.vector_load %arg8[%swap3A] {strides = array<i32>} : memref<8192xf32, #tpu.memory_space<vmem>>, vector<16xf32>,
      %swap3A_366 = vector.shape_cast %swap3A_365 : vector<16xf32> to vector<16xf32>
      %swap3A_367 = vector.shape_cast %add3A_364 : vector<16xf32> to vector<16xf32>
      tpu.vector_store %arg8[%swap3A], %swap3A_367 {strides = array<i32>} : memref<8192xf32, #tpu.memory_space<vmem>>, vector<16xf32>,
      %mul3A_368 = arith.constant 8 : i32
      %mul3A_369 = arith.muli %scan3A_352, %mul3A_368 : i32
      %add3A_370 = arith.constant 1 : i32
      %add3A_371 = arith.addi %mul3A_369, %add3A_370 : i32
      %mul3A_372 = arith.constant 16 : i32
      %mul3A_373 = arith.muli %add3A_371, %mul3A_372 : i32
      %get3A_374 = arith.index_cast %mul3A_373 : i32 to index
      %get3A_375 = tpu.vector_load %arg8[%get3A_374] {strides = array<i32>} : memref<8192xf32, #tpu.memory_space<vmem>>, vector<16xf32>,
      %get3A_376 = vector.shape_cast %get3A_375 : vector<16xf32> to vector<16xf32>
      %get3A_377 = arith.index_cast %mul3A_373 : i32 to index
      %get3A_378 = tpu.vector_load %arg6[%get3A_377] {strides = array<i32>} : memref<8192xf32, #tpu.memory_space<vmem>>, vector<16xf32>,
      %get3A_379 = vector.shape_cast %get3A_378 : vector<16xf32> to vector<16xf32>
      %add3A_380 = arith.addf %get3A_376, %get3A_379 : vector<16xf32>
      %swap3A_381 = arith.index_cast %mul3A_373 : i32 to index
      %swap3A_382 = tpu.vector_load %arg8[%swap3A_381] {strides = array<i32>} : memref<8192xf32, #tpu.memory_space<vmem>>, vector<16xf32>,
      %swap3A_383 = vector.shape_cast %swap3A_382 : vector<16xf32> to vector<16xf32>
      %swap3A_384 = vector.shape_cast %add3A_380 : vector<16xf32> to vector<16xf32>
      tpu.vector_store %arg8[%swap3A_381], %swap3A_384 {strides = array<i32>} : memref<8192xf32, #tpu.memory_space<vmem>>, vector<16xf32>,
      %mul3A_385 = arith.constant 8 : i32
      %mul3A_386 = arith.muli %scan3A_352, %mul3A_385 : i32
      %add3A_387 = arith.constant 2 : i32
      %add3A_388 = arith.addi %mul3A_386, %add3A_387 : i32
      %mul3A_389 = arith.constant 16 : i32
      %mul3A_390 = arith.muli %add3A_388, %mul3A_389 : i32
      %get3A_391 = arith.index_cast %mul3A_390 : i32 to index
      %get3A_392 = tpu.vector_load %arg8[%get3A_391] {strides = array<i32>} : memref<8192xf32, #tpu.memory_space<vmem>>, vector<16xf32>,
      %get3A_393 = vector.shape_cast %get3A_392 : vector<16xf32> to vector<16xf32>
      %get3A_394 = arith.index_cast %mul3A_390 : i32 to index
      %get3A_395 = tpu.vector_load %arg6[%get3A_394] {strides = array<i32>} : memref<8192xf32, #tpu.memory_space<vmem>>, vector<16xf32>,
      %get3A_396 = vector.shape_cast %get3A_395 : vector<16xf32> to vector<16xf32>
      %add3A_397 = arith.addf %get3A_393, %get3A_396 : vector<16xf32>
      %swap3A_398 = arith.index_cast %mul3A_390 : i32 to index
      %swap3A_399 = tpu.vector_load %arg8[%swap3A_398] {strides = array<i32>} : memref<8192xf32, #tpu.memory_space<vmem>>, vector<16xf32>,
      %swap3A_400 = vector.shape_cast %swap3A_399 : vector<16xf32> to vector<16xf32>
      %swap3A_401 = vector.shape_cast %add3A_397 : vector<16xf32> to vector<16xf32>
      tpu.vector_store %arg8[%swap3A_398], %swap3A_401 {strides = array<i32>} : memref<8192xf32, #tpu.memory_space<vmem>>, vector<16xf32>,
      %mul3A_402 = arith.constant 8 : i32
      %mul3A_403 = arith.muli %scan3A_352, %mul3A_402 : i32
      %add3A_404 = arith.constant 3 : i32
      %add3A_405 = arith.addi %mul3A_403, %add3A_404 : i32
      %mul3A_406 = arith.constant 16 : i32
      %mul3A_407 = arith.muli %add3A_405, %mul3A_406 : i32
      %get3A_408 = arith.index_cast %mul3A_407 : i32 to index
      %get3A_409 = tpu.vector_load %arg8[%get3A_408] {strides = array<i32>} : memref<8192xf32, #tpu.memory_space<vmem>>, vector<16xf32>,
      %get3A_410 = vector.shape_cast %get3A_409 : vector<16xf32> to vector<16xf32>
      %get3A_411 = arith.index_cast %mul3A_407 : i32 to index
      %get3A_412 = tpu.vector_load %arg6[%get3A_411] {strides = array<i32>} : memref<8192xf32, #tpu.memory_space<vmem>>, vector<16xf32>,
      %get3A_413 = vector.shape_cast %get3A_412 : vector<16xf32> to vector<16xf32>
      %add3A_414 = arith.addf %get3A_410, %get3A_413 : vector<16xf32>
      %swap3A_415 = arith.index_cast %mul3A_407 : i32 to index
      %swap3A_416 = tpu.vector_load %arg8[%swap3A_415] {strides = array<i32>} : memref<8192xf32, #tpu.memory_space<vmem>>, vector<16xf32>,
      %swap3A_417 = vector.shape_cast %swap3A_416 : vector<16xf32> to vector<16xf32>
      %swap3A_418 = vector.shape_cast %add3A_414 : vector<16xf32> to vector<16xf32>
      tpu.vector_store %arg8[%swap3A_415], %swap3A_418 {strides = array<i32>} : memref<8192xf32, #tpu.memory_space<vmem>>, vector<16xf32>,
      %mul3A_419 = arith.constant 8 : i32
      %mul3A_420 = arith.muli %scan3A_352, %mul3A_419 : i32
      %add3A_421 = arith.constant 4 : i32
      %add3A_422 = arith.addi %mul3A_420, %add3A_421 : i32
      %mul3A_423 = arith.constant 16 : i32
      %mul3A_424 = arith.muli %add3A_422, %mul3A_423 : i32
      %get3A_425 = arith.index_cast %mul3A_424 : i32 to index
      %get3A_426 = tpu.vector_load %arg8[%get3A_425] {strides = array<i32>} : memref<8192xf32, #tpu.memory_space<vmem>>, vector<16xf32>,
      %get3A_427 = vector.shape_cast %get3A_426 : vector<16xf32> to vector<16xf32>
      %get3A_428 = arith.index_cast %mul3A_424 : i32 to index
      %get3A_429 = tpu.vector_load %arg6[%get3A_428] {strides = array<i32>} : memref<8192xf32, #tpu.memory_space<vmem>>, vector<16xf32>,
      %get3A_430 = vector.shape_cast %get3A_429 : vector<16xf32> to vector<16xf32>
      %add3A_431 = arith.addf %get3A_427, %get3A_430 : vector<16xf32>
      %swap3A_432 = arith.index_cast %mul3A_424 : i32 to index
      %swap3A_433 = tpu.vector_load %arg8[%swap3A_432] {strides = array<i32>} : memref<8192xf32, #tpu.memory_space<vmem>>, vector<16xf32>,
      %swap3A_434 = vector.shape_cast %swap3A_433 : vector<16xf32> to vector<16xf32>
      %swap3A_435 = vector.shape_cast %add3A_431 : vector<16xf32> to vector<16xf32>
      tpu.vector_store %arg8[%swap3A_432], %swap3A_435 {strides = array<i32>} : memref<8192xf32, #tpu.memory_space<vmem>>, vector<16xf32>,
      %mul3A_436 = arith.constant 8 : i32
      %mul3A_437 = arith.muli %scan3A_352, %mul3A_436 : i32
      %add3A_438 = arith.constant 5 : i32
      %add3A_439 = arith.addi %mul3A_437, %add3A_438 : i32
      %mul3A_440 = arith.constant 16 : i32
      %mul3A_441 = arith.muli %add3A_439, %mul3A_440 : i32
      %get3A_442 = arith.index_cast %mul3A_441 : i32 to index
      %get3A_443 = tpu.vector_load %arg8[%get3A_442] {strides = array<i32>} : memref<8192xf32, #tpu.memory_space<vmem>>, vector<16xf32>,
      %get3A_444 = vector.shape_cast %get3A_443 : vector<16xf32> to vector<16xf32>
      %get3A_445 = arith.index_cast %mul3A_441 : i32 to index
      %get3A_446 = tpu.vector_load %arg6[%get3A_445] {strides = array<i32>} : memref<8192xf32, #tpu.memory_space<vmem>>, vector<16xf32>,
      %get3A_447 = vector.shape_cast %get3A_446 : vector<16xf32> to vector<16xf32>
      %add3A_448 = arith.addf %get3A_444, %get3A_447 : vector<16xf32>
      %swap3A_449 = arith.index_cast %mul3A_441 : i32 to index
      %swap3A_450 = tpu.vector_load %arg8[%swap3A_449] {strides = array<i32>} : memref<8192xf32, #tpu.memory_space<vmem>>, vector<16xf32>,
      %swap3A_451 = vector.shape_cast %swap3A_450 : vector<16xf32> to vector<16xf32>
      %swap3A_452 = vector.shape_cast %add3A_448 : vector<16xf32> to vector<16xf32>
      tpu.vector_store %arg8[%swap3A_449], %swap3A_452 {strides = array<i32>} : memref<8192xf32, #tpu.memory_space<vmem>>, vector<16xf32>,
      %mul3A_453 = arith.constant 8 : i32
      %mul3A_454 = arith.muli %scan3A_352, %mul3A_453 : i32
      %add3A_455 = arith.constant 6 : i32
      %add3A_456 = arith.addi %mul3A_454, %add3A_455 : i32
      %mul3A_457 = arith.constant 16 : i32
      %mul3A_458 = arith.muli %add3A_456, %mul3A_457 : i32
      %get3A_459 = arith.index_cast %mul3A_458 : i32 to index
      %get3A_460 = tpu.vector_load %arg8[%get3A_459] {strides = array<i32>} : memref<8192xf32, #tpu.memory_space<vmem>>, vector<16xf32>,
      %get3A_461 = vector.shape_cast %get3A_460 : vector<16xf32> to vector<16xf32>
      %get3A_462 = arith.index_cast %mul3A_458 : i32 to index
      %get3A_463 = tpu.vector_load %arg6[%get3A_462] {strides = array<i32>} : memref<8192xf32, #tpu.memory_space<vmem>>, vector<16xf32>,
      %get3A_464 = vector.shape_cast %get3A_463 : vector<16xf32> to vector<16xf32>
      %add3A_465 = arith.addf %get3A_461, %get3A_464 : vector<16xf32>
      %swap3A_466 = arith.index_cast %mul3A_458 : i32 to index
      %swap3A_467 = tpu.vector_load %arg8[%swap3A_466] {strides = array<i32>} : memref<8192xf32, #tpu.memory_space<vmem>>, vector<16xf32>,
      %swap3A_468 = vector.shape_cast %swap3A_467 : vector<16xf32> to vector<16xf32>
      %swap3A_469 = vector.shape_cast %add3A_465 : vector<16xf32> to vector<16xf32>
      tpu.vector_store %arg8[%swap3A_466], %swap3A_469 {strides = array<i32>} : memref<8192xf32, #tpu.memory_space<vmem>>, vector<16xf32>,
      %mul3A_470 = arith.constant 8 : i32
      %mul3A_471 = arith.muli %scan3A_352, %mul3A_470 : i32
      %add3A_472 = arith.constant 7 : i32
      %add3A_473 = arith.addi %mul3A_471, %add3A_472 : i32
      %mul3A_474 = arith.constant 16 : i32
      %mul3A_475 = arith.muli %add3A_473, %mul3A_474 : i32
      %get3A_476 = arith.index_cast %mul3A_475 : i32 to index
      %get3A_477 = tpu.vector_load %arg8[%get3A_476] {strides = array<i32>} : memref<8192xf32, #tpu.memory_space<vmem>>, vector<16xf32>,
      %get3A_478 = vector.shape_cast %get3A_477 : vector<16xf32> to vector<16xf32>
      %get3A_479 = arith.index_cast %mul3A_475 : i32 to index
      %get3A_480 = tpu.vector_load %arg6[%get3A_479] {strides = array<i32>} : memref<8192xf32, #tpu.memory_space<vmem>>, vector<16xf32>,
      %get3A_481 = vector.shape_cast %get3A_480 : vector<16xf32> to vector<16xf32>
      %add3A_482 = arith.addf %get3A_478, %get3A_481 : vector<16xf32>
      %swap3A_483 = arith.index_cast %mul3A_475 : i32 to index
      %swap3A_484 = tpu.vector_load %arg8[%swap3A_483] {strides = array<i32>} : memref<8192xf32, #tpu.memory_space<vmem>>, vector<16xf32>,
      %swap3A_485 = vector.shape_cast %swap3A_484 : vector<16xf32> to vector<16xf32>
      %swap3A_486 = vector.shape_cast %add3A_482 : vector<16xf32> to vector<16xf32>
      tpu.vector_store %arg8[%swap3A_483], %swap3A_486 {strides = array<i32>} : memref<8192xf32, #tpu.memory_space<vmem>>, vector<16xf32>,
    }
    %scan3A_345 = arith.constant 64 : i32
    %add3A_346 = arith.constant 122880 : i32
    %add3A_347 = arith.addi %mul3A_2, %add3A_346 : i32
    %dma_start3A_348 = tpu.memref_slice %arg4[%add3A_347] : memref<4194304xf32, #tpu.memory_space<hbm>> -> memref<8192xf32, #tpu.memory_space<hbm>>
    %dma_start3A_349 = tpu.memref_slice %arg4[%add3A_347] : memref<4194304xf32, #tpu.memory_space<hbm>> -> memref<8192xf32, #tpu.memory_space<hbm>>
    tpu.enqueue_dma source(%arg8 : memref<8192xf32, #tpu.memory_space<vmem>>) target(%dma_start3A_349 : memref<8192xf32, #tpu.memory_space<hbm>>) target_semaphore(%arg12 : memref<!tpu.dma_semaphore, #tpu.memory_space<semaphore_mem>>)
    %dma_wait3A_350 = tpu.memref_slice %arg4[%add3A_347] : memref<4194304xf32, #tpu.memory_space<hbm>> -> memref<8192xf32, #tpu.memory_space<hbm>>
    %dma_wait3A_351 = tpu.memref_slice %arg4[%add3A_347] : memref<4194304xf32, #tpu.memory_space<hbm>> -> memref<8192xf32, #tpu.memory_space<hbm>>
    tpu.wait_dma2 semaphore(%arg12 : memref<!tpu.dma_semaphore, #tpu.memory_space<semaphore_mem>>) src(%arg8 : memref<8192xf32, #tpu.memory_space<vmem>>) dst(%dma_wait3A_351 : memref<8192xf32, #tpu.memory_space<hbm>>)
    return
  }
}

module attributes {stable_mosaic.version = 14 : i64} {
  func.func @_tc_body(%arg0: i32, %arg1: i32, %arg2: memref<1x2048x1024xf32, #tpu.memory_space<vmem>>, %arg3: memref<2048x1024xf32, #tpu.memory_space<vmem>>, %arg4: memref<1x2048x1024xf32, #tpu.memory_space<vmem>>) attributes {dimension_semantics = [#tpu.dimension_semantics<arbitrary>, #tpu.dimension_semantics<arbitrary>], iteration_bounds = array<i64: 2, 3>, scalar_prefetch = 0 : i64, scratch_operands = 0 : i64, tpu.core_type = #tpu.core_type<tc>, window_params = [{transform_indices = @transform_0, window_bounds = array<i64: 1, 2048, 1024>}, {transform_indices = @transform_1, window_bounds = array<i64: 2048, 1024>}, {transform_indices = @transform_2, window_bounds = array<i64: 1, 2048, 1024>}]} {
    %get3A = arith.constant 0 : index
    %get3A_0 = arith.constant 0 : index
    %get3A_1 = arith.constant 0 : index
    %get3A_2 = vector.load %arg2[%get3A, %get3A_0, %get3A_1] : memref<1x2048x1024xf32, #tpu.memory_space<vmem>>, vector<1x2048x1024xf32>
    %get3A_3 = arith.constant 0 : index
    %get3A_4 = arith.constant 0 : index
    %get3A_5 = vector.load %arg3[%get3A_3, %get3A_4] : memref<2048x1024xf32, #tpu.memory_space<vmem>>, vector<2048x1024xf32>
    %broadcast_in_dim3A = vector.shape_cast %get3A_5 : vector<2048x1024xf32> to vector<1x2048x1024xf32>
    %add3A = arith.addf %get3A_2, %broadcast_in_dim3A : vector<1x2048x1024xf32>
    %swap3A = arith.constant 0 : index
    %swap3A_6 = arith.constant 0 : index
    %swap3A_7 = arith.constant 0 : index
    %swap3A_8 = vector.load %arg4[%swap3A, %swap3A_6, %swap3A_7] : memref<1x2048x1024xf32, #tpu.memory_space<vmem>>, vector<1x2048x1024xf32>
    tpu.vector_store %arg4[%swap3A, %swap3A_6, %swap3A_7], %add3A {strides = array<i32>} : memref<1x2048x1024xf32, #tpu.memory_space<vmem>>, vector<1x2048x1024xf32>,
    return
  }
  func.func @transform_0(%arg0: i32, %arg1: i32) -> (i32, i32, i32) {
    %c0_i32 = arith.constant 0 : i32
    %c0_i32_0 = arith.constant 0 : i32
    return %arg1, %arg0, %c0_i32 : i32, i32, i32
  }
  func.func @transform_1(%arg0: i32, %arg1: i32) -> (i32, i32) {
    %c0_i32 = arith.constant 0 : i32
    %c0_i32_0 = arith.constant 0 : i32
    return %arg0, %c0_i32 : i32, i32
  }
  func.func @transform_2(%arg0: i32, %arg1: i32) -> (i32, i32, i32) {
    %c0_i32 = arith.constant 0 : i32
    %c0_i32_0 = arith.constant 0 : i32
    return %arg1, %arg0, %c0_i32 : i32, i32, i32
  }
}

</mosaic_0001>

<sc_bundles>
// kernel: kernel.4.cloned.1.call-start
scs
__scs_entry_jumppad:
0x0: {  	(pc) =	sbr.rel $0x88, $3  }
0x1: {  	(tag) =	ssettag $0x0;
	lr =	simm.s32 $0x1  }
0x2: {  	[smem:$0x3F9F] =	sst lr;
	_ =	strace $0xD0000000  }
0x3: {  	_ = 	snop  }
0x4: {  	_ = 	snop  }
0x5: {  	_ = 	snop  }
0x6: {  	_ = 	snop  }
0x7: {  	_ = 	snop  }
__scs_overlays_trampoline_lowered:
0x8: {  	[smem:$0x3FAE] =	sst s0  }
0x9: {  	[smem:$0x3FAF] =	sst s1  }
0xa: {  	[smem:$0x3FB0] =	sst s2  }
0xb: {  	[smem:$0x3FB1] =	sst s3  }
0xc: {  	[smem:$0x3FB2] =	sst s4  }
0xd: {  	[smem:$0x3FB3] =	sst s5  }
0xe: {  	[smem:$0x3FB4] =	sst s6  }
0xf: {  	[smem:$0x3FB5] =	sst s7  }
0x10: {  	[smem:$0x3FB6] =	sst s8  }
0x11: {  	[smem:$0x3FB7] =	sst s9;
	s0 =	simm.s32 @!p0 $0x0  }
0x12: {  	s1 =	sld [smem:$0x3F9D];
	s0 =	simm.s32 @p0 $0x1  }
0x13: {  	[smem:$0x3FB8] =	sst s0;
	s0 =	simm.s32 @!p1 $0x0  }
0x14: {  	s2 =	sld [smem:$0x3F9C];
	s0 =	simm.s32 @p1 $0x1  }
0x15: {  	[smem:$0x3FB9] =	sst s0;
	s0 =	simm.s32 @!p2 $0x0  }
0x16: {  	s3 =	sld [smem:$0x3FDB];
	s0 =	simm.s32 @p2 $0x1  }
0x17: {  	s4 =	simm.s32 $0x1BF5;
	[smem:$0x3FBB] =	sst s0  }
0x18: {  	s0 =	sld [smem:$0x3F9E];
	_ =	swait.ge [sflag:s4], $0x0  }
0x19: {  	s7 =	sld [smem:$0x3F9F]  }
0x1a: {  	s8 =	sadd.s32 $0xFFFFE003, lr  }
0x1b: {  	s9 =	sadd.s32 $0xFFFFFEF7, lr;
	s5 =	simm.s32 $0xFFFFFFFF;
	p2 =	slt.u32 s8, $0xFFFFF086  }
0x1c: {  	p1 =	slt.u32 s9, $0xF7A;
	s5 =	simm.s32 @!p2 $0x0  }
0x1d: {  	s5 =	simm.s32 @p1 $0x1;
	p0 =	seq.s32 s7, s2  }
0x1e: {  	s7 =	smul.u32 @!p0 $0xF7A, s2;
	p2 =	seq.s32 @!p0 s5, $0x0  }
0x1f: {  	s9 =	smul.u32 $0xF7A, s1;
	s8 =	simm.s32 @!p0 $0x1BF5;
	p2 =	por !p2, p0  }
0x20: {  	[sflag:s8] =	ssyncset.s32 @!p0 $0xFFFFF086;
	s6 =	sadd.s32 @!p0 s3, s7;
	s7 =	simm.s32 @!p0 $0x108  }
0x21: {  	s3 =	sadd.s32 s3, s9;
	s6 =	sadd.s32 @!p0 $0x88, s6;
	s7 =	simm.s32 @p2 $0x1082  }
0x22: {  	[simem:s7], [sflag:s8] =	dma.local @!p0 [hbm:s6], $0xF7A  }
0x23: {  	s9 =	sor.u32 $0xD0000000, s2;
	s6 =	simm.s32 $0x108;
	_ =	swait.ge @!p0 [sflag:s8], $0x0  }
0x24: {  	s3 =	sadd.s32 $0x88, s3;
	s6 =	simm.s32 @!p1 $0x1082;
	[sflag:s4] =	ssyncset.s32 $0xFFFFF086  }
0x25: {  	[simem:s6], [sflag:s4] =	dma.local [hbm:s3], $0xF7A  }
0x26: {  	[smem:$0x3F9F] =	sst s1;
	(tag) =	ssettag s2;
	_ =	strace s9  }
0x27: {  	s1 =	sld [smem:$0x3FAF]  }
0x28: {  	s2 =	sld [smem:$0x3FB0]  }
0x29: {  	s4 =	sld [smem:$0x3FB2]  }
0x2a: {  	p0 =	seq.s32 s5, $0x0;
	s5 =	sld [smem:$0x3FB3]  }
0x2b: {  	s6 =	sld [smem:$0x3FB4]  }
0x2c: {  	s7 =	sld [smem:$0x3FB5]  }
0x2d: {  	s3 =	simm.s32 $0x108;
	s8 =	sld [smem:$0x3FB6]  }
0x2e: {  	s3 =	simm.s32 @!p0 $0x1082;
	s9 =	sld [smem:$0x3FB7]  }
0x2f: {  	lr =	sadd.s32 s0, s3;
	s0 =	sld [smem:$0x3FAE]  }
0x30: {  	s3 =	sld [smem:$0x3FB1]  }
0x31: {  	[smem:$0x3FBA] =	sst s10  }
0x32: {  	s10 =	sld [smem:$0x3FB8];
	_ =	sdelay $0x3  }
0x33: {  	p0 =	seq.s32 s10, $0x1;
	s10 =	sld [smem:$0x3FBA];
	_ =	sdelay $0x3  }
0x34: {  	[smem:$0x3FBA] =	sst s10  }
0x35: {  	s10 =	sld [smem:$0x3FB9];
	_ =	sdelay $0x3  }
0x36: {  	p1 =	seq.s32 s10, $0x1;
	s10 =	sld [smem:$0x3FBA];
	_ =	sdelay $0x3  }
0x37: {  	[smem:$0x3FBA] =	sst s10  }
0x38: {  	s10 =	sld [smem:$0x3FBB]  }
0x39: {  	_ = 	snop;
	(pc) =	sbr.ind lr, $3  }
0x3a: {  	_ = 	snop  }
0x3b: {  	_ = 	snop  }
0x3c: {  	p2 =	seq.s32 s10, $0x1;
	s10 =	sld [smem:$0x3FBA]  }
0x3d: {  	_ =	shalt  }
0x3e: {  	_ =	shalt  }
0x3f: {  	_ =	shalt  }
0x40: {  	_ =	shalt  }
0x41: {  	_ =	shalt  }
0x42: {  	_ =	shalt  }
0x43: {  	_ =	shalt  }
0x44: {  	_ =	shalt  }
0x45: {  	_ =	shalt  }
0x46: {  	_ =	shalt  }
0x47: {  	_ =	shalt  }
0x48: {  	_ =	shalt  }
0x49: {  	_ =	shalt  }
0x4a: {  	_ =	shalt  }
0x4b: {  	_ =	shalt  }
0x4c: {  	_ =	shalt  }
0x4d: {  	_ =	shalt  }
0x4e: {  	_ =	shalt  }
0x4f: {  	_ =	shalt  }
0x50: {  	_ =	shalt  }
0x51: {  	_ =	shalt  }
0x52: {  	_ =	shalt  }
0x53: {  	_ =	shalt  }
0x54: {  	_ =	shalt  }
0x55: {  	_ =	shalt  }
0x56: {  	_ =	shalt  }
0x57: {  	_ =	shalt  }
0x58: {  	_ =	shalt  }
0x59: {  	_ =	shalt  }
0x5a: {  	_ =	shalt  }
0x5b: {  	_ =	shalt  }
0x5c: {  	_ =	shalt  }
0x5d: {  	_ =	shalt  }
0x5e: {  	_ =	shalt  }
0x5f: {  	_ =	shalt  }
0x60: {  	_ =	shalt  }
0x61: {  	_ =	shalt  }
0x62: {  	_ =	shalt  }
0x63: {  	_ =	shalt  }
0x64: {  	_ =	shalt  }
0x65: {  	_ =	shalt  }
0x66: {  	_ =	shalt  }
0x67: {  	_ =	shalt  }
0x68: {  	_ =	shalt  }
0x69: {  	_ =	shalt  }
0x6a: {  	_ =	shalt  }
0x6b: {  	_ =	shalt  }
0x6c: {  	_ =	shalt  }
0x6d: {  	_ =	shalt  }
0x6e: {  	_ =	shalt  }
0x6f: {  	_ =	shalt  }
0x70: {  	_ =	shalt  }
0x71: {  	_ =	shalt  }
0x72: {  	_ =	shalt  }
0x73: {  	_ =	shalt  }
0x74: {  	_ =	shalt  }
0x75: {  	_ =	shalt  }
0x76: {  	_ =	shalt  }
0x77: {  	_ =	shalt  }
0x78: {  	_ =	shalt  }
0x79: {  	_ =	shalt  }
0x7a: {  	_ =	shalt  }
0x7b: {  	_ =	shalt  }
0x7c: {  	_ =	shalt  }
0x7d: {  	_ =	shalt  }
0x7e: {  	_ =	shalt  }
0x7f: {  	_ =	shalt  }
0x80: {  	_ =	shalt  }
0x81: {  	_ =	shalt  }
0x82: {  	_ =	shalt  }
0x83: {  	_ =	shalt  }
0x84: {  	_ =	shalt  }
0x85: {  	_ =	shalt  }
0x86: {  	_ =	shalt  }
0x87: {  	_ =	shalt  }
.Lfunc_end0:
.L_simem_size_0:
called_computation_lowered:
.L_overlay_start_0:
0x88: {  	s2 =	sld [smem:$0x3FD9]  }
0x89: {  	s3 =	sld [smem:$0x3FFE];
	_ =	sdelay $0x1  }
0x8a: {  	s1 =	srdreg.scid  }
0x8b: {  	s0 =	sand.u32 $0x1, s1  }
0x8c: {  	s16 =	sshll.u32 s0, $0xA;
	s2 =	sadd.s32 s3, s2  }
0x8d: {  	s2 =	sadd.s32 s2, s16  }
0x8e: {  	[smem:$0x3FC6] =	sst s2  }
0x8f: {  	_ = 	snop  }
0x90: {  	(tm) =	ssettm $0x1  }
0x91: {  	s17 =	sld [smem:$0x3FFB];
	_ =	sdelay $0x3  }
0x92: {  	_ =	strace s17  }
0x93: {  	s2 =	sld [smem:$0x3FFC];
	_ =	sdelay $0x3  }
0x94: {  	_ =	strace s2  }
0x95: {  	s2 =	sld [smem:$0x3FFD];
	_ =	sdelay $0x3  }
0x96: {  	_ =	strace s2  }
0x97: {  	_ =	strace $0x8FFFFFFF  }
0x98: {  	s18 =	sld [smem:$0x3FDB];
	_ =	sdelay $0x1  }
0x99: {  	s19 =	simm.s32 $_scs_section_size  }
0x9a: {  	s4 =	simm.s32 $_size__tile_overlayer_lowered;
	s5 =	simm.s32 $_tile_overlayer_lowered  }
0x9b: {  	s22 =	simm.s32 $0x1BFF;
	s21 =	sshll.u32 s5, $0x1;
	s2 =	sadd.s32 s19, s18  }
0x9c: {  	s6 =	simm.s32 $0x0;
	s20 =	sshll.u32 s4, $0x1;
	s4 =	sadd.s32 s21, s2  }
0x9d: {  	[timem:s6], [sflag:s22] =	dma.local [hbm:s4], s20  }
0x9e: {  	_ =	swait.ge [sflag:s22], s20  }
0x9f: {  	s3 =	ssub.s32 $0x0, s20;
	[sflag:s22] =	ssyncset.done $0x0  }
0xa0: {  	[sflag:s22] =	ssyncadd.s32 s3;
	_ =	sdelay $0x1  }
0xa1: {  	s23 =	simm.s32 $0x1B8B  }
0xa2: {  	_ =	swait.ge [sflag:s23], $0x1  }
0xa3: {  	[sflag:s23] =	ssyncset.done $0x0  }
0xa4: {  	s25 =	simm.s32 $0x1B8E;
	s24 =	sld [smem:$0x3FFE];
	[sflag:s23] =	ssyncadd.s32 $0xFFFFFFFF  }
0xa5: {  	s26 =	simm.s32 $execute0_lowered;
	[smem:$0x3FD2] =	sst s25  }
0xa6: {  	s4 =	sshll.u32 s26, $0x1;
	_ =	strace $0x80000046;
	[dreg:$0x1] =	wrdreg $0xFFFFFFFF  }
0xa7: {  	s28 =	simm.s32 $_size_execute0_lowered;
	s2 =	sadd.s32 s2, s4;
	[dreg:$0x0] =	wrdreg $0x0  }
0xa8: {  	s4 =	sshll.u32 s28, $0x1;
	[dreg:$0x2] =	wrdreg s2  }
0xa9: {  	[dreg:$0x3] =	wrdreg s4  }
0xaa: {  	[dreg:$0x4] =	wrdreg $0xC0  }
0xab: {  	_ =	task [dreg:s6], $0x5FFFF  }
0xac: {  	[dreg:$0x1] =	wrdreg $0xFFFFFFFF  }
0xad: {  	[dreg:$0x0] =	wrdreg $0x60  }
0xae: {  	[dreg:$0x2] =	wrdreg s24  }
0xaf: {  	[dreg:$0x3] =	wrdreg $0x9  }
0xb0: {  	_ =	task.clear_ibuf [dreg:s6], $0x4FFFF;
	_ =	strace $0x90000046  }
0xb1: {  	s29 =	simm.s32 $0x9;
	_ =	strace $0x80000048  }
0xb2: {  	_ =	swait.ge [sflag:s29], $0x1  }
0xb3: {  	[sflag:s29] =	ssyncadd.s32 $0xFFFFFFFF  }
0xb4: {  	_ =	strace $0x90000048  }
0xb5: {  	_ =	sfence  }
0xb6: {  	s30 =	sld [smem:$0x0];
	_ =	sdelay $0x2  }
0xb7: {  	s31 =	sshll.u32 s1, $0xD;
	s1 =	sshrl.u32 s1, $0x2  }
0xb8: {  	s3 =	sand.u32 $0x4000, s31;
	s1 =	sadd.s32 s1, s30  }
0xb9: {  	s0 =	sor.u32 s3, s0;
	s1 =	sshll.u32 s1, $0x11  }
0xba: {  	s0 =	sor.u32 s1, s0  }
0xbb: {  	s0 =	sadd.s32 $0x8F2B, s0  }
0xbc: {  	[sflag:s0] =	ssyncadd.remote.s32 $0x1  }
0xbd: {  	_ =	sfence.sel $0xFFFF  }
0xbe: {  	[dreg:$0x0] =	wrdreg $0xFFFFFFFF;
	(pc) =	sbr.abs _section_cstart, $3  }
0xbf: {  	[dreg:$0x1] =	wrdreg $0xFFFFFFFF  }
0xc0: {  	_ =	task.clear_ibuf [dreg:s6], $0x2FFFF;
	_ =	strace $0x9FFFFFFF  }
0xc1: {  	(tm) =	ssettm $0x7FFFFFFF  }
tec
execute0_lowered:
.L_overlay_start_1:
0x0: {  	(tag) =	ssettag $0x1  }
0x1: {  	s2 =	srdreg.scid  }
0x2: {  	s4 =	stileid.u32;
	s2 =	sand.u32 $0x1, s2  }
0x3: {  	s4 =	sshll.u32 s4, $0xF;
	s3 =	ssub.s32 $0x2, s2;
	s2 =	sshll.u32 s2, $0xE  }
0x4: {  	s1 =	rddreg [dreg:$0x0];
	s11 =	sor.u32 s2, s4  }
0x5: {  	s0 =	simm.s32 $0x0;
	s15 =	sadd.s32 $0x1400, s1;
	s13 =	sor.u32 $0x400, s11  }
0x6: {  	[smem:$0x7FF] =	sst s0;
	s17 =	sadd.s32 $0x81400, s1;
	s14 =	sadd.s32 s15, s13  }
0x7: {  	s2 =	sor.u32 $0x800, s11;
	s16 =	sadd.s32 s17, s13;
	[dreg:$0x2] =	wrdreg s14  }
0x8: {  	s18 =	sadd.s32 s15, s2;
	[dreg:$0x3] =	wrdreg s16  }
0x9: {  	s19 =	sadd.s32 $0x101400, s1;
	s21 =	sadd.s32 s17, s2;
	[dreg:$0x4] =	wrdreg s18  }
0xa: {  	s22 =	sor.u32 $0xC00, s11;
	s1 =	sadd.s32 s19, s13;
	[dreg:$0x5] =	wrdreg s21  }
0xb: {  	s23 =	sadd.s32 s15, s22;
	[dreg:$0x6] =	wrdreg s1  }
0xc: {  	s24 =	sadd.s32 s17, s22;
	[dreg:$0x7] =	wrdreg s23  }
0xd: {  	s25 =	sor.u32 $0x1000, s11;
	s2 =	sadd.s32 s19, s2;
	[dreg:$0x8] =	wrdreg s24  }
0xe: {  	s26 =	sadd.s32 s15, s25;
	[dreg:$0x9] =	wrdreg s2  }
0xf: {  	s30 =	sor.u32 $0x1400, s11;
	s31 =	sadd.s32 s17, s25;
	[dreg:$0xa] =	wrdreg s26  }
0x10: {  	s28 =	simm.s32 $0x4;
	s4 =	sadd.s32 s15, s30;
	[dreg:$0xb] =	wrdreg s31  }
0x11: {  	s29 =	simm.s32 $0x0;
	s5 =	sadd.s32 s17, s30;
	[dreg:$0xd] =	wrdreg s4  }
0x12: {  	s7 =	sor.u32 $0x1800, s11;
	s6 =	sadd.s32 s19, s25;
	[dreg:$0xe] =	wrdreg s5  }
0x13: {  	s12 =	sshrl.u32 s3, $0x1;
	s8 =	sadd.s32 s15, s7;
	[dreg:$0xf] =	wrdreg s6  }
0x14: {  	s10 =	sor.u32 $0x1C00, s11;
	s9 =	sadd.s32 s17, s7;
	[dreg:$0x10] =	wrdreg s8  }
0x15: {  	s20 =	ssub.s32 s3, s12;
	s12 =	sadd.s32 s15, s10;
	[dreg:$0x11] =	wrdreg s9  }
0x16: {  	s13 =	sadd.s32 s17, s10;
	s20 =	smax.u32 s20, $0x1;
	[dreg:$0x14] =	wrdreg s12  }
0x17: {  	s1 =	sadd.s32 s19, s22;
	s2 =	sadd.s32 s19, s30;
	[dreg:$0x15] =	wrdreg s13  }
0x18: {  	s14 =	sadd.s32 s19, s10;
	s16 =	sor.u32 $0x2000, s11;
	s22 =	sor.u32 $0x2400, s11  }
0x19: {  	s24 =	sor.u32 $0x2800, s11;
	s31 =	sor.u32 $0x2C00, s11;
	[dreg:$0xc] =	wrdreg s1  }
0x1a: {  	s8 =	sadd.s32 s15, s11;
	s9 =	sadd.s32 s17, s11;
	[dreg:$0x12] =	wrdreg s2  }
0x1b: {  	s10 =	sadd.s32 s19, s11;
	s1 =	sadd.s32 s19, s7;
	[dreg:$0x16] =	wrdreg s14  }
0x1c: {  	s13 =	sor.u32 $0x3400, s11;
	s18 =	sadd.s32 s15, s16;
	[dreg:$0x13] =	wrdreg s1  }
0x1d: {  	s21 =	sadd.s32 s17, s16;
	s23 =	sadd.s32 s15, s22;
	[dreg:$0x17] =	wrdreg s18  }
0x1e: {  	s25 =	sadd.s32 s17, s22;
	s2 =	sadd.s32 s19, s22;
	[dreg:$0x18] =	wrdreg s21  }
0x1f: {  	s26 =	sadd.s32 s15, s24;
	s30 =	sadd.s32 s17, s24;
	[dreg:$0x1a] =	wrdreg s23  }
0x20: {  	s3 =	sadd.s32 s17, s31;
	s7 =	sor.u32 $0x3000, s11;
	[dreg:$0x1b] =	wrdreg s25  }
0x21: {  	s4 =	sadd.s32 s19, s31;
	s12 =	sadd.s32 s17, s13;
	[dreg:$0x1c] =	wrdreg s2  }
0x22: {  	s22 =	simm.s32 $0x2000;
	s1 =	sadd.s32 s19, s16;
	[dreg:$0x1d] =	wrdreg s26  }
0x23: {  	[dreg:$0x1e] =	wrdreg s30;
	s2 =	sadd.s32 s15, s31;
	s5 =	sadd.s32 s15, s7  }
0x24: {  	s6 =	sadd.s32 s17, s7;
	s7 =	sadd.s32 s19, s7;
	s18 =	sor.u32 $0x3800, s11  }
0x25: {  	s21 =	sor.u32 $0x3C00, s11;
	s11 =	sadd.s32 s15, s13;
	s13 =	sadd.s32 s19, s13  }
0x26: {  	s23 =	simm.s32 $0x6000;
	s25 =	simm.s32 $0x3;
	s26 =	simm.s32 $0x2  }
0x27: {  	[dreg:$0x19] =	wrdreg s1;
	s1 =	sadd.s32 s19, s24;
	s14 =	sadd.s32 s15, s18  }
0x28: {  	s15 =	sadd.s32 s15, s21;
	s16 =	sadd.s32 s17, s18;
	s17 =	sadd.s32 s17, s21  }
0x29: {  	s18 =	sadd.s32 s19, s18;
	s19 =	sadd.s32 s19, s21;
	[dreg:$0x1f] =	wrdreg s1  }
0x2a: {  	s21 =	simm.s32 $0x4000;
	s24 =	simm.s32 $0x1;
	_ =	strace $0x80000047  }
.LBB2_1:
0x2b: {  	[tilespmem:s0], [sflag:$0x1] =	stream.linear.gather [hbm4b:s8+s0], $0x2000, $0x38;
	[tilespmem:$0x8000] =	vst v63  }
0x2c: {  	_ = 	snop  }
0x2d: {  	[tilespmem:s21], [sflag:$0x1] =	stream.linear.gather [hbm4b:s9+s0], $0x2000, $0x38;
	[tilespmem:$0x8000] =	vst v63  }
0x2e: {  	s1 =	rddreg [dreg:$0x2]  }
0x2f: {  	[tilespmem:s22], [sflag:$0x2] =	stream.linear.gather [hbm4b:s1+s0], $0x2000, $0x38;
	[tilespmem:$0x8000] =	vst v63  }
0x30: {  	s1 =	rddreg [dreg:$0x3]  }
0x31: {  	[tilespmem:s23], [sflag:$0x2] =	stream.linear.gather [hbm4b:s1+s0], $0x2000, $0x38;
	[tilespmem:$0x8000] =	vst v63  }
0x32: {  	_ =	swait.ge [sflag:s24], $0x2000  }
0x33: {  	[sflag:s24] =	ssyncset.done $0x0  }
0x34: {  	[sflag:s24] =	ssyncadd.s32 $0xFFFFE000  }
0x35: {  	_ =	swait.ge [sflag:s24], $0x2000  }
0x36: {  	[sflag:s24] =	ssyncset.done $0x0  }
0x37: {  	s30 =	simm.s32 $0x0;
	[sflag:s24] =	ssyncadd.s32 $0xFFFFE000  }
0x38: {  	v7 =	vld [tilespmem:s30+$0x0]  }
0x39: {  	v11 =	vld [tilespmem:s30+$0x10]  }
0x3a: {  	v5 =	vld [tilespmem:s30+$0x20]  }
0x3b: {  	v4 =	vld [tilespmem:s30+$0x30]  }
0x3c: {  	v3 =	vld [tilespmem:s30+$0x40]  }
0x3d: {  	v2 =	vld [tilespmem:s30+$0x50]  }
0x3e: {  	v1 =	vld [tilespmem:s30+$0x60]  }
0x3f: {  	v0 =	vld [tilespmem:s30+$0x70]  }
0x40: {  	v12 =	vld [tilespmem:s30+$0x4000]  }
0x41: {  	v13 =	vld [tilespmem:s30+$0x4010]  }
0x42: {  	v10 =	vld [tilespmem:s30+$0x4020]  }
0x43: {  	v9 =	vld [tilespmem:s30+$0x4030]  }
0x44: {  	v8 =	vld [tilespmem:s30+$0x4040]  }
0x45: {  	v6 =	vld [tilespmem:s30+$0x4050];
	v12 =	vadd.f32 v7, v12  }
0x46: {  	s31 =	simm.s32 $0x200;
	v11 =	vadd.f32 v11, v13;
	v7 =	vld [tilespmem:s30+$0x4060]  }
.LBB2_2:
0x47: {  	s1 =	sshra.s32 s31, $0x2;
	p0 =	sne.s32 s31, $0x7E00;
	[tilespmem:s30+$0x4000] =	vst v12;
	v5 =	vadd.f32 v5, v10;
	v10 =	vld [tilespmem:s30+$0x4070]  }
0x48: {  	v12 =	vld [tilespmem:s1+$0x0];
	[tilespmem:s30+$0x4010] =	vst v11;
	v4 =	vadd.f32 v4, v9  }
0x49: {  	v11 =	vld [tilespmem:s1+$0x10];
	[tilespmem:s30+$0x4020] =	vst v5;
	v3 =	vadd.f32 v3, v8  }
0x4a: {  	v5 =	vld [tilespmem:s1+$0x20];
	[tilespmem:s30+$0x4030] =	vst v4;
	v2 =	vadd.f32 v2, v6  }
0x4b: {  	v4 =	vld [tilespmem:s1+$0x30];
	[tilespmem:s30+$0x4040] =	vst v3;
	v1 =	vadd.f32 v1, v7  }
0x4c: {  	v3 =	vld [tilespmem:s1+$0x40];
	[tilespmem:s30+$0x4050] =	vst v2;
	v0 =	vadd.f32 v0, v10  }
0x4d: {  	v2 =	vld [tilespmem:s1+$0x50];
	[tilespmem:s30+$0x4060] =	vst v1  }
0x4e: {  	v1 =	vld [tilespmem:s1+$0x60];
	[tilespmem:s30+$0x4070] =	vst v0;
	s30 =	smov.u32 s1  }
0x4f: {  	v0 =	vld [tilespmem:s30+$0x70]  }
0x50: {  	v6 =	vld [tilespmem:s30+$0x4000]  }
0x51: {  	v7 =	vld [tilespmem:s30+$0x4010]  }
.Ltmp0:
0x52: {  	v10 =	vld [tilespmem:s30+$0x4020];
	(pc) =	sbr.rel @p0 .LBB2_2-.Ltmp0, $4  }
0x53: {  	v9 =	vld [tilespmem:s30+$0x4030]  }
0x54: {  	v8 =	vld [tilespmem:s30+$0x4040]  }
0x55: {  	v12 =	vadd.f32 v12, v6;
	v6 =	vld [tilespmem:s30+$0x4050]  }
0x56: {  	s31 =	sadd.s32 $0x200, s31;
	v11 =	vadd.f32 v11, v7;
	v7 =	vld [tilespmem:s30+$0x4060]  }
0x57: {  	[tilespmem:s30+$0x4000] =	vst v12;
	v5 =	vadd.f32 v5, v10;
	v10 =	vld [tilespmem:s30+$0x4070]  }
0x58: {  	[tilespmem:s30+$0x4010] =	vst v11;
	v4 =	vadd.f32 v4, v9  }
0x59: {  	[tilespmem:s30+$0x4020] =	vst v5;
	v3 =	vadd.f32 v3, v8  }
0x5a: {  	[tilespmem:s30+$0x4030] =	vst v4;
	v2 =	vadd.f32 v2, v6  }
0x5b: {  	[tilespmem:s30+$0x4040] =	vst v3;
	v1 =	vadd.f32 v1, v7  }
0x5c: {  	[tilespmem:s30+$0x4050] =	vst v2;
	v0 =	vadd.f32 v0, v10  }
0x5d: {  	[tilespmem:s30+$0x4060] =	vst v1  }
0x5e: {  	s1 =	simm.s32 $0x0;
	[tilespmem:s30+$0x4070] =	vst v0  }
0x5f: {  	[hbm4b:s10+s1] =	stream.linear.scatter [tilespmem:s21], [sflag:$0x3], $0x2000, $0x38;
	[tilespmem:$0x8000] =	vst v63  }
0x60: {  	_ =	swait.ge [sflag:s25], $0x2000  }
0x61: {  	[sflag:s25] =	ssyncset.done $0x0  }
0x62: {  	s30 =	rddreg [dreg:$0x4];
	[sflag:s25] =	ssyncadd.s32 $0xFFFFE000  }
0x63: {  	[tilespmem:s1], [sflag:$0x1] =	stream.linear.gather [hbm4b:s30+s1], $0x2000, $0x38;
	[tilespmem:$0x8000] =	vst v63  }
0x64: {  	s30 =	rddreg [dreg:$0x5]  }
0x65: {  	[tilespmem:s21], [sflag:$0x1] =	stream.linear.gather [hbm4b:s30+s1], $0x2000, $0x38;
	[tilespmem:$0x8000] =	vst v63  }
0x66: {  	_ =	swait.ge [sflag:s26], $0x2000  }
0x67: {  	[sflag:s26] =	ssyncset.done $0x0  }
0x68: {  	[sflag:s26] =	ssyncadd.s32 $0xFFFFE000  }
0x69: {  	_ =	swait.ge [sflag:s26], $0x2000  }
0x6a: {  	[sflag:s26] =	ssyncset.done $0x0  }
0x6b: {  	s30 =	simm.s32 $0x0;
	[sflag:s26] =	ssyncadd.s32 $0xFFFFE000  }
0x6c: {  	v7 =	vld [tilespmem:s30+$0x2000]  }
0x6d: {  	v11 =	vld [tilespmem:s30+$0x2010]  }
0x6e: {  	v5 =	vld [tilespmem:s30+$0x2020]  }
0x6f: {  	v4 =	vld [tilespmem:s30+$0x2030]  }
0x70: {  	v3 =	vld [tilespmem:s30+$0x2040]  }
0x71: {  	v2 =	vld [tilespmem:s30+$0x2050]  }
0x72: {  	v1 =	vld [tilespmem:s30+$0x2060]  }
0x73: {  	v0 =	vld [tilespmem:s30+$0x2070]  }
0x74: {  	v12 =	vld [tilespmem:s30+$0x6000]  }
0x75: {  	v13 =	vld [tilespmem:s30+$0x6010]  }
0x76: {  	v10 =	vld [tilespmem:s30+$0x6020]  }
0x77: {  	v9 =	vld [tilespmem:s30+$0x6030]  }
0x78: {  	v8 =	vld [tilespmem:s30+$0x6040]  }
0x79: {  	v6 =	vld [tilespmem:s30+$0x6050];
	v12 =	vadd.f32 v7, v12  }
0x7a: {  	s31 =	simm.s32 $0x200;
	v11 =	vadd.f32 v11, v13;
	v7 =	vld [tilespmem:s30+$0x6060]  }
.LBB2_4:
0x7b: {  	s1 =	sshra.s32 s31, $0x2;
	p0 =	sne.s32 s31, $0x7E00;
	[tilespmem:s30+$0x6000] =	vst v12;
	v5 =	vadd.f32 v5, v10;
	v10 =	vld [tilespmem:s30+$0x6070]  }
0x7c: {  	v12 =	vld [tilespmem:s1+$0x2000];
	[tilespmem:s30+$0x6010] =	vst v11;
	v4 =	vadd.f32 v4, v9  }
0x7d: {  	v11 =	vld [tilespmem:s1+$0x2010];
	[tilespmem:s30+$0x6020] =	vst v5;
	v3 =	vadd.f32 v3, v8  }
0x7e: {  	v5 =	vld [tilespmem:s1+$0x2020];
	[tilespmem:s30+$0x6030] =	vst v4;
	v2 =	vadd.f32 v2, v6  }
0x7f: {  	v4 =	vld [tilespmem:s1+$0x2030];
	[tilespmem:s30+$0x6040] =	vst v3;
	v1 =	vadd.f32 v1, v7  }
0x80: {  	v3 =	vld [tilespmem:s1+$0x2040];
	[tilespmem:s30+$0x6050] =	vst v2;
	v0 =	vadd.f32 v0, v10  }
0x81: {  	v2 =	vld [tilespmem:s1+$0x2050];
	[tilespmem:s30+$0x6060] =	vst v1  }
0x82: {  	v1 =	vld [tilespmem:s1+$0x2060];
	[tilespmem:s30+$0x6070] =	vst v0;
	s30 =	smov.u32 s1  }
0x83: {  	v0 =	vld [tilespmem:s30+$0x2070]  }
0x84: {  	v6 =	vld [tilespmem:s30+$0x6000]  }
0x85: {  	v7 =	vld [tilespmem:s30+$0x6010]  }
.Ltmp1:
0x86: {  	v10 =	vld [tilespmem:s30+$0x6020];
	(pc) =	sbr.rel @p0 .LBB2_4-.Ltmp1, $4  }
0x87: {  	v9 =	vld [tilespmem:s30+$0x6030]  }
0x88: {  	v8 =	vld [tilespmem:s30+$0x6040]  }
0x89: {  	v12 =	vadd.f32 v12, v6;
	v6 =	vld [tilespmem:s30+$0x6050]  }
0x8a: {  	s31 =	sadd.s32 $0x200, s31;
	v11 =	vadd.f32 v11, v7;
	v7 =	vld [tilespmem:s30+$0x6060]  }
0x8b: {  	[tilespmem:s30+$0x6000] =	vst v12;
	v5 =	vadd.f32 v5, v10;
	v10 =	vld [tilespmem:s30+$0x6070]  }
0x8c: {  	[tilespmem:s30+$0x6010] =	vst v11;
	v4 =	vadd.f32 v4, v9  }
0x8d: {  	[tilespmem:s30+$0x6020] =	vst v5;
	v3 =	vadd.f32 v3, v8  }
0x8e: {  	[tilespmem:s30+$0x6030] =	vst v4;
	v2 =	vadd.f32 v2, v6  }
0x8f: {  	[tilespmem:s30+$0x6040] =	vst v3;
	v1 =	vadd.f32 v1, v7  }
0x90: {  	[tilespmem:s30+$0x6050] =	vst v2;
	v0 =	vadd.f32 v0, v10  }
0x91: {  	[tilespmem:s30+$0x6060] =	vst v1  }
0x92: {  	s1 =	simm.s32 $0x0;
	[tilespmem:s30+$0x6070] =	vst v0;
	s30 =	rddreg [dreg:$0x6]  }
0x93: {  	[hbm4b:s30+s1] =	stream.linear.scatter [tilespmem:s23], [sflag:$0x4], $0x2000, $0x38;
	[tilespmem:$0x8000] =	vst v63  }
0x94: {  	_ =	swait.ge [sflag:s28], $0x2000  }
0x95: {  	[sflag:s28] =	ssyncset.done $0x0  }
0x96: {  	s30 =	rddreg [dreg:$0x7];
	[sflag:s28] =	ssyncadd.s32 $0xFFFFE000  }
0x97: {  	[tilespmem:s22], [sflag:$0x2] =	stream.linear.gather [hbm4b:s30+s1], $0x2000, $0x38;
	[tilespmem:$0x8000] =	vst v63  }
0x98: {  	s30 =	rddreg [dreg:$0x8]  }
0x99: {  	[tilespmem:s23], [sflag:$0x2] =	stream.linear.gather [hbm4b:s30+s1], $0x2000, $0x38;
	[tilespmem:$0x8000] =	vst v63  }
0x9a: {  	_ =	swait.ge [sflag:s24], $0x2000  }
0x9b: {  	[sflag:s24] =	ssyncset.done $0x0  }
0x9c: {  	[sflag:s24] =	ssyncadd.s32 $0xFFFFE000  }
0x9d: {  	_ =	swait.ge [sflag:s24], $0x2000  }
0x9e: {  	[sflag:s24] =	ssyncset.done $0x0  }
0x9f: {  	s30 =	simm.s32 $0x0;
	[sflag:s24] =	ssyncadd.s32 $0xFFFFE000  }
0xa0: {  	v7 =	vld [tilespmem:s30+$0x0]  }
0xa1: {  	v11 =	vld [tilespmem:s30+$0x10]  }
0xa2: {  	v5 =	vld [tilespmem:s30+$0x20]  }
0xa3: {  	v4 =	vld [tilespmem:s30+$0x30]  }
0xa4: {  	v3 =	vld [tilespmem:s30+$0x40]  }
0xa5: {  	v2 =	vld [tilespmem:s30+$0x50]  }
0xa6: {  	v1 =	vld [tilespmem:s30+$0x60]  }
0xa7: {  	v0 =	vld [tilespmem:s30+$0x70]  }
0xa8: {  	v12 =	vld [tilespmem:s30+$0x4000]  }
0xa9: {  	v13 =	vld [tilespmem:s30+$0x4010]  }
0xaa: {  	v10 =	vld [tilespmem:s30+$0x4020]  }
0xab: {  	v9 =	vld [tilespmem:s30+$0x4030]  }
0xac: {  	v8 =	vld [tilespmem:s30+$0x4040]  }
0xad: {  	v6 =	vld [tilespmem:s30+$0x4050];
	v12 =	vadd.f32 v7, v12  }
0xae: {  	s31 =	simm.s32 $0x200;
	v11 =	vadd.f32 v11, v13;
	v7 =	vld [tilespmem:s30+$0x4060]  }
.LBB2_6:
0xaf: {  	s1 =	sshra.s32 s31, $0x2;
	p0 =	sne.s32 s31, $0x7E00;
	[tilespmem:s30+$0x4000] =	vst v12;
	v5 =	vadd.f32 v5, v10;
	v10 =	vld [tilespmem:s30+$0x4070]  }
0xb0: {  	v12 =	vld [tilespmem:s1+$0x0];
	[tilespmem:s30+$0x4010] =	vst v11;
	v4 =	vadd.f32 v4, v9  }
0xb1: {  	v11 =	vld [tilespmem:s1+$0x10];
	[tilespmem:s30+$0x4020] =	vst v5;
	v3 =	vadd.f32 v3, v8  }
0xb2: {  	v5 =	vld [tilespmem:s1+$0x20];
	[tilespmem:s30+$0x4030] =	vst v4;
	v2 =	vadd.f32 v2, v6  }
0xb3: {  	v4 =	vld [tilespmem:s1+$0x30];
	[tilespmem:s30+$0x4040] =	vst v3;
	v1 =	vadd.f32 v1, v7  }
0xb4: {  	v3 =	vld [tilespmem:s1+$0x40];
	[tilespmem:s30+$0x4050] =	vst v2;
	v0 =	vadd.f32 v0, v10  }
0xb5: {  	v2 =	vld [tilespmem:s1+$0x50];
	[tilespmem:s30+$0x4060] =	vst v1  }
0xb6: {  	v1 =	vld [tilespmem:s1+$0x60];
	[tilespmem:s30+$0x4070] =	vst v0;
	s30 =	smov.u32 s1  }
0xb7: {  	v0 =	vld [tilespmem:s30+$0x70]  }
0xb8: {  	v6 =	vld [tilespmem:s30+$0x4000]  }
0xb9: {  	v7 =	vld [tilespmem:s30+$0x4010]  }
.Ltmp2:
0xba: {  	v10 =	vld [tilespmem:s30+$0x4020];
	(pc) =	sbr.rel @p0 .LBB2_6-.Ltmp2, $4  }
0xbb: {  	v9 =	vld [tilespmem:s30+$0x4030]  }
0xbc: {  	v8 =	vld [tilespmem:s30+$0x4040]  }
0xbd: {  	v12 =	vadd.f32 v12, v6;
	v6 =	vld [tilespmem:s30+$0x4050]  }
0xbe: {  	s31 =	sadd.s32 $0x200, s31;
	v11 =	vadd.f32 v11, v7;
	v7 =	vld [tilespmem:s30+$0x4060]  }
0xbf: {  	[tilespmem:s30+$0x4000] =	vst v12;
	v5 =	vadd.f32 v5, v10;
	v10 =	vld [tilespmem:s30+$0x4070]  }
0xc0: {  	[tilespmem:s30+$0x4010] =	vst v11;
	v4 =	vadd.f32 v4, v9  }
0xc1: {  	[tilespmem:s30+$0x4020] =	vst v5;
	v3 =	vadd.f32 v3, v8  }
0xc2: {  	[tilespmem:s30+$0x4030] =	vst v4;
	v2 =	vadd.f32 v2, v6  }
0xc3: {  	[tilespmem:s30+$0x4040] =	vst v3;
	v1 =	vadd.f32 v1, v7  }
0xc4: {  	[tilespmem:s30+$0x4050] =	vst v2;
	v0 =	vadd.f32 v0, v10  }
0xc5: {  	[tilespmem:s30+$0x4060] =	vst v1  }
0xc6: {  	s1 =	simm.s32 $0x0;
	[tilespmem:s30+$0x4070] =	vst v0;
	s30 =	rddreg [dreg:$0x9]  }
0xc7: {  	[hbm4b:s30+s1] =	stream.linear.scatter [tilespmem:s21], [sflag:$0x3], $0x2000, $0x38;
	[tilespmem:$0x8000] =	vst v63  }
0xc8: {  	_ =	swait.ge [sflag:s25], $0x2000  }
0xc9: {  	[sflag:s25] =	ssyncset.done $0x0  }
0xca: {  	s30 =	rddreg [dreg:$0xa];
	[sflag:s25] =	ssyncadd.s32 $0xFFFFE000  }
0xcb: {  	[tilespmem:s1], [sflag:$0x1] =	stream.linear.gather [hbm4b:s30+s1], $0x2000, $0x38;
	[tilespmem:$0x8000] =	vst v63  }
0xcc: {  	s30 =	rddreg [dreg:$0xb]  }
0xcd: {  	[tilespmem:s21], [sflag:$0x1] =	stream.linear.gather [hbm4b:s30+s1], $0x2000, $0x38;
	[tilespmem:$0x8000] =	vst v63  }
0xce: {  	_ =	swait.ge [sflag:s26], $0x2000  }
0xcf: {  	[sflag:s26] =	ssyncset.done $0x0  }
0xd0: {  	[sflag:s26] =	ssyncadd.s32 $0xFFFFE000  }
0xd1: {  	_ =	swait.ge [sflag:s26], $0x2000  }
0xd2: {  	[sflag:s26] =	ssyncset.done $0x0  }
0xd3: {  	s30 =	simm.s32 $0x0;
	[sflag:s26] =	ssyncadd.s32 $0xFFFFE000  }
0xd4: {  	v7 =	vld [tilespmem:s30+$0x2000]  }
0xd5: {  	v11 =	vld [tilespmem:s30+$0x2010]  }
0xd6: {  	v5 =	vld [tilespmem:s30+$0x2020]  }
0xd7: {  	v4 =	vld [tilespmem:s30+$0x2030]  }
0xd8: {  	v3 =	vld [tilespmem:s30+$0x2040]  }
0xd9: {  	v2 =	vld [tilespmem:s30+$0x2050]  }
0xda: {  	v1 =	vld [tilespmem:s30+$0x2060]  }
0xdb: {  	v0 =	vld [tilespmem:s30+$0x2070]  }
0xdc: {  	v12 =	vld [tilespmem:s30+$0x6000]  }
0xdd: {  	v13 =	vld [tilespmem:s30+$0x6010]  }
0xde: {  	v10 =	vld [tilespmem:s30+$0x6020]  }
0xdf: {  	v9 =	vld [tilespmem:s30+$0x6030]  }
0xe0: {  	v8 =	vld [tilespmem:s30+$0x6040]  }
0xe1: {  	v6 =	vld [tilespmem:s30+$0x6050];
	v12 =	vadd.f32 v7, v12  }
0xe2: {  	s31 =	simm.s32 $0x200;
	v11 =	vadd.f32 v11, v13;
	v7 =	vld [tilespmem:s30+$0x6060]  }
.LBB2_8:
0xe3: {  	s1 =	sshra.s32 s31, $0x2;
	p0 =	sne.s32 s31, $0x7E00;
	[tilespmem:s30+$0x6000] =	vst v12;
	v5 =	vadd.f32 v5, v10;
	v10 =	vld [tilespmem:s30+$0x6070]  }
0xe4: {  	v12 =	vld [tilespmem:s1+$0x2000];
	[tilespmem:s30+$0x6010] =	vst v11;
	v4 =	vadd.f32 v4, v9  }
0xe5: {  	v11 =	vld [tilespmem:s1+$0x2010];
	[tilespmem:s30+$0x6020] =	vst v5;
	v3 =	vadd.f32 v3, v8  }
0xe6: {  	v5 =	vld [tilespmem:s1+$0x2020];
	[tilespmem:s30+$0x6030] =	vst v4;
	v2 =	vadd.f32 v2, v6  }
0xe7: {  	v4 =	vld [tilespmem:s1+$0x2030];
	[tilespmem:s30+$0x6040] =	vst v3;
	v1 =	vadd.f32 v1, v7  }
0xe8: {  	v3 =	vld [tilespmem:s1+$0x2040];
	[tilespmem:s30+$0x6050] =	vst v2;
	v0 =	vadd.f32 v0, v10  }
0xe9: {  	v2 =	vld [tilespmem:s1+$0x2050];
	[tilespmem:s30+$0x6060] =	vst v1  }
0xea: {  	v1 =	vld [tilespmem:s1+$0x2060];
	[tilespmem:s30+$0x6070] =	vst v0;
	s30 =	smov.u32 s1  }
0xeb: {  	v0 =	vld [tilespmem:s30+$0x2070]  }
0xec: {  	v6 =	vld [tilespmem:s30+$0x6000]  }
0xed: {  	v7 =	vld [tilespmem:s30+$0x6010]  }
.Ltmp3:
0xee: {  	v10 =	vld [tilespmem:s30+$0x6020];
	(pc) =	sbr.rel @p0 .LBB2_8-.Ltmp3, $4  }
0xef: {  	v9 =	vld [tilespmem:s30+$0x6030]  }
0xf0: {  	v8 =	vld [tilespmem:s30+$0x6040]  }
0xf1: {  	v12 =	vadd.f32 v12, v6;
	v6 =	vld [tilespmem:s30+$0x6050]  }
0xf2: {  	s31 =	sadd.s32 $0x200, s31;
	v11 =	vadd.f32 v11, v7;
	v7 =	vld [tilespmem:s30+$0x6060]  }
0xf3: {  	[tilespmem:s30+$0x6000] =	vst v12;
	v5 =	vadd.f32 v5, v10;
	v10 =	vld [tilespmem:s30+$0x6070]  }
0xf4: {  	[tilespmem:s30+$0x6010] =	vst v11;
	v4 =	vadd.f32 v4, v9  }
0xf5: {  	[tilespmem:s30+$0x6020] =	vst v5;
	v3 =	vadd.f32 v3, v8  }
0xf6: {  	[tilespmem:s30+$0x6030] =	vst v4;
	v2 =	vadd.f32 v2, v6  }
0xf7: {  	[tilespmem:s30+$0x6040] =	vst v3;
	v1 =	vadd.f32 v1, v7  }
0xf8: {  	[tilespmem:s30+$0x6050] =	vst v2;
	v0 =	vadd.f32 v0, v10  }
0xf9: {  	[tilespmem:s30+$0x6060] =	vst v1  }
0xfa: {  	s1 =	simm.s32 $0x0;
	[tilespmem:s30+$0x6070] =	vst v0;
	s30 =	rddreg [dreg:$0xc]  }
0xfb: {  	[hbm4b:s30+s1] =	stream.linear.scatter [tilespmem:s23], [sflag:$0x4], $0x2000, $0x38;
	[tilespmem:$0x8000] =	vst v63  }
0xfc: {  	_ =	swait.ge [sflag:s28], $0x2000  }
0xfd: {  	[sflag:s28] =	ssyncset.done $0x0  }
0xfe: {  	s30 =	rddreg [dreg:$0xd];
	[sflag:s28] =	ssyncadd.s32 $0xFFFFE000  }
0xff: {  	[tilespmem:s22], [sflag:$0x2] =	stream.linear.gather [hbm4b:s30+s1], $0x2000, $0x38;
	[tilespmem:$0x8000] =	vst v63  }
0x100: {  	s30 =	rddreg [dreg:$0xe]  }
0x101: {  	[tilespmem:s23], [sflag:$0x2] =	stream.linear.gather [hbm4b:s30+s1], $0x2000, $0x38;
	[tilespmem:$0x8000] =	vst v63  }
0x102: {  	_ =	swait.ge [sflag:s24], $0x2000  }
0x103: {  	[sflag:s24] =	ssyncset.done $0x0  }
0x104: {  	[sflag:s24] =	ssyncadd.s32 $0xFFFFE000  }
0x105: {  	_ =	swait.ge [sflag:s24], $0x2000  }
0x106: {  	[sflag:s24] =	ssyncset.done $0x0  }
0x107: {  	s30 =	simm.s32 $0x0;
	[sflag:s24] =	ssyncadd.s32 $0xFFFFE000  }
0x108: {  	v7 =	vld [tilespmem:s30+$0x0]  }
0x109: {  	v11 =	vld [tilespmem:s30+$0x10]  }
0x10a: {  	v5 =	vld [tilespmem:s30+$0x20]  }
0x10b: {  	v4 =	vld [tilespmem:s30+$0x30]  }
0x10c: {  	v3 =	vld [tilespmem:s30+$0x40]  }
0x10d: {  	v2 =	vld [tilespmem:s30+$0x50]  }
0x10e: {  	v1 =	vld [tilespmem:s30+$0x60]  }
0x10f: {  	v0 =	vld [tilespmem:s30+$0x70]  }
0x110: {  	v12 =	vld [tilespmem:s30+$0x4000]  }
0x111: {  	v13 =	vld [tilespmem:s30+$0x4010]  }
0x112: {  	v10 =	vld [tilespmem:s30+$0x4020]  }
0x113: {  	v9 =	vld [tilespmem:s30+$0x4030]  }
0x114: {  	v8 =	vld [tilespmem:s30+$0x4040]  }
0x115: {  	v6 =	vld [tilespmem:s30+$0x4050];
	v12 =	vadd.f32 v7, v12  }
0x116: {  	s31 =	simm.s32 $0x200;
	v11 =	vadd.f32 v11, v13;
	v7 =	vld [tilespmem:s30+$0x4060]  }
.LBB2_10:
0x117: {  	s1 =	sshra.s32 s31, $0x2;
	p0 =	sne.s32 s31, $0x7E00;
	[tilespmem:s30+$0x4000] =	vst v12;
	v5 =	vadd.f32 v5, v10;
	v10 =	vld [tilespmem:s30+$0x4070]  }
0x118: {  	v12 =	vld [tilespmem:s1+$0x0];
	[tilespmem:s30+$0x4010] =	vst v11;
	v4 =	vadd.f32 v4, v9  }
0x119: {  	v11 =	vld [tilespmem:s1+$0x10];
	[tilespmem:s30+$0x4020] =	vst v5;
	v3 =	vadd.f32 v3, v8  }
0x11a: {  	v5 =	vld [tilespmem:s1+$0x20];
	[tilespmem:s30+$0x4030] =	vst v4;
	v2 =	vadd.f32 v2, v6  }
0x11b: {  	v4 =	vld [tilespmem:s1+$0x30];
	[tilespmem:s30+$0x4040] =	vst v3;
	v1 =	vadd.f32 v1, v7  }
0x11c: {  	v3 =	vld [tilespmem:s1+$0x40];
	[tilespmem:s30+$0x4050] =	vst v2;
	v0 =	vadd.f32 v0, v10  }
0x11d: {  	v2 =	vld [tilespmem:s1+$0x50];
	[tilespmem:s30+$0x4060] =	vst v1  }
0x11e: {  	v1 =	vld [tilespmem:s1+$0x60];
	[tilespmem:s30+$0x4070] =	vst v0;
	s30 =	smov.u32 s1  }
0x11f: {  	v0 =	vld [tilespmem:s30+$0x70]  }
0x120: {  	v6 =	vld [tilespmem:s30+$0x4000]  }
0x121: {  	v7 =	vld [tilespmem:s30+$0x4010]  }
.Ltmp4:
0x122: {  	v10 =	vld [tilespmem:s30+$0x4020];
	(pc) =	sbr.rel @p0 .LBB2_10-.Ltmp4, $4  }
0x123: {  	v9 =	vld [tilespmem:s30+$0x4030]  }
0x124: {  	v8 =	vld [tilespmem:s30+$0x4040]  }
0x125: {  	v12 =	vadd.f32 v12, v6;
	v6 =	vld [tilespmem:s30+$0x4050]  }
0x126: {  	s31 =	sadd.s32 $0x200, s31;
	v11 =	vadd.f32 v11, v7;
	v7 =	vld [tilespmem:s30+$0x4060]  }
0x127: {  	[tilespmem:s30+$0x4000] =	vst v12;
	v5 =	vadd.f32 v5, v10;
	v10 =	vld [tilespmem:s30+$0x4070]  }
0x128: {  	[tilespmem:s30+$0x4010] =	vst v11;
	v4 =	vadd.f32 v4, v9  }
0x129: {  	[tilespmem:s30+$0x4020] =	vst v5;
	v3 =	vadd.f32 v3, v8  }
0x12a: {  	[tilespmem:s30+$0x4030] =	vst v4;
	v2 =	vadd.f32 v2, v6  }
0x12b: {  	[tilespmem:s30+$0x4040] =	vst v3;
	v1 =	vadd.f32 v1, v7  }
0x12c: {  	[tilespmem:s30+$0x4050] =	vst v2;
	v0 =	vadd.f32 v0, v10  }
0x12d: {  	[tilespmem:s30+$0x4060] =	vst v1  }
0x12e: {  	s1 =	simm.s32 $0x0;
	[tilespmem:s30+$0x4070] =	vst v0;
	s30 =	rddreg [dreg:$0xf]  }
0x12f: {  	[hbm4b:s30+s1] =	stream.linear.scatter [tilespmem:s21], [sflag:$0x3], $0x2000, $0x38;
	[tilespmem:$0x8000] =	vst v63  }
0x130: {  	_ =	swait.ge [sflag:s25], $0x2000  }
0x131: {  	[sflag:s25] =	ssyncset.done $0x0  }
0x132: {  	s30 =	rddreg [dreg:$0x10];
	[sflag:s25] =	ssyncadd.s32 $0xFFFFE000  }
0x133: {  	[tilespmem:s1], [sflag:$0x1] =	stream.linear.gather [hbm4b:s30+s1], $0x2000, $0x38;
	[tilespmem:$0x8000] =	vst v63  }
0x134: {  	s30 =	rddreg [dreg:$0x11]  }
0x135: {  	[tilespmem:s21], [sflag:$0x1] =	stream.linear.gather [hbm4b:s30+s1], $0x2000, $0x38;
	[tilespmem:$0x8000] =	vst v63  }
0x136: {  	_ =	swait.ge [sflag:s26], $0x2000  }
0x137: {  	[sflag:s26] =	ssyncset.done $0x0  }
0x138: {  	[sflag:s26] =	ssyncadd.s32 $0xFFFFE000  }
0x139: {  	_ =	swait.ge [sflag:s26], $0x2000  }
0x13a: {  	[sflag:s26] =	ssyncset.done $0x0  }
0x13b: {  	s30 =	simm.s32 $0x0;
	[sflag:s26] =	ssyncadd.s32 $0xFFFFE000  }
0x13c: {  	v7 =	vld [tilespmem:s30+$0x2000]  }
0x13d: {  	v11 =	vld [tilespmem:s30+$0x2010]  }
0x13e: {  	v5 =	vld [tilespmem:s30+$0x2020]  }
0x13f: {  	v4 =	vld [tilespmem:s30+$0x2030]  }
0x140: {  	v3 =	vld [tilespmem:s30+$0x2040]  }
0x141: {  	v2 =	vld [tilespmem:s30+$0x2050]  }
0x142: {  	v1 =	vld [tilespmem:s30+$0x2060]  }
0x143: {  	v0 =	vld [tilespmem:s30+$0x2070]  }
0x144: {  	v12 =	vld [tilespmem:s30+$0x6000]  }
0x145: {  	v13 =	vld [tilespmem:s30+$0x6010]  }
0x146: {  	v10 =	vld [tilespmem:s30+$0x6020]  }
0x147: {  	v9 =	vld [tilespmem:s30+$0x6030]  }
0x148: {  	v8 =	vld [tilespmem:s30+$0x6040]  }
0x149: {  	v6 =	vld [tilespmem:s30+$0x6050];
	v12 =	vadd.f32 v7, v12  }
0x14a: {  	s31 =	simm.s32 $0x200;
	v11 =	vadd.f32 v11, v13;
	v7 =	vld [tilespmem:s30+$0x6060]  }
.LBB2_12:
0x14b: {  	s1 =	sshra.s32 s31, $0x2;
	p0 =	sne.s32 s31, $0x7E00;
	[tilespmem:s30+$0x6000] =	vst v12;
	v5 =	vadd.f32 v5, v10;
	v10 =	vld [tilespmem:s30+$0x6070]  }
0x14c: {  	v12 =	vld [tilespmem:s1+$0x2000];
	[tilespmem:s30+$0x6010] =	vst v11;
	v4 =	vadd.f32 v4, v9  }
0x14d: {  	v11 =	vld [tilespmem:s1+$0x2010];
	[tilespmem:s30+$0x6020] =	vst v5;
	v3 =	vadd.f32 v3, v8  }
0x14e: {  	v5 =	vld [tilespmem:s1+$0x2020];
	[tilespmem:s30+$0x6030] =	vst v4;
	v2 =	vadd.f32 v2, v6  }
0x14f: {  	v4 =	vld [tilespmem:s1+$0x2030];
	[tilespmem:s30+$0x6040] =	vst v3;
	v1 =	vadd.f32 v1, v7  }
0x150: {  	v3 =	vld [tilespmem:s1+$0x2040];
	[tilespmem:s30+$0x6050] =	vst v2;
	v0 =	vadd.f32 v0, v10  }
0x151: {  	v2 =	vld [tilespmem:s1+$0x2050];
	[tilespmem:s30+$0x6060] =	vst v1  }
0x152: {  	v1 =	vld [tilespmem:s1+$0x2060];
	[tilespmem:s30+$0x6070] =	vst v0;
	s30 =	smov.u32 s1  }
0x153: {  	v0 =	vld [tilespmem:s30+$0x2070]  }
0x154: {  	v6 =	vld [tilespmem:s30+$0x6000]  }
0x155: {  	v7 =	vld [tilespmem:s30+$0x6010]  }
.Ltmp5:
0x156: {  	v10 =	vld [tilespmem:s30+$0x6020];
	(pc) =	sbr.rel @p0 .LBB2_12-.Ltmp5, $4  }
0x157: {  	v9 =	vld [tilespmem:s30+$0x6030]  }
0x158: {  	v8 =	vld [tilespmem:s30+$0x6040]  }
0x159: {  	v12 =	vadd.f32 v12, v6;
	v6 =	vld [tilespmem:s30+$0x6050]  }
0x15a: {  	s31 =	sadd.s32 $0x200, s31;
	v11 =	vadd.f32 v11, v7;
	v7 =	vld [tilespmem:s30+$0x6060]  }
0x15b: {  	[tilespmem:s30+$0x6000] =	vst v12;
	v5 =	vadd.f32 v5, v10;
	v10 =	vld [tilespmem:s30+$0x6070]  }
0x15c: {  	[tilespmem:s30+$0x6010] =	vst v11;
	v4 =	vadd.f32 v4, v9  }
0x15d: {  	[tilespmem:s30+$0x6020] =	vst v5;
	v3 =	vadd.f32 v3, v8  }
0x15e: {  	[tilespmem:s30+$0x6030] =	vst v4;
	v2 =	vadd.f32 v2, v6  }
0x15f: {  	[tilespmem:s30+$0x6040] =	vst v3;
	v1 =	vadd.f32 v1, v7  }
0x160: {  	[tilespmem:s30+$0x6050] =	vst v2;
	v0 =	vadd.f32 v0, v10  }
0x161: {  	[tilespmem:s30+$0x6060] =	vst v1  }
0x162: {  	s1 =	simm.s32 $0x0;
	[tilespmem:s30+$0x6070] =	vst v0;
	s30 =	rddreg [dreg:$0x12]  }
0x163: {  	[hbm4b:s30+s1] =	stream.linear.scatter [tilespmem:s23], [sflag:$0x4], $0x2000, $0x38;
	[tilespmem:$0x8000] =	vst v63  }
0x164: {  	_ =	swait.ge [sflag:s28], $0x2000  }
0x165: {  	[sflag:s28] =	ssyncset.done $0x0  }
0x166: {  	s30 =	rddreg [dreg:$0x14];
	[sflag:s28] =	ssyncadd.s32 $0xFFFFE000  }
0x167: {  	[tilespmem:s22], [sflag:$0x2] =	stream.linear.gather [hbm4b:s30+s1], $0x2000, $0x38;
	[tilespmem:$0x8000] =	vst v63  }
0x168: {  	s30 =	rddreg [dreg:$0x15]  }
0x169: {  	[tilespmem:s23], [sflag:$0x2] =	stream.linear.gather [hbm4b:s30+s1], $0x2000, $0x38;
	[tilespmem:$0x8000] =	vst v63  }
0x16a: {  	_ =	swait.ge [sflag:s24], $0x2000  }
0x16b: {  	[sflag:s24] =	ssyncset.done $0x0  }
0x16c: {  	[sflag:s24] =	ssyncadd.s32 $0xFFFFE000  }
0x16d: {  	_ =	swait.ge [sflag:s24], $0x2000  }
0x16e: {  	[sflag:s24] =	ssyncset.done $0x0  }
0x16f: {  	s30 =	simm.s32 $0x0;
	[sflag:s24] =	ssyncadd.s32 $0xFFFFE000  }
0x170: {  	v7 =	vld [tilespmem:s30+$0x0]  }
0x171: {  	v11 =	vld [tilespmem:s30+$0x10]  }
0x172: {  	v5 =	vld [tilespmem:s30+$0x20]  }
0x173: {  	v4 =	vld [tilespmem:s30+$0x30]  }
0x174: {  	v3 =	vld [tilespmem:s30+$0x40]  }
0x175: {  	v2 =	vld [tilespmem:s30+$0x50]  }
0x176: {  	v1 =	vld [tilespmem:s30+$0x60]  }
0x177: {  	v0 =	vld [tilespmem:s30+$0x70]  }
0x178: {  	v12 =	vld [tilespmem:s30+$0x4000]  }
0x179: {  	v13 =	vld [tilespmem:s30+$0x4010]  }
0x17a: {  	v10 =	vld [tilespmem:s30+$0x4020]  }
0x17b: {  	v9 =	vld [tilespmem:s30+$0x4030]  }
0x17c: {  	v8 =	vld [tilespmem:s30+$0x4040]  }
0x17d: {  	v6 =	vld [tilespmem:s30+$0x4050];
	v12 =	vadd.f32 v7, v12  }
0x17e: {  	s31 =	simm.s32 $0x200;
	v11 =	vadd.f32 v11, v13;
	v7 =	vld [tilespmem:s30+$0x4060]  }
.LBB2_14:
0x17f: {  	s1 =	sshra.s32 s31, $0x2;
	p0 =	sne.s32 s31, $0x7E00;
	[tilespmem:s30+$0x4000] =	vst v12;
	v5 =	vadd.f32 v5, v10;
	v10 =	vld [tilespmem:s30+$0x4070]  }
0x180: {  	v12 =	vld [tilespmem:s1+$0x0];
	[tilespmem:s30+$0x4010] =	vst v11;
	v4 =	vadd.f32 v4, v9  }
0x181: {  	v11 =	vld [tilespmem:s1+$0x10];
	[tilespmem:s30+$0x4020] =	vst v5;
	v3 =	vadd.f32 v3, v8  }
0x182: {  	v5 =	vld [tilespmem:s1+$0x20];
	[tilespmem:s30+$0x4030] =	vst v4;
	v2 =	vadd.f32 v2, v6  }
0x183: {  	v4 =	vld [tilespmem:s1+$0x30];
	[tilespmem:s30+$0x4040] =	vst v3;
	v1 =	vadd.f32 v1, v7  }
0x184: {  	v3 =	vld [tilespmem:s1+$0x40];
	[tilespmem:s30+$0x4050] =	vst v2;
	v0 =	vadd.f32 v0, v10  }
0x185: {  	v2 =	vld [tilespmem:s1+$0x50];
	[tilespmem:s30+$0x4060] =	vst v1  }
0x186: {  	v1 =	vld [tilespmem:s1+$0x60];
	[tilespmem:s30+$0x4070] =	vst v0;
	s30 =	smov.u32 s1  }
0x187: {  	v0 =	vld [tilespmem:s30+$0x70]  }
0x188: {  	v6 =	vld [tilespmem:s30+$0x4000]  }
0x189: {  	v7 =	vld [tilespmem:s30+$0x4010]  }
.Ltmp6:
0x18a: {  	v10 =	vld [tilespmem:s30+$0x4020];
	(pc) =	sbr.rel @p0 .LBB2_14-.Ltmp6, $4  }
0x18b: {  	v9 =	vld [tilespmem:s30+$0x4030]  }
0x18c: {  	v8 =	vld [tilespmem:s30+$0x4040]  }
0x18d: {  	v12 =	vadd.f32 v12, v6;
	v6 =	vld [tilespmem:s30+$0x4050]  }
0x18e: {  	s31 =	sadd.s32 $0x200, s31;
	v11 =	vadd.f32 v11, v7;
	v7 =	vld [tilespmem:s30+$0x4060]  }
0x18f: {  	[tilespmem:s30+$0x4000] =	vst v12;
	v5 =	vadd.f32 v5, v10;
	v10 =	vld [tilespmem:s30+$0x4070]  }
0x190: {  	[tilespmem:s30+$0x4010] =	vst v11;
	v4 =	vadd.f32 v4, v9  }
0x191: {  	[tilespmem:s30+$0x4020] =	vst v5;
	v3 =	vadd.f32 v3, v8  }
0x192: {  	[tilespmem:s30+$0x4030] =	vst v4;
	v2 =	vadd.f32 v2, v6  }
0x193: {  	[tilespmem:s30+$0x4040] =	vst v3;
	v1 =	vadd.f32 v1, v7  }
0x194: {  	[tilespmem:s30+$0x4050] =	vst v2;
	v0 =	vadd.f32 v0, v10  }
0x195: {  	[tilespmem:s30+$0x4060] =	vst v1  }
0x196: {  	s1 =	simm.s32 $0x0;
	[tilespmem:s30+$0x4070] =	vst v0;
	s30 =	rddreg [dreg:$0x13]  }
0x197: {  	[hbm4b:s30+s1] =	stream.linear.scatter [tilespmem:s21], [sflag:$0x3], $0x2000, $0x38;
	[tilespmem:$0x8000] =	vst v63  }
0x198: {  	_ =	swait.ge [sflag:s25], $0x2000  }
0x199: {  	[sflag:s25] =	ssyncset.done $0x0  }
0x19a: {  	s30 =	rddreg [dreg:$0x17];
	[sflag:s25] =	ssyncadd.s32 $0xFFFFE000  }
0x19b: {  	[tilespmem:s1], [sflag:$0x1] =	stream.linear.gather [hbm4b:s30+s1], $0x2000, $0x38;
	[tilespmem:$0x8000] =	vst v63  }
0x19c: {  	s30 =	rddreg [dreg:$0x18]  }
0x19d: {  	[tilespmem:s21], [sflag:$0x1] =	stream.linear.gather [hbm4b:s30+s1], $0x2000, $0x38;
	[tilespmem:$0x8000] =	vst v63  }
0x19e: {  	_ =	swait.ge [sflag:s26], $0x2000  }
0x19f: {  	[sflag:s26] =	ssyncset.done $0x0  }
0x1a0: {  	[sflag:s26] =	ssyncadd.s32 $0xFFFFE000  }
0x1a1: {  	_ =	swait.ge [sflag:s26], $0x2000  }
0x1a2: {  	[sflag:s26] =	ssyncset.done $0x0  }
0x1a3: {  	s30 =	simm.s32 $0x0;
	[sflag:s26] =	ssyncadd.s32 $0xFFFFE000  }
0x1a4: {  	v7 =	vld [tilespmem:s30+$0x2000]  }
0x1a5: {  	v11 =	vld [tilespmem:s30+$0x2010]  }
0x1a6: {  	v5 =	vld [tilespmem:s30+$0x2020]  }
0x1a7: {  	v4 =	vld [tilespmem:s30+$0x2030]  }
0x1a8: {  	v3 =	vld [tilespmem:s30+$0x2040]  }
0x1a9: {  	v2 =	vld [tilespmem:s30+$0x2050]  }
0x1aa: {  	v1 =	vld [tilespmem:s30+$0x2060]  }
0x1ab: {  	v0 =	vld [tilespmem:s30+$0x2070]  }
0x1ac: {  	v12 =	vld [tilespmem:s30+$0x6000]  }
0x1ad: {  	v13 =	vld [tilespmem:s30+$0x6010]  }
0x1ae: {  	v10 =	vld [tilespmem:s30+$0x6020]  }
0x1af: {  	v9 =	vld [tilespmem:s30+$0x6030]  }
0x1b0: {  	v8 =	vld [tilespmem:s30+$0x6040]  }
0x1b1: {  	v6 =	vld [tilespmem:s30+$0x6050];
	v12 =	vadd.f32 v7, v12  }
0x1b2: {  	s31 =	simm.s32 $0x200;
	v11 =	vadd.f32 v11, v13;
	v7 =	vld [tilespmem:s30+$0x6060]  }
.LBB2_16:
0x1b3: {  	s1 =	sshra.s32 s31, $0x2;
	p0 =	sne.s32 s31, $0x7E00;
	[tilespmem:s30+$0x6000] =	vst v12;
	v5 =	vadd.f32 v5, v10;
	v10 =	vld [tilespmem:s30+$0x6070]  }
0x1b4: {  	v12 =	vld [tilespmem:s1+$0x2000];
	[tilespmem:s30+$0x6010] =	vst v11;
	v4 =	vadd.f32 v4, v9  }
0x1b5: {  	v11 =	vld [tilespmem:s1+$0x2010];
	[tilespmem:s30+$0x6020] =	vst v5;
	v3 =	vadd.f32 v3, v8  }
0x1b6: {  	v5 =	vld [tilespmem:s1+$0x2020];
	[tilespmem:s30+$0x6030] =	vst v4;
	v2 =	vadd.f32 v2, v6  }
0x1b7: {  	v4 =	vld [tilespmem:s1+$0x2030];
	[tilespmem:s30+$0x6040] =	vst v3;
	v1 =	vadd.f32 v1, v7  }
0x1b8: {  	v3 =	vld [tilespmem:s1+$0x2040];
	[tilespmem:s30+$0x6050] =	vst v2;
	v0 =	vadd.f32 v0, v10  }
0x1b9: {  	v2 =	vld [tilespmem:s1+$0x2050];
	[tilespmem:s30+$0x6060] =	vst v1  }
0x1ba: {  	v1 =	vld [tilespmem:s1+$0x2060];
	[tilespmem:s30+$0x6070] =	vst v0;
	s30 =	smov.u32 s1  }
0x1bb: {  	v0 =	vld [tilespmem:s30+$0x2070]  }
0x1bc: {  	v6 =	vld [tilespmem:s30+$0x6000]  }
0x1bd: {  	v7 =	vld [tilespmem:s30+$0x6010]  }
.Ltmp7:
0x1be: {  	v10 =	vld [tilespmem:s30+$0x6020];
	(pc) =	sbr.rel @p0 .LBB2_16-.Ltmp7, $4  }
0x1bf: {  	v9 =	vld [tilespmem:s30+$0x6030]  }
0x1c0: {  	v8 =	vld [tilespmem:s30+$0x6040]  }
0x1c1: {  	v12 =	vadd.f32 v12, v6;
	v6 =	vld [tilespmem:s30+$0x6050]  }
0x1c2: {  	s31 =	sadd.s32 $0x200, s31;
	v11 =	vadd.f32 v11, v7;
	v7 =	vld [tilespmem:s30+$0x6060]  }
0x1c3: {  	[tilespmem:s30+$0x6000] =	vst v12;
	v5 =	vadd.f32 v5, v10;
	v10 =	vld [tilespmem:s30+$0x6070]  }
0x1c4: {  	[tilespmem:s30+$0x6010] =	vst v11;
	v4 =	vadd.f32 v4, v9  }
0x1c5: {  	[tilespmem:s30+$0x6020] =	vst v5;
	v3 =	vadd.f32 v3, v8  }
0x1c6: {  	[tilespmem:s30+$0x6030] =	vst v4;
	v2 =	vadd.f32 v2, v6  }
0x1c7: {  	[tilespmem:s30+$0x6040] =	vst v3;
	v1 =	vadd.f32 v1, v7  }
0x1c8: {  	[tilespmem:s30+$0x6050] =	vst v2;
	v0 =	vadd.f32 v0, v10  }
0x1c9: {  	[tilespmem:s30+$0x6060] =	vst v1  }
0x1ca: {  	s1 =	simm.s32 $0x0;
	[tilespmem:s30+$0x6070] =	vst v0;
	s30 =	rddreg [dreg:$0x16]  }
0x1cb: {  	[hbm4b:s30+s1] =	stream.linear.scatter [tilespmem:s23], [sflag:$0x4], $0x2000, $0x38;
	[tilespmem:$0x8000] =	vst v63  }
0x1cc: {  	_ =	swait.ge [sflag:s28], $0x2000  }
0x1cd: {  	[sflag:s28] =	ssyncset.done $0x0  }
0x1ce: {  	s30 =	rddreg [dreg:$0x1a];
	[sflag:s28] =	ssyncadd.s32 $0xFFFFE000  }
0x1cf: {  	[tilespmem:s22], [sflag:$0x2] =	stream.linear.gather [hbm4b:s30+s1], $0x2000, $0x38;
	[tilespmem:$0x8000] =	vst v63  }
0x1d0: {  	s30 =	rddreg [dreg:$0x1b]  }
0x1d1: {  	[tilespmem:s23], [sflag:$0x2] =	stream.linear.gather [hbm4b:s30+s1], $0x2000, $0x38;
	[tilespmem:$0x8000] =	vst v63  }
0x1d2: {  	_ =	swait.ge [sflag:s24], $0x2000  }
0x1d3: {  	[sflag:s24] =	ssyncset.done $0x0  }
0x1d4: {  	[sflag:s24] =	ssyncadd.s32 $0xFFFFE000  }
0x1d5: {  	_ =	swait.ge [sflag:s24], $0x2000  }
0x1d6: {  	[sflag:s24] =	ssyncset.done $0x0  }
0x1d7: {  	s30 =	simm.s32 $0x0;
	[sflag:s24] =	ssyncadd.s32 $0xFFFFE000  }
0x1d8: {  	v7 =	vld [tilespmem:s30+$0x0]  }
0x1d9: {  	v11 =	vld [tilespmem:s30+$0x10]  }
0x1da: {  	v5 =	vld [tilespmem:s30+$0x20]  }
0x1db: {  	v4 =	vld [tilespmem:s30+$0x30]  }
0x1dc: {  	v3 =	vld [tilespmem:s30+$0x40]  }
0x1dd: {  	v2 =	vld [tilespmem:s30+$0x50]  }
0x1de: {  	v1 =	vld [tilespmem:s30+$0x60]  }
0x1df: {  	v0 =	vld [tilespmem:s30+$0x70]  }
0x1e0: {  	v12 =	vld [tilespmem:s30+$0x4000]  }
0x1e1: {  	v13 =	vld [tilespmem:s30+$0x4010]  }
0x1e2: {  	v10 =	vld [tilespmem:s30+$0x4020]  }
0x1e3: {  	v9 =	vld [tilespmem:s30+$0x4030]  }
0x1e4: {  	v8 =	vld [tilespmem:s30+$0x4040]  }
0x1e5: {  	v6 =	vld [tilespmem:s30+$0x4050];
	v12 =	vadd.f32 v7, v12  }
0x1e6: {  	s31 =	simm.s32 $0x200;
	v11 =	vadd.f32 v11, v13;
	v7 =	vld [tilespmem:s30+$0x4060]  }
.LBB2_18:
0x1e7: {  	s1 =	sshra.s32 s31, $0x2;
	p0 =	sne.s32 s31, $0x7E00;
	[tilespmem:s30+$0x4000] =	vst v12;
	v5 =	vadd.f32 v5, v10;
	v10 =	vld [tilespmem:s30+$0x4070]  }
0x1e8: {  	v12 =	vld [tilespmem:s1+$0x0];
	[tilespmem:s30+$0x4010] =	vst v11;
	v4 =	vadd.f32 v4, v9  }
0x1e9: {  	v11 =	vld [tilespmem:s1+$0x10];
	[tilespmem:s30+$0x4020] =	vst v5;
	v3 =	vadd.f32 v3, v8  }
0x1ea: {  	v5 =	vld [tilespmem:s1+$0x20];
	[tilespmem:s30+$0x4030] =	vst v4;
	v2 =	vadd.f32 v2, v6  }
0x1eb: {  	v4 =	vld [tilespmem:s1+$0x30];
	[tilespmem:s30+$0x4040] =	vst v3;
	v1 =	vadd.f32 v1, v7  }
0x1ec: {  	v3 =	vld [tilespmem:s1+$0x40];
	[tilespmem:s30+$0x4050] =	vst v2;
	v0 =	vadd.f32 v0, v10  }
0x1ed: {  	v2 =	vld [tilespmem:s1+$0x50];
	[tilespmem:s30+$0x4060] =	vst v1  }
0x1ee: {  	v1 =	vld [tilespmem:s1+$0x60];
	[tilespmem:s30+$0x4070] =	vst v0;
	s30 =	smov.u32 s1  }
0x1ef: {  	v0 =	vld [tilespmem:s30+$0x70]  }
0x1f0: {  	v6 =	vld [tilespmem:s30+$0x4000]  }
0x1f1: {  	v7 =	vld [tilespmem:s30+$0x4010]  }
.Ltmp8:
0x1f2: {  	v10 =	vld [tilespmem:s30+$0x4020];
	(pc) =	sbr.rel @p0 .LBB2_18-.Ltmp8, $4  }
0x1f3: {  	v9 =	vld [tilespmem:s30+$0x4030]  }
0x1f4: {  	v8 =	vld [tilespmem:s30+$0x4040]  }
0x1f5: {  	v12 =	vadd.f32 v12, v6;
	v6 =	vld [tilespmem:s30+$0x4050]  }
0x1f6: {  	s31 =	sadd.s32 $0x200, s31;
	v11 =	vadd.f32 v11, v7;
	v7 =	vld [tilespmem:s30+$0x4060]  }
0x1f7: {  	[tilespmem:s30+$0x4000] =	vst v12;
	v5 =	vadd.f32 v5, v10;
	v10 =	vld [tilespmem:s30+$0x4070]  }
0x1f8: {  	[tilespmem:s30+$0x4010] =	vst v11;
	v4 =	vadd.f32 v4, v9  }
0x1f9: {  	[tilespmem:s30+$0x4020] =	vst v5;
	v3 =	vadd.f32 v3, v8  }
0x1fa: {  	[tilespmem:s30+$0x4030] =	vst v4;
	v2 =	vadd.f32 v2, v6  }
0x1fb: {  	[tilespmem:s30+$0x4040] =	vst v3;
	v1 =	vadd.f32 v1, v7  }
0x1fc: {  	[tilespmem:s30+$0x4050] =	vst v2;
	v0 =	vadd.f32 v0, v10  }
0x1fd: {  	[tilespmem:s30+$0x4060] =	vst v1  }
0x1fe: {  	s1 =	simm.s32 $0x0;
	[tilespmem:s30+$0x4070] =	vst v0;
	s30 =	rddreg [dreg:$0x19]  }
0x1ff: {  	[hbm4b:s30+s1] =	stream.linear.scatter [tilespmem:s21], [sflag:$0x3], $0x2000, $0x38;
	[tilespmem:$0x8000] =	vst v63  }
0x200: {  	_ =	swait.ge [sflag:s25], $0x2000  }
0x201: {  	[sflag:s25] =	ssyncset.done $0x0  }
0x202: {  	s30 =	rddreg [dreg:$0x1d];
	[sflag:s25] =	ssyncadd.s32 $0xFFFFE000  }
0x203: {  	[tilespmem:s1], [sflag:$0x1] =	stream.linear.gather [hbm4b:s30+s1], $0x2000, $0x38;
	[tilespmem:$0x8000] =	vst v63  }
0x204: {  	s30 =	rddreg [dreg:$0x1e]  }
0x205: {  	[tilespmem:s21], [sflag:$0x1] =	stream.linear.gather [hbm4b:s30+s1], $0x2000, $0x38;
	[tilespmem:$0x8000] =	vst v63  }
0x206: {  	_ =	swait.ge [sflag:s26], $0x2000  }
0x207: {  	[sflag:s26] =	ssyncset.done $0x0  }
0x208: {  	[sflag:s26] =	ssyncadd.s32 $0xFFFFE000  }
0x209: {  	_ =	swait.ge [sflag:s26], $0x2000  }
0x20a: {  	[sflag:s26] =	ssyncset.done $0x0  }
0x20b: {  	s30 =	simm.s32 $0x0;
	[sflag:s26] =	ssyncadd.s32 $0xFFFFE000  }
0x20c: {  	v7 =	vld [tilespmem:s30+$0x2000]  }
0x20d: {  	v11 =	vld [tilespmem:s30+$0x2010]  }
0x20e: {  	v5 =	vld [tilespmem:s30+$0x2020]  }
0x20f: {  	v4 =	vld [tilespmem:s30+$0x2030]  }
0x210: {  	v3 =	vld [tilespmem:s30+$0x2040]  }
0x211: {  	v2 =	vld [tilespmem:s30+$0x2050]  }
0x212: {  	v1 =	vld [tilespmem:s30+$0x2060]  }
0x213: {  	v0 =	vld [tilespmem:s30+$0x2070]  }
0x214: {  	v12 =	vld [tilespmem:s30+$0x6000]  }
0x215: {  	v13 =	vld [tilespmem:s30+$0x6010]  }
0x216: {  	v10 =	vld [tilespmem:s30+$0x6020]  }
0x217: {  	v9 =	vld [tilespmem:s30+$0x6030]  }
0x218: {  	v8 =	vld [tilespmem:s30+$0x6040]  }
0x219: {  	v6 =	vld [tilespmem:s30+$0x6050];
	v12 =	vadd.f32 v7, v12  }
0x21a: {  	s31 =	simm.s32 $0x200;
	v11 =	vadd.f32 v11, v13;
	v7 =	vld [tilespmem:s30+$0x6060]  }
.LBB2_20:
0x21b: {  	s1 =	sshra.s32 s31, $0x2;
	p0 =	sne.s32 s31, $0x7E00;
	[tilespmem:s30+$0x6000] =	vst v12;
	v5 =	vadd.f32 v5, v10;
	v10 =	vld [tilespmem:s30+$0x6070]  }
0x21c: {  	v12 =	vld [tilespmem:s1+$0x2000];
	[tilespmem:s30+$0x6010] =	vst v11;
	v4 =	vadd.f32 v4, v9  }
0x21d: {  	v11 =	vld [tilespmem:s1+$0x2010];
	[tilespmem:s30+$0x6020] =	vst v5;
	v3 =	vadd.f32 v3, v8  }
0x21e: {  	v5 =	vld [tilespmem:s1+$0x2020];
	[tilespmem:s30+$0x6030] =	vst v4;
	v2 =	vadd.f32 v2, v6  }
0x21f: {  	v4 =	vld [tilespmem:s1+$0x2030];
	[tilespmem:s30+$0x6040] =	vst v3;
	v1 =	vadd.f32 v1, v7  }
0x220: {  	v3 =	vld [tilespmem:s1+$0x2040];
	[tilespmem:s30+$0x6050] =	vst v2;
	v0 =	vadd.f32 v0, v10  }
0x221: {  	v2 =	vld [tilespmem:s1+$0x2050];
	[tilespmem:s30+$0x6060] =	vst v1  }
0x222: {  	v1 =	vld [tilespmem:s1+$0x2060];
	[tilespmem:s30+$0x6070] =	vst v0;
	s30 =	smov.u32 s1  }
0x223: {  	v0 =	vld [tilespmem:s30+$0x2070]  }
0x224: {  	v6 =	vld [tilespmem:s30+$0x6000]  }
0x225: {  	v7 =	vld [tilespmem:s30+$0x6010]  }
.Ltmp9:
0x226: {  	v10 =	vld [tilespmem:s30+$0x6020];
	(pc) =	sbr.rel @p0 .LBB2_20-.Ltmp9, $4  }
0x227: {  	v9 =	vld [tilespmem:s30+$0x6030]  }
0x228: {  	v8 =	vld [tilespmem:s30+$0x6040]  }
0x229: {  	v12 =	vadd.f32 v12, v6;
	v6 =	vld [tilespmem:s30+$0x6050]  }
0x22a: {  	s31 =	sadd.s32 $0x200, s31;
	v11 =	vadd.f32 v11, v7;
	v7 =	vld [tilespmem:s30+$0x6060]  }
0x22b: {  	[tilespmem:s30+$0x6000] =	vst v12;
	v5 =	vadd.f32 v5, v10;
	v10 =	vld [tilespmem:s30+$0x6070]  }
0x22c: {  	[tilespmem:s30+$0x6010] =	vst v11;
	v4 =	vadd.f32 v4, v9  }
0x22d: {  	[tilespmem:s30+$0x6020] =	vst v5;
	v3 =	vadd.f32 v3, v8  }
0x22e: {  	[tilespmem:s30+$0x6030] =	vst v4;
	v2 =	vadd.f32 v2, v6  }
0x22f: {  	[tilespmem:s30+$0x6040] =	vst v3;
	v1 =	vadd.f32 v1, v7  }
0x230: {  	[tilespmem:s30+$0x6050] =	vst v2;
	v0 =	vadd.f32 v0, v10  }
0x231: {  	[tilespmem:s30+$0x6060] =	vst v1  }
0x232: {  	s1 =	simm.s32 $0x0;
	[tilespmem:s30+$0x6070] =	vst v0;
	s30 =	rddreg [dreg:$0x1c]  }
0x233: {  	[hbm4b:s30+s1] =	stream.linear.scatter [tilespmem:s23], [sflag:$0x4], $0x2000, $0x38;
	[tilespmem:$0x8000] =	vst v63  }
0x234: {  	_ =	swait.ge [sflag:s28], $0x2000  }
0x235: {  	[sflag:s28] =	ssyncset.done $0x0  }
0x236: {  	[sflag:s28] =	ssyncadd.s32 $0xFFFFE000  }
0x237: {  	[tilespmem:s22], [sflag:$0x2] =	stream.linear.gather [hbm4b:s2+s1], $0x2000, $0x38;
	[tilespmem:$0x8000] =	vst v63  }
0x238: {  	_ = 	snop  }
0x239: {  	[tilespmem:s23], [sflag:$0x2] =	stream.linear.gather [hbm4b:s3+s1], $0x2000, $0x38;
	[tilespmem:$0x8000] =	vst v63  }
0x23a: {  	_ =	swait.ge [sflag:s24], $0x2000  }
0x23b: {  	[sflag:s24] =	ssyncset.done $0x0  }
0x23c: {  	[sflag:s24] =	ssyncadd.s32 $0xFFFFE000  }
0x23d: {  	_ =	swait.ge [sflag:s24], $0x2000  }
0x23e: {  	[sflag:s24] =	ssyncset.done $0x0  }
0x23f: {  	s30 =	simm.s32 $0x0;
	[sflag:s24] =	ssyncadd.s32 $0xFFFFE000  }
0x240: {  	v7 =	vld [tilespmem:s30+$0x0]  }
0x241: {  	v11 =	vld [tilespmem:s30+$0x10]  }
0x242: {  	v5 =	vld [tilespmem:s30+$0x20]  }
0x243: {  	v4 =	vld [tilespmem:s30+$0x30]  }
0x244: {  	v3 =	vld [tilespmem:s30+$0x40]  }
0x245: {  	v2 =	vld [tilespmem:s30+$0x50]  }
0x246: {  	v1 =	vld [tilespmem:s30+$0x60]  }
0x247: {  	v0 =	vld [tilespmem:s30+$0x70]  }
0x248: {  	v12 =	vld [tilespmem:s30+$0x4000]  }
0x249: {  	v13 =	vld [tilespmem:s30+$0x4010]  }
0x24a: {  	v10 =	vld [tilespmem:s30+$0x4020]  }
0x24b: {  	v9 =	vld [tilespmem:s30+$0x4030]  }
0x24c: {  	v8 =	vld [tilespmem:s30+$0x4040]  }
0x24d: {  	v6 =	vld [tilespmem:s30+$0x4050];
	v12 =	vadd.f32 v7, v12  }
0x24e: {  	s31 =	simm.s32 $0x200;
	v11 =	vadd.f32 v11, v13;
	v7 =	vld [tilespmem:s30+$0x4060]  }
.LBB2_22:
0x24f: {  	s1 =	sshra.s32 s31, $0x2;
	p0 =	sne.s32 s31, $0x7E00;
	[tilespmem:s30+$0x4000] =	vst v12;
	v5 =	vadd.f32 v5, v10;
	v10 =	vld [tilespmem:s30+$0x4070]  }
0x250: {  	v12 =	vld [tilespmem:s1+$0x0];
	[tilespmem:s30+$0x4010] =	vst v11;
	v4 =	vadd.f32 v4, v9  }
0x251: {  	v11 =	vld [tilespmem:s1+$0x10];
	[tilespmem:s30+$0x4020] =	vst v5;
	v3 =	vadd.f32 v3, v8  }
0x252: {  	v5 =	vld [tilespmem:s1+$0x20];
	[tilespmem:s30+$0x4030] =	vst v4;
	v2 =	vadd.f32 v2, v6  }
0x253: {  	v4 =	vld [tilespmem:s1+$0x30];
	[tilespmem:s30+$0x4040] =	vst v3;
	v1 =	vadd.f32 v1, v7  }
0x254: {  	v3 =	vld [tilespmem:s1+$0x40];
	[tilespmem:s30+$0x4050] =	vst v2;
	v0 =	vadd.f32 v0, v10  }
0x255: {  	v2 =	vld [tilespmem:s1+$0x50];
	[tilespmem:s30+$0x4060] =	vst v1  }
0x256: {  	v1 =	vld [tilespmem:s1+$0x60];
	[tilespmem:s30+$0x4070] =	vst v0;
	s30 =	smov.u32 s1  }
0x257: {  	v0 =	vld [tilespmem:s30+$0x70]  }
0x258: {  	v6 =	vld [tilespmem:s30+$0x4000]  }
0x259: {  	v7 =	vld [tilespmem:s30+$0x4010]  }
.Ltmp10:
0x25a: {  	v10 =	vld [tilespmem:s30+$0x4020];
	(pc) =	sbr.rel @p0 .LBB2_22-.Ltmp10, $4  }
0x25b: {  	v9 =	vld [tilespmem:s30+$0x4030]  }
0x25c: {  	v8 =	vld [tilespmem:s30+$0x4040]  }
0x25d: {  	v12 =	vadd.f32 v12, v6;
	v6 =	vld [tilespmem:s30+$0x4050]  }
0x25e: {  	s31 =	sadd.s32 $0x200, s31;
	v11 =	vadd.f32 v11, v7;
	v7 =	vld [tilespmem:s30+$0x4060]  }
0x25f: {  	[tilespmem:s30+$0x4000] =	vst v12;
	v5 =	vadd.f32 v5, v10;
	v10 =	vld [tilespmem:s30+$0x4070]  }
0x260: {  	[tilespmem:s30+$0x4010] =	vst v11;
	v4 =	vadd.f32 v4, v9  }
0x261: {  	[tilespmem:s30+$0x4020] =	vst v5;
	v3 =	vadd.f32 v3, v8  }
0x262: {  	[tilespmem:s30+$0x4030] =	vst v4;
	v2 =	vadd.f32 v2, v6  }
0x263: {  	[tilespmem:s30+$0x4040] =	vst v3;
	v1 =	vadd.f32 v1, v7  }
0x264: {  	[tilespmem:s30+$0x4050] =	vst v2;
	v0 =	vadd.f32 v0, v10  }
0x265: {  	[tilespmem:s30+$0x4060] =	vst v1  }
0x266: {  	s1 =	simm.s32 $0x0;
	[tilespmem:s30+$0x4070] =	vst v0;
	s30 =	rddreg [dreg:$0x1f]  }
0x267: {  	[hbm4b:s30+s1] =	stream.linear.scatter [tilespmem:s21], [sflag:$0x3], $0x2000, $0x38;
	[tilespmem:$0x8000] =	vst v63  }
0x268: {  	_ =	swait.ge [sflag:s25], $0x2000  }
0x269: {  	[sflag:s25] =	ssyncset.done $0x0  }
0x26a: {  	[sflag:s25] =	ssyncadd.s32 $0xFFFFE000  }
0x26b: {  	[tilespmem:s1], [sflag:$0x1] =	stream.linear.gather [hbm4b:s5+s1], $0x2000, $0x38;
	[tilespmem:$0x8000] =	vst v63  }
0x26c: {  	_ = 	snop  }
0x26d: {  	[tilespmem:s21], [sflag:$0x1] =	stream.linear.gather [hbm4b:s6+s1], $0x2000, $0x38;
	[tilespmem:$0x8000] =	vst v63  }
0x26e: {  	_ =	swait.ge [sflag:s26], $0x2000  }
0x26f: {  	[sflag:s26] =	ssyncset.done $0x0  }
0x270: {  	[sflag:s26] =	ssyncadd.s32 $0xFFFFE000  }
0x271: {  	_ =	swait.ge [sflag:s26], $0x2000  }
0x272: {  	[sflag:s26] =	ssyncset.done $0x0  }
0x273: {  	s30 =	simm.s32 $0x0;
	[sflag:s26] =	ssyncadd.s32 $0xFFFFE000  }
0x274: {  	v7 =	vld [tilespmem:s30+$0x2000]  }
0x275: {  	v11 =	vld [tilespmem:s30+$0x2010]  }
0x276: {  	v5 =	vld [tilespmem:s30+$0x2020]  }
0x277: {  	v4 =	vld [tilespmem:s30+$0x2030]  }
0x278: {  	v3 =	vld [tilespmem:s30+$0x2040]  }
0x279: {  	v2 =	vld [tilespmem:s30+$0x2050]  }
0x27a: {  	v1 =	vld [tilespmem:s30+$0x2060]  }
0x27b: {  	v0 =	vld [tilespmem:s30+$0x2070]  }
0x27c: {  	v12 =	vld [tilespmem:s30+$0x6000]  }
0x27d: {  	v13 =	vld [tilespmem:s30+$0x6010]  }
0x27e: {  	v10 =	vld [tilespmem:s30+$0x6020]  }
0x27f: {  	v9 =	vld [tilespmem:s30+$0x6030]  }
0x280: {  	v8 =	vld [tilespmem:s30+$0x6040]  }
0x281: {  	v6 =	vld [tilespmem:s30+$0x6050];
	v12 =	vadd.f32 v7, v12  }
0x282: {  	s31 =	simm.s32 $0x200;
	v11 =	vadd.f32 v11, v13;
	v7 =	vld [tilespmem:s30+$0x6060]  }
.LBB2_24:
0x283: {  	s1 =	sshra.s32 s31, $0x2;
	p0 =	sne.s32 s31, $0x7E00;
	[tilespmem:s30+$0x6000] =	vst v12;
	v5 =	vadd.f32 v5, v10;
	v10 =	vld [tilespmem:s30+$0x6070]  }
0x284: {  	v12 =	vld [tilespmem:s1+$0x2000];
	[tilespmem:s30+$0x6010] =	vst v11;
	v4 =	vadd.f32 v4, v9  }
0x285: {  	v11 =	vld [tilespmem:s1+$0x2010];
	[tilespmem:s30+$0x6020] =	vst v5;
	v3 =	vadd.f32 v3, v8  }
0x286: {  	v5 =	vld [tilespmem:s1+$0x2020];
	[tilespmem:s30+$0x6030] =	vst v4;
	v2 =	vadd.f32 v2, v6  }
0x287: {  	v4 =	vld [tilespmem:s1+$0x2030];
	[tilespmem:s30+$0x6040] =	vst v3;
	v1 =	vadd.f32 v1, v7  }
0x288: {  	v3 =	vld [tilespmem:s1+$0x2040];
	[tilespmem:s30+$0x6050] =	vst v2;
	v0 =	vadd.f32 v0, v10  }
0x289: {  	v2 =	vld [tilespmem:s1+$0x2050];
	[tilespmem:s30+$0x6060] =	vst v1  }
0x28a: {  	v1 =	vld [tilespmem:s1+$0x2060];
	[tilespmem:s30+$0x6070] =	vst v0;
	s30 =	smov.u32 s1  }
0x28b: {  	v0 =	vld [tilespmem:s30+$0x2070]  }
0x28c: {  	v6 =	vld [tilespmem:s30+$0x6000]  }
0x28d: {  	v7 =	vld [tilespmem:s30+$0x6010]  }
.Ltmp11:
0x28e: {  	v10 =	vld [tilespmem:s30+$0x6020];
	(pc) =	sbr.rel @p0 .LBB2_24-.Ltmp11, $4  }
0x28f: {  	v9 =	vld [tilespmem:s30+$0x6030]  }
0x290: {  	v8 =	vld [tilespmem:s30+$0x6040]  }
0x291: {  	v12 =	vadd.f32 v12, v6;
	v6 =	vld [tilespmem:s30+$0x6050]  }
0x292: {  	s31 =	sadd.s32 $0x200, s31;
	v11 =	vadd.f32 v11, v7;
	v7 =	vld [tilespmem:s30+$0x6060]  }
0x293: {  	[tilespmem:s30+$0x6000] =	vst v12;
	v5 =	vadd.f32 v5, v10;
	v10 =	vld [tilespmem:s30+$0x6070]  }
0x294: {  	[tilespmem:s30+$0x6010] =	vst v11;
	v4 =	vadd.f32 v4, v9  }
0x295: {  	[tilespmem:s30+$0x6020] =	vst v5;
	v3 =	vadd.f32 v3, v8  }
0x296: {  	[tilespmem:s30+$0x6030] =	vst v4;
	v2 =	vadd.f32 v2, v6  }
0x297: {  	[tilespmem:s30+$0x6040] =	vst v3;
	v1 =	vadd.f32 v1, v7  }
0x298: {  	[tilespmem:s30+$0x6050] =	vst v2;
	v0 =	vadd.f32 v0, v10  }
0x299: {  	[tilespmem:s30+$0x6060] =	vst v1  }
0x29a: {  	s1 =	simm.s32 $0x0;
	[tilespmem:s30+$0x6070] =	vst v0  }
0x29b: {  	[hbm4b:s4+s1] =	stream.linear.scatter [tilespmem:s23], [sflag:$0x4], $0x2000, $0x38;
	[tilespmem:$0x8000] =	vst v63  }
0x29c: {  	_ =	swait.ge [sflag:s28], $0x2000  }
0x29d: {  	[sflag:s28] =	ssyncset.done $0x0  }
0x29e: {  	[sflag:s28] =	ssyncadd.s32 $0xFFFFE000  }
0x29f: {  	[tilespmem:s22], [sflag:$0x2] =	stream.linear.gather [hbm4b:s11+s1], $0x2000, $0x38;
	[tilespmem:$0x8000] =	vst v63  }
0x2a0: {  	_ = 	snop  }
0x2a1: {  	[tilespmem:s23], [sflag:$0x2] =	stream.linear.gather [hbm4b:s12+s1], $0x2000, $0x38;
	[tilespmem:$0x8000] =	vst v63  }
0x2a2: {  	_ =	swait.ge [sflag:s24], $0x2000  }
0x2a3: {  	[sflag:s24] =	ssyncset.done $0x0  }
0x2a4: {  	[sflag:s24] =	ssyncadd.s32 $0xFFFFE000  }
0x2a5: {  	_ =	swait.ge [sflag:s24], $0x2000  }
0x2a6: {  	[sflag:s24] =	ssyncset.done $0x0  }
0x2a7: {  	s30 =	simm.s32 $0x0;
	[sflag:s24] =	ssyncadd.s32 $0xFFFFE000  }
0x2a8: {  	v7 =	vld [tilespmem:s30+$0x0]  }
0x2a9: {  	v11 =	vld [tilespmem:s30+$0x10]  }
0x2aa: {  	v5 =	vld [tilespmem:s30+$0x20]  }
0x2ab: {  	v4 =	vld [tilespmem:s30+$0x30]  }
0x2ac: {  	v3 =	vld [tilespmem:s30+$0x40]  }
0x2ad: {  	v2 =	vld [tilespmem:s30+$0x50]  }
0x2ae: {  	v1 =	vld [tilespmem:s30+$0x60]  }
0x2af: {  	v0 =	vld [tilespmem:s30+$0x70]  }
0x2b0: {  	v12 =	vld [tilespmem:s30+$0x4000]  }
0x2b1: {  	v13 =	vld [tilespmem:s30+$0x4010]  }
0x2b2: {  	v10 =	vld [tilespmem:s30+$0x4020]  }
0x2b3: {  	v9 =	vld [tilespmem:s30+$0x4030]  }
0x2b4: {  	v8 =	vld [tilespmem:s30+$0x4040]  }
0x2b5: {  	v6 =	vld [tilespmem:s30+$0x4050];
	v12 =	vadd.f32 v7, v12  }
0x2b6: {  	s31 =	simm.s32 $0x200;
	v11 =	vadd.f32 v11, v13;
	v7 =	vld [tilespmem:s30+$0x4060]  }
.LBB2_26:
0x2b7: {  	s1 =	sshra.s32 s31, $0x2;
	p0 =	sne.s32 s31, $0x7E00;
	[tilespmem:s30+$0x4000] =	vst v12;
	v5 =	vadd.f32 v5, v10;
	v10 =	vld [tilespmem:s30+$0x4070]  }
0x2b8: {  	v12 =	vld [tilespmem:s1+$0x0];
	[tilespmem:s30+$0x4010] =	vst v11;
	v4 =	vadd.f32 v4, v9  }
0x2b9: {  	v11 =	vld [tilespmem:s1+$0x10];
	[tilespmem:s30+$0x4020] =	vst v5;
	v3 =	vadd.f32 v3, v8  }
0x2ba: {  	v5 =	vld [tilespmem:s1+$0x20];
	[tilespmem:s30+$0x4030] =	vst v4;
	v2 =	vadd.f32 v2, v6  }
0x2bb: {  	v4 =	vld [tilespmem:s1+$0x30];
	[tilespmem:s30+$0x4040] =	vst v3;
	v1 =	vadd.f32 v1, v7  }
0x2bc: {  	v3 =	vld [tilespmem:s1+$0x40];
	[tilespmem:s30+$0x4050] =	vst v2;
	v0 =	vadd.f32 v0, v10  }
0x2bd: {  	v2 =	vld [tilespmem:s1+$0x50];
	[tilespmem:s30+$0x4060] =	vst v1  }
0x2be: {  	v1 =	vld [tilespmem:s1+$0x60];
	[tilespmem:s30+$0x4070] =	vst v0;
	s30 =	smov.u32 s1  }
0x2bf: {  	v0 =	vld [tilespmem:s30+$0x70]  }
0x2c0: {  	v6 =	vld [tilespmem:s30+$0x4000]  }
0x2c1: {  	v7 =	vld [tilespmem:s30+$0x4010]  }
.Ltmp12:
0x2c2: {  	v10 =	vld [tilespmem:s30+$0x4020];
	(pc) =	sbr.rel @p0 .LBB2_26-.Ltmp12, $4  }
0x2c3: {  	v9 =	vld [tilespmem:s30+$0x4030]  }
0x2c4: {  	v8 =	vld [tilespmem:s30+$0x4040]  }
0x2c5: {  	v12 =	vadd.f32 v12, v6;
	v6 =	vld [tilespmem:s30+$0x4050]  }
0x2c6: {  	s31 =	sadd.s32 $0x200, s31;
	v11 =	vadd.f32 v11, v7;
	v7 =	vld [tilespmem:s30+$0x4060]  }
0x2c7: {  	[tilespmem:s30+$0x4000] =	vst v12;
	v5 =	vadd.f32 v5, v10;
	v10 =	vld [tilespmem:s30+$0x4070]  }
0x2c8: {  	[tilespmem:s30+$0x4010] =	vst v11;
	v4 =	vadd.f32 v4, v9  }
0x2c9: {  	[tilespmem:s30+$0x4020] =	vst v5;
	v3 =	vadd.f32 v3, v8  }
0x2ca: {  	[tilespmem:s30+$0x4030] =	vst v4;
	v2 =	vadd.f32 v2, v6  }
0x2cb: {  	[tilespmem:s30+$0x4040] =	vst v3;
	v1 =	vadd.f32 v1, v7  }
0x2cc: {  	[tilespmem:s30+$0x4050] =	vst v2;
	v0 =	vadd.f32 v0, v10  }
0x2cd: {  	[tilespmem:s30+$0x4060] =	vst v1  }
0x2ce: {  	s1 =	simm.s32 $0x0;
	[tilespmem:s30+$0x4070] =	vst v0  }
0x2cf: {  	[hbm4b:s7+s1] =	stream.linear.scatter [tilespmem:s21], [sflag:$0x3], $0x2000, $0x38;
	[tilespmem:$0x8000] =	vst v63  }
0x2d0: {  	_ =	swait.ge [sflag:s25], $0x2000  }
0x2d1: {  	[sflag:s25] =	ssyncset.done $0x0  }
0x2d2: {  	[sflag:s25] =	ssyncadd.s32 $0xFFFFE000  }
0x2d3: {  	[tilespmem:s1], [sflag:$0x1] =	stream.linear.gather [hbm4b:s14+s1], $0x2000, $0x38;
	[tilespmem:$0x8000] =	vst v63  }
0x2d4: {  	_ = 	snop  }
0x2d5: {  	[tilespmem:s21], [sflag:$0x1] =	stream.linear.gather [hbm4b:s16+s1], $0x2000, $0x38;
	[tilespmem:$0x8000] =	vst v63  }
0x2d6: {  	_ =	swait.ge [sflag:s26], $0x2000  }
0x2d7: {  	[sflag:s26] =	ssyncset.done $0x0  }
0x2d8: {  	[sflag:s26] =	ssyncadd.s32 $0xFFFFE000  }
0x2d9: {  	_ =	swait.ge [sflag:s26], $0x2000  }
0x2da: {  	[sflag:s26] =	ssyncset.done $0x0  }
0x2db: {  	s30 =	simm.s32 $0x0;
	[sflag:s26] =	ssyncadd.s32 $0xFFFFE000  }
0x2dc: {  	v7 =	vld [tilespmem:s30+$0x2000]  }
0x2dd: {  	v11 =	vld [tilespmem:s30+$0x2010]  }
0x2de: {  	v5 =	vld [tilespmem:s30+$0x2020]  }
0x2df: {  	v4 =	vld [tilespmem:s30+$0x2030]  }
0x2e0: {  	v3 =	vld [tilespmem:s30+$0x2040]  }
0x2e1: {  	v2 =	vld [tilespmem:s30+$0x2050]  }
0x2e2: {  	v1 =	vld [tilespmem:s30+$0x2060]  }
0x2e3: {  	v0 =	vld [tilespmem:s30+$0x2070]  }
0x2e4: {  	v12 =	vld [tilespmem:s30+$0x6000]  }
0x2e5: {  	v13 =	vld [tilespmem:s30+$0x6010]  }
0x2e6: {  	v10 =	vld [tilespmem:s30+$0x6020]  }
0x2e7: {  	v9 =	vld [tilespmem:s30+$0x6030]  }
0x2e8: {  	v8 =	vld [tilespmem:s30+$0x6040]  }
0x2e9: {  	v6 =	vld [tilespmem:s30+$0x6050];
	v12 =	vadd.f32 v7, v12  }
0x2ea: {  	s31 =	simm.s32 $0x200;
	v11 =	vadd.f32 v11, v13;
	v7 =	vld [tilespmem:s30+$0x6060]  }
.LBB2_28:
0x2eb: {  	s1 =	sshra.s32 s31, $0x2;
	p0 =	sne.s32 s31, $0x7E00;
	[tilespmem:s30+$0x6000] =	vst v12;
	v5 =	vadd.f32 v5, v10;
	v10 =	vld [tilespmem:s30+$0x6070]  }
0x2ec: {  	v12 =	vld [tilespmem:s1+$0x2000];
	[tilespmem:s30+$0x6010] =	vst v11;
	v4 =	vadd.f32 v4, v9  }
0x2ed: {  	v11 =	vld [tilespmem:s1+$0x2010];
	[tilespmem:s30+$0x6020] =	vst v5;
	v3 =	vadd.f32 v3, v8  }
0x2ee: {  	v5 =	vld [tilespmem:s1+$0x2020];
	[tilespmem:s30+$0x6030] =	vst v4;
	v2 =	vadd.f32 v2, v6  }
0x2ef: {  	v4 =	vld [tilespmem:s1+$0x2030];
	[tilespmem:s30+$0x6040] =	vst v3;
	v1 =	vadd.f32 v1, v7  }
0x2f0: {  	v3 =	vld [tilespmem:s1+$0x2040];
	[tilespmem:s30+$0x6050] =	vst v2;
	v0 =	vadd.f32 v0, v10  }
0x2f1: {  	v2 =	vld [tilespmem:s1+$0x2050];
	[tilespmem:s30+$0x6060] =	vst v1  }
0x2f2: {  	v1 =	vld [tilespmem:s1+$0x2060];
	[tilespmem:s30+$0x6070] =	vst v0;
	s30 =	smov.u32 s1  }
0x2f3: {  	v0 =	vld [tilespmem:s30+$0x2070]  }
0x2f4: {  	v6 =	vld [tilespmem:s30+$0x6000]  }
0x2f5: {  	v7 =	vld [tilespmem:s30+$0x6010]  }
.Ltmp13:
0x2f6: {  	v10 =	vld [tilespmem:s30+$0x6020];
	(pc) =	sbr.rel @p0 .LBB2_28-.Ltmp13, $4  }
0x2f7: {  	v9 =	vld [tilespmem:s30+$0x6030]  }
0x2f8: {  	v8 =	vld [tilespmem:s30+$0x6040]  }
0x2f9: {  	v12 =	vadd.f32 v12, v6;
	v6 =	vld [tilespmem:s30+$0x6050]  }
0x2fa: {  	s31 =	sadd.s32 $0x200, s31;
	v11 =	vadd.f32 v11, v7;
	v7 =	vld [tilespmem:s30+$0x6060]  }
0x2fb: {  	[tilespmem:s30+$0x6000] =	vst v12;
	v5 =	vadd.f32 v5, v10;
	v10 =	vld [tilespmem:s30+$0x6070]  }
0x2fc: {  	[tilespmem:s30+$0x6010] =	vst v11;
	v4 =	vadd.f32 v4, v9  }
0x2fd: {  	[tilespmem:s30+$0x6020] =	vst v5;
	v3 =	vadd.f32 v3, v8  }
0x2fe: {  	[tilespmem:s30+$0x6030] =	vst v4;
	v2 =	vadd.f32 v2, v6  }
0x2ff: {  	[tilespmem:s30+$0x6040] =	vst v3;
	v1 =	vadd.f32 v1, v7  }
0x300: {  	[tilespmem:s30+$0x6050] =	vst v2;
	v0 =	vadd.f32 v0, v10  }
0x301: {  	[tilespmem:s30+$0x6060] =	vst v1  }
0x302: {  	s1 =	simm.s32 $0x0;
	[tilespmem:s30+$0x6070] =	vst v0  }
0x303: {  	[hbm4b:s13+s1] =	stream.linear.scatter [tilespmem:s23], [sflag:$0x4], $0x2000, $0x38;
	[tilespmem:$0x8000] =	vst v63  }
0x304: {  	_ =	swait.ge [sflag:s28], $0x2000  }
0x305: {  	[sflag:s28] =	ssyncset.done $0x0  }
0x306: {  	[sflag:s28] =	ssyncadd.s32 $0xFFFFE000  }
0x307: {  	[tilespmem:s22], [sflag:$0x2] =	stream.linear.gather [hbm4b:s15+s1], $0x2000, $0x38;
	[tilespmem:$0x8000] =	vst v63  }
0x308: {  	_ = 	snop  }
0x309: {  	[tilespmem:s23], [sflag:$0x2] =	stream.linear.gather [hbm4b:s17+s1], $0x2000, $0x38;
	[tilespmem:$0x8000] =	vst v63  }
0x30a: {  	_ =	swait.ge [sflag:s24], $0x2000  }
0x30b: {  	[sflag:s24] =	ssyncset.done $0x0  }
0x30c: {  	[sflag:s24] =	ssyncadd.s32 $0xFFFFE000  }
0x30d: {  	_ =	swait.ge [sflag:s24], $0x2000  }
0x30e: {  	[sflag:s24] =	ssyncset.done $0x0  }
0x30f: {  	s30 =	simm.s32 $0x0;
	[sflag:s24] =	ssyncadd.s32 $0xFFFFE000  }
0x310: {  	v7 =	vld [tilespmem:s30+$0x0]  }
0x311: {  	v11 =	vld [tilespmem:s30+$0x10]  }
0x312: {  	v5 =	vld [tilespmem:s30+$0x20]  }
0x313: {  	v4 =	vld [tilespmem:s30+$0x30]  }
0x314: {  	v3 =	vld [tilespmem:s30+$0x40]  }
0x315: {  	v2 =	vld [tilespmem:s30+$0x50]  }
0x316: {  	v1 =	vld [tilespmem:s30+$0x60]  }
0x317: {  	v0 =	vld [tilespmem:s30+$0x70]  }
0x318: {  	v12 =	vld [tilespmem:s30+$0x4000]  }
0x319: {  	v13 =	vld [tilespmem:s30+$0x4010]  }
0x31a: {  	v10 =	vld [tilespmem:s30+$0x4020]  }
0x31b: {  	v9 =	vld [tilespmem:s30+$0x4030]  }
0x31c: {  	v8 =	vld [tilespmem:s30+$0x4040]  }
0x31d: {  	v6 =	vld [tilespmem:s30+$0x4050];
	v12 =	vadd.f32 v7, v12  }
0x31e: {  	s31 =	simm.s32 $0x200;
	v11 =	vadd.f32 v11, v13;
	v7 =	vld [tilespmem:s30+$0x4060]  }
.LBB2_30:
0x31f: {  	s1 =	sshra.s32 s31, $0x2;
	p0 =	sne.s32 s31, $0x7E00;
	[tilespmem:s30+$0x4000] =	vst v12;
	v5 =	vadd.f32 v5, v10;
	v10 =	vld [tilespmem:s30+$0x4070]  }
0x320: {  	v12 =	vld [tilespmem:s1+$0x0];
	[tilespmem:s30+$0x4010] =	vst v11;
	v4 =	vadd.f32 v4, v9  }
0x321: {  	v11 =	vld [tilespmem:s1+$0x10];
	[tilespmem:s30+$0x4020] =	vst v5;
	v3 =	vadd.f32 v3, v8  }
0x322: {  	v5 =	vld [tilespmem:s1+$0x20];
	[tilespmem:s30+$0x4030] =	vst v4;
	v2 =	vadd.f32 v2, v6  }
0x323: {  	v4 =	vld [tilespmem:s1+$0x30];
	[tilespmem:s30+$0x4040] =	vst v3;
	v1 =	vadd.f32 v1, v7  }
0x324: {  	v3 =	vld [tilespmem:s1+$0x40];
	[tilespmem:s30+$0x4050] =	vst v2;
	v0 =	vadd.f32 v0, v10  }
0x325: {  	v2 =	vld [tilespmem:s1+$0x50];
	[tilespmem:s30+$0x4060] =	vst v1  }
0x326: {  	v1 =	vld [tilespmem:s1+$0x60];
	[tilespmem:s30+$0x4070] =	vst v0;
	s30 =	smov.u32 s1  }
0x327: {  	v0 =	vld [tilespmem:s30+$0x70]  }
0x328: {  	v6 =	vld [tilespmem:s30+$0x4000]  }
0x329: {  	v7 =	vld [tilespmem:s30+$0x4010]  }
.Ltmp14:
0x32a: {  	v10 =	vld [tilespmem:s30+$0x4020];
	(pc) =	sbr.rel @p0 .LBB2_30-.Ltmp14, $4  }
0x32b: {  	v9 =	vld [tilespmem:s30+$0x4030]  }
0x32c: {  	v8 =	vld [tilespmem:s30+$0x4040]  }
0x32d: {  	v12 =	vadd.f32 v12, v6;
	v6 =	vld [tilespmem:s30+$0x4050]  }
0x32e: {  	s31 =	sadd.s32 $0x200, s31;
	v11 =	vadd.f32 v11, v7;
	v7 =	vld [tilespmem:s30+$0x4060]  }
0x32f: {  	[tilespmem:s30+$0x4000] =	vst v12;
	v5 =	vadd.f32 v5, v10;
	v10 =	vld [tilespmem:s30+$0x4070]  }
0x330: {  	[tilespmem:s30+$0x4010] =	vst v11;
	v4 =	vadd.f32 v4, v9  }
0x331: {  	[tilespmem:s30+$0x4020] =	vst v5;
	v3 =	vadd.f32 v3, v8  }
0x332: {  	[tilespmem:s30+$0x4030] =	vst v4;
	v2 =	vadd.f32 v2, v6  }
0x333: {  	[tilespmem:s30+$0x4040] =	vst v3;
	v1 =	vadd.f32 v1, v7  }
0x334: {  	[tilespmem:s30+$0x4050] =	vst v2;
	v0 =	vadd.f32 v0, v10  }
0x335: {  	[tilespmem:s30+$0x4060] =	vst v1  }
0x336: {  	s1 =	simm.s32 $0x0;
	[tilespmem:s30+$0x4070] =	vst v0  }
0x337: {  	[hbm4b:s18+s1] =	stream.linear.scatter [tilespmem:s21], [sflag:$0x3], $0x2000, $0x38;
	[tilespmem:$0x8000] =	vst v63  }
0x338: {  	_ =	swait.ge [sflag:s25], $0x2000  }
0x339: {  	[sflag:s25] =	ssyncset.done $0x0  }
0x33a: {  	[sflag:s25] =	ssyncadd.s32 $0xFFFFE000  }
0x33b: {  	_ =	swait.ge [sflag:s26], $0x2000  }
0x33c: {  	[sflag:s26] =	ssyncset.done $0x0  }
0x33d: {  	[sflag:s26] =	ssyncadd.s32 $0xFFFFE000  }
0x33e: {  	_ =	swait.ge [sflag:s26], $0x2000  }
0x33f: {  	[sflag:s26] =	ssyncset.done $0x0  }
0x340: {  	s30 =	simm.s32 $0x0;
	[sflag:s26] =	ssyncadd.s32 $0xFFFFE000  }
0x341: {  	v7 =	vld [tilespmem:s30+$0x2000]  }
0x342: {  	v11 =	vld [tilespmem:s30+$0x2010]  }
0x343: {  	v5 =	vld [tilespmem:s30+$0x2020]  }
0x344: {  	v4 =	vld [tilespmem:s30+$0x2030]  }
0x345: {  	v3 =	vld [tilespmem:s30+$0x2040]  }
0x346: {  	v2 =	vld [tilespmem:s30+$0x2050]  }
0x347: {  	v1 =	vld [tilespmem:s30+$0x2060]  }
0x348: {  	v0 =	vld [tilespmem:s30+$0x2070]  }
0x349: {  	v12 =	vld [tilespmem:s30+$0x6000]  }
0x34a: {  	v13 =	vld [tilespmem:s30+$0x6010]  }
0x34b: {  	v10 =	vld [tilespmem:s30+$0x6020]  }
0x34c: {  	v9 =	vld [tilespmem:s30+$0x6030]  }
0x34d: {  	v8 =	vld [tilespmem:s30+$0x6040]  }
0x34e: {  	v6 =	vld [tilespmem:s30+$0x6050];
	v12 =	vadd.f32 v7, v12  }
0x34f: {  	s31 =	simm.s32 $0x200;
	v11 =	vadd.f32 v11, v13;
	v7 =	vld [tilespmem:s30+$0x6060]  }
.LBB2_32:
0x350: {  	s1 =	sshra.s32 s31, $0x2;
	p0 =	sne.s32 s31, $0x7E00;
	[tilespmem:s30+$0x6000] =	vst v12;
	v5 =	vadd.f32 v5, v10;
	v10 =	vld [tilespmem:s30+$0x6070]  }
0x351: {  	v12 =	vld [tilespmem:s1+$0x2000];
	[tilespmem:s30+$0x6010] =	vst v11;
	v4 =	vadd.f32 v4, v9  }
0x352: {  	v11 =	vld [tilespmem:s1+$0x2010];
	[tilespmem:s30+$0x6020] =	vst v5;
	v3 =	vadd.f32 v3, v8  }
0x353: {  	v5 =	vld [tilespmem:s1+$0x2020];
	[tilespmem:s30+$0x6030] =	vst v4;
	v2 =	vadd.f32 v2, v6  }
0x354: {  	v4 =	vld [tilespmem:s1+$0x2030];
	[tilespmem:s30+$0x6040] =	vst v3;
	v1 =	vadd.f32 v1, v7  }
0x355: {  	v3 =	vld [tilespmem:s1+$0x2040];
	[tilespmem:s30+$0x6050] =	vst v2;
	v0 =	vadd.f32 v0, v10  }
0x356: {  	v2 =	vld [tilespmem:s1+$0x2050];
	[tilespmem:s30+$0x6060] =	vst v1  }
0x357: {  	v1 =	vld [tilespmem:s1+$0x2060];
	[tilespmem:s30+$0x6070] =	vst v0;
	s30 =	smov.u32 s1  }
0x358: {  	v0 =	vld [tilespmem:s30+$0x2070]  }
0x359: {  	v6 =	vld [tilespmem:s30+$0x6000]  }
0x35a: {  	v7 =	vld [tilespmem:s30+$0x6010]  }
.Ltmp15:
0x35b: {  	v10 =	vld [tilespmem:s30+$0x6020];
	(pc) =	sbr.rel @p0 .LBB2_32-.Ltmp15, $4  }
0x35c: {  	v9 =	vld [tilespmem:s30+$0x6030]  }
0x35d: {  	v8 =	vld [tilespmem:s30+$0x6040]  }
0x35e: {  	v12 =	vadd.f32 v12, v6;
	v6 =	vld [tilespmem:s30+$0x6050]  }
0x35f: {  	s31 =	sadd.s32 $0x200, s31;
	v11 =	vadd.f32 v11, v7;
	v7 =	vld [tilespmem:s30+$0x6060]  }
0x360: {  	[tilespmem:s30+$0x6000] =	vst v12;
	v5 =	vadd.f32 v5, v10;
	v63 =	vld [tilespmem:s30+$0x6070]  }
0x361: {  	[tilespmem:s30+$0x6010] =	vst v11;
	v4 =	vadd.f32 v4, v9  }
0x362: {  	[tilespmem:s30+$0x6020] =	vst v5;
	v3 =	vadd.f32 v3, v8  }
0x363: {  	[tilespmem:s30+$0x6030] =	vst v4;
	v2 =	vadd.f32 v2, v6  }
0x364: {  	[tilespmem:s30+$0x6040] =	vst v3;
	v1 =	vadd.f32 v1, v7  }
0x365: {  	s29 =	sadd.s32 $0x1, s29;
	[tilespmem:s30+$0x6050] =	vst v2;
	v0 =	vadd.f32 v0, v63  }
0x366: {  	p0 =	sne.s32 s29, s20;
	[tilespmem:s30+$0x6060] =	vst v1  }
.Ltmp16:
0x367: {  	[tilespmem:s30+$0x6070] =	vst v0;
	(pc) =	sbr.rel @p0 .LBB2_1-.Ltmp16, $4  }
0x368: {  	[hbm4b:s19+s0] =	stream.linear.scatter [tilespmem:s23], [sflag:$0x4], $0x2000, $0x38;
	[tilespmem:$0x8000] =	vst v63  }
0x369: {  	_ =	swait.ge [sflag:s28], $0x2000  }
0x36a: {  	[sflag:s28] =	ssyncset.done $0x0  }
0x36b: {  	[sflag:s28] =	ssyncadd.s32 $0xFFFFE000  }
0x36c: {  	_ =	sfence.sel $0x180000  }
0x36d: {  	[bflag:$0x0] =	sbarrier.arrive $0xFFFF  }
0x36e: {  	_ =	strace $0x90000047  }
0x36f: {  	s0 =	stileid.u32;
	[bflag:$0x2] =	sbarrier.arrive $0xFFFF  }
0x370: {  	p0 =	sne.s32 s0, $0x0;
	s0 =	rddreg [dreg:$0x1]  }
0x371: {  	s0 =	sadd.s32 @!p0 $0x100000, s0  }
0x372: {  	[sflag:s0] =	ssyncadd.tile.s32 @!p0 $0x1;
	_ =	shalt  }
.Lfunc_end2:
_tile_overlayer_lowered:
.L_overlay_start_2:
0x373: {  	(tag) =	ssettag $0x2  }
0x374: {  	s0 =	rddreg [dreg:$0x0];
	s2 =	stileid.u32  }
0x375: {  	s1 =	rddreg [dreg:$0x1];
	p0 =	sne.s32 s2, $0x0  }
0x376: {  	s3 =	rddreg [dreg:$0x2];
	[bflag:$0x3] =	sbarrier.arrive $0xFFFF;
	s2 =	simm.s32 @!p0 $0x1C05  }
0x377: {  	[timem:s3], [sflag:s2] =	dma.local @!p0 [hbm:s0], s1  }
0x378: {  	s0 =	simm.s32 @!p0 $0x5  }
0x379: {  	_ =	swait.ge @!p0 [sflag:s0], s1  }
0x37a: {  	s1 =	ssub.s32 @!p0 $0x0, s1;
	[sflag:s0] =	ssyncset.done @!p0 $0x0  }
0x37b: {  	[sflag:s0] =	ssyncadd.s32 @!p0 s1  }
0x37c: {  	[bflag:$0x3] =	sbarrier.arrive $0xFFFF  }
0x37d: {  	_ =	shalt  }

</sc_bundles>
